<compile_context>
chip_gen: v7x
topology: tpu7x:2x2x1
jax: 0.10.2.dev20260603
libtpu: 0.0.44.dev20260713+nightly
codegen_flags: <defaults>
</compile_context>

<pallas_src>
import functools

import jax
import jax.numpy as jnp
from jax import lax
from jax.experimental import pallas as pl
from jax.experimental.pallas import tpu as pltpu
from jax.experimental.pallas import tpu_sc as plsc

_C = 8
_D = 8
_RES = (1, 2, 4)
_H = 128
_W = 128
_PTS = 512 * 512
_N = _C * _PTS
_NW = 32
_PPW = _N // _NW
_K = 128
_NCH = _PPW // _K
_NB = 4
_ODIM = 3 * _D
_OB = _K * _ODIM


def _build_tab(e):
    c, d, h, w = e.shape
    t = jnp.transpose(e, (0, 2, 3, 1))
    tpad = jnp.concatenate([t, t[:, :, -1:, :]], axis=2)
    left = tpad[:, :, :-1, :]
    right = tpad[:, :, 1:, ::-1]
    pair = jnp.concatenate([left, right], axis=3)
    return pair.reshape(c * h * w, 2 * d)


def _make_sc_call():
    mesh = plsc.VectorSubcoreMesh(core_axis_name="c", subcore_axis_name="s")
    f32 = jnp.float32
    i32 = jnp.int32
    hws = [(_H * r, _W * r) for r in _RES]

    @functools.partial(
        pl.kernel,
        mesh=mesh,
        compiler_params=pltpu.CompilerParams(
            needs_layout_passes=False, use_tc_tiling_on_sc=False),
        out_type=jax.ShapeDtypeStruct((_N * _ODIM,), f32),
        scratch_types=[
            pltpu.VMEM((_NB, _K), f32),
            pltpu.VMEM((_NB, _K), f32),
            pltpu.VMEM((_NB, _K * 16), f32),
            pltpu.VMEM((_NB, 3, 2, _K), i32),
            pltpu.VMEM((_NB, 3, 2, _K, 16), f32),
            pltpu.VMEM((_NB * _OB,), f32),
            pltpu.SemaphoreType.DMA,
            pltpu.SemaphoreType.DMA,
            pltpu.SemaphoreType.DMA,
        ],
    )
    def sc_call(xs, ys, xy16, tab0, tab1, tab2, out,
                xv, yv, xyv, idx_s, rows, outs, xy_sem, g_sem, o_sem):
        tabs = (tab0, tab1, tab2)
        wid = lax.axis_index("s") * 2 + lax.axis_index("c")
        pstart = wid * _PPW
        chart = wid // 4
        lane = lax.iota(i32, 16)
        mlo = lane < 8
        hif = (lane >= 8).astype(f32)
        opat = lane & 7

        def xy_copies(i):
            b = i % _NB
            base = pstart + i * _K
            return (
                pltpu.make_async_copy(xs.at[pl.ds(base, _K)], xv.at[b], xy_sem),
                pltpu.make_async_copy(ys.at[pl.ds(base, _K)], yv.at[b], xy_sem),
            )

        def gather_copies(i):
            b = i % _NB
            base = pstart + i * _K
            cps = [pltpu.make_async_copy(
                xy16.at[pl.ds(base * 16, _K * 16)], xyv.at[b], g_sem)]
            for r in range(3):
                for t in range(2):
                    cps.append(pltpu.make_async_copy(
                        tabs[r].at[idx_s.at[b, r, t]],
                        rows.at[b, r, t], g_sem))
            return cps

        def out_copy(j):
            b = j % _NB
            obase = (pstart + j * _K) * _ODIM
            return pltpu.make_async_copy(
                outs.at[pl.ds(b * _OB, _OB)], out.at[pl.ds(obase, _OB)],
                o_sem)

        def compute_idx(i):
            b = i % _NB
            for g in range(_K // 16):
                xg = xv[b, pl.ds(g * 16, 16)]
                yg = yv[b, pl.ds(g * 16, 16)]
                for r in range(3):
                    hh, ww = hws[r]
                    cb = chart * (hh * ww)
                    ix = xg * (ww * 0.5) + ((ww - 1) * 0.5)
                    iy = yg * (hh * 0.5) + ((hh - 1) * 0.5)
                    ix0 = jnp.maximum(jnp.minimum(ix.astype(i32), ww - 1), 0)
                    iy0 = jnp.maximum(jnp.minimum(iy.astype(i32), hh - 1), 0)
                    iy1 = jnp.minimum(iy0 + 1, hh - 1)
                    idx_s[b, r, 0, pl.ds(g * 16, 16)] = cb + iy0 * ww + ix0
                    idx_s[b, r, 1, pl.ds(g * 16, 16)] = cb + iy1 * ww + ix0

        def combine(j):
            b = j % _NB
            ob_off = b * _OB
            opr = [opat + (ob_off + r * _D) for r in range(3)]

            @plsc.parallel_loop(0, _K, step=1, unroll=8)
            def jbody(p):
                xyp = xyv[b, pl.ds(p * 16, 16)]
                for r in range(3):
                    hh, ww = hws[r]
                    ixy = xyp * (ww * 0.5) + ((ww - 1) * 0.5)
                    fr = ixy - ixy.astype(i32).astype(f32)
                    gr = 1.0 - fr
                    revf = lax.rev(fr, (0,))
                    revg = lax.rev(gr, (0,))
                    wxsel = gr + hif * (revf - gr)
                    g16y = revg + hif * (gr - revg)
                    wt = g16y * wxsel
                    wbo = wxsel - wt
                    rt = rows[b, r, 0, p, :]
                    rb = rows[b, r, 1, p, :]
                    acc = rt * wt + rb * wbo
                    s = acc + lax.rev(acc, (0,))
                    oidx = opr[r] + p * _ODIM
                    plsc.store_scatter(outs, [oidx], s, mask=mlo)

        for cp in xy_copies(0):
            cp.start()

        def body(i, _):
            @pl.when(i < _NCH)
            def _front():
                for cp in xy_copies(i):
                    cp.wait()

                @pl.when(i + 1 < _NCH)
                def _():
                    for cp in xy_copies(i + 1):
                        cp.start()

                compute_idx(i)
                for cp in gather_copies(i):
                    cp.start()

            j = i - (_NB - 1)

            @pl.when(j >= 0)
            def _back():
                for cp in gather_copies(j):
                    cp.wait()

                @pl.when(j >= _NB)
                def _():
                    out_copy(j - _NB).wait()

                combine(j)
                out_copy(j).start()

            return _

        lax.fori_loop(0, _NCH + _NB - 1, body, 0)
        for k in range(_NB):
            out_copy(_NCH - _NB + k).wait()

    return sc_call


_SC_CALL = _make_sc_call()


@jax.jit
def kernel(pts_uv, enc0, enc1, enc2):
    c, hg, wg, _ = pts_uv.shape
    n = c * hg * wg
    xs = pts_uv[..., 0].reshape(n)
    ys = pts_uv[..., 1].reshape(n)
    xy16 = jnp.concatenate(
        [jnp.broadcast_to(xs[:, None], (n, 8)),
         jnp.broadcast_to(ys[:, None], (n, 8))], axis=1).reshape(n * 16)
    tabs = [_build_tab(e) for e in (enc0, enc1, enc2)]
    outflat = _SC_CALL(xs, ys, xy16, *tabs)
    return outflat.reshape(c, hg, wg, _ODIM)

# --- scband reference (transcript-rebuilt; emitter-appended) ---
"""Pipeline reference for scband-multi-res-charts-encoding-19602230739483 (READ-ONLY COPY).

The authoritative reference and input builder live on the scoring server;
editing this copy changes nothing except your own understanding.
"""

import jax, jax.numpy as jnp
import numpy as np

NUM_CHARTS = 8
H = 128
W = 128
RES = [1, 2, 4]
DIM = 8
INIT = 0.0001


def setup_inputs(seed: int = 0) -> dict:
    key = jax.random.key(seed)
    ks = jax.random.split(key, 1 + len(RES))
    inp = {}
    inp["pts_uv"] = jax.random.uniform(ks[0], (NUM_CHARTS, 512, 512, 2), dtype=jnp.float32)
    for i, r in enumerate(RES):
        inp[f"enc{i}"] = INIT * (-1.0 + 2.0 * jax.random.uniform(
            ks[i + 1], (NUM_CHARTS, DIM, r * H, r * W), dtype=jnp.float32))
    return inp


def _grid_sample_bilinear_border(feat, grid):
    # feat: [C, D, Hh, Ww], grid: [C, Hg, Wg, 2] with (x, y) in [-1, 1]
    # align_corners=False, padding_mode='border'
    C, D, Hh, Ww = feat.shape
    x = grid[..., 0]
    y = grid[..., 1]
    ix = ((x + 1.0) * Ww - 1.0) / 2.0
    iy = ((y + 1.0) * Hh - 1.0) / 2.0
    ix0f = jnp.floor(ix)
    iy0f = jnp.floor(iy)
    wx1 = ix - ix0f
    wx0 = 1.0 - wx1
    wy1 = iy - iy0f
    wy0 = 1.0 - wy1
    ix0 = jnp.clip(ix0f, 0, Ww - 1).astype(jnp.int32)
    ix1 = jnp.clip(ix0f + 1.0, 0, Ww - 1).astype(jnp.int32)
    iy0 = jnp.clip(iy0f, 0, Hh - 1).astype(jnp.int32)
    iy1 = jnp.clip(iy0f + 1.0, 0, Hh - 1).astype(jnp.int32)
    b = jnp.broadcast_to(jnp.arange(C)[:, None, None], ix0.shape)
    v00 = feat[b, :, iy0, ix0]  # [C, Hg, Wg, D]
    v01 = feat[b, :, iy0, ix1]
    v10 = feat[b, :, iy1, ix0]
    v11 = feat[b, :, iy1, ix1]
    out = (v00 * (wy0 * wx0)[..., None]
           + v01 * (wy0 * wx1)[..., None]
           + v10 * (wy1 * wx0)[..., None]
           + v11 * (wy1 * wx1)[..., None])
    return out  # [C, Hg, Wg, D] == grid_sample(...).permute(0, 2, 3, 1)


def reference(pts_uv, enc0, enc1, enc2):
    outs = [_grid_sample_bilinear_border(e, pts_uv) for e in (enc0, enc1, enc2)]
    return jnp.concatenate(outs, axis=-1)

if __name__ == "__main__":
    import jax
    _d = setup_inputs()
    print(jax.jit(kernel)(*tuple(_d.values())))

</pallas_src>

<mosaic_0001>
#map = affine_map<(d0, d1) -> (0)>
#map1 = affine_map<(d0, d1) -> (0, 0)>
module attributes {stable_mosaic.version = 14 : i64} {
  func.func @sc_call(%arg0: i32, %arg1: i32, %arg2: memref<2097152xf32, #tpu.memory_space<hbm>>, %arg3: memref<2097152xf32, #tpu.memory_space<hbm>>, %arg4: memref<33554432xf32, #tpu.memory_space<hbm>>, %arg5: memref<131072x16xf32, #tpu.memory_space<hbm>>, %arg6: memref<524288x16xf32, #tpu.memory_space<hbm>>, %arg7: memref<2097152x16xf32, #tpu.memory_space<hbm>>, %arg8: memref<50331648xf32, #tpu.memory_space<hbm>>, %arg9: memref<4x128xf32, #tpu.memory_space<vmem>>, %arg10: memref<4x128xf32, #tpu.memory_space<vmem>>, %arg11: memref<4x2048xf32, #tpu.memory_space<vmem>>, %arg12: memref<4x3x2x128xi32, #tpu.memory_space<vmem>>, %arg13: memref<4x3x2x128x16xf32, #tpu.memory_space<vmem>>, %arg14: memref<12288xf32, #tpu.memory_space<vmem>>, %arg15: memref<!tpu.dma_semaphore, #tpu.memory_space<semaphore_mem>>, %arg16: memref<!tpu.dma_semaphore, #tpu.memory_space<semaphore_mem>>, %arg17: memref<!tpu.dma_semaphore, #tpu.memory_space<semaphore_mem>>) attributes {dimension_semantics = [#tpu.dimension_semantics<core_parallel>, #tpu.dimension_semantics<subcore_parallel>], iteration_bounds = array<i64: 2, 16>, scalar_prefetch = 0 : i64, scratch_operands = 9 : i64, tpu.core_type = #tpu.core_type<sc_vector_subcore>, window_params = [{transform_indices = #map}, {transform_indices = #map}, {transform_indices = #map}, {transform_indices = #map1}, {transform_indices = #map1}, {transform_indices = #map1}, {transform_indices = #map}]} {
    %mul3A = arith.constant 2 : i32
    %mul3A_0 = arith.muli %arg1, %mul3A : i32
    %add3A = arith.addi %mul3A_0, %arg0 : i32
    %mul3A_1 = arith.constant 65536 : i32
    %mul3A_2 = arith.muli %add3A, %mul3A_1 : i32
    %jit3A = arith.constant 4 : i32
    %div3A = arith.divsi %add3A, %jit3A : i32
    %sign3A = arith.constant 0 : i32
    %sign3A_3 = arith.cmpi sgt, %add3A, %sign3A : i32
    %sign3A_4 = arith.extui %sign3A_3 : i1 to i32
    %sign3A_5 = arith.constant 0 : i32
    %sign3A_6 = arith.cmpi slt, %add3A, %sign3A_5 : i32
    %sign3A_7 = arith.extui %sign3A_6 : i1 to i32
    %sign3A_8 = arith.subi %sign3A_4, %sign3A_7 : i32
    %sign3A_9 = arith.constant 0 : i32
    %sign3A_10 = arith.cmpi sgt, %jit3A, %sign3A_9 : i32
    %sign3A_11 = arith.extui %sign3A_10 : i1 to i32
    %sign3A_12 = arith.constant 0 : i32
    %sign3A_13 = arith.cmpi slt, %jit3A, %sign3A_12 : i32
    %sign3A_14 = arith.extui %sign3A_13 : i1 to i32
    %sign3A_15 = arith.subi %sign3A_11, %sign3A_14 : i32
    %ne3A = arith.cmpi ne, %sign3A_8, %sign3A_15 : i32
    %rem3A = arith.remsi %add3A, %jit3A : i32
    %ne3A_16 = arith.constant 0 : i32
    %ne3A_17 = arith.cmpi ne, %rem3A, %ne3A_16 : i32
    %and3A = arith.andi %ne3A, %ne3A_17 : i1
    %sub3A = arith.constant 1 : i32
    %sub3A_18 = arith.subi %div3A, %sub3A : i32
    %select_n3A = arith.select %and3A, %sub3A_18, %div3A : i32
    %iota3A = tpu.iota {dimensions = array<i32: 0>} : vector<16xi32>
    %lt3A = arith.constant 8 : i32
    %lt3A_19 = vector.broadcast %lt3A : i32 to vector<16xi32>
    %lt3A_20 = arith.cmpi slt, %iota3A, %lt3A_19 : vector<16xi32>
    %ge3A = arith.constant 8 : i32
    %ge3A_21 = vector.broadcast %ge3A : i32 to vector<16xi32>
    %ge3A_22 = arith.cmpi sge, %iota3A, %ge3A_21 : vector<16xi32>
    %convert_element_type3A = arith.extui %ge3A_22 : vector<16xi1> to vector<16xi32>
    %convert_element_type3A_23 = arith.sitofp %convert_element_type3A : vector<16xi32> to vector<16xf32>
    %and3A_24 = arith.constant 7 : i32
    %and3A_25 = vector.broadcast %and3A_24 : i32 to vector<16xi32>
    %and3A_26 = arith.andi %iota3A, %and3A_25 : vector<16xi32>
    %add3A_27 = arith.constant 0 : i32
    %add3A_28 = arith.addi %mul3A_2, %add3A_27 : i32
    %dma_start3A = arith.constant 0 : i32
    %dma_start3A_29 = arith.constant 0 : i32
    %dma_start3A_30 = tpu.memref_slice %arg9[%dma_start3A, %dma_start3A_29] : memref<4x128xf32, #tpu.memory_space<vmem>> -> memref<1x128xf32, #tpu.memory_space<vmem>>
    %dma_start3A_31 = tpu.memref_squeeze %dma_start3A_30 : memref<1x128xf32, #tpu.memory_space<vmem>> -> memref<128xf32, #tpu.memory_space<vmem>>
    %dma_start3A_32 = tpu.memref_slice %arg2[%add3A_28] : memref<2097152xf32, #tpu.memory_space<hbm>> -> memref<128xf32, #tpu.memory_space<hbm>>
    %dma_start3A_33 = arith.constant 0 : i32
    %dma_start3A_34 = tpu.memref_slice %arg9[%dma_start3A, %dma_start3A_33] : memref<4x128xf32, #tpu.memory_space<vmem>> -> memref<1x128xf32, #tpu.memory_space<vmem>>
    %dma_start3A_35 = tpu.memref_squeeze %dma_start3A_34 : memref<1x128xf32, #tpu.memory_space<vmem>> -> memref<128xf32, #tpu.memory_space<vmem>>
    %dma_start3A_36 = tpu.memref_slice %arg2[%add3A_28] : memref<2097152xf32, #tpu.memory_space<hbm>> -> memref<128xf32, #tpu.memory_space<hbm>>
    tpu.enqueue_dma source(%dma_start3A_36 : memref<128xf32, #tpu.memory_space<hbm>>) target(%dma_start3A_35 : memref<128xf32, #tpu.memory_space<vmem>>) target_semaphore(%arg15 : memref<!tpu.dma_semaphore, #tpu.memory_space<semaphore_mem>>)
    %dma_start3A_37 = arith.constant 0 : i32
    %dma_start3A_38 = arith.constant 0 : i32
    %dma_start3A_39 = tpu.memref_slice %arg10[%dma_start3A_37, %dma_start3A_38] : memref<4x128xf32, #tpu.memory_space<vmem>> -> memref<1x128xf32, #tpu.memory_space<vmem>>
    %dma_start3A_40 = tpu.memref_squeeze %dma_start3A_39 : memref<1x128xf32, #tpu.memory_space<vmem>> -> memref<128xf32, #tpu.memory_space<vmem>>
    %dma_start3A_41 = tpu.memref_slice %arg3[%add3A_28] : memref<2097152xf32, #tpu.memory_space<hbm>> -> memref<128xf32, #tpu.memory_space<hbm>>
    %dma_start3A_42 = arith.constant 0 : i32
    %dma_start3A_43 = tpu.memref_slice %arg10[%dma_start3A_37, %dma_start3A_42] : memref<4x128xf32, #tpu.memory_space<vmem>> -> memref<1x128xf32, #tpu.memory_space<vmem>>
    %dma_start3A_44 = tpu.memref_squeeze %dma_start3A_43 : memref<1x128xf32, #tpu.memory_space<vmem>> -> memref<128xf32, #tpu.memory_space<vmem>>
    %dma_start3A_45 = tpu.memref_slice %arg3[%add3A_28] : memref<2097152xf32, #tpu.memory_space<hbm>> -> memref<128xf32, #tpu.memory_space<hbm>>
    tpu.enqueue_dma source(%dma_start3A_45 : memref<128xf32, #tpu.memory_space<hbm>>) target(%dma_start3A_44 : memref<128xf32, #tpu.memory_space<vmem>>) target_semaphore(%arg15 : memref<!tpu.dma_semaphore, #tpu.memory_space<semaphore_mem>>)
    %scan3A = arith.constant 0 : i32
    %scan3A_46 = arith.constant 0 : i32
    %scan3A_47 = arith.constant 515 : i32
    %scan3A_48 = arith.addi %scan3A_46, %scan3A_47 : i32
    %scan3A_49 = arith.constant 1 : i32
    scf.for %scan3A_90 = %scan3A_46 to %scan3A_48 step %scan3A_49  : i32 {
      %lt3A_91 = arith.constant 512 : i32
      %lt3A_92 = arith.cmpi slt, %scan3A_90, %lt3A_91 : i32
      %convert_element_type3A_93 = arith.extui %lt3A_92 : i1 to i32
      %cond3A = arith.constant 0 : i32
      %cond3A_94 = arith.cmpi ne, %convert_element_type3A_93, %cond3A : i32
      scf.if %cond3A_94 {
        %jit3A_102 = arith.constant 4 : i32
        %eq3A = arith.constant 0 : i32
        %eq3A_103 = arith.cmpi eq, %jit3A_102, %eq3A : i32
        %jit3A_104 = arith.constant 1 : i32
        %select_n3A_105 = arith.select %eq3A_103, %jit3A_104, %jit3A_102 : i32
        %rem3A_106 = arith.remsi %scan3A_90, %select_n3A_105 : i32
        %ne3A_107 = arith.constant 0 : i32
        %ne3A_108 = arith.cmpi ne, %rem3A_106, %ne3A_107 : i32
        %lt3A_109 = arith.constant 0 : i32
        %lt3A_110 = arith.cmpi slt, %rem3A_106, %lt3A_109 : i32
        %lt3A_111 = arith.constant 0 : i32
        %lt3A_112 = arith.cmpi slt, %select_n3A_105, %lt3A_111 : i32
        %ne3A_113 = arith.xori %lt3A_110, %lt3A_112 : i1
        %and3A_114 = arith.andi %ne3A_113, %ne3A_108 : i1
        %add3A_115 = arith.addi %rem3A_106, %select_n3A_105 : i32
        %select_n3A_116 = arith.select %and3A_114, %add3A_115, %rem3A_106 : i32
        %mul3A_117 = arith.constant 128 : i32
        %mul3A_118 = arith.muli %scan3A_90, %mul3A_117 : i32
        %add3A_119 = arith.addi %mul3A_2, %mul3A_118 : i32
        %dma_wait3A_120 = arith.constant 0 : i32
        %dma_wait3A_121 = tpu.memref_slice %arg9[%select_n3A_116, %dma_wait3A_120] : memref<4x128xf32, #tpu.memory_space<vmem>> -> memref<1x128xf32, #tpu.memory_space<vmem>>
        %dma_wait3A_122 = tpu.memref_squeeze %dma_wait3A_121 : memref<1x128xf32, #tpu.memory_space<vmem>> -> memref<128xf32, #tpu.memory_space<vmem>>
        %dma_wait3A_123 = tpu.memref_slice %arg2[%add3A_119] : memref<2097152xf32, #tpu.memory_space<hbm>> -> memref<128xf32, #tpu.memory_space<hbm>>
        %dma_wait3A_124 = arith.constant 0 : i32
        %dma_wait3A_125 = tpu.memref_slice %arg9[%select_n3A_116, %dma_wait3A_124] : memref<4x128xf32, #tpu.memory_space<vmem>> -> memref<1x128xf32, #tpu.memory_space<vmem>>
        %dma_wait3A_126 = tpu.memref_squeeze %dma_wait3A_125 : memref<1x128xf32, #tpu.memory_space<vmem>> -> memref<128xf32, #tpu.memory_space<vmem>>
        %dma_wait3A_127 = tpu.memref_slice %arg2[%add3A_119] : memref<2097152xf32, #tpu.memory_space<hbm>> -> memref<128xf32, #tpu.memory_space<hbm>>
        tpu.wait_dma2 semaphore(%arg15 : memref<!tpu.dma_semaphore, #tpu.memory_space<semaphore_mem>>) src(%dma_wait3A_127 : memref<128xf32, #tpu.memory_space<hbm>>) dst(%dma_wait3A_126 : memref<128xf32, #tpu.memory_space<vmem>>)
        %dma_wait3A_128 = arith.constant 0 : i32
        %dma_wait3A_129 = tpu.memref_slice %arg10[%select_n3A_116, %dma_wait3A_128] : memref<4x128xf32, #tpu.memory_space<vmem>> -> memref<1x128xf32, #tpu.memory_space<vmem>>
        %dma_wait3A_130 = tpu.memref_squeeze %dma_wait3A_129 : memref<1x128xf32, #tpu.memory_space<vmem>> -> memref<128xf32, #tpu.memory_space<vmem>>
        %dma_wait3A_131 = tpu.memref_slice %arg3[%add3A_119] : memref<2097152xf32, #tpu.memory_space<hbm>> -> memref<128xf32, #tpu.memory_space<hbm>>
        %dma_wait3A_132 = arith.constant 0 : i32
        %dma_wait3A_133 = tpu.memref_slice %arg10[%select_n3A_116, %dma_wait3A_132] : memref<4x128xf32, #tpu.memory_space<vmem>> -> memref<1x128xf32, #tpu.memory_space<vmem>>
        %dma_wait3A_134 = tpu.memref_squeeze %dma_wait3A_133 : memref<1x128xf32, #tpu.memory_space<vmem>> -> memref<128xf32, #tpu.memory_space<vmem>>
        %dma_wait3A_135 = tpu.memref_slice %arg3[%add3A_119] : memref<2097152xf32, #tpu.memory_space<hbm>> -> memref<128xf32, #tpu.memory_space<hbm>>
        tpu.wait_dma2 semaphore(%arg15 : memref<!tpu.dma_semaphore, #tpu.memory_space<semaphore_mem>>) src(%dma_wait3A_135 : memref<128xf32, #tpu.memory_space<hbm>>) dst(%dma_wait3A_134 : memref<128xf32, #tpu.memory_space<vmem>>)
        %add3A_136 = arith.constant 1 : i32
        %add3A_137 = arith.addi %scan3A_90, %add3A_136 : i32
        %lt3A_138 = arith.constant 512 : i32
        %lt3A_139 = arith.cmpi slt, %add3A_137, %lt3A_138 : i32
        %convert_element_type3A_140 = arith.extui %lt3A_139 : i1 to i32
        %cond3A_141 = arith.constant 0 : i32
        %cond3A_142 = arith.cmpi ne, %convert_element_type3A_140, %cond3A_141 : i32
        scf.if %cond3A_142 {
          %add3A_1756 = arith.constant 1 : i32
          %add3A_1757 = arith.addi %scan3A_90, %add3A_1756 : i32
          %jit3A_1758 = arith.constant 4 : i32
          %eq3A_1759 = arith.constant 0 : i32
          %eq3A_1760 = arith.cmpi eq, %jit3A_1758, %eq3A_1759 : i32
          %jit3A_1761 = arith.constant 1 : i32
          %select_n3A_1762 = arith.select %eq3A_1760, %jit3A_1761, %jit3A_1758 : i32
          %rem3A_1763 = arith.remsi %add3A_1757, %select_n3A_1762 : i32
          %ne3A_1764 = arith.constant 0 : i32
          %ne3A_1765 = arith.cmpi ne, %rem3A_1763, %ne3A_1764 : i32
          %lt3A_1766 = arith.constant 0 : i32
          %lt3A_1767 = arith.cmpi slt, %rem3A_1763, %lt3A_1766 : i32
          %lt3A_1768 = arith.constant 0 : i32
          %lt3A_1769 = arith.cmpi slt, %select_n3A_1762, %lt3A_1768 : i32
          %ne3A_1770 = arith.xori %lt3A_1767, %lt3A_1769 : i1
          %and3A_1771 = arith.andi %ne3A_1770, %ne3A_1765 : i1
          %add3A_1772 = arith.addi %rem3A_1763, %select_n3A_1762 : i32
          %select_n3A_1773 = arith.select %and3A_1771, %add3A_1772, %rem3A_1763 : i32
          %mul3A_1774 = arith.constant 128 : i32
          %mul3A_1775 = arith.muli %add3A_1757, %mul3A_1774 : i32
          %add3A_1776 = arith.addi %mul3A_2, %mul3A_1775 : i32
          %dma_start3A_1777 = arith.constant 0 : i32
          %dma_start3A_1778 = tpu.memref_slice %arg9[%select_n3A_1773, %dma_start3A_1777] : memref<4x128xf32, #tpu.memory_space<vmem>> -> memref<1x128xf32, #tpu.memory_space<vmem>>
          %dma_start3A_1779 = tpu.memref_squeeze %dma_start3A_1778 : memref<1x128xf32, #tpu.memory_space<vmem>> -> memref<128xf32, #tpu.memory_space<vmem>>
          %dma_start3A_1780 = tpu.memref_slice %arg2[%add3A_1776] : memref<2097152xf32, #tpu.memory_space<hbm>> -> memref<128xf32, #tpu.memory_space<hbm>>
          %dma_start3A_1781 = arith.constant 0 : i32
          %dma_start3A_1782 = tpu.memref_slice %arg9[%select_n3A_1773, %dma_start3A_1781] : memref<4x128xf32, #tpu.memory_space<vmem>> -> memref<1x128xf32, #tpu.memory_space<vmem>>
          %dma_start3A_1783 = tpu.memref_squeeze %dma_start3A_1782 : memref<1x128xf32, #tpu.memory_space<vmem>> -> memref<128xf32, #tpu.memory_space<vmem>>
          %dma_start3A_1784 = tpu.memref_slice %arg2[%add3A_1776] : memref<2097152xf32, #tpu.memory_space<hbm>> -> memref<128xf32, #tpu.memory_space<hbm>>
          tpu.enqueue_dma source(%dma_start3A_1784 : memref<128xf32, #tpu.memory_space<hbm>>) target(%dma_start3A_1783 : memref<128xf32, #tpu.memory_space<vmem>>) target_semaphore(%arg15 : memref<!tpu.dma_semaphore, #tpu.memory_space<semaphore_mem>>)
          %dma_start3A_1785 = arith.constant 0 : i32
          %dma_start3A_1786 = tpu.memref_slice %arg10[%select_n3A_1773, %dma_start3A_1785] : memref<4x128xf32, #tpu.memory_space<vmem>> -> memref<1x128xf32, #tpu.memory_space<vmem>>
          %dma_start3A_1787 = tpu.memref_squeeze %dma_start3A_1786 : memref<1x128xf32, #tpu.memory_space<vmem>> -> memref<128xf32, #tpu.memory_space<vmem>>
          %dma_start3A_1788 = tpu.memref_slice %arg3[%add3A_1776] : memref<2097152xf32, #tpu.memory_space<hbm>> -> memref<128xf32, #tpu.memory_space<hbm>>
          %dma_start3A_1789 = arith.constant 0 : i32
          %dma_start3A_1790 = tpu.memref_slice %arg10[%select_n3A_1773, %dma_start3A_1789] : memref<4x128xf32, #tpu.memory_space<vmem>> -> memref<1x128xf32, #tpu.memory_space<vmem>>
          %dma_start3A_1791 = tpu.memref_squeeze %dma_start3A_1790 : memref<1x128xf32, #tpu.memory_space<vmem>> -> memref<128xf32, #tpu.memory_space<vmem>>
          %dma_start3A_1792 = tpu.memref_slice %arg3[%add3A_1776] : memref<2097152xf32, #tpu.memory_space<hbm>> -> memref<128xf32, #tpu.memory_space<hbm>>
          tpu.enqueue_dma source(%dma_start3A_1792 : memref<128xf32, #tpu.memory_space<hbm>>) target(%dma_start3A_1791 : memref<128xf32, #tpu.memory_space<vmem>>) target_semaphore(%arg15 : memref<!tpu.dma_semaphore, #tpu.memory_space<semaphore_mem>>)
        } else {
        }
        %jit3A_143 = arith.constant 4 : i32
        %eq3A_144 = arith.constant 0 : i32
        %eq3A_145 = arith.cmpi eq, %jit3A_143, %eq3A_144 : i32
        %jit3A_146 = arith.constant 1 : i32
        %select_n3A_147 = arith.select %eq3A_145, %jit3A_146, %jit3A_143 : i32
        %rem3A_148 = arith.remsi %scan3A_90, %select_n3A_147 : i32
        %ne3A_149 = arith.constant 0 : i32
        %ne3A_150 = arith.cmpi ne, %rem3A_148, %ne3A_149 : i32
        %lt3A_151 = arith.constant 0 : i32
        %lt3A_152 = arith.cmpi slt, %rem3A_148, %lt3A_151 : i32
        %lt3A_153 = arith.constant 0 : i32
        %lt3A_154 = arith.cmpi slt, %select_n3A_147, %lt3A_153 : i32
        %ne3A_155 = arith.xori %lt3A_152, %lt3A_154 : i1
        %and3A_156 = arith.andi %ne3A_155, %ne3A_150 : i1
        %add3A_157 = arith.addi %rem3A_148, %select_n3A_147 : i32
        %select_n3A_158 = arith.select %and3A_156, %add3A_157, %rem3A_148 : i32
        %get3A = arith.index_cast %select_n3A_158 : i32 to index
        %get3A_159 = arith.constant 0 : index
        %get3A_160 = tpu.vector_load %arg9[%get3A, %get3A_159] {strides = array<i32>} : memref<4x128xf32, #tpu.memory_space<vmem>>, vector<16xf32>,
        %get3A_161 = arith.index_cast %select_n3A_158 : i32 to index
        %get3A_162 = arith.constant 0 : index
        %get3A_163 = tpu.vector_load %arg10[%get3A_161, %get3A_162] {strides = array<i32>} : memref<4x128xf32, #tpu.memory_space<vmem>>, vector<16xf32>,
        %mul3A_164 = arith.constant 16384 : i32
        %mul3A_165 = arith.muli %select_n3A, %mul3A_164 : i32
        %mul3A_166 = arith.constant 6.400000e+01 : f32
        %mul3A_167 = vector.broadcast %mul3A_166 : f32 to vector<16xf32>
        %mul3A_168 = arith.mulf %get3A_160, %mul3A_167 : vector<16xf32>
        %add3A_169 = arith.constant 6.350000e+01 : f32
        %add3A_170 = vector.broadcast %add3A_169 : f32 to vector<16xf32>
        %add3A_171 = arith.addf %mul3A_168, %add3A_170 : vector<16xf32>
        %mul3A_172 = arith.constant 6.400000e+01 : f32
        %mul3A_173 = vector.broadcast %mul3A_172 : f32 to vector<16xf32>
        %mul3A_174 = arith.mulf %get3A_163, %mul3A_173 : vector<16xf32>
        %add3A_175 = arith.constant 6.350000e+01 : f32
        %add3A_176 = vector.broadcast %add3A_175 : f32 to vector<16xf32>
        %add3A_177 = arith.addf %mul3A_174, %add3A_176 : vector<16xf32>
        %convert_element_type3A_178 = arith.fptosi %add3A_171 : vector<16xf32> to vector<16xi32>
        %min3A = arith.constant 127 : i32
        %min3A_179 = vector.broadcast %min3A : i32 to vector<16xi32>
        %min3A_180 = arith.minsi %convert_element_type3A_178, %min3A_179 : vector<16xi32>
        %max3A = arith.constant 0 : i32
        %max3A_181 = vector.broadcast %max3A : i32 to vector<16xi32>
        %max3A_182 = arith.maxsi %min3A_180, %max3A_181 : vector<16xi32>
        %convert_element_type3A_183 = arith.fptosi %add3A_177 : vector<16xf32> to vector<16xi32>
        %min3A_184 = arith.constant 127 : i32
        %min3A_185 = vector.broadcast %min3A_184 : i32 to vector<16xi32>
        %min3A_186 = arith.minsi %convert_element_type3A_183, %min3A_185 : vector<16xi32>
        %max3A_187 = arith.constant 0 : i32
        %max3A_188 = vector.broadcast %max3A_187 : i32 to vector<16xi32>
        %max3A_189 = arith.maxsi %min3A_186, %max3A_188 : vector<16xi32>
        %add3A_190 = arith.constant 1 : i32
        %add3A_191 = vector.broadcast %add3A_190 : i32 to vector<16xi32>
        %add3A_192 = arith.addi %max3A_189, %add3A_191 : vector<16xi32>
        %min3A_193 = arith.constant 127 : i32
        %min3A_194 = vector.broadcast %min3A_193 : i32 to vector<16xi32>
        %min3A_195 = arith.minsi %add3A_192, %min3A_194 : vector<16xi32>
        %mul3A_196 = arith.constant 128 : i32
        %mul3A_197 = vector.broadcast %mul3A_196 : i32 to vector<16xi32>
        %mul3A_198 = arith.muli %max3A_189, %mul3A_197 : vector<16xi32>
        %add3A_199 = vector.broadcast %mul3A_165 : i32 to vector<16xi32>
        %add3A_200 = arith.addi %add3A_199, %mul3A_198 : vector<16xi32>
        %add3A_201 = arith.addi %add3A_200, %max3A_182 : vector<16xi32>
        %swap3A = arith.constant 0 : i32
        %swap3A_202 = arith.constant 0 : i32
        %swap3A_203 = arith.index_cast %select_n3A_158 : i32 to index
        %swap3A_204 = arith.index_cast %swap3A : i32 to index
        %swap3A_205 = arith.index_cast %swap3A_202 : i32 to index
        %swap3A_206 = arith.constant 0 : index
        %swap3A_207 = tpu.vector_load %arg12[%swap3A_203, %swap3A_204, %swap3A_205, %swap3A_206] {strides = array<i32>} : memref<4x3x2x128xi32, #tpu.memory_space<vmem>>, vector<16xi32>,
        tpu.vector_store %arg12[%swap3A_203, %swap3A_204, %swap3A_205, %swap3A_206], %add3A_201 {strides = array<i32>} : memref<4x3x2x128xi32, #tpu.memory_space<vmem>>, vector<16xi32>,
        %mul3A_208 = arith.constant 128 : i32
        %mul3A_209 = vector.broadcast %mul3A_208 : i32 to vector<16xi32>
        %mul3A_210 = arith.muli %min3A_195, %mul3A_209 : vector<16xi32>
        %add3A_211 = vector.broadcast %mul3A_165 : i32 to vector<16xi32>
        %add3A_212 = arith.addi %add3A_211, %mul3A_210 : vector<16xi32>
        %add3A_213 = arith.addi %add3A_212, %max3A_182 : vector<16xi32>
        %swap3A_214 = arith.constant 0 : i32
        %swap3A_215 = arith.constant 1 : i32
        %swap3A_216 = arith.index_cast %select_n3A_158 : i32 to index
        %swap3A_217 = arith.index_cast %swap3A_214 : i32 to index
        %swap3A_218 = arith.index_cast %swap3A_215 : i32 to index
        %swap3A_219 = arith.constant 0 : index
        %swap3A_220 = tpu.vector_load %arg12[%swap3A_216, %swap3A_217, %swap3A_218, %swap3A_219] {strides = array<i32>} : memref<4x3x2x128xi32, #tpu.memory_space<vmem>>, vector<16xi32>,
        tpu.vector_store %arg12[%swap3A_216, %swap3A_217, %swap3A_218, %swap3A_219], %add3A_213 {strides = array<i32>} : memref<4x3x2x128xi32, #tpu.memory_space<vmem>>, vector<16xi32>,
        %mul3A_221 = arith.constant 65536 : i32
        %mul3A_222 = arith.muli %select_n3A, %mul3A_221 : i32
        %mul3A_223 = arith.constant 1.280000e+02 : f32
        %mul3A_224 = vector.broadcast %mul3A_223 : f32 to vector<16xf32>
        %mul3A_225 = arith.mulf %get3A_160, %mul3A_224 : vector<16xf32>
        %add3A_226 = arith.constant 1.275000e+02 : f32
        %add3A_227 = vector.broadcast %add3A_226 : f32 to vector<16xf32>
        %add3A_228 = arith.addf %mul3A_225, %add3A_227 : vector<16xf32>
        %mul3A_229 = arith.constant 1.280000e+02 : f32
        %mul3A_230 = vector.broadcast %mul3A_229 : f32 to vector<16xf32>
        %mul3A_231 = arith.mulf %get3A_163, %mul3A_230 : vector<16xf32>
        %add3A_232 = arith.constant 1.275000e+02 : f32
        %add3A_233 = vector.broadcast %add3A_232 : f32 to vector<16xf32>
        %add3A_234 = arith.addf %mul3A_231, %add3A_233 : vector<16xf32>
        %convert_element_type3A_235 = arith.fptosi %add3A_228 : vector<16xf32> to vector<16xi32>
        %min3A_236 = arith.constant 255 : i32
        %min3A_237 = vector.broadcast %min3A_236 : i32 to vector<16xi32>
        %min3A_238 = arith.minsi %convert_element_type3A_235, %min3A_237 : vector<16xi32>
        %max3A_239 = arith.constant 0 : i32
        %max3A_240 = vector.broadcast %max3A_239 : i32 to vector<16xi32>
        %max3A_241 = arith.maxsi %min3A_238, %max3A_240 : vector<16xi32>
        %convert_element_type3A_242 = arith.fptosi %add3A_234 : vector<16xf32> to vector<16xi32>
        %min3A_243 = arith.constant 255 : i32
        %min3A_244 = vector.broadcast %min3A_243 : i32 to vector<16xi32>
        %min3A_245 = arith.minsi %convert_element_type3A_242, %min3A_244 : vector<16xi32>
        %max3A_246 = arith.constant 0 : i32
        %max3A_247 = vector.broadcast %max3A_246 : i32 to vector<16xi32>
        %max3A_248 = arith.maxsi %min3A_245, %max3A_247 : vector<16xi32>
        %add3A_249 = arith.constant 1 : i32
        %add3A_250 = vector.broadcast %add3A_249 : i32 to vector<16xi32>
        %add3A_251 = arith.addi %max3A_248, %add3A_250 : vector<16xi32>
        %min3A_252 = arith.constant 255 : i32
        %min3A_253 = vector.broadcast %min3A_252 : i32 to vector<16xi32>
        %min3A_254 = arith.minsi %add3A_251, %min3A_253 : vector<16xi32>
        %mul3A_255 = arith.constant 256 : i32
        %mul3A_256 = vector.broadcast %mul3A_255 : i32 to vector<16xi32>
        %mul3A_257 = arith.muli %max3A_248, %mul3A_256 : vector<16xi32>
        %add3A_258 = vector.broadcast %mul3A_222 : i32 to vector<16xi32>
        %add3A_259 = arith.addi %add3A_258, %mul3A_257 : vector<16xi32>
        %add3A_260 = arith.addi %add3A_259, %max3A_241 : vector<16xi32>
        %swap3A_261 = arith.constant 1 : i32
        %swap3A_262 = arith.constant 0 : i32
        %swap3A_263 = arith.index_cast %select_n3A_158 : i32 to index
        %swap3A_264 = arith.index_cast %swap3A_261 : i32 to index
        %swap3A_265 = arith.index_cast %swap3A_262 : i32 to index
        %swap3A_266 = arith.constant 0 : index
        %swap3A_267 = tpu.vector_load %arg12[%swap3A_263, %swap3A_264, %swap3A_265, %swap3A_266] {strides = array<i32>} : memref<4x3x2x128xi32, #tpu.memory_space<vmem>>, vector<16xi32>,
        tpu.vector_store %arg12[%swap3A_263, %swap3A_264, %swap3A_265, %swap3A_266], %add3A_260 {strides = array<i32>} : memref<4x3x2x128xi32, #tpu.memory_space<vmem>>, vector<16xi32>,
        %mul3A_268 = arith.constant 256 : i32
        %mul3A_269 = vector.broadcast %mul3A_268 : i32 to vector<16xi32>
        %mul3A_270 = arith.muli %min3A_254, %mul3A_269 : vector<16xi32>
        %add3A_271 = vector.broadcast %mul3A_222 : i32 to vector<16xi32>
        %add3A_272 = arith.addi %add3A_271, %mul3A_270 : vector<16xi32>
        %add3A_273 = arith.addi %add3A_272, %max3A_241 : vector<16xi32>
        %swap3A_274 = arith.constant 1 : i32
        %swap3A_275 = arith.constant 1 : i32
        %swap3A_276 = arith.index_cast %select_n3A_158 : i32 to index
        %swap3A_277 = arith.index_cast %swap3A_274 : i32 to index
        %swap3A_278 = arith.index_cast %swap3A_275 : i32 to index
        %swap3A_279 = arith.constant 0 : index
        %swap3A_280 = tpu.vector_load %arg12[%swap3A_276, %swap3A_277, %swap3A_278, %swap3A_279] {strides = array<i32>} : memref<4x3x2x128xi32, #tpu.memory_space<vmem>>, vector<16xi32>,
        tpu.vector_store %arg12[%swap3A_276, %swap3A_277, %swap3A_278, %swap3A_279], %add3A_273 {strides = array<i32>} : memref<4x3x2x128xi32, #tpu.memory_space<vmem>>, vector<16xi32>,
        %mul3A_281 = arith.constant 262144 : i32
        %mul3A_282 = arith.muli %select_n3A, %mul3A_281 : i32
        %mul3A_283 = arith.constant 2.560000e+02 : f32
        %mul3A_284 = vector.broadcast %mul3A_283 : f32 to vector<16xf32>
        %mul3A_285 = arith.mulf %get3A_160, %mul3A_284 : vector<16xf32>
        %add3A_286 = arith.constant 2.555000e+02 : f32
        %add3A_287 = vector.broadcast %add3A_286 : f32 to vector<16xf32>
        %add3A_288 = arith.addf %mul3A_285, %add3A_287 : vector<16xf32>
        %mul3A_289 = arith.constant 2.560000e+02 : f32
        %mul3A_290 = vector.broadcast %mul3A_289 : f32 to vector<16xf32>
        %mul3A_291 = arith.mulf %get3A_163, %mul3A_290 : vector<16xf32>
        %add3A_292 = arith.constant 2.555000e+02 : f32
        %add3A_293 = vector.broadcast %add3A_292 : f32 to vector<16xf32>
        %add3A_294 = arith.addf %mul3A_291, %add3A_293 : vector<16xf32>
        %convert_element_type3A_295 = arith.fptosi %add3A_288 : vector<16xf32> to vector<16xi32>
        %min3A_296 = arith.constant 511 : i32
        %min3A_297 = vector.broadcast %min3A_296 : i32 to vector<16xi32>
        %min3A_298 = arith.minsi %convert_element_type3A_295, %min3A_297 : vector<16xi32>
        %max3A_299 = arith.constant 0 : i32
        %max3A_300 = vector.broadcast %max3A_299 : i32 to vector<16xi32>
        %max3A_301 = arith.maxsi %min3A_298, %max3A_300 : vector<16xi32>
        %convert_element_type3A_302 = arith.fptosi %add3A_294 : vector<16xf32> to vector<16xi32>
        %min3A_303 = arith.constant 511 : i32
        %min3A_304 = vector.broadcast %min3A_303 : i32 to vector<16xi32>
        %min3A_305 = arith.minsi %convert_element_type3A_302, %min3A_304 : vector<16xi32>
        %max3A_306 = arith.constant 0 : i32
        %max3A_307 = vector.broadcast %max3A_306 : i32 to vector<16xi32>
        %max3A_308 = arith.maxsi %min3A_305, %max3A_307 : vector<16xi32>
        %add3A_309 = arith.constant 1 : i32
        %add3A_310 = vector.broadcast %add3A_309 : i32 to vector<16xi32>
        %add3A_311 = arith.addi %max3A_308, %add3A_310 : vector<16xi32>
        %min3A_312 = arith.constant 511 : i32
        %min3A_313 = vector.broadcast %min3A_312 : i32 to vector<16xi32>
        %min3A_314 = arith.minsi %add3A_311, %min3A_313 : vector<16xi32>
        %mul3A_315 = arith.constant 512 : i32
        %mul3A_316 = vector.broadcast %mul3A_315 : i32 to vector<16xi32>
        %mul3A_317 = arith.muli %max3A_308, %mul3A_316 : vector<16xi32>
        %add3A_318 = vector.broadcast %mul3A_282 : i32 to vector<16xi32>
        %add3A_319 = arith.addi %add3A_318, %mul3A_317 : vector<16xi32>
        %add3A_320 = arith.addi %add3A_319, %max3A_301 : vector<16xi32>
        %swap3A_321 = arith.constant 2 : i32
        %swap3A_322 = arith.constant 0 : i32
        %swap3A_323 = arith.index_cast %select_n3A_158 : i32 to index
        %swap3A_324 = arith.index_cast %swap3A_321 : i32 to index
        %swap3A_325 = arith.index_cast %swap3A_322 : i32 to index
        %swap3A_326 = arith.constant 0 : index
        %swap3A_327 = tpu.vector_load %arg12[%swap3A_323, %swap3A_324, %swap3A_325, %swap3A_326] {strides = array<i32>} : memref<4x3x2x128xi32, #tpu.memory_space<vmem>>, vector<16xi32>,
        tpu.vector_store %arg12[%swap3A_323, %swap3A_324, %swap3A_325, %swap3A_326], %add3A_320 {strides = array<i32>} : memref<4x3x2x128xi32, #tpu.memory_space<vmem>>, vector<16xi32>,
        %mul3A_328 = arith.constant 512 : i32
        %mul3A_329 = vector.broadcast %mul3A_328 : i32 to vector<16xi32>
        %mul3A_330 = arith.muli %min3A_314, %mul3A_329 : vector<16xi32>
        %add3A_331 = vector.broadcast %mul3A_282 : i32 to vector<16xi32>
        %add3A_332 = arith.addi %add3A_331, %mul3A_330 : vector<16xi32>
        %add3A_333 = arith.addi %add3A_332, %max3A_301 : vector<16xi32>
        %swap3A_334 = arith.constant 2 : i32
        %swap3A_335 = arith.constant 1 : i32
        %swap3A_336 = arith.index_cast %select_n3A_158 : i32 to index
        %swap3A_337 = arith.index_cast %swap3A_334 : i32 to index
        %swap3A_338 = arith.index_cast %swap3A_335 : i32 to index
        %swap3A_339 = arith.constant 0 : index
        %swap3A_340 = tpu.vector_load %arg12[%swap3A_336, %swap3A_337, %swap3A_338, %swap3A_339] {strides = array<i32>} : memref<4x3x2x128xi32, #tpu.memory_space<vmem>>, vector<16xi32>,
        tpu.vector_store %arg12[%swap3A_336, %swap3A_337, %swap3A_338, %swap3A_339], %add3A_333 {strides = array<i32>} : memref<4x3x2x128xi32, #tpu.memory_space<vmem>>, vector<16xi32>,
        %get3A_341 = arith.index_cast %select_n3A_158 : i32 to index
        %get3A_342 = arith.constant 16 : index
        %get3A_343 = tpu.vector_load %arg9[%get3A_341, %get3A_342] {strides = array<i32>} : memref<4x128xf32, #tpu.memory_space<vmem>>, vector<16xf32>,
        %get3A_344 = arith.index_cast %select_n3A_158 : i32 to index
        %get3A_345 = arith.constant 16 : index
        %get3A_346 = tpu.vector_load %arg10[%get3A_344, %get3A_345] {strides = array<i32>} : memref<4x128xf32, #tpu.memory_space<vmem>>, vector<16xf32>,
        %mul3A_347 = arith.constant 16384 : i32
        %mul3A_348 = arith.muli %select_n3A, %mul3A_347 : i32
        %mul3A_349 = arith.constant 6.400000e+01 : f32
        %mul3A_350 = vector.broadcast %mul3A_349 : f32 to vector<16xf32>
        %mul3A_351 = arith.mulf %get3A_343, %mul3A_350 : vector<16xf32>
        %add3A_352 = arith.constant 6.350000e+01 : f32
        %add3A_353 = vector.broadcast %add3A_352 : f32 to vector<16xf32>
        %add3A_354 = arith.addf %mul3A_351, %add3A_353 : vector<16xf32>
        %mul3A_355 = arith.constant 6.400000e+01 : f32
        %mul3A_356 = vector.broadcast %mul3A_355 : f32 to vector<16xf32>
        %mul3A_357 = arith.mulf %get3A_346, %mul3A_356 : vector<16xf32>
        %add3A_358 = arith.constant 6.350000e+01 : f32
        %add3A_359 = vector.broadcast %add3A_358 : f32 to vector<16xf32>
        %add3A_360 = arith.addf %mul3A_357, %add3A_359 : vector<16xf32>
        %convert_element_type3A_361 = arith.fptosi %add3A_354 : vector<16xf32> to vector<16xi32>
        %min3A_362 = arith.constant 127 : i32
        %min3A_363 = vector.broadcast %min3A_362 : i32 to vector<16xi32>
        %min3A_364 = arith.minsi %convert_element_type3A_361, %min3A_363 : vector<16xi32>
        %max3A_365 = arith.constant 0 : i32
        %max3A_366 = vector.broadcast %max3A_365 : i32 to vector<16xi32>
        %max3A_367 = arith.maxsi %min3A_364, %max3A_366 : vector<16xi32>
        %convert_element_type3A_368 = arith.fptosi %add3A_360 : vector<16xf32> to vector<16xi32>
        %min3A_369 = arith.constant 127 : i32
        %min3A_370 = vector.broadcast %min3A_369 : i32 to vector<16xi32>
        %min3A_371 = arith.minsi %convert_element_type3A_368, %min3A_370 : vector<16xi32>
        %max3A_372 = arith.constant 0 : i32
        %max3A_373 = vector.broadcast %max3A_372 : i32 to vector<16xi32>
        %max3A_374 = arith.maxsi %min3A_371, %max3A_373 : vector<16xi32>
        %add3A_375 = arith.constant 1 : i32
        %add3A_376 = vector.broadcast %add3A_375 : i32 to vector<16xi32>
        %add3A_377 = arith.addi %max3A_374, %add3A_376 : vector<16xi32>
        %min3A_378 = arith.constant 127 : i32
        %min3A_379 = vector.broadcast %min3A_378 : i32 to vector<16xi32>
        %min3A_380 = arith.minsi %add3A_377, %min3A_379 : vector<16xi32>
        %mul3A_381 = arith.constant 128 : i32
        %mul3A_382 = vector.broadcast %mul3A_381 : i32 to vector<16xi32>
        %mul3A_383 = arith.muli %max3A_374, %mul3A_382 : vector<16xi32>
        %add3A_384 = vector.broadcast %mul3A_348 : i32 to vector<16xi32>
        %add3A_385 = arith.addi %add3A_384, %mul3A_383 : vector<16xi32>
        %add3A_386 = arith.addi %add3A_385, %max3A_367 : vector<16xi32>
        %swap3A_387 = arith.constant 0 : i32
        %swap3A_388 = arith.constant 0 : i32
        %swap3A_389 = arith.index_cast %select_n3A_158 : i32 to index
        %swap3A_390 = arith.index_cast %swap3A_387 : i32 to index
        %swap3A_391 = arith.index_cast %swap3A_388 : i32 to index
        %swap3A_392 = arith.constant 16 : index
        %swap3A_393 = tpu.vector_load %arg12[%swap3A_389, %swap3A_390, %swap3A_391, %swap3A_392] {strides = array<i32>} : memref<4x3x2x128xi32, #tpu.memory_space<vmem>>, vector<16xi32>,
        tpu.vector_store %arg12[%swap3A_389, %swap3A_390, %swap3A_391, %swap3A_392], %add3A_386 {strides = array<i32>} : memref<4x3x2x128xi32, #tpu.memory_space<vmem>>, vector<16xi32>,
        %mul3A_394 = arith.constant 128 : i32
        %mul3A_395 = vector.broadcast %mul3A_394 : i32 to vector<16xi32>
        %mul3A_396 = arith.muli %min3A_380, %mul3A_395 : vector<16xi32>
        %add3A_397 = vector.broadcast %mul3A_348 : i32 to vector<16xi32>
        %add3A_398 = arith.addi %add3A_397, %mul3A_396 : vector<16xi32>
        %add3A_399 = arith.addi %add3A_398, %max3A_367 : vector<16xi32>
        %swap3A_400 = arith.constant 0 : i32
        %swap3A_401 = arith.constant 1 : i32
        %swap3A_402 = arith.index_cast %select_n3A_158 : i32 to index
        %swap3A_403 = arith.index_cast %swap3A_400 : i32 to index
        %swap3A_404 = arith.index_cast %swap3A_401 : i32 to index
        %swap3A_405 = arith.constant 16 : index
        %swap3A_406 = tpu.vector_load %arg12[%swap3A_402, %swap3A_403, %swap3A_404, %swap3A_405] {strides = array<i32>} : memref<4x3x2x128xi32, #tpu.memory_space<vmem>>, vector<16xi32>,
        tpu.vector_store %arg12[%swap3A_402, %swap3A_403, %swap3A_404, %swap3A_405], %add3A_399 {strides = array<i32>} : memref<4x3x2x128xi32, #tpu.memory_space<vmem>>, vector<16xi32>,
        %mul3A_407 = arith.constant 65536 : i32
        %mul3A_408 = arith.muli %select_n3A, %mul3A_407 : i32
        %mul3A_409 = arith.constant 1.280000e+02 : f32
        %mul3A_410 = vector.broadcast %mul3A_409 : f32 to vector<16xf32>
        %mul3A_411 = arith.mulf %get3A_343, %mul3A_410 : vector<16xf32>
        %add3A_412 = arith.constant 1.275000e+02 : f32
        %add3A_413 = vector.broadcast %add3A_412 : f32 to vector<16xf32>
        %add3A_414 = arith.addf %mul3A_411, %add3A_413 : vector<16xf32>
        %mul3A_415 = arith.constant 1.280000e+02 : f32
        %mul3A_416 = vector.broadcast %mul3A_415 : f32 to vector<16xf32>
        %mul3A_417 = arith.mulf %get3A_346, %mul3A_416 : vector<16xf32>
        %add3A_418 = arith.constant 1.275000e+02 : f32
        %add3A_419 = vector.broadcast %add3A_418 : f32 to vector<16xf32>
        %add3A_420 = arith.addf %mul3A_417, %add3A_419 : vector<16xf32>
        %convert_element_type3A_421 = arith.fptosi %add3A_414 : vector<16xf32> to vector<16xi32>
        %min3A_422 = arith.constant 255 : i32
        %min3A_423 = vector.broadcast %min3A_422 : i32 to vector<16xi32>
        %min3A_424 = arith.minsi %convert_element_type3A_421, %min3A_423 : vector<16xi32>
        %max3A_425 = arith.constant 0 : i32
        %max3A_426 = vector.broadcast %max3A_425 : i32 to vector<16xi32>
        %max3A_427 = arith.maxsi %min3A_424, %max3A_426 : vector<16xi32>
        %convert_element_type3A_428 = arith.fptosi %add3A_420 : vector<16xf32> to vector<16xi32>
        %min3A_429 = arith.constant 255 : i32
        %min3A_430 = vector.broadcast %min3A_429 : i32 to vector<16xi32>
        %min3A_431 = arith.minsi %convert_element_type3A_428, %min3A_430 : vector<16xi32>
        %max3A_432 = arith.constant 0 : i32
        %max3A_433 = vector.broadcast %max3A_432 : i32 to vector<16xi32>
        %max3A_434 = arith.maxsi %min3A_431, %max3A_433 : vector<16xi32>
        %add3A_435 = arith.constant 1 : i32
        %add3A_436 = vector.broadcast %add3A_435 : i32 to vector<16xi32>
        %add3A_437 = arith.addi %max3A_434, %add3A_436 : vector<16xi32>
        %min3A_438 = arith.constant 255 : i32
        %min3A_439 = vector.broadcast %min3A_438 : i32 to vector<16xi32>
        %min3A_440 = arith.minsi %add3A_437, %min3A_439 : vector<16xi32>
        %mul3A_441 = arith.constant 256 : i32
        %mul3A_442 = vector.broadcast %mul3A_441 : i32 to vector<16xi32>
        %mul3A_443 = arith.muli %max3A_434, %mul3A_442 : vector<16xi32>
        %add3A_444 = vector.broadcast %mul3A_408 : i32 to vector<16xi32>
        %add3A_445 = arith.addi %add3A_444, %mul3A_443 : vector<16xi32>
        %add3A_446 = arith.addi %add3A_445, %max3A_427 : vector<16xi32>
        %swap3A_447 = arith.constant 1 : i32
        %swap3A_448 = arith.constant 0 : i32
        %swap3A_449 = arith.index_cast %select_n3A_158 : i32 to index
        %swap3A_450 = arith.index_cast %swap3A_447 : i32 to index
        %swap3A_451 = arith.index_cast %swap3A_448 : i32 to index
        %swap3A_452 = arith.constant 16 : index
        %swap3A_453 = tpu.vector_load %arg12[%swap3A_449, %swap3A_450, %swap3A_451, %swap3A_452] {strides = array<i32>} : memref<4x3x2x128xi32, #tpu.memory_space<vmem>>, vector<16xi32>,
        tpu.vector_store %arg12[%swap3A_449, %swap3A_450, %swap3A_451, %swap3A_452], %add3A_446 {strides = array<i32>} : memref<4x3x2x128xi32, #tpu.memory_space<vmem>>, vector<16xi32>,
        %mul3A_454 = arith.constant 256 : i32
        %mul3A_455 = vector.broadcast %mul3A_454 : i32 to vector<16xi32>
        %mul3A_456 = arith.muli %min3A_440, %mul3A_455 : vector<16xi32>
        %add3A_457 = vector.broadcast %mul3A_408 : i32 to vector<16xi32>
        %add3A_458 = arith.addi %add3A_457, %mul3A_456 : vector<16xi32>
        %add3A_459 = arith.addi %add3A_458, %max3A_427 : vector<16xi32>
        %swap3A_460 = arith.constant 1 : i32
        %swap3A_461 = arith.constant 1 : i32
        %swap3A_462 = arith.index_cast %select_n3A_158 : i32 to index
        %swap3A_463 = arith.index_cast %swap3A_460 : i32 to index
        %swap3A_464 = arith.index_cast %swap3A_461 : i32 to index
        %swap3A_465 = arith.constant 16 : index
        %swap3A_466 = tpu.vector_load %arg12[%swap3A_462, %swap3A_463, %swap3A_464, %swap3A_465] {strides = array<i32>} : memref<4x3x2x128xi32, #tpu.memory_space<vmem>>, vector<16xi32>,
        tpu.vector_store %arg12[%swap3A_462, %swap3A_463, %swap3A_464, %swap3A_465], %add3A_459 {strides = array<i32>} : memref<4x3x2x128xi32, #tpu.memory_space<vmem>>, vector<16xi32>,
        %mul3A_467 = arith.constant 262144 : i32
        %mul3A_468 = arith.muli %select_n3A, %mul3A_467 : i32
        %mul3A_469 = arith.constant 2.560000e+02 : f32
        %mul3A_470 = vector.broadcast %mul3A_469 : f32 to vector<16xf32>
        %mul3A_471 = arith.mulf %get3A_343, %mul3A_470 : vector<16xf32>
        %add3A_472 = arith.constant 2.555000e+02 : f32
        %add3A_473 = vector.broadcast %add3A_472 : f32 to vector<16xf32>
        %add3A_474 = arith.addf %mul3A_471, %add3A_473 : vector<16xf32>
        %mul3A_475 = arith.constant 2.560000e+02 : f32
        %mul3A_476 = vector.broadcast %mul3A_475 : f32 to vector<16xf32>
        %mul3A_477 = arith.mulf %get3A_346, %mul3A_476 : vector<16xf32>
        %add3A_478 = arith.constant 2.555000e+02 : f32
        %add3A_479 = vector.broadcast %add3A_478 : f32 to vector<16xf32>
        %add3A_480 = arith.addf %mul3A_477, %add3A_479 : vector<16xf32>
        %convert_element_type3A_481 = arith.fptosi %add3A_474 : vector<16xf32> to vector<16xi32>
        %min3A_482 = arith.constant 511 : i32
        %min3A_483 = vector.broadcast %min3A_482 : i32 to vector<16xi32>
        %min3A_484 = arith.minsi %convert_element_type3A_481, %min3A_483 : vector<16xi32>
        %max3A_485 = arith.constant 0 : i32
        %max3A_486 = vector.broadcast %max3A_485 : i32 to vector<16xi32>
        %max3A_487 = arith.maxsi %min3A_484, %max3A_486 : vector<16xi32>
        %convert_element_type3A_488 = arith.fptosi %add3A_480 : vector<16xf32> to vector<16xi32>
        %min3A_489 = arith.constant 511 : i32
        %min3A_490 = vector.broadcast %min3A_489 : i32 to vector<16xi32>
        %min3A_491 = arith.minsi %convert_element_type3A_488, %min3A_490 : vector<16xi32>
        %max3A_492 = arith.constant 0 : i32
        %max3A_493 = vector.broadcast %max3A_492 : i32 to vector<16xi32>
        %max3A_494 = arith.maxsi %min3A_491, %max3A_493 : vector<16xi32>
        %add3A_495 = arith.constant 1 : i32
        %add3A_496 = vector.broadcast %add3A_495 : i32 to vector<16xi32>
        %add3A_497 = arith.addi %max3A_494, %add3A_496 : vector<16xi32>
        %min3A_498 = arith.constant 511 : i32
        %min3A_499 = vector.broadcast %min3A_498 : i32 to vector<16xi32>
        %min3A_500 = arith.minsi %add3A_497, %min3A_499 : vector<16xi32>
        %mul3A_501 = arith.constant 512 : i32
        %mul3A_502 = vector.broadcast %mul3A_501 : i32 to vector<16xi32>
        %mul3A_503 = arith.muli %max3A_494, %mul3A_502 : vector<16xi32>
        %add3A_504 = vector.broadcast %mul3A_468 : i32 to vector<16xi32>
        %add3A_505 = arith.addi %add3A_504, %mul3A_503 : vector<16xi32>
        %add3A_506 = arith.addi %add3A_505, %max3A_487 : vector<16xi32>
        %swap3A_507 = arith.constant 2 : i32
        %swap3A_508 = arith.constant 0 : i32
        %swap3A_509 = arith.index_cast %select_n3A_158 : i32 to index
        %swap3A_510 = arith.index_cast %swap3A_507 : i32 to index
        %swap3A_511 = arith.index_cast %swap3A_508 : i32 to index
        %swap3A_512 = arith.constant 16 : index
        %swap3A_513 = tpu.vector_load %arg12[%swap3A_509, %swap3A_510, %swap3A_511, %swap3A_512] {strides = array<i32>} : memref<4x3x2x128xi32, #tpu.memory_space<vmem>>, vector<16xi32>,
        tpu.vector_store %arg12[%swap3A_509, %swap3A_510, %swap3A_511, %swap3A_512], %add3A_506 {strides = array<i32>} : memref<4x3x2x128xi32, #tpu.memory_space<vmem>>, vector<16xi32>,
        %mul3A_514 = arith.constant 512 : i32
        %mul3A_515 = vector.broadcast %mul3A_514 : i32 to vector<16xi32>
        %mul3A_516 = arith.muli %min3A_500, %mul3A_515 : vector<16xi32>
        %add3A_517 = vector.broadcast %mul3A_468 : i32 to vector<16xi32>
        %add3A_518 = arith.addi %add3A_517, %mul3A_516 : vector<16xi32>
        %add3A_519 = arith.addi %add3A_518, %max3A_487 : vector<16xi32>
        %swap3A_520 = arith.constant 2 : i32
        %swap3A_521 = arith.constant 1 : i32
        %swap3A_522 = arith.index_cast %select_n3A_158 : i32 to index
        %swap3A_523 = arith.index_cast %swap3A_520 : i32 to index
        %swap3A_524 = arith.index_cast %swap3A_521 : i32 to index
        %swap3A_525 = arith.constant 16 : index
        %swap3A_526 = tpu.vector_load %arg12[%swap3A_522, %swap3A_523, %swap3A_524, %swap3A_525] {strides = array<i32>} : memref<4x3x2x128xi32, #tpu.memory_space<vmem>>, vector<16xi32>,
        tpu.vector_store %arg12[%swap3A_522, %swap3A_523, %swap3A_524, %swap3A_525], %add3A_519 {strides = array<i32>} : memref<4x3x2x128xi32, #tpu.memory_space<vmem>>, vector<16xi32>,
        %get3A_527 = arith.index_cast %select_n3A_158 : i32 to index
        %get3A_528 = arith.constant 32 : index
        %get3A_529 = tpu.vector_load %arg9[%get3A_527, %get3A_528] {strides = array<i32>} : memref<4x128xf32, #tpu.memory_space<vmem>>, vector<16xf32>,
        %get3A_530 = arith.index_cast %select_n3A_158 : i32 to index
        %get3A_531 = arith.constant 32 : index
        %get3A_532 = tpu.vector_load %arg10[%get3A_530, %get3A_531] {strides = array<i32>} : memref<4x128xf32, #tpu.memory_space<vmem>>, vector<16xf32>,
        %mul3A_533 = arith.constant 16384 : i32
        %mul3A_534 = arith.muli %select_n3A, %mul3A_533 : i32
        %mul3A_535 = arith.constant 6.400000e+01 : f32
        %mul3A_536 = vector.broadcast %mul3A_535 : f32 to vector<16xf32>
        %mul3A_537 = arith.mulf %get3A_529, %mul3A_536 : vector<16xf32>
        %add3A_538 = arith.constant 6.350000e+01 : f32
        %add3A_539 = vector.broadcast %add3A_538 : f32 to vector<16xf32>
        %add3A_540 = arith.addf %mul3A_537, %add3A_539 : vector<16xf32>
        %mul3A_541 = arith.constant 6.400000e+01 : f32
        %mul3A_542 = vector.broadcast %mul3A_541 : f32 to vector<16xf32>
        %mul3A_543 = arith.mulf %get3A_532, %mul3A_542 : vector<16xf32>
        %add3A_544 = arith.constant 6.350000e+01 : f32
        %add3A_545 = vector.broadcast %add3A_544 : f32 to vector<16xf32>
        %add3A_546 = arith.addf %mul3A_543, %add3A_545 : vector<16xf32>
        %convert_element_type3A_547 = arith.fptosi %add3A_540 : vector<16xf32> to vector<16xi32>
        %min3A_548 = arith.constant 127 : i32
        %min3A_549 = vector.broadcast %min3A_548 : i32 to vector<16xi32>
        %min3A_550 = arith.minsi %convert_element_type3A_547, %min3A_549 : vector<16xi32>
        %max3A_551 = arith.constant 0 : i32
        %max3A_552 = vector.broadcast %max3A_551 : i32 to vector<16xi32>
        %max3A_553 = arith.maxsi %min3A_550, %max3A_552 : vector<16xi32>
        %convert_element_type3A_554 = arith.fptosi %add3A_546 : vector<16xf32> to vector<16xi32>
        %min3A_555 = arith.constant 127 : i32
        %min3A_556 = vector.broadcast %min3A_555 : i32 to vector<16xi32>
        %min3A_557 = arith.minsi %convert_element_type3A_554, %min3A_556 : vector<16xi32>
        %max3A_558 = arith.constant 0 : i32
        %max3A_559 = vector.broadcast %max3A_558 : i32 to vector<16xi32>
        %max3A_560 = arith.maxsi %min3A_557, %max3A_559 : vector<16xi32>
        %add3A_561 = arith.constant 1 : i32
        %add3A_562 = vector.broadcast %add3A_561 : i32 to vector<16xi32>
        %add3A_563 = arith.addi %max3A_560, %add3A_562 : vector<16xi32>
        %min3A_564 = arith.constant 127 : i32
        %min3A_565 = vector.broadcast %min3A_564 : i32 to vector<16xi32>
        %min3A_566 = arith.minsi %add3A_563, %min3A_565 : vector<16xi32>
        %mul3A_567 = arith.constant 128 : i32
        %mul3A_568 = vector.broadcast %mul3A_567 : i32 to vector<16xi32>
        %mul3A_569 = arith.muli %max3A_560, %mul3A_568 : vector<16xi32>
        %add3A_570 = vector.broadcast %mul3A_534 : i32 to vector<16xi32>
        %add3A_571 = arith.addi %add3A_570, %mul3A_569 : vector<16xi32>
        %add3A_572 = arith.addi %add3A_571, %max3A_553 : vector<16xi32>
        %swap3A_573 = arith.constant 0 : i32
        %swap3A_574 = arith.constant 0 : i32
        %swap3A_575 = arith.index_cast %select_n3A_158 : i32 to index
        %swap3A_576 = arith.index_cast %swap3A_573 : i32 to index
        %swap3A_577 = arith.index_cast %swap3A_574 : i32 to index
        %swap3A_578 = arith.constant 32 : index
        %swap3A_579 = tpu.vector_load %arg12[%swap3A_575, %swap3A_576, %swap3A_577, %swap3A_578] {strides = array<i32>} : memref<4x3x2x128xi32, #tpu.memory_space<vmem>>, vector<16xi32>,
        tpu.vector_store %arg12[%swap3A_575, %swap3A_576, %swap3A_577, %swap3A_578], %add3A_572 {strides = array<i32>} : memref<4x3x2x128xi32, #tpu.memory_space<vmem>>, vector<16xi32>,
        %mul3A_580 = arith.constant 128 : i32
        %mul3A_581 = vector.broadcast %mul3A_580 : i32 to vector<16xi32>
        %mul3A_582 = arith.muli %min3A_566, %mul3A_581 : vector<16xi32>
        %add3A_583 = vector.broadcast %mul3A_534 : i32 to vector<16xi32>
        %add3A_584 = arith.addi %add3A_583, %mul3A_582 : vector<16xi32>
        %add3A_585 = arith.addi %add3A_584, %max3A_553 : vector<16xi32>
        %swap3A_586 = arith.constant 0 : i32
        %swap3A_587 = arith.constant 1 : i32
        %swap3A_588 = arith.index_cast %select_n3A_158 : i32 to index
        %swap3A_589 = arith.index_cast %swap3A_586 : i32 to index
        %swap3A_590 = arith.index_cast %swap3A_587 : i32 to index
        %swap3A_591 = arith.constant 32 : index
        %swap3A_592 = tpu.vector_load %arg12[%swap3A_588, %swap3A_589, %swap3A_590, %swap3A_591] {strides = array<i32>} : memref<4x3x2x128xi32, #tpu.memory_space<vmem>>, vector<16xi32>,
        tpu.vector_store %arg12[%swap3A_588, %swap3A_589, %swap3A_590, %swap3A_591], %add3A_585 {strides = array<i32>} : memref<4x3x2x128xi32, #tpu.memory_space<vmem>>, vector<16xi32>,
        %mul3A_593 = arith.constant 65536 : i32
        %mul3A_594 = arith.muli %select_n3A, %mul3A_593 : i32
        %mul3A_595 = arith.constant 1.280000e+02 : f32
        %mul3A_596 = vector.broadcast %mul3A_595 : f32 to vector<16xf32>
        %mul3A_597 = arith.mulf %get3A_529, %mul3A_596 : vector<16xf32>
        %add3A_598 = arith.constant 1.275000e+02 : f32
        %add3A_599 = vector.broadcast %add3A_598 : f32 to vector<16xf32>
        %add3A_600 = arith.addf %mul3A_597, %add3A_599 : vector<16xf32>
        %mul3A_601 = arith.constant 1.280000e+02 : f32
        %mul3A_602 = vector.broadcast %mul3A_601 : f32 to vector<16xf32>
        %mul3A_603 = arith.mulf %get3A_532, %mul3A_602 : vector<16xf32>
        %add3A_604 = arith.constant 1.275000e+02 : f32
        %add3A_605 = vector.broadcast %add3A_604 : f32 to vector<16xf32>
        %add3A_606 = arith.addf %mul3A_603, %add3A_605 : vector<16xf32>
        %convert_element_type3A_607 = arith.fptosi %add3A_600 : vector<16xf32> to vector<16xi32>
        %min3A_608 = arith.constant 255 : i32
        %min3A_609 = vector.broadcast %min3A_608 : i32 to vector<16xi32>
        %min3A_610 = arith.minsi %convert_element_type3A_607, %min3A_609 : vector<16xi32>
        %max3A_611 = arith.constant 0 : i32
        %max3A_612 = vector.broadcast %max3A_611 : i32 to vector<16xi32>
        %max3A_613 = arith.maxsi %min3A_610, %max3A_612 : vector<16xi32>
        %convert_element_type3A_614 = arith.fptosi %add3A_606 : vector<16xf32> to vector<16xi32>
        %min3A_615 = arith.constant 255 : i32
        %min3A_616 = vector.broadcast %min3A_615 : i32 to vector<16xi32>
        %min3A_617 = arith.minsi %convert_element_type3A_614, %min3A_616 : vector<16xi32>
        %max3A_618 = arith.constant 0 : i32
        %max3A_619 = vector.broadcast %max3A_618 : i32 to vector<16xi32>
        %max3A_620 = arith.maxsi %min3A_617, %max3A_619 : vector<16xi32>
        %add3A_621 = arith.constant 1 : i32
        %add3A_622 = vector.broadcast %add3A_621 : i32 to vector<16xi32>
        %add3A_623 = arith.addi %max3A_620, %add3A_622 : vector<16xi32>
        %min3A_624 = arith.constant 255 : i32
        %min3A_625 = vector.broadcast %min3A_624 : i32 to vector<16xi32>
        %min3A_626 = arith.minsi %add3A_623, %min3A_625 : vector<16xi32>
        %mul3A_627 = arith.constant 256 : i32
        %mul3A_628 = vector.broadcast %mul3A_627 : i32 to vector<16xi32>
        %mul3A_629 = arith.muli %max3A_620, %mul3A_628 : vector<16xi32>
        %add3A_630 = vector.broadcast %mul3A_594 : i32 to vector<16xi32>
        %add3A_631 = arith.addi %add3A_630, %mul3A_629 : vector<16xi32>
        %add3A_632 = arith.addi %add3A_631, %max3A_613 : vector<16xi32>
        %swap3A_633 = arith.constant 1 : i32
        %swap3A_634 = arith.constant 0 : i32
        %swap3A_635 = arith.index_cast %select_n3A_158 : i32 to index
        %swap3A_636 = arith.index_cast %swap3A_633 : i32 to index
        %swap3A_637 = arith.index_cast %swap3A_634 : i32 to index
        %swap3A_638 = arith.constant 32 : index
        %swap3A_639 = tpu.vector_load %arg12[%swap3A_635, %swap3A_636, %swap3A_637, %swap3A_638] {strides = array<i32>} : memref<4x3x2x128xi32, #tpu.memory_space<vmem>>, vector<16xi32>,
        tpu.vector_store %arg12[%swap3A_635, %swap3A_636, %swap3A_637, %swap3A_638], %add3A_632 {strides = array<i32>} : memref<4x3x2x128xi32, #tpu.memory_space<vmem>>, vector<16xi32>,
        %mul3A_640 = arith.constant 256 : i32
        %mul3A_641 = vector.broadcast %mul3A_640 : i32 to vector<16xi32>
        %mul3A_642 = arith.muli %min3A_626, %mul3A_641 : vector<16xi32>
        %add3A_643 = vector.broadcast %mul3A_594 : i32 to vector<16xi32>
        %add3A_644 = arith.addi %add3A_643, %mul3A_642 : vector<16xi32>
        %add3A_645 = arith.addi %add3A_644, %max3A_613 : vector<16xi32>
        %swap3A_646 = arith.constant 1 : i32
        %swap3A_647 = arith.constant 1 : i32
        %swap3A_648 = arith.index_cast %select_n3A_158 : i32 to index
        %swap3A_649 = arith.index_cast %swap3A_646 : i32 to index
        %swap3A_650 = arith.index_cast %swap3A_647 : i32 to index
        %swap3A_651 = arith.constant 32 : index
        %swap3A_652 = tpu.vector_load %arg12[%swap3A_648, %swap3A_649, %swap3A_650, %swap3A_651] {strides = array<i32>} : memref<4x3x2x128xi32, #tpu.memory_space<vmem>>, vector<16xi32>,
        tpu.vector_store %arg12[%swap3A_648, %swap3A_649, %swap3A_650, %swap3A_651], %add3A_645 {strides = array<i32>} : memref<4x3x2x128xi32, #tpu.memory_space<vmem>>, vector<16xi32>,
        %mul3A_653 = arith.constant 262144 : i32
        %mul3A_654 = arith.muli %select_n3A, %mul3A_653 : i32
        %mul3A_655 = arith.constant 2.560000e+02 : f32
        %mul3A_656 = vector.broadcast %mul3A_655 : f32 to vector<16xf32>
        %mul3A_657 = arith.mulf %get3A_529, %mul3A_656 : vector<16xf32>
        %add3A_658 = arith.constant 2.555000e+02 : f32
        %add3A_659 = vector.broadcast %add3A_658 : f32 to vector<16xf32>
        %add3A_660 = arith.addf %mul3A_657, %add3A_659 : vector<16xf32>
        %mul3A_661 = arith.constant 2.560000e+02 : f32
        %mul3A_662 = vector.broadcast %mul3A_661 : f32 to vector<16xf32>
        %mul3A_663 = arith.mulf %get3A_532, %mul3A_662 : vector<16xf32>
        %add3A_664 = arith.constant 2.555000e+02 : f32
        %add3A_665 = vector.broadcast %add3A_664 : f32 to vector<16xf32>
        %add3A_666 = arith.addf %mul3A_663, %add3A_665 : vector<16xf32>
        %convert_element_type3A_667 = arith.fptosi %add3A_660 : vector<16xf32> to vector<16xi32>
        %min3A_668 = arith.constant 511 : i32
        %min3A_669 = vector.broadcast %min3A_668 : i32 to vector<16xi32>
        %min3A_670 = arith.minsi %convert_element_type3A_667, %min3A_669 : vector<16xi32>
        %max3A_671 = arith.constant 0 : i32
        %max3A_672 = vector.broadcast %max3A_671 : i32 to vector<16xi32>
        %max3A_673 = arith.maxsi %min3A_670, %max3A_672 : vector<16xi32>
        %convert_element_type3A_674 = arith.fptosi %add3A_666 : vector<16xf32> to vector<16xi32>
        %min3A_675 = arith.constant 511 : i32
        %min3A_676 = vector.broadcast %min3A_675 : i32 to vector<16xi32>
        %min3A_677 = arith.minsi %convert_element_type3A_674, %min3A_676 : vector<16xi32>
        %max3A_678 = arith.constant 0 : i32
        %max3A_679 = vector.broadcast %max3A_678 : i32 to vector<16xi32>
        %max3A_680 = arith.maxsi %min3A_677, %max3A_679 : vector<16xi32>
        %add3A_681 = arith.constant 1 : i32
        %add3A_682 = vector.broadcast %add3A_681 : i32 to vector<16xi32>
        %add3A_683 = arith.addi %max3A_680, %add3A_682 : vector<16xi32>
        %min3A_684 = arith.constant 511 : i32
        %min3A_685 = vector.broadcast %min3A_684 : i32 to vector<16xi32>
        %min3A_686 = arith.minsi %add3A_683, %min3A_685 : vector<16xi32>
        %mul3A_687 = arith.constant 512 : i32
        %mul3A_688 = vector.broadcast %mul3A_687 : i32 to vector<16xi32>
        %mul3A_689 = arith.muli %max3A_680, %mul3A_688 : vector<16xi32>
        %add3A_690 = vector.broadcast %mul3A_654 : i32 to vector<16xi32>
        %add3A_691 = arith.addi %add3A_690, %mul3A_689 : vector<16xi32>
        %add3A_692 = arith.addi %add3A_691, %max3A_673 : vector<16xi32>
        %swap3A_693 = arith.constant 2 : i32
        %swap3A_694 = arith.constant 0 : i32
        %swap3A_695 = arith.index_cast %select_n3A_158 : i32 to index
        %swap3A_696 = arith.index_cast %swap3A_693 : i32 to index
        %swap3A_697 = arith.index_cast %swap3A_694 : i32 to index
        %swap3A_698 = arith.constant 32 : index
        %swap3A_699 = tpu.vector_load %arg12[%swap3A_695, %swap3A_696, %swap3A_697, %swap3A_698] {strides = array<i32>} : memref<4x3x2x128xi32, #tpu.memory_space<vmem>>, vector<16xi32>,
        tpu.vector_store %arg12[%swap3A_695, %swap3A_696, %swap3A_697, %swap3A_698], %add3A_692 {strides = array<i32>} : memref<4x3x2x128xi32, #tpu.memory_space<vmem>>, vector<16xi32>,
        %mul3A_700 = arith.constant 512 : i32
        %mul3A_701 = vector.broadcast %mul3A_700 : i32 to vector<16xi32>
        %mul3A_702 = arith.muli %min3A_686, %mul3A_701 : vector<16xi32>
        %add3A_703 = vector.broadcast %mul3A_654 : i32 to vector<16xi32>
        %add3A_704 = arith.addi %add3A_703, %mul3A_702 : vector<16xi32>
        %add3A_705 = arith.addi %add3A_704, %max3A_673 : vector<16xi32>
        %swap3A_706 = arith.constant 2 : i32
        %swap3A_707 = arith.constant 1 : i32
        %swap3A_708 = arith.index_cast %select_n3A_158 : i32 to index
        %swap3A_709 = arith.index_cast %swap3A_706 : i32 to index
        %swap3A_710 = arith.index_cast %swap3A_707 : i32 to index
        %swap3A_711 = arith.constant 32 : index
        %swap3A_712 = tpu.vector_load %arg12[%swap3A_708, %swap3A_709, %swap3A_710, %swap3A_711] {strides = array<i32>} : memref<4x3x2x128xi32, #tpu.memory_space<vmem>>, vector<16xi32>,
        tpu.vector_store %arg12[%swap3A_708, %swap3A_709, %swap3A_710, %swap3A_711], %add3A_705 {strides = array<i32>} : memref<4x3x2x128xi32, #tpu.memory_space<vmem>>, vector<16xi32>,
        %get3A_713 = arith.index_cast %select_n3A_158 : i32 to index
        %get3A_714 = arith.constant 48 : index
        %get3A_715 = tpu.vector_load %arg9[%get3A_713, %get3A_714] {strides = array<i32>} : memref<4x128xf32, #tpu.memory_space<vmem>>, vector<16xf32>,
        %get3A_716 = arith.index_cast %select_n3A_158 : i32 to index
        %get3A_717 = arith.constant 48 : index
        %get3A_718 = tpu.vector_load %arg10[%get3A_716, %get3A_717] {strides = array<i32>} : memref<4x128xf32, #tpu.memory_space<vmem>>, vector<16xf32>,
        %mul3A_719 = arith.constant 16384 : i32
        %mul3A_720 = arith.muli %select_n3A, %mul3A_719 : i32
        %mul3A_721 = arith.constant 6.400000e+01 : f32
        %mul3A_722 = vector.broadcast %mul3A_721 : f32 to vector<16xf32>
        %mul3A_723 = arith.mulf %get3A_715, %mul3A_722 : vector<16xf32>
        %add3A_724 = arith.constant 6.350000e+01 : f32
        %add3A_725 = vector.broadcast %add3A_724 : f32 to vector<16xf32>
        %add3A_726 = arith.addf %mul3A_723, %add3A_725 : vector<16xf32>
        %mul3A_727 = arith.constant 6.400000e+01 : f32
        %mul3A_728 = vector.broadcast %mul3A_727 : f32 to vector<16xf32>
        %mul3A_729 = arith.mulf %get3A_718, %mul3A_728 : vector<16xf32>
        %add3A_730 = arith.constant 6.350000e+01 : f32
        %add3A_731 = vector.broadcast %add3A_730 : f32 to vector<16xf32>
        %add3A_732 = arith.addf %mul3A_729, %add3A_731 : vector<16xf32>
        %convert_element_type3A_733 = arith.fptosi %add3A_726 : vector<16xf32> to vector<16xi32>
        %min3A_734 = arith.constant 127 : i32
        %min3A_735 = vector.broadcast %min3A_734 : i32 to vector<16xi32>
        %min3A_736 = arith.minsi %convert_element_type3A_733, %min3A_735 : vector<16xi32>
        %max3A_737 = arith.constant 0 : i32
        %max3A_738 = vector.broadcast %max3A_737 : i32 to vector<16xi32>
        %max3A_739 = arith.maxsi %min3A_736, %max3A_738 : vector<16xi32>
        %convert_element_type3A_740 = arith.fptosi %add3A_732 : vector<16xf32> to vector<16xi32>
        %min3A_741 = arith.constant 127 : i32
        %min3A_742 = vector.broadcast %min3A_741 : i32 to vector<16xi32>
        %min3A_743 = arith.minsi %convert_element_type3A_740, %min3A_742 : vector<16xi32>
        %max3A_744 = arith.constant 0 : i32
        %max3A_745 = vector.broadcast %max3A_744 : i32 to vector<16xi32>
        %max3A_746 = arith.maxsi %min3A_743, %max3A_745 : vector<16xi32>
        %add3A_747 = arith.constant 1 : i32
        %add3A_748 = vector.broadcast %add3A_747 : i32 to vector<16xi32>
        %add3A_749 = arith.addi %max3A_746, %add3A_748 : vector<16xi32>
        %min3A_750 = arith.constant 127 : i32
        %min3A_751 = vector.broadcast %min3A_750 : i32 to vector<16xi32>
        %min3A_752 = arith.minsi %add3A_749, %min3A_751 : vector<16xi32>
        %mul3A_753 = arith.constant 128 : i32
        %mul3A_754 = vector.broadcast %mul3A_753 : i32 to vector<16xi32>
        %mul3A_755 = arith.muli %max3A_746, %mul3A_754 : vector<16xi32>
        %add3A_756 = vector.broadcast %mul3A_720 : i32 to vector<16xi32>
        %add3A_757 = arith.addi %add3A_756, %mul3A_755 : vector<16xi32>
        %add3A_758 = arith.addi %add3A_757, %max3A_739 : vector<16xi32>
        %swap3A_759 = arith.constant 0 : i32
        %swap3A_760 = arith.constant 0 : i32
        %swap3A_761 = arith.index_cast %select_n3A_158 : i32 to index
        %swap3A_762 = arith.index_cast %swap3A_759 : i32 to index
        %swap3A_763 = arith.index_cast %swap3A_760 : i32 to index
        %swap3A_764 = arith.constant 48 : index
        %swap3A_765 = tpu.vector_load %arg12[%swap3A_761, %swap3A_762, %swap3A_763, %swap3A_764] {strides = array<i32>} : memref<4x3x2x128xi32, #tpu.memory_space<vmem>>, vector<16xi32>,
        tpu.vector_store %arg12[%swap3A_761, %swap3A_762, %swap3A_763, %swap3A_764], %add3A_758 {strides = array<i32>} : memref<4x3x2x128xi32, #tpu.memory_space<vmem>>, vector<16xi32>,
        %mul3A_766 = arith.constant 128 : i32
        %mul3A_767 = vector.broadcast %mul3A_766 : i32 to vector<16xi32>
        %mul3A_768 = arith.muli %min3A_752, %mul3A_767 : vector<16xi32>
        %add3A_769 = vector.broadcast %mul3A_720 : i32 to vector<16xi32>
        %add3A_770 = arith.addi %add3A_769, %mul3A_768 : vector<16xi32>
        %add3A_771 = arith.addi %add3A_770, %max3A_739 : vector<16xi32>
        %swap3A_772 = arith.constant 0 : i32
        %swap3A_773 = arith.constant 1 : i32
        %swap3A_774 = arith.index_cast %select_n3A_158 : i32 to index
        %swap3A_775 = arith.index_cast %swap3A_772 : i32 to index
        %swap3A_776 = arith.index_cast %swap3A_773 : i32 to index
        %swap3A_777 = arith.constant 48 : index
        %swap3A_778 = tpu.vector_load %arg12[%swap3A_774, %swap3A_775, %swap3A_776, %swap3A_777] {strides = array<i32>} : memref<4x3x2x128xi32, #tpu.memory_space<vmem>>, vector<16xi32>,
        tpu.vector_store %arg12[%swap3A_774, %swap3A_775, %swap3A_776, %swap3A_777], %add3A_771 {strides = array<i32>} : memref<4x3x2x128xi32, #tpu.memory_space<vmem>>, vector<16xi32>,
        %mul3A_779 = arith.constant 65536 : i32
        %mul3A_780 = arith.muli %select_n3A, %mul3A_779 : i32
        %mul3A_781 = arith.constant 1.280000e+02 : f32
        %mul3A_782 = vector.broadcast %mul3A_781 : f32 to vector<16xf32>
        %mul3A_783 = arith.mulf %get3A_715, %mul3A_782 : vector<16xf32>
        %add3A_784 = arith.constant 1.275000e+02 : f32
        %add3A_785 = vector.broadcast %add3A_784 : f32 to vector<16xf32>
        %add3A_786 = arith.addf %mul3A_783, %add3A_785 : vector<16xf32>
        %mul3A_787 = arith.constant 1.280000e+02 : f32
        %mul3A_788 = vector.broadcast %mul3A_787 : f32 to vector<16xf32>
        %mul3A_789 = arith.mulf %get3A_718, %mul3A_788 : vector<16xf32>
        %add3A_790 = arith.constant 1.275000e+02 : f32
        %add3A_791 = vector.broadcast %add3A_790 : f32 to vector<16xf32>
        %add3A_792 = arith.addf %mul3A_789, %add3A_791 : vector<16xf32>
        %convert_element_type3A_793 = arith.fptosi %add3A_786 : vector<16xf32> to vector<16xi32>
        %min3A_794 = arith.constant 255 : i32
        %min3A_795 = vector.broadcast %min3A_794 : i32 to vector<16xi32>
        %min3A_796 = arith.minsi %convert_element_type3A_793, %min3A_795 : vector<16xi32>
        %max3A_797 = arith.constant 0 : i32
        %max3A_798 = vector.broadcast %max3A_797 : i32 to vector<16xi32>
        %max3A_799 = arith.maxsi %min3A_796, %max3A_798 : vector<16xi32>
        %convert_element_type3A_800 = arith.fptosi %add3A_792 : vector<16xf32> to vector<16xi32>
        %min3A_801 = arith.constant 255 : i32
        %min3A_802 = vector.broadcast %min3A_801 : i32 to vector<16xi32>
        %min3A_803 = arith.minsi %convert_element_type3A_800, %min3A_802 : vector<16xi32>
        %max3A_804 = arith.constant 0 : i32
        %max3A_805 = vector.broadcast %max3A_804 : i32 to vector<16xi32>
        %max3A_806 = arith.maxsi %min3A_803, %max3A_805 : vector<16xi32>
        %add3A_807 = arith.constant 1 : i32
        %add3A_808 = vector.broadcast %add3A_807 : i32 to vector<16xi32>
        %add3A_809 = arith.addi %max3A_806, %add3A_808 : vector<16xi32>
        %min3A_810 = arith.constant 255 : i32
        %min3A_811 = vector.broadcast %min3A_810 : i32 to vector<16xi32>
        %min3A_812 = arith.minsi %add3A_809, %min3A_811 : vector<16xi32>
        %mul3A_813 = arith.constant 256 : i32
        %mul3A_814 = vector.broadcast %mul3A_813 : i32 to vector<16xi32>
        %mul3A_815 = arith.muli %max3A_806, %mul3A_814 : vector<16xi32>
        %add3A_816 = vector.broadcast %mul3A_780 : i32 to vector<16xi32>
        %add3A_817 = arith.addi %add3A_816, %mul3A_815 : vector<16xi32>
        %add3A_818 = arith.addi %add3A_817, %max3A_799 : vector<16xi32>
        %swap3A_819 = arith.constant 1 : i32
        %swap3A_820 = arith.constant 0 : i32
        %swap3A_821 = arith.index_cast %select_n3A_158 : i32 to index
        %swap3A_822 = arith.index_cast %swap3A_819 : i32 to index
        %swap3A_823 = arith.index_cast %swap3A_820 : i32 to index
        %swap3A_824 = arith.constant 48 : index
        %swap3A_825 = tpu.vector_load %arg12[%swap3A_821, %swap3A_822, %swap3A_823, %swap3A_824] {strides = array<i32>} : memref<4x3x2x128xi32, #tpu.memory_space<vmem>>, vector<16xi32>,
        tpu.vector_store %arg12[%swap3A_821, %swap3A_822, %swap3A_823, %swap3A_824], %add3A_818 {strides = array<i32>} : memref<4x3x2x128xi32, #tpu.memory_space<vmem>>, vector<16xi32>,
        %mul3A_826 = arith.constant 256 : i32
        %mul3A_827 = vector.broadcast %mul3A_826 : i32 to vector<16xi32>
        %mul3A_828 = arith.muli %min3A_812, %mul3A_827 : vector<16xi32>
        %add3A_829 = vector.broadcast %mul3A_780 : i32 to vector<16xi32>
        %add3A_830 = arith.addi %add3A_829, %mul3A_828 : vector<16xi32>
        %add3A_831 = arith.addi %add3A_830, %max3A_799 : vector<16xi32>
        %swap3A_832 = arith.constant 1 : i32
        %swap3A_833 = arith.constant 1 : i32
        %swap3A_834 = arith.index_cast %select_n3A_158 : i32 to index
        %swap3A_835 = arith.index_cast %swap3A_832 : i32 to index
        %swap3A_836 = arith.index_cast %swap3A_833 : i32 to index
        %swap3A_837 = arith.constant 48 : index
        %swap3A_838 = tpu.vector_load %arg12[%swap3A_834, %swap3A_835, %swap3A_836, %swap3A_837] {strides = array<i32>} : memref<4x3x2x128xi32, #tpu.memory_space<vmem>>, vector<16xi32>,
        tpu.vector_store %arg12[%swap3A_834, %swap3A_835, %swap3A_836, %swap3A_837], %add3A_831 {strides = array<i32>} : memref<4x3x2x128xi32, #tpu.memory_space<vmem>>, vector<16xi32>,
        %mul3A_839 = arith.constant 262144 : i32
        %mul3A_840 = arith.muli %select_n3A, %mul3A_839 : i32
        %mul3A_841 = arith.constant 2.560000e+02 : f32
        %mul3A_842 = vector.broadcast %mul3A_841 : f32 to vector<16xf32>
        %mul3A_843 = arith.mulf %get3A_715, %mul3A_842 : vector<16xf32>
        %add3A_844 = arith.constant 2.555000e+02 : f32
        %add3A_845 = vector.broadcast %add3A_844 : f32 to vector<16xf32>
        %add3A_846 = arith.addf %mul3A_843, %add3A_845 : vector<16xf32>
        %mul3A_847 = arith.constant 2.560000e+02 : f32
        %mul3A_848 = vector.broadcast %mul3A_847 : f32 to vector<16xf32>
        %mul3A_849 = arith.mulf %get3A_718, %mul3A_848 : vector<16xf32>
        %add3A_850 = arith.constant 2.555000e+02 : f32
        %add3A_851 = vector.broadcast %add3A_850 : f32 to vector<16xf32>
        %add3A_852 = arith.addf %mul3A_849, %add3A_851 : vector<16xf32>
        %convert_element_type3A_853 = arith.fptosi %add3A_846 : vector<16xf32> to vector<16xi32>
        %min3A_854 = arith.constant 511 : i32
        %min3A_855 = vector.broadcast %min3A_854 : i32 to vector<16xi32>
        %min3A_856 = arith.minsi %convert_element_type3A_853, %min3A_855 : vector<16xi32>
        %max3A_857 = arith.constant 0 : i32
        %max3A_858 = vector.broadcast %max3A_857 : i32 to vector<16xi32>
        %max3A_859 = arith.maxsi %min3A_856, %max3A_858 : vector<16xi32>
        %convert_element_type3A_860 = arith.fptosi %add3A_852 : vector<16xf32> to vector<16xi32>
        %min3A_861 = arith.constant 511 : i32
        %min3A_862 = vector.broadcast %min3A_861 : i32 to vector<16xi32>
        %min3A_863 = arith.minsi %convert_element_type3A_860, %min3A_862 : vector<16xi32>
        %max3A_864 = arith.constant 0 : i32
        %max3A_865 = vector.broadcast %max3A_864 : i32 to vector<16xi32>
        %max3A_866 = arith.maxsi %min3A_863, %max3A_865 : vector<16xi32>
        %add3A_867 = arith.constant 1 : i32
        %add3A_868 = vector.broadcast %add3A_867 : i32 to vector<16xi32>
        %add3A_869 = arith.addi %max3A_866, %add3A_868 : vector<16xi32>
        %min3A_870 = arith.constant 511 : i32
        %min3A_871 = vector.broadcast %min3A_870 : i32 to vector<16xi32>
        %min3A_872 = arith.minsi %add3A_869, %min3A_871 : vector<16xi32>
        %mul3A_873 = arith.constant 512 : i32
        %mul3A_874 = vector.broadcast %mul3A_873 : i32 to vector<16xi32>
        %mul3A_875 = arith.muli %max3A_866, %mul3A_874 : vector<16xi32>
        %add3A_876 = vector.broadcast %mul3A_840 : i32 to vector<16xi32>
        %add3A_877 = arith.addi %add3A_876, %mul3A_875 : vector<16xi32>
        %add3A_878 = arith.addi %add3A_877, %max3A_859 : vector<16xi32>
        %swap3A_879 = arith.constant 2 : i32
        %swap3A_880 = arith.constant 0 : i32
        %swap3A_881 = arith.index_cast %select_n3A_158 : i32 to index
        %swap3A_882 = arith.index_cast %swap3A_879 : i32 to index
        %swap3A_883 = arith.index_cast %swap3A_880 : i32 to index
        %swap3A_884 = arith.constant 48 : index
        %swap3A_885 = tpu.vector_load %arg12[%swap3A_881, %swap3A_882, %swap3A_883, %swap3A_884] {strides = array<i32>} : memref<4x3x2x128xi32, #tpu.memory_space<vmem>>, vector<16xi32>,
        tpu.vector_store %arg12[%swap3A_881, %swap3A_882, %swap3A_883, %swap3A_884], %add3A_878 {strides = array<i32>} : memref<4x3x2x128xi32, #tpu.memory_space<vmem>>, vector<16xi32>,
        %mul3A_886 = arith.constant 512 : i32
        %mul3A_887 = vector.broadcast %mul3A_886 : i32 to vector<16xi32>
        %mul3A_888 = arith.muli %min3A_872, %mul3A_887 : vector<16xi32>
        %add3A_889 = vector.broadcast %mul3A_840 : i32 to vector<16xi32>
        %add3A_890 = arith.addi %add3A_889, %mul3A_888 : vector<16xi32>
        %add3A_891 = arith.addi %add3A_890, %max3A_859 : vector<16xi32>
        %swap3A_892 = arith.constant 2 : i32
        %swap3A_893 = arith.constant 1 : i32
        %swap3A_894 = arith.index_cast %select_n3A_158 : i32 to index
        %swap3A_895 = arith.index_cast %swap3A_892 : i32 to index
        %swap3A_896 = arith.index_cast %swap3A_893 : i32 to index
        %swap3A_897 = arith.constant 48 : index
        %swap3A_898 = tpu.vector_load %arg12[%swap3A_894, %swap3A_895, %swap3A_896, %swap3A_897] {strides = array<i32>} : memref<4x3x2x128xi32, #tpu.memory_space<vmem>>, vector<16xi32>,
        tpu.vector_store %arg12[%swap3A_894, %swap3A_895, %swap3A_896, %swap3A_897], %add3A_891 {strides = array<i32>} : memref<4x3x2x128xi32, #tpu.memory_space<vmem>>, vector<16xi32>,
        %get3A_899 = arith.index_cast %select_n3A_158 : i32 to index
        %get3A_900 = arith.constant 64 : index
        %get3A_901 = tpu.vector_load %arg9[%get3A_899, %get3A_900] {strides = array<i32>} : memref<4x128xf32, #tpu.memory_space<vmem>>, vector<16xf32>,
        %get3A_902 = arith.index_cast %select_n3A_158 : i32 to index
        %get3A_903 = arith.constant 64 : index
        %get3A_904 = tpu.vector_load %arg10[%get3A_902, %get3A_903] {strides = array<i32>} : memref<4x128xf32, #tpu.memory_space<vmem>>, vector<16xf32>,
        %mul3A_905 = arith.constant 16384 : i32
        %mul3A_906 = arith.muli %select_n3A, %mul3A_905 : i32
        %mul3A_907 = arith.constant 6.400000e+01 : f32
        %mul3A_908 = vector.broadcast %mul3A_907 : f32 to vector<16xf32>
        %mul3A_909 = arith.mulf %get3A_901, %mul3A_908 : vector<16xf32>
        %add3A_910 = arith.constant 6.350000e+01 : f32
        %add3A_911 = vector.broadcast %add3A_910 : f32 to vector<16xf32>
        %add3A_912 = arith.addf %mul3A_909, %add3A_911 : vector<16xf32>
        %mul3A_913 = arith.constant 6.400000e+01 : f32
        %mul3A_914 = vector.broadcast %mul3A_913 : f32 to vector<16xf32>
        %mul3A_915 = arith.mulf %get3A_904, %mul3A_914 : vector<16xf32>
        %add3A_916 = arith.constant 6.350000e+01 : f32
        %add3A_917 = vector.broadcast %add3A_916 : f32 to vector<16xf32>
        %add3A_918 = arith.addf %mul3A_915, %add3A_917 : vector<16xf32>
        %convert_element_type3A_919 = arith.fptosi %add3A_912 : vector<16xf32> to vector<16xi32>
        %min3A_920 = arith.constant 127 : i32
        %min3A_921 = vector.broadcast %min3A_920 : i32 to vector<16xi32>
        %min3A_922 = arith.minsi %convert_element_type3A_919, %min3A_921 : vector<16xi32>
        %max3A_923 = arith.constant 0 : i32
        %max3A_924 = vector.broadcast %max3A_923 : i32 to vector<16xi32>
        %max3A_925 = arith.maxsi %min3A_922, %max3A_924 : vector<16xi32>
        %convert_element_type3A_926 = arith.fptosi %add3A_918 : vector<16xf32> to vector<16xi32>
        %min3A_927 = arith.constant 127 : i32
        %min3A_928 = vector.broadcast %min3A_927 : i32 to vector<16xi32>
        %min3A_929 = arith.minsi %convert_element_type3A_926, %min3A_928 : vector<16xi32>
        %max3A_930 = arith.constant 0 : i32
        %max3A_931 = vector.broadcast %max3A_930 : i32 to vector<16xi32>
        %max3A_932 = arith.maxsi %min3A_929, %max3A_931 : vector<16xi32>
        %add3A_933 = arith.constant 1 : i32
        %add3A_934 = vector.broadcast %add3A_933 : i32 to vector<16xi32>
        %add3A_935 = arith.addi %max3A_932, %add3A_934 : vector<16xi32>
        %min3A_936 = arith.constant 127 : i32
        %min3A_937 = vector.broadcast %min3A_936 : i32 to vector<16xi32>
        %min3A_938 = arith.minsi %add3A_935, %min3A_937 : vector<16xi32>
        %mul3A_939 = arith.constant 128 : i32
        %mul3A_940 = vector.broadcast %mul3A_939 : i32 to vector<16xi32>
        %mul3A_941 = arith.muli %max3A_932, %mul3A_940 : vector<16xi32>
        %add3A_942 = vector.broadcast %mul3A_906 : i32 to vector<16xi32>
        %add3A_943 = arith.addi %add3A_942, %mul3A_941 : vector<16xi32>
        %add3A_944 = arith.addi %add3A_943, %max3A_925 : vector<16xi32>
        %swap3A_945 = arith.constant 0 : i32
        %swap3A_946 = arith.constant 0 : i32
        %swap3A_947 = arith.index_cast %select_n3A_158 : i32 to index
        %swap3A_948 = arith.index_cast %swap3A_945 : i32 to index
        %swap3A_949 = arith.index_cast %swap3A_946 : i32 to index
        %swap3A_950 = arith.constant 64 : index
        %swap3A_951 = tpu.vector_load %arg12[%swap3A_947, %swap3A_948, %swap3A_949, %swap3A_950] {strides = array<i32>} : memref<4x3x2x128xi32, #tpu.memory_space<vmem>>, vector<16xi32>,
        tpu.vector_store %arg12[%swap3A_947, %swap3A_948, %swap3A_949, %swap3A_950], %add3A_944 {strides = array<i32>} : memref<4x3x2x128xi32, #tpu.memory_space<vmem>>, vector<16xi32>,
        %mul3A_952 = arith.constant 128 : i32
        %mul3A_953 = vector.broadcast %mul3A_952 : i32 to vector<16xi32>
        %mul3A_954 = arith.muli %min3A_938, %mul3A_953 : vector<16xi32>
        %add3A_955 = vector.broadcast %mul3A_906 : i32 to vector<16xi32>
        %add3A_956 = arith.addi %add3A_955, %mul3A_954 : vector<16xi32>
        %add3A_957 = arith.addi %add3A_956, %max3A_925 : vector<16xi32>
        %swap3A_958 = arith.constant 0 : i32
        %swap3A_959 = arith.constant 1 : i32
        %swap3A_960 = arith.index_cast %select_n3A_158 : i32 to index
        %swap3A_961 = arith.index_cast %swap3A_958 : i32 to index
        %swap3A_962 = arith.index_cast %swap3A_959 : i32 to index
        %swap3A_963 = arith.constant 64 : index
        %swap3A_964 = tpu.vector_load %arg12[%swap3A_960, %swap3A_961, %swap3A_962, %swap3A_963] {strides = array<i32>} : memref<4x3x2x128xi32, #tpu.memory_space<vmem>>, vector<16xi32>,
        tpu.vector_store %arg12[%swap3A_960, %swap3A_961, %swap3A_962, %swap3A_963], %add3A_957 {strides = array<i32>} : memref<4x3x2x128xi32, #tpu.memory_space<vmem>>, vector<16xi32>,
        %mul3A_965 = arith.constant 65536 : i32
        %mul3A_966 = arith.muli %select_n3A, %mul3A_965 : i32
        %mul3A_967 = arith.constant 1.280000e+02 : f32
        %mul3A_968 = vector.broadcast %mul3A_967 : f32 to vector<16xf32>
        %mul3A_969 = arith.mulf %get3A_901, %mul3A_968 : vector<16xf32>
        %add3A_970 = arith.constant 1.275000e+02 : f32
        %add3A_971 = vector.broadcast %add3A_970 : f32 to vector<16xf32>
        %add3A_972 = arith.addf %mul3A_969, %add3A_971 : vector<16xf32>
        %mul3A_973 = arith.constant 1.280000e+02 : f32
        %mul3A_974 = vector.broadcast %mul3A_973 : f32 to vector<16xf32>
        %mul3A_975 = arith.mulf %get3A_904, %mul3A_974 : vector<16xf32>
        %add3A_976 = arith.constant 1.275000e+02 : f32
        %add3A_977 = vector.broadcast %add3A_976 : f32 to vector<16xf32>
        %add3A_978 = arith.addf %mul3A_975, %add3A_977 : vector<16xf32>
        %convert_element_type3A_979 = arith.fptosi %add3A_972 : vector<16xf32> to vector<16xi32>
        %min3A_980 = arith.constant 255 : i32
        %min3A_981 = vector.broadcast %min3A_980 : i32 to vector<16xi32>
        %min3A_982 = arith.minsi %convert_element_type3A_979, %min3A_981 : vector<16xi32>
        %max3A_983 = arith.constant 0 : i32
        %max3A_984 = vector.broadcast %max3A_983 : i32 to vector<16xi32>
        %max3A_985 = arith.maxsi %min3A_982, %max3A_984 : vector<16xi32>
        %convert_element_type3A_986 = arith.fptosi %add3A_978 : vector<16xf32> to vector<16xi32>
        %min3A_987 = arith.constant 255 : i32
        %min3A_988 = vector.broadcast %min3A_987 : i32 to vector<16xi32>
        %min3A_989 = arith.minsi %convert_element_type3A_986, %min3A_988 : vector<16xi32>
        %max3A_990 = arith.constant 0 : i32
        %max3A_991 = vector.broadcast %max3A_990 : i32 to vector<16xi32>
        %max3A_992 = arith.maxsi %min3A_989, %max3A_991 : vector<16xi32>
        %add3A_993 = arith.constant 1 : i32
        %add3A_994 = vector.broadcast %add3A_993 : i32 to vector<16xi32>
        %add3A_995 = arith.addi %max3A_992, %add3A_994 : vector<16xi32>
        %min3A_996 = arith.constant 255 : i32
        %min3A_997 = vector.broadcast %min3A_996 : i32 to vector<16xi32>
        %min3A_998 = arith.minsi %add3A_995, %min3A_997 : vector<16xi32>
        %mul3A_999 = arith.constant 256 : i32
        %mul3A_1000 = vector.broadcast %mul3A_999 : i32 to vector<16xi32>
        %mul3A_1001 = arith.muli %max3A_992, %mul3A_1000 : vector<16xi32>
        %add3A_1002 = vector.broadcast %mul3A_966 : i32 to vector<16xi32>
        %add3A_1003 = arith.addi %add3A_1002, %mul3A_1001 : vector<16xi32>
        %add3A_1004 = arith.addi %add3A_1003, %max3A_985 : vector<16xi32>
        %swap3A_1005 = arith.constant 1 : i32
        %swap3A_1006 = arith.constant 0 : i32
        %swap3A_1007 = arith.index_cast %select_n3A_158 : i32 to index
        %swap3A_1008 = arith.index_cast %swap3A_1005 : i32 to index
        %swap3A_1009 = arith.index_cast %swap3A_1006 : i32 to index
        %swap3A_1010 = arith.constant 64 : index
        %swap3A_1011 = tpu.vector_load %arg12[%swap3A_1007, %swap3A_1008, %swap3A_1009, %swap3A_1010] {strides = array<i32>} : memref<4x3x2x128xi32, #tpu.memory_space<vmem>>, vector<16xi32>,
        tpu.vector_store %arg12[%swap3A_1007, %swap3A_1008, %swap3A_1009, %swap3A_1010], %add3A_1004 {strides = array<i32>} : memref<4x3x2x128xi32, #tpu.memory_space<vmem>>, vector<16xi32>,
        %mul3A_1012 = arith.constant 256 : i32
        %mul3A_1013 = vector.broadcast %mul3A_1012 : i32 to vector<16xi32>
        %mul3A_1014 = arith.muli %min3A_998, %mul3A_1013 : vector<16xi32>
        %add3A_1015 = vector.broadcast %mul3A_966 : i32 to vector<16xi32>
        %add3A_1016 = arith.addi %add3A_1015, %mul3A_1014 : vector<16xi32>
        %add3A_1017 = arith.addi %add3A_1016, %max3A_985 : vector<16xi32>
        %swap3A_1018 = arith.constant 1 : i32
        %swap3A_1019 = arith.constant 1 : i32
        %swap3A_1020 = arith.index_cast %select_n3A_158 : i32 to index
        %swap3A_1021 = arith.index_cast %swap3A_1018 : i32 to index
        %swap3A_1022 = arith.index_cast %swap3A_1019 : i32 to index
        %swap3A_1023 = arith.constant 64 : index
        %swap3A_1024 = tpu.vector_load %arg12[%swap3A_1020, %swap3A_1021, %swap3A_1022, %swap3A_1023] {strides = array<i32>} : memref<4x3x2x128xi32, #tpu.memory_space<vmem>>, vector<16xi32>,
        tpu.vector_store %arg12[%swap3A_1020, %swap3A_1021, %swap3A_1022, %swap3A_1023], %add3A_1017 {strides = array<i32>} : memref<4x3x2x128xi32, #tpu.memory_space<vmem>>, vector<16xi32>,
        %mul3A_1025 = arith.constant 262144 : i32
        %mul3A_1026 = arith.muli %select_n3A, %mul3A_1025 : i32
        %mul3A_1027 = arith.constant 2.560000e+02 : f32
        %mul3A_1028 = vector.broadcast %mul3A_1027 : f32 to vector<16xf32>
        %mul3A_1029 = arith.mulf %get3A_901, %mul3A_1028 : vector<16xf32>
        %add3A_1030 = arith.constant 2.555000e+02 : f32
        %add3A_1031 = vector.broadcast %add3A_1030 : f32 to vector<16xf32>
        %add3A_1032 = arith.addf %mul3A_1029, %add3A_1031 : vector<16xf32>
        %mul3A_1033 = arith.constant 2.560000e+02 : f32
        %mul3A_1034 = vector.broadcast %mul3A_1033 : f32 to vector<16xf32>
        %mul3A_1035 = arith.mulf %get3A_904, %mul3A_1034 : vector<16xf32>
        %add3A_1036 = arith.constant 2.555000e+02 : f32
        %add3A_1037 = vector.broadcast %add3A_1036 : f32 to vector<16xf32>
        %add3A_1038 = arith.addf %mul3A_1035, %add3A_1037 : vector<16xf32>
        %convert_element_type3A_1039 = arith.fptosi %add3A_1032 : vector<16xf32> to vector<16xi32>
        %min3A_1040 = arith.constant 511 : i32
        %min3A_1041 = vector.broadcast %min3A_1040 : i32 to vector<16xi32>
        %min3A_1042 = arith.minsi %convert_element_type3A_1039, %min3A_1041 : vector<16xi32>
        %max3A_1043 = arith.constant 0 : i32
        %max3A_1044 = vector.broadcast %max3A_1043 : i32 to vector<16xi32>
        %max3A_1045 = arith.maxsi %min3A_1042, %max3A_1044 : vector<16xi32>
        %convert_element_type3A_1046 = arith.fptosi %add3A_1038 : vector<16xf32> to vector<16xi32>
        %min3A_1047 = arith.constant 511 : i32
        %min3A_1048 = vector.broadcast %min3A_1047 : i32 to vector<16xi32>
        %min3A_1049 = arith.minsi %convert_element_type3A_1046, %min3A_1048 : vector<16xi32>
        %max3A_1050 = arith.constant 0 : i32
        %max3A_1051 = vector.broadcast %max3A_1050 : i32 to vector<16xi32>
        %max3A_1052 = arith.maxsi %min3A_1049, %max3A_1051 : vector<16xi32>
        %add3A_1053 = arith.constant 1 : i32
        %add3A_1054 = vector.broadcast %add3A_1053 : i32 to vector<16xi32>
        %add3A_1055 = arith.addi %max3A_1052, %add3A_1054 : vector<16xi32>
        %min3A_1056 = arith.constant 511 : i32
        %min3A_1057 = vector.broadcast %min3A_1056 : i32 to vector<16xi32>
        %min3A_1058 = arith.minsi %add3A_1055, %min3A_1057 : vector<16xi32>
        %mul3A_1059 = arith.constant 512 : i32
        %mul3A_1060 = vector.broadcast %mul3A_1059 : i32 to vector<16xi32>
        %mul3A_1061 = arith.muli %max3A_1052, %mul3A_1060 : vector<16xi32>
        %add3A_1062 = vector.broadcast %mul3A_1026 : i32 to vector<16xi32>
        %add3A_1063 = arith.addi %add3A_1062, %mul3A_1061 : vector<16xi32>
        %add3A_1064 = arith.addi %add3A_1063, %max3A_1045 : vector<16xi32>
        %swap3A_1065 = arith.constant 2 : i32
        %swap3A_1066 = arith.constant 0 : i32
        %swap3A_1067 = arith.index_cast %select_n3A_158 : i32 to index
        %swap3A_1068 = arith.index_cast %swap3A_1065 : i32 to index
        %swap3A_1069 = arith.index_cast %swap3A_1066 : i32 to index
        %swap3A_1070 = arith.constant 64 : index
        %swap3A_1071 = tpu.vector_load %arg12[%swap3A_1067, %swap3A_1068, %swap3A_1069, %swap3A_1070] {strides = array<i32>} : memref<4x3x2x128xi32, #tpu.memory_space<vmem>>, vector<16xi32>,
        tpu.vector_store %arg12[%swap3A_1067, %swap3A_1068, %swap3A_1069, %swap3A_1070], %add3A_1064 {strides = array<i32>} : memref<4x3x2x128xi32, #tpu.memory_space<vmem>>, vector<16xi32>,
        %mul3A_1072 = arith.constant 512 : i32
        %mul3A_1073 = vector.broadcast %mul3A_1072 : i32 to vector<16xi32>
        %mul3A_1074 = arith.muli %min3A_1058, %mul3A_1073 : vector<16xi32>
        %add3A_1075 = vector.broadcast %mul3A_1026 : i32 to vector<16xi32>
        %add3A_1076 = arith.addi %add3A_1075, %mul3A_1074 : vector<16xi32>
        %add3A_1077 = arith.addi %add3A_1076, %max3A_1045 : vector<16xi32>
        %swap3A_1078 = arith.constant 2 : i32
        %swap3A_1079 = arith.constant 1 : i32
        %swap3A_1080 = arith.index_cast %select_n3A_158 : i32 to index
        %swap3A_1081 = arith.index_cast %swap3A_1078 : i32 to index
        %swap3A_1082 = arith.index_cast %swap3A_1079 : i32 to index
        %swap3A_1083 = arith.constant 64 : index
        %swap3A_1084 = tpu.vector_load %arg12[%swap3A_1080, %swap3A_1081, %swap3A_1082, %swap3A_1083] {strides = array<i32>} : memref<4x3x2x128xi32, #tpu.memory_space<vmem>>, vector<16xi32>,
        tpu.vector_store %arg12[%swap3A_1080, %swap3A_1081, %swap3A_1082, %swap3A_1083], %add3A_1077 {strides = array<i32>} : memref<4x3x2x128xi32, #tpu.memory_space<vmem>>, vector<16xi32>,
        %get3A_1085 = arith.index_cast %select_n3A_158 : i32 to index
        %get3A_1086 = arith.constant 80 : index
        %get3A_1087 = tpu.vector_load %arg9[%get3A_1085, %get3A_1086] {strides = array<i32>} : memref<4x128xf32, #tpu.memory_space<vmem>>, vector<16xf32>,
        %get3A_1088 = arith.index_cast %select_n3A_158 : i32 to index
        %get3A_1089 = arith.constant 80 : index
        %get3A_1090 = tpu.vector_load %arg10[%get3A_1088, %get3A_1089] {strides = array<i32>} : memref<4x128xf32, #tpu.memory_space<vmem>>, vector<16xf32>,
        %mul3A_1091 = arith.constant 16384 : i32
        %mul3A_1092 = arith.muli %select_n3A, %mul3A_1091 : i32
        %mul3A_1093 = arith.constant 6.400000e+01 : f32
        %mul3A_1094 = vector.broadcast %mul3A_1093 : f32 to vector<16xf32>
        %mul3A_1095 = arith.mulf %get3A_1087, %mul3A_1094 : vector<16xf32>
        %add3A_1096 = arith.constant 6.350000e+01 : f32
        %add3A_1097 = vector.broadcast %add3A_1096 : f32 to vector<16xf32>
        %add3A_1098 = arith.addf %mul3A_1095, %add3A_1097 : vector<16xf32>
        %mul3A_1099 = arith.constant 6.400000e+01 : f32
        %mul3A_1100 = vector.broadcast %mul3A_1099 : f32 to vector<16xf32>
        %mul3A_1101 = arith.mulf %get3A_1090, %mul3A_1100 : vector<16xf32>
        %add3A_1102 = arith.constant 6.350000e+01 : f32
        %add3A_1103 = vector.broadcast %add3A_1102 : f32 to vector<16xf32>
        %add3A_1104 = arith.addf %mul3A_1101, %add3A_1103 : vector<16xf32>
        %convert_element_type3A_1105 = arith.fptosi %add3A_1098 : vector<16xf32> to vector<16xi32>
        %min3A_1106 = arith.constant 127 : i32
        %min3A_1107 = vector.broadcast %min3A_1106 : i32 to vector<16xi32>
        %min3A_1108 = arith.minsi %convert_element_type3A_1105, %min3A_1107 : vector<16xi32>
        %max3A_1109 = arith.constant 0 : i32
        %max3A_1110 = vector.broadcast %max3A_1109 : i32 to vector<16xi32>
        %max3A_1111 = arith.maxsi %min3A_1108, %max3A_1110 : vector<16xi32>
        %convert_element_type3A_1112 = arith.fptosi %add3A_1104 : vector<16xf32> to vector<16xi32>
        %min3A_1113 = arith.constant 127 : i32
        %min3A_1114 = vector.broadcast %min3A_1113 : i32 to vector<16xi32>
        %min3A_1115 = arith.minsi %convert_element_type3A_1112, %min3A_1114 : vector<16xi32>
        %max3A_1116 = arith.constant 0 : i32
        %max3A_1117 = vector.broadcast %max3A_1116 : i32 to vector<16xi32>
        %max3A_1118 = arith.maxsi %min3A_1115, %max3A_1117 : vector<16xi32>
        %add3A_1119 = arith.constant 1 : i32
        %add3A_1120 = vector.broadcast %add3A_1119 : i32 to vector<16xi32>
        %add3A_1121 = arith.addi %max3A_1118, %add3A_1120 : vector<16xi32>
        %min3A_1122 = arith.constant 127 : i32
        %min3A_1123 = vector.broadcast %min3A_1122 : i32 to vector<16xi32>
        %min3A_1124 = arith.minsi %add3A_1121, %min3A_1123 : vector<16xi32>
        %mul3A_1125 = arith.constant 128 : i32
        %mul3A_1126 = vector.broadcast %mul3A_1125 : i32 to vector<16xi32>
        %mul3A_1127 = arith.muli %max3A_1118, %mul3A_1126 : vector<16xi32>
        %add3A_1128 = vector.broadcast %mul3A_1092 : i32 to vector<16xi32>
        %add3A_1129 = arith.addi %add3A_1128, %mul3A_1127 : vector<16xi32>
        %add3A_1130 = arith.addi %add3A_1129, %max3A_1111 : vector<16xi32>
        %swap3A_1131 = arith.constant 0 : i32
        %swap3A_1132 = arith.constant 0 : i32
        %swap3A_1133 = arith.index_cast %select_n3A_158 : i32 to index
        %swap3A_1134 = arith.index_cast %swap3A_1131 : i32 to index
        %swap3A_1135 = arith.index_cast %swap3A_1132 : i32 to index
        %swap3A_1136 = arith.constant 80 : index
        %swap3A_1137 = tpu.vector_load %arg12[%swap3A_1133, %swap3A_1134, %swap3A_1135, %swap3A_1136] {strides = array<i32>} : memref<4x3x2x128xi32, #tpu.memory_space<vmem>>, vector<16xi32>,
        tpu.vector_store %arg12[%swap3A_1133, %swap3A_1134, %swap3A_1135, %swap3A_1136], %add3A_1130 {strides = array<i32>} : memref<4x3x2x128xi32, #tpu.memory_space<vmem>>, vector<16xi32>,
        %mul3A_1138 = arith.constant 128 : i32
        %mul3A_1139 = vector.broadcast %mul3A_1138 : i32 to vector<16xi32>
        %mul3A_1140 = arith.muli %min3A_1124, %mul3A_1139 : vector<16xi32>
        %add3A_1141 = vector.broadcast %mul3A_1092 : i32 to vector<16xi32>
        %add3A_1142 = arith.addi %add3A_1141, %mul3A_1140 : vector<16xi32>
        %add3A_1143 = arith.addi %add3A_1142, %max3A_1111 : vector<16xi32>
        %swap3A_1144 = arith.constant 0 : i32
        %swap3A_1145 = arith.constant 1 : i32
        %swap3A_1146 = arith.index_cast %select_n3A_158 : i32 to index
        %swap3A_1147 = arith.index_cast %swap3A_1144 : i32 to index
        %swap3A_1148 = arith.index_cast %swap3A_1145 : i32 to index
        %swap3A_1149 = arith.constant 80 : index
        %swap3A_1150 = tpu.vector_load %arg12[%swap3A_1146, %swap3A_1147, %swap3A_1148, %swap3A_1149] {strides = array<i32>} : memref<4x3x2x128xi32, #tpu.memory_space<vmem>>, vector<16xi32>,
        tpu.vector_store %arg12[%swap3A_1146, %swap3A_1147, %swap3A_1148, %swap3A_1149], %add3A_1143 {strides = array<i32>} : memref<4x3x2x128xi32, #tpu.memory_space<vmem>>, vector<16xi32>,
        %mul3A_1151 = arith.constant 65536 : i32
        %mul3A_1152 = arith.muli %select_n3A, %mul3A_1151 : i32
        %mul3A_1153 = arith.constant 1.280000e+02 : f32
        %mul3A_1154 = vector.broadcast %mul3A_1153 : f32 to vector<16xf32>
        %mul3A_1155 = arith.mulf %get3A_1087, %mul3A_1154 : vector<16xf32>
        %add3A_1156 = arith.constant 1.275000e+02 : f32
        %add3A_1157 = vector.broadcast %add3A_1156 : f32 to vector<16xf32>
        %add3A_1158 = arith.addf %mul3A_1155, %add3A_1157 : vector<16xf32>
        %mul3A_1159 = arith.constant 1.280000e+02 : f32
        %mul3A_1160 = vector.broadcast %mul3A_1159 : f32 to vector<16xf32>
        %mul3A_1161 = arith.mulf %get3A_1090, %mul3A_1160 : vector<16xf32>
        %add3A_1162 = arith.constant 1.275000e+02 : f32
        %add3A_1163 = vector.broadcast %add3A_1162 : f32 to vector<16xf32>
        %add3A_1164 = arith.addf %mul3A_1161, %add3A_1163 : vector<16xf32>
        %convert_element_type3A_1165 = arith.fptosi %add3A_1158 : vector<16xf32> to vector<16xi32>
        %min3A_1166 = arith.constant 255 : i32
        %min3A_1167 = vector.broadcast %min3A_1166 : i32 to vector<16xi32>
        %min3A_1168 = arith.minsi %convert_element_type3A_1165, %min3A_1167 : vector<16xi32>
        %max3A_1169 = arith.constant 0 : i32
        %max3A_1170 = vector.broadcast %max3A_1169 : i32 to vector<16xi32>
        %max3A_1171 = arith.maxsi %min3A_1168, %max3A_1170 : vector<16xi32>
        %convert_element_type3A_1172 = arith.fptosi %add3A_1164 : vector<16xf32> to vector<16xi32>
        %min3A_1173 = arith.constant 255 : i32
        %min3A_1174 = vector.broadcast %min3A_1173 : i32 to vector<16xi32>
        %min3A_1175 = arith.minsi %convert_element_type3A_1172, %min3A_1174 : vector<16xi32>
        %max3A_1176 = arith.constant 0 : i32
        %max3A_1177 = vector.broadcast %max3A_1176 : i32 to vector<16xi32>
        %max3A_1178 = arith.maxsi %min3A_1175, %max3A_1177 : vector<16xi32>
        %add3A_1179 = arith.constant 1 : i32
        %add3A_1180 = vector.broadcast %add3A_1179 : i32 to vector<16xi32>
        %add3A_1181 = arith.addi %max3A_1178, %add3A_1180 : vector<16xi32>
        %min3A_1182 = arith.constant 255 : i32
        %min3A_1183 = vector.broadcast %min3A_1182 : i32 to vector<16xi32>
        %min3A_1184 = arith.minsi %add3A_1181, %min3A_1183 : vector<16xi32>
        %mul3A_1185 = arith.constant 256 : i32
        %mul3A_1186 = vector.broadcast %mul3A_1185 : i32 to vector<16xi32>
        %mul3A_1187 = arith.muli %max3A_1178, %mul3A_1186 : vector<16xi32>
        %add3A_1188 = vector.broadcast %mul3A_1152 : i32 to vector<16xi32>
        %add3A_1189 = arith.addi %add3A_1188, %mul3A_1187 : vector<16xi32>
        %add3A_1190 = arith.addi %add3A_1189, %max3A_1171 : vector<16xi32>
        %swap3A_1191 = arith.constant 1 : i32
        %swap3A_1192 = arith.constant 0 : i32
        %swap3A_1193 = arith.index_cast %select_n3A_158 : i32 to index
        %swap3A_1194 = arith.index_cast %swap3A_1191 : i32 to index
        %swap3A_1195 = arith.index_cast %swap3A_1192 : i32 to index
        %swap3A_1196 = arith.constant 80 : index
        %swap3A_1197 = tpu.vector_load %arg12[%swap3A_1193, %swap3A_1194, %swap3A_1195, %swap3A_1196] {strides = array<i32>} : memref<4x3x2x128xi32, #tpu.memory_space<vmem>>, vector<16xi32>,
        tpu.vector_store %arg12[%swap3A_1193, %swap3A_1194, %swap3A_1195, %swap3A_1196], %add3A_1190 {strides = array<i32>} : memref<4x3x2x128xi32, #tpu.memory_space<vmem>>, vector<16xi32>,
        %mul3A_1198 = arith.constant 256 : i32
        %mul3A_1199 = vector.broadcast %mul3A_1198 : i32 to vector<16xi32>
        %mul3A_1200 = arith.muli %min3A_1184, %mul3A_1199 : vector<16xi32>
        %add3A_1201 = vector.broadcast %mul3A_1152 : i32 to vector<16xi32>
        %add3A_1202 = arith.addi %add3A_1201, %mul3A_1200 : vector<16xi32>
        %add3A_1203 = arith.addi %add3A_1202, %max3A_1171 : vector<16xi32>
        %swap3A_1204 = arith.constant 1 : i32
        %swap3A_1205 = arith.constant 1 : i32
        %swap3A_1206 = arith.index_cast %select_n3A_158 : i32 to index
        %swap3A_1207 = arith.index_cast %swap3A_1204 : i32 to index
        %swap3A_1208 = arith.index_cast %swap3A_1205 : i32 to index
        %swap3A_1209 = arith.constant 80 : index
        %swap3A_1210 = tpu.vector_load %arg12[%swap3A_1206, %swap3A_1207, %swap3A_1208, %swap3A_1209] {strides = array<i32>} : memref<4x3x2x128xi32, #tpu.memory_space<vmem>>, vector<16xi32>,
        tpu.vector_store %arg12[%swap3A_1206, %swap3A_1207, %swap3A_1208, %swap3A_1209], %add3A_1203 {strides = array<i32>} : memref<4x3x2x128xi32, #tpu.memory_space<vmem>>, vector<16xi32>,
        %mul3A_1211 = arith.constant 262144 : i32
        %mul3A_1212 = arith.muli %select_n3A, %mul3A_1211 : i32
        %mul3A_1213 = arith.constant 2.560000e+02 : f32
        %mul3A_1214 = vector.broadcast %mul3A_1213 : f32 to vector<16xf32>
        %mul3A_1215 = arith.mulf %get3A_1087, %mul3A_1214 : vector<16xf32>
        %add3A_1216 = arith.constant 2.555000e+02 : f32
        %add3A_1217 = vector.broadcast %add3A_1216 : f32 to vector<16xf32>
        %add3A_1218 = arith.addf %mul3A_1215, %add3A_1217 : vector<16xf32>
        %mul3A_1219 = arith.constant 2.560000e+02 : f32
        %mul3A_1220 = vector.broadcast %mul3A_1219 : f32 to vector<16xf32>
        %mul3A_1221 = arith.mulf %get3A_1090, %mul3A_1220 : vector<16xf32>
        %add3A_1222 = arith.constant 2.555000e+02 : f32
        %add3A_1223 = vector.broadcast %add3A_1222 : f32 to vector<16xf32>
        %add3A_1224 = arith.addf %mul3A_1221, %add3A_1223 : vector<16xf32>
        %convert_element_type3A_1225 = arith.fptosi %add3A_1218 : vector<16xf32> to vector<16xi32>
        %min3A_1226 = arith.constant 511 : i32
        %min3A_1227 = vector.broadcast %min3A_1226 : i32 to vector<16xi32>
        %min3A_1228 = arith.minsi %convert_element_type3A_1225, %min3A_1227 : vector<16xi32>
        %max3A_1229 = arith.constant 0 : i32
        %max3A_1230 = vector.broadcast %max3A_1229 : i32 to vector<16xi32>
        %max3A_1231 = arith.maxsi %min3A_1228, %max3A_1230 : vector<16xi32>
        %convert_element_type3A_1232 = arith.fptosi %add3A_1224 : vector<16xf32> to vector<16xi32>
        %min3A_1233 = arith.constant 511 : i32
        %min3A_1234 = vector.broadcast %min3A_1233 : i32 to vector<16xi32>
        %min3A_1235 = arith.minsi %convert_element_type3A_1232, %min3A_1234 : vector<16xi32>
        %max3A_1236 = arith.constant 0 : i32
        %max3A_1237 = vector.broadcast %max3A_1236 : i32 to vector<16xi32>
        %max3A_1238 = arith.maxsi %min3A_1235, %max3A_1237 : vector<16xi32>
        %add3A_1239 = arith.constant 1 : i32
        %add3A_1240 = vector.broadcast %add3A_1239 : i32 to vector<16xi32>
        %add3A_1241 = arith.addi %max3A_1238, %add3A_1240 : vector<16xi32>
        %min3A_1242 = arith.constant 511 : i32
        %min3A_1243 = vector.broadcast %min3A_1242 : i32 to vector<16xi32>
        %min3A_1244 = arith.minsi %add3A_1241, %min3A_1243 : vector<16xi32>
        %mul3A_1245 = arith.constant 512 : i32
        %mul3A_1246 = vector.broadcast %mul3A_1245 : i32 to vector<16xi32>
        %mul3A_1247 = arith.muli %max3A_1238, %mul3A_1246 : vector<16xi32>
        %add3A_1248 = vector.broadcast %mul3A_1212 : i32 to vector<16xi32>
        %add3A_1249 = arith.addi %add3A_1248, %mul3A_1247 : vector<16xi32>
        %add3A_1250 = arith.addi %add3A_1249, %max3A_1231 : vector<16xi32>
        %swap3A_1251 = arith.constant 2 : i32
        %swap3A_1252 = arith.constant 0 : i32
        %swap3A_1253 = arith.index_cast %select_n3A_158 : i32 to index
        %swap3A_1254 = arith.index_cast %swap3A_1251 : i32 to index
        %swap3A_1255 = arith.index_cast %swap3A_1252 : i32 to index
        %swap3A_1256 = arith.constant 80 : index
        %swap3A_1257 = tpu.vector_load %arg12[%swap3A_1253, %swap3A_1254, %swap3A_1255, %swap3A_1256] {strides = array<i32>} : memref<4x3x2x128xi32, #tpu.memory_space<vmem>>, vector<16xi32>,
        tpu.vector_store %arg12[%swap3A_1253, %swap3A_1254, %swap3A_1255, %swap3A_1256], %add3A_1250 {strides = array<i32>} : memref<4x3x2x128xi32, #tpu.memory_space<vmem>>, vector<16xi32>,
        %mul3A_1258 = arith.constant 512 : i32
        %mul3A_1259 = vector.broadcast %mul3A_1258 : i32 to vector<16xi32>
        %mul3A_1260 = arith.muli %min3A_1244, %mul3A_1259 : vector<16xi32>
        %add3A_1261 = vector.broadcast %mul3A_1212 : i32 to vector<16xi32>
        %add3A_1262 = arith.addi %add3A_1261, %mul3A_1260 : vector<16xi32>
        %add3A_1263 = arith.addi %add3A_1262, %max3A_1231 : vector<16xi32>
        %swap3A_1264 = arith.constant 2 : i32
        %swap3A_1265 = arith.constant 1 : i32
        %swap3A_1266 = arith.index_cast %select_n3A_158 : i32 to index
        %swap3A_1267 = arith.index_cast %swap3A_1264 : i32 to index
        %swap3A_1268 = arith.index_cast %swap3A_1265 : i32 to index
        %swap3A_1269 = arith.constant 80 : index
        %swap3A_1270 = tpu.vector_load %arg12[%swap3A_1266, %swap3A_1267, %swap3A_1268, %swap3A_1269] {strides = array<i32>} : memref<4x3x2x128xi32, #tpu.memory_space<vmem>>, vector<16xi32>,
        tpu.vector_store %arg12[%swap3A_1266, %swap3A_1267, %swap3A_1268, %swap3A_1269], %add3A_1263 {strides = array<i32>} : memref<4x3x2x128xi32, #tpu.memory_space<vmem>>, vector<16xi32>,
        %get3A_1271 = arith.index_cast %select_n3A_158 : i32 to index
        %get3A_1272 = arith.constant 96 : index
        %get3A_1273 = tpu.vector_load %arg9[%get3A_1271, %get3A_1272] {strides = array<i32>} : memref<4x128xf32, #tpu.memory_space<vmem>>, vector<16xf32>,
        %get3A_1274 = arith.index_cast %select_n3A_158 : i32 to index
        %get3A_1275 = arith.constant 96 : index
        %get3A_1276 = tpu.vector_load %arg10[%get3A_1274, %get3A_1275] {strides = array<i32>} : memref<4x128xf32, #tpu.memory_space<vmem>>, vector<16xf32>,
        %mul3A_1277 = arith.constant 16384 : i32
        %mul3A_1278 = arith.muli %select_n3A, %mul3A_1277 : i32
        %mul3A_1279 = arith.constant 6.400000e+01 : f32
        %mul3A_1280 = vector.broadcast %mul3A_1279 : f32 to vector<16xf32>
        %mul3A_1281 = arith.mulf %get3A_1273, %mul3A_1280 : vector<16xf32>
        %add3A_1282 = arith.constant 6.350000e+01 : f32
        %add3A_1283 = vector.broadcast %add3A_1282 : f32 to vector<16xf32>
        %add3A_1284 = arith.addf %mul3A_1281, %add3A_1283 : vector<16xf32>
        %mul3A_1285 = arith.constant 6.400000e+01 : f32
        %mul3A_1286 = vector.broadcast %mul3A_1285 : f32 to vector<16xf32>
        %mul3A_1287 = arith.mulf %get3A_1276, %mul3A_1286 : vector<16xf32>
        %add3A_1288 = arith.constant 6.350000e+01 : f32
        %add3A_1289 = vector.broadcast %add3A_1288 : f32 to vector<16xf32>
        %add3A_1290 = arith.addf %mul3A_1287, %add3A_1289 : vector<16xf32>
        %convert_element_type3A_1291 = arith.fptosi %add3A_1284 : vector<16xf32> to vector<16xi32>
        %min3A_1292 = arith.constant 127 : i32
        %min3A_1293 = vector.broadcast %min3A_1292 : i32 to vector<16xi32>
        %min3A_1294 = arith.minsi %convert_element_type3A_1291, %min3A_1293 : vector<16xi32>
        %max3A_1295 = arith.constant 0 : i32
        %max3A_1296 = vector.broadcast %max3A_1295 : i32 to vector<16xi32>
        %max3A_1297 = arith.maxsi %min3A_1294, %max3A_1296 : vector<16xi32>
        %convert_element_type3A_1298 = arith.fptosi %add3A_1290 : vector<16xf32> to vector<16xi32>
        %min3A_1299 = arith.constant 127 : i32
        %min3A_1300 = vector.broadcast %min3A_1299 : i32 to vector<16xi32>
        %min3A_1301 = arith.minsi %convert_element_type3A_1298, %min3A_1300 : vector<16xi32>
        %max3A_1302 = arith.constant 0 : i32
        %max3A_1303 = vector.broadcast %max3A_1302 : i32 to vector<16xi32>
        %max3A_1304 = arith.maxsi %min3A_1301, %max3A_1303 : vector<16xi32>
        %add3A_1305 = arith.constant 1 : i32
        %add3A_1306 = vector.broadcast %add3A_1305 : i32 to vector<16xi32>
        %add3A_1307 = arith.addi %max3A_1304, %add3A_1306 : vector<16xi32>
        %min3A_1308 = arith.constant 127 : i32
        %min3A_1309 = vector.broadcast %min3A_1308 : i32 to vector<16xi32>
        %min3A_1310 = arith.minsi %add3A_1307, %min3A_1309 : vector<16xi32>
        %mul3A_1311 = arith.constant 128 : i32
        %mul3A_1312 = vector.broadcast %mul3A_1311 : i32 to vector<16xi32>
        %mul3A_1313 = arith.muli %max3A_1304, %mul3A_1312 : vector<16xi32>
        %add3A_1314 = vector.broadcast %mul3A_1278 : i32 to vector<16xi32>
        %add3A_1315 = arith.addi %add3A_1314, %mul3A_1313 : vector<16xi32>
        %add3A_1316 = arith.addi %add3A_1315, %max3A_1297 : vector<16xi32>
        %swap3A_1317 = arith.constant 0 : i32
        %swap3A_1318 = arith.constant 0 : i32
        %swap3A_1319 = arith.index_cast %select_n3A_158 : i32 to index
        %swap3A_1320 = arith.index_cast %swap3A_1317 : i32 to index
        %swap3A_1321 = arith.index_cast %swap3A_1318 : i32 to index
        %swap3A_1322 = arith.constant 96 : index
        %swap3A_1323 = tpu.vector_load %arg12[%swap3A_1319, %swap3A_1320, %swap3A_1321, %swap3A_1322] {strides = array<i32>} : memref<4x3x2x128xi32, #tpu.memory_space<vmem>>, vector<16xi32>,
        tpu.vector_store %arg12[%swap3A_1319, %swap3A_1320, %swap3A_1321, %swap3A_1322], %add3A_1316 {strides = array<i32>} : memref<4x3x2x128xi32, #tpu.memory_space<vmem>>, vector<16xi32>,
        %mul3A_1324 = arith.constant 128 : i32
        %mul3A_1325 = vector.broadcast %mul3A_1324 : i32 to vector<16xi32>
        %mul3A_1326 = arith.muli %min3A_1310, %mul3A_1325 : vector<16xi32>
        %add3A_1327 = vector.broadcast %mul3A_1278 : i32 to vector<16xi32>
        %add3A_1328 = arith.addi %add3A_1327, %mul3A_1326 : vector<16xi32>
        %add3A_1329 = arith.addi %add3A_1328, %max3A_1297 : vector<16xi32>
        %swap3A_1330 = arith.constant 0 : i32
        %swap3A_1331 = arith.constant 1 : i32
        %swap3A_1332 = arith.index_cast %select_n3A_158 : i32 to index
        %swap3A_1333 = arith.index_cast %swap3A_1330 : i32 to index
        %swap3A_1334 = arith.index_cast %swap3A_1331 : i32 to index
        %swap3A_1335 = arith.constant 96 : index
        %swap3A_1336 = tpu.vector_load %arg12[%swap3A_1332, %swap3A_1333, %swap3A_1334, %swap3A_1335] {strides = array<i32>} : memref<4x3x2x128xi32, #tpu.memory_space<vmem>>, vector<16xi32>,
        tpu.vector_store %arg12[%swap3A_1332, %swap3A_1333, %swap3A_1334, %swap3A_1335], %add3A_1329 {strides = array<i32>} : memref<4x3x2x128xi32, #tpu.memory_space<vmem>>, vector<16xi32>,
        %mul3A_1337 = arith.constant 65536 : i32
        %mul3A_1338 = arith.muli %select_n3A, %mul3A_1337 : i32
        %mul3A_1339 = arith.constant 1.280000e+02 : f32
        %mul3A_1340 = vector.broadcast %mul3A_1339 : f32 to vector<16xf32>
        %mul3A_1341 = arith.mulf %get3A_1273, %mul3A_1340 : vector<16xf32>
        %add3A_1342 = arith.constant 1.275000e+02 : f32
        %add3A_1343 = vector.broadcast %add3A_1342 : f32 to vector<16xf32>
        %add3A_1344 = arith.addf %mul3A_1341, %add3A_1343 : vector<16xf32>
        %mul3A_1345 = arith.constant 1.280000e+02 : f32
        %mul3A_1346 = vector.broadcast %mul3A_1345 : f32 to vector<16xf32>
        %mul3A_1347 = arith.mulf %get3A_1276, %mul3A_1346 : vector<16xf32>
        %add3A_1348 = arith.constant 1.275000e+02 : f32
        %add3A_1349 = vector.broadcast %add3A_1348 : f32 to vector<16xf32>
        %add3A_1350 = arith.addf %mul3A_1347, %add3A_1349 : vector<16xf32>
        %convert_element_type3A_1351 = arith.fptosi %add3A_1344 : vector<16xf32> to vector<16xi32>
        %min3A_1352 = arith.constant 255 : i32
        %min3A_1353 = vector.broadcast %min3A_1352 : i32 to vector<16xi32>
        %min3A_1354 = arith.minsi %convert_element_type3A_1351, %min3A_1353 : vector<16xi32>
        %max3A_1355 = arith.constant 0 : i32
        %max3A_1356 = vector.broadcast %max3A_1355 : i32 to vector<16xi32>
        %max3A_1357 = arith.maxsi %min3A_1354, %max3A_1356 : vector<16xi32>
        %convert_element_type3A_1358 = arith.fptosi %add3A_1350 : vector<16xf32> to vector<16xi32>
        %min3A_1359 = arith.constant 255 : i32
        %min3A_1360 = vector.broadcast %min3A_1359 : i32 to vector<16xi32>
        %min3A_1361 = arith.minsi %convert_element_type3A_1358, %min3A_1360 : vector<16xi32>
        %max3A_1362 = arith.constant 0 : i32
        %max3A_1363 = vector.broadcast %max3A_1362 : i32 to vector<16xi32>
        %max3A_1364 = arith.maxsi %min3A_1361, %max3A_1363 : vector<16xi32>
        %add3A_1365 = arith.constant 1 : i32
        %add3A_1366 = vector.broadcast %add3A_1365 : i32 to vector<16xi32>
        %add3A_1367 = arith.addi %max3A_1364, %add3A_1366 : vector<16xi32>
        %min3A_1368 = arith.constant 255 : i32
        %min3A_1369 = vector.broadcast %min3A_1368 : i32 to vector<16xi32>
        %min3A_1370 = arith.minsi %add3A_1367, %min3A_1369 : vector<16xi32>
        %mul3A_1371 = arith.constant 256 : i32
        %mul3A_1372 = vector.broadcast %mul3A_1371 : i32 to vector<16xi32>
        %mul3A_1373 = arith.muli %max3A_1364, %mul3A_1372 : vector<16xi32>
        %add3A_1374 = vector.broadcast %mul3A_1338 : i32 to vector<16xi32>
        %add3A_1375 = arith.addi %add3A_1374, %mul3A_1373 : vector<16xi32>
        %add3A_1376 = arith.addi %add3A_1375, %max3A_1357 : vector<16xi32>
        %swap3A_1377 = arith.constant 1 : i32
        %swap3A_1378 = arith.constant 0 : i32
        %swap3A_1379 = arith.index_cast %select_n3A_158 : i32 to index
        %swap3A_1380 = arith.index_cast %swap3A_1377 : i32 to index
        %swap3A_1381 = arith.index_cast %swap3A_1378 : i32 to index
        %swap3A_1382 = arith.constant 96 : index
        %swap3A_1383 = tpu.vector_load %arg12[%swap3A_1379, %swap3A_1380, %swap3A_1381, %swap3A_1382] {strides = array<i32>} : memref<4x3x2x128xi32, #tpu.memory_space<vmem>>, vector<16xi32>,
        tpu.vector_store %arg12[%swap3A_1379, %swap3A_1380, %swap3A_1381, %swap3A_1382], %add3A_1376 {strides = array<i32>} : memref<4x3x2x128xi32, #tpu.memory_space<vmem>>, vector<16xi32>,
        %mul3A_1384 = arith.constant 256 : i32
        %mul3A_1385 = vector.broadcast %mul3A_1384 : i32 to vector<16xi32>
        %mul3A_1386 = arith.muli %min3A_1370, %mul3A_1385 : vector<16xi32>
        %add3A_1387 = vector.broadcast %mul3A_1338 : i32 to vector<16xi32>
        %add3A_1388 = arith.addi %add3A_1387, %mul3A_1386 : vector<16xi32>
        %add3A_1389 = arith.addi %add3A_1388, %max3A_1357 : vector<16xi32>
        %swap3A_1390 = arith.constant 1 : i32
        %swap3A_1391 = arith.constant 1 : i32
        %swap3A_1392 = arith.index_cast %select_n3A_158 : i32 to index
        %swap3A_1393 = arith.index_cast %swap3A_1390 : i32 to index
        %swap3A_1394 = arith.index_cast %swap3A_1391 : i32 to index
        %swap3A_1395 = arith.constant 96 : index
        %swap3A_1396 = tpu.vector_load %arg12[%swap3A_1392, %swap3A_1393, %swap3A_1394, %swap3A_1395] {strides = array<i32>} : memref<4x3x2x128xi32, #tpu.memory_space<vmem>>, vector<16xi32>,
        tpu.vector_store %arg12[%swap3A_1392, %swap3A_1393, %swap3A_1394, %swap3A_1395], %add3A_1389 {strides = array<i32>} : memref<4x3x2x128xi32, #tpu.memory_space<vmem>>, vector<16xi32>,
        %mul3A_1397 = arith.constant 262144 : i32
        %mul3A_1398 = arith.muli %select_n3A, %mul3A_1397 : i32
        %mul3A_1399 = arith.constant 2.560000e+02 : f32
        %mul3A_1400 = vector.broadcast %mul3A_1399 : f32 to vector<16xf32>
        %mul3A_1401 = arith.mulf %get3A_1273, %mul3A_1400 : vector<16xf32>
        %add3A_1402 = arith.constant 2.555000e+02 : f32
        %add3A_1403 = vector.broadcast %add3A_1402 : f32 to vector<16xf32>
        %add3A_1404 = arith.addf %mul3A_1401, %add3A_1403 : vector<16xf32>
        %mul3A_1405 = arith.constant 2.560000e+02 : f32
        %mul3A_1406 = vector.broadcast %mul3A_1405 : f32 to vector<16xf32>
        %mul3A_1407 = arith.mulf %get3A_1276, %mul3A_1406 : vector<16xf32>
        %add3A_1408 = arith.constant 2.555000e+02 : f32
        %add3A_1409 = vector.broadcast %add3A_1408 : f32 to vector<16xf32>
        %add3A_1410 = arith.addf %mul3A_1407, %add3A_1409 : vector<16xf32>
        %convert_element_type3A_1411 = arith.fptosi %add3A_1404 : vector<16xf32> to vector<16xi32>
        %min3A_1412 = arith.constant 511 : i32
        %min3A_1413 = vector.broadcast %min3A_1412 : i32 to vector<16xi32>
        %min3A_1414 = arith.minsi %convert_element_type3A_1411, %min3A_1413 : vector<16xi32>
        %max3A_1415 = arith.constant 0 : i32
        %max3A_1416 = vector.broadcast %max3A_1415 : i32 to vector<16xi32>
        %max3A_1417 = arith.maxsi %min3A_1414, %max3A_1416 : vector<16xi32>
        %convert_element_type3A_1418 = arith.fptosi %add3A_1410 : vector<16xf32> to vector<16xi32>
        %min3A_1419 = arith.constant 511 : i32
        %min3A_1420 = vector.broadcast %min3A_1419 : i32 to vector<16xi32>
        %min3A_1421 = arith.minsi %convert_element_type3A_1418, %min3A_1420 : vector<16xi32>
        %max3A_1422 = arith.constant 0 : i32
        %max3A_1423 = vector.broadcast %max3A_1422 : i32 to vector<16xi32>
        %max3A_1424 = arith.maxsi %min3A_1421, %max3A_1423 : vector<16xi32>
        %add3A_1425 = arith.constant 1 : i32
        %add3A_1426 = vector.broadcast %add3A_1425 : i32 to vector<16xi32>
        %add3A_1427 = arith.addi %max3A_1424, %add3A_1426 : vector<16xi32>
        %min3A_1428 = arith.constant 511 : i32
        %min3A_1429 = vector.broadcast %min3A_1428 : i32 to vector<16xi32>
        %min3A_1430 = arith.minsi %add3A_1427, %min3A_1429 : vector<16xi32>
        %mul3A_1431 = arith.constant 512 : i32
        %mul3A_1432 = vector.broadcast %mul3A_1431 : i32 to vector<16xi32>
        %mul3A_1433 = arith.muli %max3A_1424, %mul3A_1432 : vector<16xi32>
        %add3A_1434 = vector.broadcast %mul3A_1398 : i32 to vector<16xi32>
        %add3A_1435 = arith.addi %add3A_1434, %mul3A_1433 : vector<16xi32>
        %add3A_1436 = arith.addi %add3A_1435, %max3A_1417 : vector<16xi32>
        %swap3A_1437 = arith.constant 2 : i32
        %swap3A_1438 = arith.constant 0 : i32
        %swap3A_1439 = arith.index_cast %select_n3A_158 : i32 to index
        %swap3A_1440 = arith.index_cast %swap3A_1437 : i32 to index
        %swap3A_1441 = arith.index_cast %swap3A_1438 : i32 to index
        %swap3A_1442 = arith.constant 96 : index
        %swap3A_1443 = tpu.vector_load %arg12[%swap3A_1439, %swap3A_1440, %swap3A_1441, %swap3A_1442] {strides = array<i32>} : memref<4x3x2x128xi32, #tpu.memory_space<vmem>>, vector<16xi32>,
        tpu.vector_store %arg12[%swap3A_1439, %swap3A_1440, %swap3A_1441, %swap3A_1442], %add3A_1436 {strides = array<i32>} : memref<4x3x2x128xi32, #tpu.memory_space<vmem>>, vector<16xi32>,
        %mul3A_1444 = arith.constant 512 : i32
        %mul3A_1445 = vector.broadcast %mul3A_1444 : i32 to vector<16xi32>
        %mul3A_1446 = arith.muli %min3A_1430, %mul3A_1445 : vector<16xi32>
        %add3A_1447 = vector.broadcast %mul3A_1398 : i32 to vector<16xi32>
        %add3A_1448 = arith.addi %add3A_1447, %mul3A_1446 : vector<16xi32>
        %add3A_1449 = arith.addi %add3A_1448, %max3A_1417 : vector<16xi32>
        %swap3A_1450 = arith.constant 2 : i32
        %swap3A_1451 = arith.constant 1 : i32
        %swap3A_1452 = arith.index_cast %select_n3A_158 : i32 to index
        %swap3A_1453 = arith.index_cast %swap3A_1450 : i32 to index
        %swap3A_1454 = arith.index_cast %swap3A_1451 : i32 to index
        %swap3A_1455 = arith.constant 96 : index
        %swap3A_1456 = tpu.vector_load %arg12[%swap3A_1452, %swap3A_1453, %swap3A_1454, %swap3A_1455] {strides = array<i32>} : memref<4x3x2x128xi32, #tpu.memory_space<vmem>>, vector<16xi32>,
        tpu.vector_store %arg12[%swap3A_1452, %swap3A_1453, %swap3A_1454, %swap3A_1455], %add3A_1449 {strides = array<i32>} : memref<4x3x2x128xi32, #tpu.memory_space<vmem>>, vector<16xi32>,
        %get3A_1457 = arith.index_cast %select_n3A_158 : i32 to index
        %get3A_1458 = arith.constant 112 : index
        %get3A_1459 = tpu.vector_load %arg9[%get3A_1457, %get3A_1458] {strides = array<i32>} : memref<4x128xf32, #tpu.memory_space<vmem>>, vector<16xf32>,
        %get3A_1460 = arith.index_cast %select_n3A_158 : i32 to index
        %get3A_1461 = arith.constant 112 : index
        %get3A_1462 = tpu.vector_load %arg10[%get3A_1460, %get3A_1461] {strides = array<i32>} : memref<4x128xf32, #tpu.memory_space<vmem>>, vector<16xf32>,
        %mul3A_1463 = arith.constant 16384 : i32
        %mul3A_1464 = arith.muli %select_n3A, %mul3A_1463 : i32
        %mul3A_1465 = arith.constant 6.400000e+01 : f32
        %mul3A_1466 = vector.broadcast %mul3A_1465 : f32 to vector<16xf32>
        %mul3A_1467 = arith.mulf %get3A_1459, %mul3A_1466 : vector<16xf32>
        %add3A_1468 = arith.constant 6.350000e+01 : f32
        %add3A_1469 = vector.broadcast %add3A_1468 : f32 to vector<16xf32>
        %add3A_1470 = arith.addf %mul3A_1467, %add3A_1469 : vector<16xf32>
        %mul3A_1471 = arith.constant 6.400000e+01 : f32
        %mul3A_1472 = vector.broadcast %mul3A_1471 : f32 to vector<16xf32>
        %mul3A_1473 = arith.mulf %get3A_1462, %mul3A_1472 : vector<16xf32>
        %add3A_1474 = arith.constant 6.350000e+01 : f32
        %add3A_1475 = vector.broadcast %add3A_1474 : f32 to vector<16xf32>
        %add3A_1476 = arith.addf %mul3A_1473, %add3A_1475 : vector<16xf32>
        %convert_element_type3A_1477 = arith.fptosi %add3A_1470 : vector<16xf32> to vector<16xi32>
        %min3A_1478 = arith.constant 127 : i32
        %min3A_1479 = vector.broadcast %min3A_1478 : i32 to vector<16xi32>
        %min3A_1480 = arith.minsi %convert_element_type3A_1477, %min3A_1479 : vector<16xi32>
        %max3A_1481 = arith.constant 0 : i32
        %max3A_1482 = vector.broadcast %max3A_1481 : i32 to vector<16xi32>
        %max3A_1483 = arith.maxsi %min3A_1480, %max3A_1482 : vector<16xi32>
        %convert_element_type3A_1484 = arith.fptosi %add3A_1476 : vector<16xf32> to vector<16xi32>
        %min3A_1485 = arith.constant 127 : i32
        %min3A_1486 = vector.broadcast %min3A_1485 : i32 to vector<16xi32>
        %min3A_1487 = arith.minsi %convert_element_type3A_1484, %min3A_1486 : vector<16xi32>
        %max3A_1488 = arith.constant 0 : i32
        %max3A_1489 = vector.broadcast %max3A_1488 : i32 to vector<16xi32>
        %max3A_1490 = arith.maxsi %min3A_1487, %max3A_1489 : vector<16xi32>
        %add3A_1491 = arith.constant 1 : i32
        %add3A_1492 = vector.broadcast %add3A_1491 : i32 to vector<16xi32>
        %add3A_1493 = arith.addi %max3A_1490, %add3A_1492 : vector<16xi32>
        %min3A_1494 = arith.constant 127 : i32
        %min3A_1495 = vector.broadcast %min3A_1494 : i32 to vector<16xi32>
        %min3A_1496 = arith.minsi %add3A_1493, %min3A_1495 : vector<16xi32>
        %mul3A_1497 = arith.constant 128 : i32
        %mul3A_1498 = vector.broadcast %mul3A_1497 : i32 to vector<16xi32>
        %mul3A_1499 = arith.muli %max3A_1490, %mul3A_1498 : vector<16xi32>
        %add3A_1500 = vector.broadcast %mul3A_1464 : i32 to vector<16xi32>
        %add3A_1501 = arith.addi %add3A_1500, %mul3A_1499 : vector<16xi32>
        %add3A_1502 = arith.addi %add3A_1501, %max3A_1483 : vector<16xi32>
        %swap3A_1503 = arith.constant 0 : i32
        %swap3A_1504 = arith.constant 0 : i32
        %swap3A_1505 = arith.index_cast %select_n3A_158 : i32 to index
        %swap3A_1506 = arith.index_cast %swap3A_1503 : i32 to index
        %swap3A_1507 = arith.index_cast %swap3A_1504 : i32 to index
        %swap3A_1508 = arith.constant 112 : index
        %swap3A_1509 = tpu.vector_load %arg12[%swap3A_1505, %swap3A_1506, %swap3A_1507, %swap3A_1508] {strides = array<i32>} : memref<4x3x2x128xi32, #tpu.memory_space<vmem>>, vector<16xi32>,
        tpu.vector_store %arg12[%swap3A_1505, %swap3A_1506, %swap3A_1507, %swap3A_1508], %add3A_1502 {strides = array<i32>} : memref<4x3x2x128xi32, #tpu.memory_space<vmem>>, vector<16xi32>,
        %mul3A_1510 = arith.constant 128 : i32
        %mul3A_1511 = vector.broadcast %mul3A_1510 : i32 to vector<16xi32>
        %mul3A_1512 = arith.muli %min3A_1496, %mul3A_1511 : vector<16xi32>
        %add3A_1513 = vector.broadcast %mul3A_1464 : i32 to vector<16xi32>
        %add3A_1514 = arith.addi %add3A_1513, %mul3A_1512 : vector<16xi32>
        %add3A_1515 = arith.addi %add3A_1514, %max3A_1483 : vector<16xi32>
        %swap3A_1516 = arith.constant 0 : i32
        %swap3A_1517 = arith.constant 1 : i32
        %swap3A_1518 = arith.index_cast %select_n3A_158 : i32 to index
        %swap3A_1519 = arith.index_cast %swap3A_1516 : i32 to index
        %swap3A_1520 = arith.index_cast %swap3A_1517 : i32 to index
        %swap3A_1521 = arith.constant 112 : index
        %swap3A_1522 = tpu.vector_load %arg12[%swap3A_1518, %swap3A_1519, %swap3A_1520, %swap3A_1521] {strides = array<i32>} : memref<4x3x2x128xi32, #tpu.memory_space<vmem>>, vector<16xi32>,
        tpu.vector_store %arg12[%swap3A_1518, %swap3A_1519, %swap3A_1520, %swap3A_1521], %add3A_1515 {strides = array<i32>} : memref<4x3x2x128xi32, #tpu.memory_space<vmem>>, vector<16xi32>,
        %mul3A_1523 = arith.constant 65536 : i32
        %mul3A_1524 = arith.muli %select_n3A, %mul3A_1523 : i32
        %mul3A_1525 = arith.constant 1.280000e+02 : f32
        %mul3A_1526 = vector.broadcast %mul3A_1525 : f32 to vector<16xf32>
        %mul3A_1527 = arith.mulf %get3A_1459, %mul3A_1526 : vector<16xf32>
        %add3A_1528 = arith.constant 1.275000e+02 : f32
        %add3A_1529 = vector.broadcast %add3A_1528 : f32 to vector<16xf32>
        %add3A_1530 = arith.addf %mul3A_1527, %add3A_1529 : vector<16xf32>
        %mul3A_1531 = arith.constant 1.280000e+02 : f32
        %mul3A_1532 = vector.broadcast %mul3A_1531 : f32 to vector<16xf32>
        %mul3A_1533 = arith.mulf %get3A_1462, %mul3A_1532 : vector<16xf32>
        %add3A_1534 = arith.constant 1.275000e+02 : f32
        %add3A_1535 = vector.broadcast %add3A_1534 : f32 to vector<16xf32>
        %add3A_1536 = arith.addf %mul3A_1533, %add3A_1535 : vector<16xf32>
        %convert_element_type3A_1537 = arith.fptosi %add3A_1530 : vector<16xf32> to vector<16xi32>
        %min3A_1538 = arith.constant 255 : i32
        %min3A_1539 = vector.broadcast %min3A_1538 : i32 to vector<16xi32>
        %min3A_1540 = arith.minsi %convert_element_type3A_1537, %min3A_1539 : vector<16xi32>
        %max3A_1541 = arith.constant 0 : i32
        %max3A_1542 = vector.broadcast %max3A_1541 : i32 to vector<16xi32>
        %max3A_1543 = arith.maxsi %min3A_1540, %max3A_1542 : vector<16xi32>
        %convert_element_type3A_1544 = arith.fptosi %add3A_1536 : vector<16xf32> to vector<16xi32>
        %min3A_1545 = arith.constant 255 : i32
        %min3A_1546 = vector.broadcast %min3A_1545 : i32 to vector<16xi32>
        %min3A_1547 = arith.minsi %convert_element_type3A_1544, %min3A_1546 : vector<16xi32>
        %max3A_1548 = arith.constant 0 : i32
        %max3A_1549 = vector.broadcast %max3A_1548 : i32 to vector<16xi32>
        %max3A_1550 = arith.maxsi %min3A_1547, %max3A_1549 : vector<16xi32>
        %add3A_1551 = arith.constant 1 : i32
        %add3A_1552 = vector.broadcast %add3A_1551 : i32 to vector<16xi32>
        %add3A_1553 = arith.addi %max3A_1550, %add3A_1552 : vector<16xi32>
        %min3A_1554 = arith.constant 255 : i32
        %min3A_1555 = vector.broadcast %min3A_1554 : i32 to vector<16xi32>
        %min3A_1556 = arith.minsi %add3A_1553, %min3A_1555 : vector<16xi32>
        %mul3A_1557 = arith.constant 256 : i32
        %mul3A_1558 = vector.broadcast %mul3A_1557 : i32 to vector<16xi32>
        %mul3A_1559 = arith.muli %max3A_1550, %mul3A_1558 : vector<16xi32>
        %add3A_1560 = vector.broadcast %mul3A_1524 : i32 to vector<16xi32>
        %add3A_1561 = arith.addi %add3A_1560, %mul3A_1559 : vector<16xi32>
        %add3A_1562 = arith.addi %add3A_1561, %max3A_1543 : vector<16xi32>
        %swap3A_1563 = arith.constant 1 : i32
        %swap3A_1564 = arith.constant 0 : i32
        %swap3A_1565 = arith.index_cast %select_n3A_158 : i32 to index
        %swap3A_1566 = arith.index_cast %swap3A_1563 : i32 to index
        %swap3A_1567 = arith.index_cast %swap3A_1564 : i32 to index
        %swap3A_1568 = arith.constant 112 : index
        %swap3A_1569 = tpu.vector_load %arg12[%swap3A_1565, %swap3A_1566, %swap3A_1567, %swap3A_1568] {strides = array<i32>} : memref<4x3x2x128xi32, #tpu.memory_space<vmem>>, vector<16xi32>,
        tpu.vector_store %arg12[%swap3A_1565, %swap3A_1566, %swap3A_1567, %swap3A_1568], %add3A_1562 {strides = array<i32>} : memref<4x3x2x128xi32, #tpu.memory_space<vmem>>, vector<16xi32>,
        %mul3A_1570 = arith.constant 256 : i32
        %mul3A_1571 = vector.broadcast %mul3A_1570 : i32 to vector<16xi32>
        %mul3A_1572 = arith.muli %min3A_1556, %mul3A_1571 : vector<16xi32>
        %add3A_1573 = vector.broadcast %mul3A_1524 : i32 to vector<16xi32>
        %add3A_1574 = arith.addi %add3A_1573, %mul3A_1572 : vector<16xi32>
        %add3A_1575 = arith.addi %add3A_1574, %max3A_1543 : vector<16xi32>
        %swap3A_1576 = arith.constant 1 : i32
        %swap3A_1577 = arith.constant 1 : i32
        %swap3A_1578 = arith.index_cast %select_n3A_158 : i32 to index
        %swap3A_1579 = arith.index_cast %swap3A_1576 : i32 to index
        %swap3A_1580 = arith.index_cast %swap3A_1577 : i32 to index
        %swap3A_1581 = arith.constant 112 : index
        %swap3A_1582 = tpu.vector_load %arg12[%swap3A_1578, %swap3A_1579, %swap3A_1580, %swap3A_1581] {strides = array<i32>} : memref<4x3x2x128xi32, #tpu.memory_space<vmem>>, vector<16xi32>,
        tpu.vector_store %arg12[%swap3A_1578, %swap3A_1579, %swap3A_1580, %swap3A_1581], %add3A_1575 {strides = array<i32>} : memref<4x3x2x128xi32, #tpu.memory_space<vmem>>, vector<16xi32>,
        %mul3A_1583 = arith.constant 262144 : i32
        %mul3A_1584 = arith.muli %select_n3A, %mul3A_1583 : i32
        %mul3A_1585 = arith.constant 2.560000e+02 : f32
        %mul3A_1586 = vector.broadcast %mul3A_1585 : f32 to vector<16xf32>
        %mul3A_1587 = arith.mulf %get3A_1459, %mul3A_1586 : vector<16xf32>
        %add3A_1588 = arith.constant 2.555000e+02 : f32
        %add3A_1589 = vector.broadcast %add3A_1588 : f32 to vector<16xf32>
        %add3A_1590 = arith.addf %mul3A_1587, %add3A_1589 : vector<16xf32>
        %mul3A_1591 = arith.constant 2.560000e+02 : f32
        %mul3A_1592 = vector.broadcast %mul3A_1591 : f32 to vector<16xf32>
        %mul3A_1593 = arith.mulf %get3A_1462, %mul3A_1592 : vector<16xf32>
        %add3A_1594 = arith.constant 2.555000e+02 : f32
        %add3A_1595 = vector.broadcast %add3A_1594 : f32 to vector<16xf32>
        %add3A_1596 = arith.addf %mul3A_1593, %add3A_1595 : vector<16xf32>
        %convert_element_type3A_1597 = arith.fptosi %add3A_1590 : vector<16xf32> to vector<16xi32>
        %min3A_1598 = arith.constant 511 : i32
        %min3A_1599 = vector.broadcast %min3A_1598 : i32 to vector<16xi32>
        %min3A_1600 = arith.minsi %convert_element_type3A_1597, %min3A_1599 : vector<16xi32>
        %max3A_1601 = arith.constant 0 : i32
        %max3A_1602 = vector.broadcast %max3A_1601 : i32 to vector<16xi32>
        %max3A_1603 = arith.maxsi %min3A_1600, %max3A_1602 : vector<16xi32>
        %convert_element_type3A_1604 = arith.fptosi %add3A_1596 : vector<16xf32> to vector<16xi32>
        %min3A_1605 = arith.constant 511 : i32
        %min3A_1606 = vector.broadcast %min3A_1605 : i32 to vector<16xi32>
        %min3A_1607 = arith.minsi %convert_element_type3A_1604, %min3A_1606 : vector<16xi32>
        %max3A_1608 = arith.constant 0 : i32
        %max3A_1609 = vector.broadcast %max3A_1608 : i32 to vector<16xi32>
        %max3A_1610 = arith.maxsi %min3A_1607, %max3A_1609 : vector<16xi32>
        %add3A_1611 = arith.constant 1 : i32
        %add3A_1612 = vector.broadcast %add3A_1611 : i32 to vector<16xi32>
        %add3A_1613 = arith.addi %max3A_1610, %add3A_1612 : vector<16xi32>
        %min3A_1614 = arith.constant 511 : i32
        %min3A_1615 = vector.broadcast %min3A_1614 : i32 to vector<16xi32>
        %min3A_1616 = arith.minsi %add3A_1613, %min3A_1615 : vector<16xi32>
        %mul3A_1617 = arith.constant 512 : i32
        %mul3A_1618 = vector.broadcast %mul3A_1617 : i32 to vector<16xi32>
        %mul3A_1619 = arith.muli %max3A_1610, %mul3A_1618 : vector<16xi32>
        %add3A_1620 = vector.broadcast %mul3A_1584 : i32 to vector<16xi32>
        %add3A_1621 = arith.addi %add3A_1620, %mul3A_1619 : vector<16xi32>
        %add3A_1622 = arith.addi %add3A_1621, %max3A_1603 : vector<16xi32>
        %swap3A_1623 = arith.constant 2 : i32
        %swap3A_1624 = arith.constant 0 : i32
        %swap3A_1625 = arith.index_cast %select_n3A_158 : i32 to index
        %swap3A_1626 = arith.index_cast %swap3A_1623 : i32 to index
        %swap3A_1627 = arith.index_cast %swap3A_1624 : i32 to index
        %swap3A_1628 = arith.constant 112 : index
        %swap3A_1629 = tpu.vector_load %arg12[%swap3A_1625, %swap3A_1626, %swap3A_1627, %swap3A_1628] {strides = array<i32>} : memref<4x3x2x128xi32, #tpu.memory_space<vmem>>, vector<16xi32>,
        tpu.vector_store %arg12[%swap3A_1625, %swap3A_1626, %swap3A_1627, %swap3A_1628], %add3A_1622 {strides = array<i32>} : memref<4x3x2x128xi32, #tpu.memory_space<vmem>>, vector<16xi32>,
        %mul3A_1630 = arith.constant 512 : i32
        %mul3A_1631 = vector.broadcast %mul3A_1630 : i32 to vector<16xi32>
        %mul3A_1632 = arith.muli %min3A_1616, %mul3A_1631 : vector<16xi32>
        %add3A_1633 = vector.broadcast %mul3A_1584 : i32 to vector<16xi32>
        %add3A_1634 = arith.addi %add3A_1633, %mul3A_1632 : vector<16xi32>
        %add3A_1635 = arith.addi %add3A_1634, %max3A_1603 : vector<16xi32>
        %swap3A_1636 = arith.constant 2 : i32
        %swap3A_1637 = arith.constant 1 : i32
        %swap3A_1638 = arith.index_cast %select_n3A_158 : i32 to index
        %swap3A_1639 = arith.index_cast %swap3A_1636 : i32 to index
        %swap3A_1640 = arith.index_cast %swap3A_1637 : i32 to index
        %swap3A_1641 = arith.constant 112 : index
        %swap3A_1642 = tpu.vector_load %arg12[%swap3A_1638, %swap3A_1639, %swap3A_1640, %swap3A_1641] {strides = array<i32>} : memref<4x3x2x128xi32, #tpu.memory_space<vmem>>, vector<16xi32>,
        tpu.vector_store %arg12[%swap3A_1638, %swap3A_1639, %swap3A_1640, %swap3A_1641], %add3A_1635 {strides = array<i32>} : memref<4x3x2x128xi32, #tpu.memory_space<vmem>>, vector<16xi32>,
        %jit3A_1643 = arith.constant 4 : i32
        %eq3A_1644 = arith.constant 0 : i32
        %eq3A_1645 = arith.cmpi eq, %jit3A_1643, %eq3A_1644 : i32
        %jit3A_1646 = arith.constant 1 : i32
        %select_n3A_1647 = arith.select %eq3A_1645, %jit3A_1646, %jit3A_1643 : i32
        %rem3A_1648 = arith.remsi %scan3A_90, %select_n3A_1647 : i32
        %ne3A_1649 = arith.constant 0 : i32
        %ne3A_1650 = arith.cmpi ne, %rem3A_1648, %ne3A_1649 : i32
        %lt3A_1651 = arith.constant 0 : i32
        %lt3A_1652 = arith.cmpi slt, %rem3A_1648, %lt3A_1651 : i32
        %lt3A_1653 = arith.constant 0 : i32
        %lt3A_1654 = arith.cmpi slt, %select_n3A_1647, %lt3A_1653 : i32
        %ne3A_1655 = arith.xori %lt3A_1652, %lt3A_1654 : i1
        %and3A_1656 = arith.andi %ne3A_1655, %ne3A_1650 : i1
        %add3A_1657 = arith.addi %rem3A_1648, %select_n3A_1647 : i32
        %select_n3A_1658 = arith.select %and3A_1656, %add3A_1657, %rem3A_1648 : i32
        %mul3A_1659 = arith.constant 128 : i32
        %mul3A_1660 = arith.muli %scan3A_90, %mul3A_1659 : i32
        %add3A_1661 = arith.addi %mul3A_2, %mul3A_1660 : i32
        %mul3A_1662 = arith.constant 16 : i32
        %mul3A_1663 = arith.muli %add3A_1661, %mul3A_1662 : i32
        %dma_start3A_1664 = arith.constant 0 : i32
        %dma_start3A_1665 = tpu.memref_slice %arg11[%select_n3A_1658, %dma_start3A_1664] : memref<4x2048xf32, #tpu.memory_space<vmem>> -> memref<1x2048xf32, #tpu.memory_space<vmem>>
        %dma_start3A_1666 = tpu.memref_squeeze %dma_start3A_1665 : memref<1x2048xf32, #tpu.memory_space<vmem>> -> memref<2048xf32, #tpu.memory_space<vmem>>
        %dma_start3A_1667 = tpu.memref_slice %arg4[%mul3A_1663] : memref<33554432xf32, #tpu.memory_space<hbm>> -> memref<2048xf32, #tpu.memory_space<hbm>>
        %dma_start3A_1668 = arith.constant 0 : i32
        %dma_start3A_1669 = tpu.memref_slice %arg11[%select_n3A_1658, %dma_start3A_1668] : memref<4x2048xf32, #tpu.memory_space<vmem>> -> memref<1x2048xf32, #tpu.memory_space<vmem>>
        %dma_start3A_1670 = tpu.memref_squeeze %dma_start3A_1669 : memref<1x2048xf32, #tpu.memory_space<vmem>> -> memref<2048xf32, #tpu.memory_space<vmem>>
        %dma_start3A_1671 = tpu.memref_slice %arg4[%mul3A_1663] : memref<33554432xf32, #tpu.memory_space<hbm>> -> memref<2048xf32, #tpu.memory_space<hbm>>
        tpu.enqueue_dma source(%dma_start3A_1671 : memref<2048xf32, #tpu.memory_space<hbm>>) target(%dma_start3A_1670 : memref<2048xf32, #tpu.memory_space<vmem>>) target_semaphore(%arg16 : memref<!tpu.dma_semaphore, #tpu.memory_space<semaphore_mem>>)
        %dma_start3A_1672 = arith.constant 0 : i32
        %dma_start3A_1673 = arith.constant 0 : i32
        %dma_start3A_1674 = arith.constant 0 : i32
        %dma_start3A_1675 = arith.constant 0 : i32
        %dma_start3A_1676 = arith.constant 0 : i32
        %dma_start3A_1677 = arith.constant 0 : i32
        %dma_start3A_1678 = tpu.memref_slice %arg13[%select_n3A_1658, %dma_start3A_1674, %dma_start3A_1675, %dma_start3A_1676, %dma_start3A_1677] : memref<4x3x2x128x16xf32, #tpu.memory_space<vmem>> -> memref<1x1x1x128x16xf32, #tpu.memory_space<vmem>>
        %dma_start3A_1679 = tpu.memref_squeeze %dma_start3A_1678 : memref<1x1x1x128x16xf32, #tpu.memory_space<vmem>> -> memref<128x16xf32, #tpu.memory_space<vmem>>
        %dma_start3A_1680 = arith.constant 0 : i32
        %dma_start3A_1681 = tpu.memref_slice %arg12[%select_n3A_1658, %dma_start3A_1672, %dma_start3A_1673, %dma_start3A_1680] : memref<4x3x2x128xi32, #tpu.memory_space<vmem>> -> memref<1x1x1x128xi32, #tpu.memory_space<vmem>>
        %dma_start3A_1682 = tpu.memref_squeeze %dma_start3A_1681 : memref<1x1x1x128xi32, #tpu.memory_space<vmem>> -> memref<128xi32, #tpu.memory_space<vmem>>
        %dma_start3A_1683 = arith.constant 0 : i32
        %dma_start3A_1684 = arith.constant 0 : i32
        %dma_start3A_1685 = tpu.memref_slice %arg5[%dma_start3A_1683, %dma_start3A_1684] : memref<131072x16xf32, #tpu.memory_space<hbm>> -> memref<131072x16xf32, #tpu.memory_space<hbm>>
        tpu.enqueue_indirect_dma source(%dma_start3A_1685 : memref<131072x16xf32, #tpu.memory_space<hbm>>) target(%dma_start3A_1679 : memref<128x16xf32, #tpu.memory_space<vmem>>) offsets(%dma_start3A_1682 : memref<128xi32, #tpu.memory_space<vmem>>) semaphore(%arg16 : memref<!tpu.dma_semaphore, #tpu.memory_space<semaphore_mem>>)
        %dma_start3A_1686 = arith.constant 0 : i32
        %dma_start3A_1687 = arith.constant 1 : i32
        %dma_start3A_1688 = arith.constant 0 : i32
        %dma_start3A_1689 = arith.constant 1 : i32
        %dma_start3A_1690 = arith.constant 0 : i32
        %dma_start3A_1691 = arith.constant 0 : i32
        %dma_start3A_1692 = tpu.memref_slice %arg13[%select_n3A_1658, %dma_start3A_1688, %dma_start3A_1689, %dma_start3A_1690, %dma_start3A_1691] : memref<4x3x2x128x16xf32, #tpu.memory_space<vmem>> -> memref<1x1x1x128x16xf32, #tpu.memory_space<vmem>>
        %dma_start3A_1693 = tpu.memref_squeeze %dma_start3A_1692 : memref<1x1x1x128x16xf32, #tpu.memory_space<vmem>> -> memref<128x16xf32, #tpu.memory_space<vmem>>
        %dma_start3A_1694 = arith.constant 0 : i32
        %dma_start3A_1695 = tpu.memref_slice %arg12[%select_n3A_1658, %dma_start3A_1686, %dma_start3A_1687, %dma_start3A_1694] : memref<4x3x2x128xi32, #tpu.memory_space<vmem>> -> memref<1x1x1x128xi32, #tpu.memory_space<vmem>>
        %dma_start3A_1696 = tpu.memref_squeeze %dma_start3A_1695 : memref<1x1x1x128xi32, #tpu.memory_space<vmem>> -> memref<128xi32, #tpu.memory_space<vmem>>
        %dma_start3A_1697 = arith.constant 0 : i32
        %dma_start3A_1698 = arith.constant 0 : i32
        %dma_start3A_1699 = tpu.memref_slice %arg5[%dma_start3A_1697, %dma_start3A_1698] : memref<131072x16xf32, #tpu.memory_space<hbm>> -> memref<131072x16xf32, #tpu.memory_space<hbm>>
        tpu.enqueue_indirect_dma source(%dma_start3A_1699 : memref<131072x16xf32, #tpu.memory_space<hbm>>) target(%dma_start3A_1693 : memref<128x16xf32, #tpu.memory_space<vmem>>) offsets(%dma_start3A_1696 : memref<128xi32, #tpu.memory_space<vmem>>) semaphore(%arg16 : memref<!tpu.dma_semaphore, #tpu.memory_space<semaphore_mem>>)
        %dma_start3A_1700 = arith.constant 1 : i32
        %dma_start3A_1701 = arith.constant 0 : i32
        %dma_start3A_1702 = arith.constant 1 : i32
        %dma_start3A_1703 = arith.constant 0 : i32
        %dma_start3A_1704 = arith.constant 0 : i32
        %dma_start3A_1705 = arith.constant 0 : i32
        %dma_start3A_1706 = tpu.memref_slice %arg13[%select_n3A_1658, %dma_start3A_1702, %dma_start3A_1703, %dma_start3A_1704, %dma_start3A_1705] : memref<4x3x2x128x16xf32, #tpu.memory_space<vmem>> -> memref<1x1x1x128x16xf32, #tpu.memory_space<vmem>>
        %dma_start3A_1707 = tpu.memref_squeeze %dma_start3A_1706 : memref<1x1x1x128x16xf32, #tpu.memory_space<vmem>> -> memref<128x16xf32, #tpu.memory_space<vmem>>
        %dma_start3A_1708 = arith.constant 0 : i32
        %dma_start3A_1709 = tpu.memref_slice %arg12[%select_n3A_1658, %dma_start3A_1700, %dma_start3A_1701, %dma_start3A_1708] : memref<4x3x2x128xi32, #tpu.memory_space<vmem>> -> memref<1x1x1x128xi32, #tpu.memory_space<vmem>>
        %dma_start3A_1710 = tpu.memref_squeeze %dma_start3A_1709 : memref<1x1x1x128xi32, #tpu.memory_space<vmem>> -> memref<128xi32, #tpu.memory_space<vmem>>
        %dma_start3A_1711 = arith.constant 0 : i32
        %dma_start3A_1712 = arith.constant 0 : i32
        %dma_start3A_1713 = tpu.memref_slice %arg6[%dma_start3A_1711, %dma_start3A_1712] : memref<524288x16xf32, #tpu.memory_space<hbm>> -> memref<524288x16xf32, #tpu.memory_space<hbm>>
        tpu.enqueue_indirect_dma source(%dma_start3A_1713 : memref<524288x16xf32, #tpu.memory_space<hbm>>) target(%dma_start3A_1707 : memref<128x16xf32, #tpu.memory_space<vmem>>) offsets(%dma_start3A_1710 : memref<128xi32, #tpu.memory_space<vmem>>) semaphore(%arg16 : memref<!tpu.dma_semaphore, #tpu.memory_space<semaphore_mem>>)
        %dma_start3A_1714 = arith.constant 1 : i32
        %dma_start3A_1715 = arith.constant 1 : i32
        %dma_start3A_1716 = arith.constant 1 : i32
        %dma_start3A_1717 = arith.constant 1 : i32
        %dma_start3A_1718 = arith.constant 0 : i32
        %dma_start3A_1719 = arith.constant 0 : i32
        %dma_start3A_1720 = tpu.memref_slice %arg13[%select_n3A_1658, %dma_start3A_1716, %dma_start3A_1717, %dma_start3A_1718, %dma_start3A_1719] : memref<4x3x2x128x16xf32, #tpu.memory_space<vmem>> -> memref<1x1x1x128x16xf32, #tpu.memory_space<vmem>>
        %dma_start3A_1721 = tpu.memref_squeeze %dma_start3A_1720 : memref<1x1x1x128x16xf32, #tpu.memory_space<vmem>> -> memref<128x16xf32, #tpu.memory_space<vmem>>
        %dma_start3A_1722 = arith.constant 0 : i32
        %dma_start3A_1723 = tpu.memref_slice %arg12[%select_n3A_1658, %dma_start3A_1714, %dma_start3A_1715, %dma_start3A_1722] : memref<4x3x2x128xi32, #tpu.memory_space<vmem>> -> memref<1x1x1x128xi32, #tpu.memory_space<vmem>>
        %dma_start3A_1724 = tpu.memref_squeeze %dma_start3A_1723 : memref<1x1x1x128xi32, #tpu.memory_space<vmem>> -> memref<128xi32, #tpu.memory_space<vmem>>
        %dma_start3A_1725 = arith.constant 0 : i32
        %dma_start3A_1726 = arith.constant 0 : i32
        %dma_start3A_1727 = tpu.memref_slice %arg6[%dma_start3A_1725, %dma_start3A_1726] : memref<524288x16xf32, #tpu.memory_space<hbm>> -> memref<524288x16xf32, #tpu.memory_space<hbm>>
        tpu.enqueue_indirect_dma source(%dma_start3A_1727 : memref<524288x16xf32, #tpu.memory_space<hbm>>) target(%dma_start3A_1721 : memref<128x16xf32, #tpu.memory_space<vmem>>) offsets(%dma_start3A_1724 : memref<128xi32, #tpu.memory_space<vmem>>) semaphore(%arg16 : memref<!tpu.dma_semaphore, #tpu.memory_space<semaphore_mem>>)
        %dma_start3A_1728 = arith.constant 2 : i32
        %dma_start3A_1729 = arith.constant 0 : i32
        %dma_start3A_1730 = arith.constant 2 : i32
        %dma_start3A_1731 = arith.constant 0 : i32
        %dma_start3A_1732 = arith.constant 0 : i32
        %dma_start3A_1733 = arith.constant 0 : i32
        %dma_start3A_1734 = tpu.memref_slice %arg13[%select_n3A_1658, %dma_start3A_1730, %dma_start3A_1731, %dma_start3A_1732, %dma_start3A_1733] : memref<4x3x2x128x16xf32, #tpu.memory_space<vmem>> -> memref<1x1x1x128x16xf32, #tpu.memory_space<vmem>>
        %dma_start3A_1735 = tpu.memref_squeeze %dma_start3A_1734 : memref<1x1x1x128x16xf32, #tpu.memory_space<vmem>> -> memref<128x16xf32, #tpu.memory_space<vmem>>
        %dma_start3A_1736 = arith.constant 0 : i32
        %dma_start3A_1737 = tpu.memref_slice %arg12[%select_n3A_1658, %dma_start3A_1728, %dma_start3A_1729, %dma_start3A_1736] : memref<4x3x2x128xi32, #tpu.memory_space<vmem>> -> memref<1x1x1x128xi32, #tpu.memory_space<vmem>>
        %dma_start3A_1738 = tpu.memref_squeeze %dma_start3A_1737 : memref<1x1x1x128xi32, #tpu.memory_space<vmem>> -> memref<128xi32, #tpu.memory_space<vmem>>
        %dma_start3A_1739 = arith.constant 0 : i32
        %dma_start3A_1740 = arith.constant 0 : i32
        %dma_start3A_1741 = tpu.memref_slice %arg7[%dma_start3A_1739, %dma_start3A_1740] : memref<2097152x16xf32, #tpu.memory_space<hbm>> -> memref<2097152x16xf32, #tpu.memory_space<hbm>>
        tpu.enqueue_indirect_dma source(%dma_start3A_1741 : memref<2097152x16xf32, #tpu.memory_space<hbm>>) target(%dma_start3A_1735 : memref<128x16xf32, #tpu.memory_space<vmem>>) offsets(%dma_start3A_1738 : memref<128xi32, #tpu.memory_space<vmem>>) semaphore(%arg16 : memref<!tpu.dma_semaphore, #tpu.memory_space<semaphore_mem>>)
        %dma_start3A_1742 = arith.constant 2 : i32
        %dma_start3A_1743 = arith.constant 1 : i32
        %dma_start3A_1744 = arith.constant 2 : i32
        %dma_start3A_1745 = arith.constant 1 : i32
        %dma_start3A_1746 = arith.constant 0 : i32
        %dma_start3A_1747 = arith.constant 0 : i32
        %dma_start3A_1748 = tpu.memref_slice %arg13[%select_n3A_1658, %dma_start3A_1744, %dma_start3A_1745, %dma_start3A_1746, %dma_start3A_1747] : memref<4x3x2x128x16xf32, #tpu.memory_space<vmem>> -> memref<1x1x1x128x16xf32, #tpu.memory_space<vmem>>
        %dma_start3A_1749 = tpu.memref_squeeze %dma_start3A_1748 : memref<1x1x1x128x16xf32, #tpu.memory_space<vmem>> -> memref<128x16xf32, #tpu.memory_space<vmem>>
        %dma_start3A_1750 = arith.constant 0 : i32
        %dma_start3A_1751 = tpu.memref_slice %arg12[%select_n3A_1658, %dma_start3A_1742, %dma_start3A_1743, %dma_start3A_1750] : memref<4x3x2x128xi32, #tpu.memory_space<vmem>> -> memref<1x1x1x128xi32, #tpu.memory_space<vmem>>
        %dma_start3A_1752 = tpu.memref_squeeze %dma_start3A_1751 : memref<1x1x1x128xi32, #tpu.memory_space<vmem>> -> memref<128xi32, #tpu.memory_space<vmem>>
        %dma_start3A_1753 = arith.constant 0 : i32
        %dma_start3A_1754 = arith.constant 0 : i32
        %dma_start3A_1755 = tpu.memref_slice %arg7[%dma_start3A_1753, %dma_start3A_1754] : memref<2097152x16xf32, #tpu.memory_space<hbm>> -> memref<2097152x16xf32, #tpu.memory_space<hbm>>
        tpu.enqueue_indirect_dma source(%dma_start3A_1755 : memref<2097152x16xf32, #tpu.memory_space<hbm>>) target(%dma_start3A_1749 : memref<128x16xf32, #tpu.memory_space<vmem>>) offsets(%dma_start3A_1752 : memref<128xi32, #tpu.memory_space<vmem>>) semaphore(%arg16 : memref<!tpu.dma_semaphore, #tpu.memory_space<semaphore_mem>>)
      } else {
      }
      %sub3A_95 = arith.constant 3 : i32
      %sub3A_96 = arith.subi %scan3A_90, %sub3A_95 : i32
      %ge3A_97 = arith.constant 0 : i32
      %ge3A_98 = arith.cmpi sge, %sub3A_96, %ge3A_97 : i32
      %convert_element_type3A_99 = arith.extui %ge3A_98 : i1 to i32
      %cond3A_100 = arith.constant 0 : i32
      %cond3A_101 = arith.cmpi ne, %convert_element_type3A_99, %cond3A_100 : i32
      scf.if %cond3A_101 {
        %jit3A_102 = arith.constant 4 : i32
        %eq3A = arith.constant 0 : i32
        %eq3A_103 = arith.cmpi eq, %jit3A_102, %eq3A : i32
        %jit3A_104 = arith.constant 1 : i32
        %select_n3A_105 = arith.select %eq3A_103, %jit3A_104, %jit3A_102 : i32
        %rem3A_106 = arith.remsi %sub3A_96, %select_n3A_105 : i32
        %ne3A_107 = arith.constant 0 : i32
        %ne3A_108 = arith.cmpi ne, %rem3A_106, %ne3A_107 : i32
        %lt3A_109 = arith.constant 0 : i32
        %lt3A_110 = arith.cmpi slt, %rem3A_106, %lt3A_109 : i32
        %lt3A_111 = arith.constant 0 : i32
        %lt3A_112 = arith.cmpi slt, %select_n3A_105, %lt3A_111 : i32
        %ne3A_113 = arith.xori %lt3A_110, %lt3A_112 : i1
        %and3A_114 = arith.andi %ne3A_113, %ne3A_108 : i1
        %add3A_115 = arith.addi %rem3A_106, %select_n3A_105 : i32
        %select_n3A_116 = arith.select %and3A_114, %add3A_115, %rem3A_106 : i32
        %mul3A_117 = arith.constant 128 : i32
        %mul3A_118 = arith.muli %sub3A_96, %mul3A_117 : i32
        %add3A_119 = arith.addi %mul3A_2, %mul3A_118 : i32
        %mul3A_120 = arith.constant 16 : i32
        %mul3A_121 = arith.muli %add3A_119, %mul3A_120 : i32
        %dma_wait3A_122 = arith.constant 0 : i32
        %dma_wait3A_123 = tpu.memref_slice %arg11[%select_n3A_116, %dma_wait3A_122] : memref<4x2048xf32, #tpu.memory_space<vmem>> -> memref<1x2048xf32, #tpu.memory_space<vmem>>
        %dma_wait3A_124 = tpu.memref_squeeze %dma_wait3A_123 : memref<1x2048xf32, #tpu.memory_space<vmem>> -> memref<2048xf32, #tpu.memory_space<vmem>>
        %dma_wait3A_125 = tpu.memref_slice %arg4[%mul3A_121] : memref<33554432xf32, #tpu.memory_space<hbm>> -> memref<2048xf32, #tpu.memory_space<hbm>>
        %dma_wait3A_126 = arith.constant 0 : i32
        %dma_wait3A_127 = tpu.memref_slice %arg11[%select_n3A_116, %dma_wait3A_126] : memref<4x2048xf32, #tpu.memory_space<vmem>> -> memref<1x2048xf32, #tpu.memory_space<vmem>>
        %dma_wait3A_128 = tpu.memref_squeeze %dma_wait3A_127 : memref<1x2048xf32, #tpu.memory_space<vmem>> -> memref<2048xf32, #tpu.memory_space<vmem>>
        %dma_wait3A_129 = tpu.memref_slice %arg4[%mul3A_121] : memref<33554432xf32, #tpu.memory_space<hbm>> -> memref<2048xf32, #tpu.memory_space<hbm>>
        tpu.wait_dma2 semaphore(%arg16 : memref<!tpu.dma_semaphore, #tpu.memory_space<semaphore_mem>>) src(%dma_wait3A_129 : memref<2048xf32, #tpu.memory_space<hbm>>) dst(%dma_wait3A_128 : memref<2048xf32, #tpu.memory_space<vmem>>)
        %dma_wait3A_130 = arith.constant 0 : i32
        %dma_wait3A_131 = arith.constant 0 : i32
        %dma_wait3A_132 = arith.constant 0 : i32
        %dma_wait3A_133 = arith.constant 0 : i32
        %dma_wait3A_134 = arith.constant 0 : i32
        %dma_wait3A_135 = arith.constant 0 : i32
        %dma_wait3A_136 = tpu.memref_slice %arg13[%select_n3A_116, %dma_wait3A_132, %dma_wait3A_133, %dma_wait3A_134, %dma_wait3A_135] : memref<4x3x2x128x16xf32, #tpu.memory_space<vmem>> -> memref<1x1x1x128x16xf32, #tpu.memory_space<vmem>>
        %dma_wait3A_137 = tpu.memref_squeeze %dma_wait3A_136 : memref<1x1x1x128x16xf32, #tpu.memory_space<vmem>> -> memref<128x16xf32, #tpu.memory_space<vmem>>
        %dma_wait3A_138 = arith.constant 0 : i32
        %dma_wait3A_139 = tpu.memref_slice %arg12[%select_n3A_116, %dma_wait3A_130, %dma_wait3A_131, %dma_wait3A_138] : memref<4x3x2x128xi32, #tpu.memory_space<vmem>> -> memref<1x1x1x128xi32, #tpu.memory_space<vmem>>
        %dma_wait3A_140 = tpu.memref_squeeze %dma_wait3A_139 : memref<1x1x1x128xi32, #tpu.memory_space<vmem>> -> memref<128xi32, #tpu.memory_space<vmem>>
        %dma_wait3A_141 = arith.constant 0 : i32
        %dma_wait3A_142 = arith.constant 0 : i32
        %dma_wait3A_143 = tpu.memref_slice %arg5[%dma_wait3A_141, %dma_wait3A_142] : memref<131072x16xf32, #tpu.memory_space<hbm>> -> memref<131072x16xf32, #tpu.memory_space<hbm>>
        tpu.wait_indirect_dma semaphore(%arg16 : memref<!tpu.dma_semaphore, #tpu.memory_space<semaphore_mem>>) src(%dma_wait3A_143 : memref<131072x16xf32, #tpu.memory_space<hbm>>) dst(%dma_wait3A_137 : memref<128x16xf32, #tpu.memory_space<vmem>>)
        %dma_wait3A_144 = arith.constant 0 : i32
        %dma_wait3A_145 = arith.constant 1 : i32
        %dma_wait3A_146 = arith.constant 0 : i32
        %dma_wait3A_147 = arith.constant 1 : i32
        %dma_wait3A_148 = arith.constant 0 : i32
        %dma_wait3A_149 = arith.constant 0 : i32
        %dma_wait3A_150 = tpu.memref_slice %arg13[%select_n3A_116, %dma_wait3A_146, %dma_wait3A_147, %dma_wait3A_148, %dma_wait3A_149] : memref<4x3x2x128x16xf32, #tpu.memory_space<vmem>> -> memref<1x1x1x128x16xf32, #tpu.memory_space<vmem>>
        %dma_wait3A_151 = tpu.memref_squeeze %dma_wait3A_150 : memref<1x1x1x128x16xf32, #tpu.memory_space<vmem>> -> memref<128x16xf32, #tpu.memory_space<vmem>>
        %dma_wait3A_152 = arith.constant 0 : i32
        %dma_wait3A_153 = tpu.memref_slice %arg12[%select_n3A_116, %dma_wait3A_144, %dma_wait3A_145, %dma_wait3A_152] : memref<4x3x2x128xi32, #tpu.memory_space<vmem>> -> memref<1x1x1x128xi32, #tpu.memory_space<vmem>>
        %dma_wait3A_154 = tpu.memref_squeeze %dma_wait3A_153 : memref<1x1x1x128xi32, #tpu.memory_space<vmem>> -> memref<128xi32, #tpu.memory_space<vmem>>
        %dma_wait3A_155 = arith.constant 0 : i32
        %dma_wait3A_156 = arith.constant 0 : i32
        %dma_wait3A_157 = tpu.memref_slice %arg5[%dma_wait3A_155, %dma_wait3A_156] : memref<131072x16xf32, #tpu.memory_space<hbm>> -> memref<131072x16xf32, #tpu.memory_space<hbm>>
        tpu.wait_indirect_dma semaphore(%arg16 : memref<!tpu.dma_semaphore, #tpu.memory_space<semaphore_mem>>) src(%dma_wait3A_157 : memref<131072x16xf32, #tpu.memory_space<hbm>>) dst(%dma_wait3A_151 : memref<128x16xf32, #tpu.memory_space<vmem>>)
        %dma_wait3A_158 = arith.constant 1 : i32
        %dma_wait3A_159 = arith.constant 0 : i32
        %dma_wait3A_160 = arith.constant 1 : i32
        %dma_wait3A_161 = arith.constant 0 : i32
        %dma_wait3A_162 = arith.constant 0 : i32
        %dma_wait3A_163 = arith.constant 0 : i32
        %dma_wait3A_164 = tpu.memref_slice %arg13[%select_n3A_116, %dma_wait3A_160, %dma_wait3A_161, %dma_wait3A_162, %dma_wait3A_163] : memref<4x3x2x128x16xf32, #tpu.memory_space<vmem>> -> memref<1x1x1x128x16xf32, #tpu.memory_space<vmem>>
        %dma_wait3A_165 = tpu.memref_squeeze %dma_wait3A_164 : memref<1x1x1x128x16xf32, #tpu.memory_space<vmem>> -> memref<128x16xf32, #tpu.memory_space<vmem>>
        %dma_wait3A_166 = arith.constant 0 : i32
        %dma_wait3A_167 = tpu.memref_slice %arg12[%select_n3A_116, %dma_wait3A_158, %dma_wait3A_159, %dma_wait3A_166] : memref<4x3x2x128xi32, #tpu.memory_space<vmem>> -> memref<1x1x1x128xi32, #tpu.memory_space<vmem>>
        %dma_wait3A_168 = tpu.memref_squeeze %dma_wait3A_167 : memref<1x1x1x128xi32, #tpu.memory_space<vmem>> -> memref<128xi32, #tpu.memory_space<vmem>>
        %dma_wait3A_169 = arith.constant 0 : i32
        %dma_wait3A_170 = arith.constant 0 : i32
        %dma_wait3A_171 = tpu.memref_slice %arg6[%dma_wait3A_169, %dma_wait3A_170] : memref<524288x16xf32, #tpu.memory_space<hbm>> -> memref<524288x16xf32, #tpu.memory_space<hbm>>
        tpu.wait_indirect_dma semaphore(%arg16 : memref<!tpu.dma_semaphore, #tpu.memory_space<semaphore_mem>>) src(%dma_wait3A_171 : memref<524288x16xf32, #tpu.memory_space<hbm>>) dst(%dma_wait3A_165 : memref<128x16xf32, #tpu.memory_space<vmem>>)
        %dma_wait3A_172 = arith.constant 1 : i32
        %dma_wait3A_173 = arith.constant 1 : i32
        %dma_wait3A_174 = arith.constant 1 : i32
        %dma_wait3A_175 = arith.constant 1 : i32
        %dma_wait3A_176 = arith.constant 0 : i32
        %dma_wait3A_177 = arith.constant 0 : i32
        %dma_wait3A_178 = tpu.memref_slice %arg13[%select_n3A_116, %dma_wait3A_174, %dma_wait3A_175, %dma_wait3A_176, %dma_wait3A_177] : memref<4x3x2x128x16xf32, #tpu.memory_space<vmem>> -> memref<1x1x1x128x16xf32, #tpu.memory_space<vmem>>
        %dma_wait3A_179 = tpu.memref_squeeze %dma_wait3A_178 : memref<1x1x1x128x16xf32, #tpu.memory_space<vmem>> -> memref<128x16xf32, #tpu.memory_space<vmem>>
        %dma_wait3A_180 = arith.constant 0 : i32
        %dma_wait3A_181 = tpu.memref_slice %arg12[%select_n3A_116, %dma_wait3A_172, %dma_wait3A_173, %dma_wait3A_180] : memref<4x3x2x128xi32, #tpu.memory_space<vmem>> -> memref<1x1x1x128xi32, #tpu.memory_space<vmem>>
        %dma_wait3A_182 = tpu.memref_squeeze %dma_wait3A_181 : memref<1x1x1x128xi32, #tpu.memory_space<vmem>> -> memref<128xi32, #tpu.memory_space<vmem>>
        %dma_wait3A_183 = arith.constant 0 : i32
        %dma_wait3A_184 = arith.constant 0 : i32
        %dma_wait3A_185 = tpu.memref_slice %arg6[%dma_wait3A_183, %dma_wait3A_184] : memref<524288x16xf32, #tpu.memory_space<hbm>> -> memref<524288x16xf32, #tpu.memory_space<hbm>>
        tpu.wait_indirect_dma semaphore(%arg16 : memref<!tpu.dma_semaphore, #tpu.memory_space<semaphore_mem>>) src(%dma_wait3A_185 : memref<524288x16xf32, #tpu.memory_space<hbm>>) dst(%dma_wait3A_179 : memref<128x16xf32, #tpu.memory_space<vmem>>)
        %dma_wait3A_186 = arith.constant 2 : i32
        %dma_wait3A_187 = arith.constant 0 : i32
        %dma_wait3A_188 = arith.constant 2 : i32
        %dma_wait3A_189 = arith.constant 0 : i32
        %dma_wait3A_190 = arith.constant 0 : i32
        %dma_wait3A_191 = arith.constant 0 : i32
        %dma_wait3A_192 = tpu.memref_slice %arg13[%select_n3A_116, %dma_wait3A_188, %dma_wait3A_189, %dma_wait3A_190, %dma_wait3A_191] : memref<4x3x2x128x16xf32, #tpu.memory_space<vmem>> -> memref<1x1x1x128x16xf32, #tpu.memory_space<vmem>>
        %dma_wait3A_193 = tpu.memref_squeeze %dma_wait3A_192 : memref<1x1x1x128x16xf32, #tpu.memory_space<vmem>> -> memref<128x16xf32, #tpu.memory_space<vmem>>
        %dma_wait3A_194 = arith.constant 0 : i32
        %dma_wait3A_195 = tpu.memref_slice %arg12[%select_n3A_116, %dma_wait3A_186, %dma_wait3A_187, %dma_wait3A_194] : memref<4x3x2x128xi32, #tpu.memory_space<vmem>> -> memref<1x1x1x128xi32, #tpu.memory_space<vmem>>
        %dma_wait3A_196 = tpu.memref_squeeze %dma_wait3A_195 : memref<1x1x1x128xi32, #tpu.memory_space<vmem>> -> memref<128xi32, #tpu.memory_space<vmem>>
        %dma_wait3A_197 = arith.constant 0 : i32
        %dma_wait3A_198 = arith.constant 0 : i32
        %dma_wait3A_199 = tpu.memref_slice %arg7[%dma_wait3A_197, %dma_wait3A_198] : memref<2097152x16xf32, #tpu.memory_space<hbm>> -> memref<2097152x16xf32, #tpu.memory_space<hbm>>
        tpu.wait_indirect_dma semaphore(%arg16 : memref<!tpu.dma_semaphore, #tpu.memory_space<semaphore_mem>>) src(%dma_wait3A_199 : memref<2097152x16xf32, #tpu.memory_space<hbm>>) dst(%dma_wait3A_193 : memref<128x16xf32, #tpu.memory_space<vmem>>)
        %dma_wait3A_200 = arith.constant 2 : i32
        %dma_wait3A_201 = arith.constant 1 : i32
        %dma_wait3A_202 = arith.constant 2 : i32
        %dma_wait3A_203 = arith.constant 1 : i32
        %dma_wait3A_204 = arith.constant 0 : i32
        %dma_wait3A_205 = arith.constant 0 : i32
        %dma_wait3A_206 = tpu.memref_slice %arg13[%select_n3A_116, %dma_wait3A_202, %dma_wait3A_203, %dma_wait3A_204, %dma_wait3A_205] : memref<4x3x2x128x16xf32, #tpu.memory_space<vmem>> -> memref<1x1x1x128x16xf32, #tpu.memory_space<vmem>>
        %dma_wait3A_207 = tpu.memref_squeeze %dma_wait3A_206 : memref<1x1x1x128x16xf32, #tpu.memory_space<vmem>> -> memref<128x16xf32, #tpu.memory_space<vmem>>
        %dma_wait3A_208 = arith.constant 0 : i32
        %dma_wait3A_209 = tpu.memref_slice %arg12[%select_n3A_116, %dma_wait3A_200, %dma_wait3A_201, %dma_wait3A_208] : memref<4x3x2x128xi32, #tpu.memory_space<vmem>> -> memref<1x1x1x128xi32, #tpu.memory_space<vmem>>
        %dma_wait3A_210 = tpu.memref_squeeze %dma_wait3A_209 : memref<1x1x1x128xi32, #tpu.memory_space<vmem>> -> memref<128xi32, #tpu.memory_space<vmem>>
        %dma_wait3A_211 = arith.constant 0 : i32
        %dma_wait3A_212 = arith.constant 0 : i32
        %dma_wait3A_213 = tpu.memref_slice %arg7[%dma_wait3A_211, %dma_wait3A_212] : memref<2097152x16xf32, #tpu.memory_space<hbm>> -> memref<2097152x16xf32, #tpu.memory_space<hbm>>
        tpu.wait_indirect_dma semaphore(%arg16 : memref<!tpu.dma_semaphore, #tpu.memory_space<semaphore_mem>>) src(%dma_wait3A_213 : memref<2097152x16xf32, #tpu.memory_space<hbm>>) dst(%dma_wait3A_207 : memref<128x16xf32, #tpu.memory_space<vmem>>)
        %ge3A_214 = arith.constant 4 : i32
        %ge3A_215 = arith.cmpi sge, %sub3A_96, %ge3A_214 : i32
        %convert_element_type3A_216 = arith.extui %ge3A_215 : i1 to i32
        %cond3A_217 = arith.constant 0 : i32
        %cond3A_218 = arith.cmpi ne, %convert_element_type3A_216, %cond3A_217 : i32
        scf.if %cond3A_218 {
          %sub3A_278 = arith.constant 4 : i32
          %sub3A_279 = arith.subi %sub3A_96, %sub3A_278 : i32
          %jit3A_280 = arith.constant 4 : i32
          %eq3A_281 = arith.constant 0 : i32
          %eq3A_282 = arith.cmpi eq, %jit3A_280, %eq3A_281 : i32
          %jit3A_283 = arith.constant 1 : i32
          %select_n3A_284 = arith.select %eq3A_282, %jit3A_283, %jit3A_280 : i32
          %rem3A_285 = arith.remsi %sub3A_279, %select_n3A_284 : i32
          %ne3A_286 = arith.constant 0 : i32
          %ne3A_287 = arith.cmpi ne, %rem3A_285, %ne3A_286 : i32
          %lt3A_288 = arith.constant 0 : i32
          %lt3A_289 = arith.cmpi slt, %rem3A_285, %lt3A_288 : i32
          %lt3A_290 = arith.constant 0 : i32
          %lt3A_291 = arith.cmpi slt, %select_n3A_284, %lt3A_290 : i32
          %ne3A_292 = arith.xori %lt3A_289, %lt3A_291 : i1
          %and3A_293 = arith.andi %ne3A_292, %ne3A_287 : i1
          %add3A_294 = arith.addi %rem3A_285, %select_n3A_284 : i32
          %select_n3A_295 = arith.select %and3A_293, %add3A_294, %rem3A_285 : i32
          %mul3A_296 = arith.constant 128 : i32
          %mul3A_297 = arith.muli %sub3A_279, %mul3A_296 : i32
          %add3A_298 = arith.addi %mul3A_2, %mul3A_297 : i32
          %mul3A_299 = arith.constant 24 : i32
          %mul3A_300 = arith.muli %add3A_298, %mul3A_299 : i32
          %mul3A_301 = arith.constant 3072 : i32
          %mul3A_302 = arith.muli %select_n3A_295, %mul3A_301 : i32
          %dma_wait3A_303 = tpu.memref_slice %arg14[%mul3A_302] : memref<12288xf32, #tpu.memory_space<vmem>> -> memref<3072xf32, #tpu.memory_space<vmem>>
          %dma_wait3A_304 = tpu.memref_slice %arg8[%mul3A_300] : memref<50331648xf32, #tpu.memory_space<hbm>> -> memref<3072xf32, #tpu.memory_space<hbm>>
          %dma_wait3A_305 = tpu.memref_slice %arg8[%mul3A_300] : memref<50331648xf32, #tpu.memory_space<hbm>> -> memref<3072xf32, #tpu.memory_space<hbm>>
          %dma_wait3A_306 = tpu.memref_slice %arg14[%mul3A_302] : memref<12288xf32, #tpu.memory_space<vmem>> -> memref<3072xf32, #tpu.memory_space<vmem>>
          tpu.wait_dma2 semaphore(%arg17 : memref<!tpu.dma_semaphore, #tpu.memory_space<semaphore_mem>>) src(%dma_wait3A_306 : memref<3072xf32, #tpu.memory_space<vmem>>) dst(%dma_wait3A_305 : memref<3072xf32, #tpu.memory_space<hbm>>)
        } else {
        }
        %jit3A_219 = arith.constant 4 : i32
        %eq3A_220 = arith.constant 0 : i32
        %eq3A_221 = arith.cmpi eq, %jit3A_219, %eq3A_220 : i32
        %jit3A_222 = arith.constant 1 : i32
        %select_n3A_223 = arith.select %eq3A_221, %jit3A_222, %jit3A_219 : i32
        %rem3A_224 = arith.remsi %sub3A_96, %select_n3A_223 : i32
        %ne3A_225 = arith.constant 0 : i32
        %ne3A_226 = arith.cmpi ne, %rem3A_224, %ne3A_225 : i32
        %lt3A_227 = arith.constant 0 : i32
        %lt3A_228 = arith.cmpi slt, %rem3A_224, %lt3A_227 : i32
        %lt3A_229 = arith.constant 0 : i32
        %lt3A_230 = arith.cmpi slt, %select_n3A_223, %lt3A_229 : i32
        %ne3A_231 = arith.xori %lt3A_228, %lt3A_230 : i1
        %and3A_232 = arith.andi %ne3A_231, %ne3A_226 : i1
        %add3A_233 = arith.addi %rem3A_224, %select_n3A_223 : i32
        %select_n3A_234 = arith.select %and3A_232, %add3A_233, %rem3A_224 : i32
        %mul3A_235 = arith.constant 3072 : i32
        %mul3A_236 = arith.muli %select_n3A_234, %mul3A_235 : i32
        %add3A_237 = arith.constant 0 : i32
        %add3A_238 = arith.addi %mul3A_236, %add3A_237 : i32
        %add3A_239 = vector.broadcast %add3A_238 : i32 to vector<16xi32>
        %add3A_240 = arith.addi %and3A_26, %add3A_239 : vector<16xi32>
        %add3A_241 = arith.constant 8 : i32
        %add3A_242 = arith.addi %mul3A_236, %add3A_241 : i32
        %add3A_243 = vector.broadcast %add3A_242 : i32 to vector<16xi32>
        %add3A_244 = arith.addi %and3A_26, %add3A_243 : vector<16xi32>
        %add3A_245 = arith.constant 16 : i32
        %add3A_246 = arith.addi %mul3A_236, %add3A_245 : i32
        %add3A_247 = vector.broadcast %add3A_246 : i32 to vector<16xi32>
        %add3A_248 = arith.addi %and3A_26, %add3A_247 : vector<16xi32>
        %parallel_loop3A = arith.constant 0 : i32
        %parallel_loop3A_249 = arith.constant 128 : i32
        %parallel_loop3A_250 = arith.constant 1 : i32
        scf.for %parallel_loop3A_278 = %parallel_loop3A to %parallel_loop3A_249 step %parallel_loop3A_250  : i32 {
          %parallel_loop3A_279 = arith.constant 16 : i32
          %parallel_loop3A_280 = arith.muli %parallel_loop3A_278, %parallel_loop3A_279 : i32
          %parallel_loop3A_281 = arith.index_cast %select_n3A_234 : i32 to index
          %parallel_loop3A_282 = arith.index_cast %parallel_loop3A_280 : i32 to index
          %parallel_loop3A_283 = tpu.vector_load %arg11[%parallel_loop3A_281, %parallel_loop3A_282] {strides = array<i32>} : memref<4x2048xf32, #tpu.memory_space<vmem>>, vector<16xf32>,
          %parallel_loop3A_284 = arith.constant 6.400000e+01 : f32
          %parallel_loop3A_285 = vector.broadcast %parallel_loop3A_284 : f32 to vector<16xf32>
          %parallel_loop3A_286 = arith.mulf %parallel_loop3A_283, %parallel_loop3A_285 : vector<16xf32>
          %parallel_loop3A_287 = arith.constant 6.350000e+01 : f32
          %parallel_loop3A_288 = vector.broadcast %parallel_loop3A_287 : f32 to vector<16xf32>
          %parallel_loop3A_289 = arith.addf %parallel_loop3A_286, %parallel_loop3A_288 : vector<16xf32>
          %parallel_loop3A_290 = arith.fptosi %parallel_loop3A_289 : vector<16xf32> to vector<16xi32>
          %parallel_loop3A_291 = arith.sitofp %parallel_loop3A_290 : vector<16xi32> to vector<16xf32>
          %parallel_loop3A_292 = arith.subf %parallel_loop3A_289, %parallel_loop3A_291 : vector<16xf32>
          %parallel_loop3A_293 = arith.constant 1.000000e+00 : f32
          %parallel_loop3A_294 = vector.broadcast %parallel_loop3A_293 : f32 to vector<16xf32>
          %parallel_loop3A_295 = arith.subf %parallel_loop3A_294, %parallel_loop3A_292 : vector<16xf32>
          %parallel_loop3A_296 = arith.constant 15 : i32
          %parallel_loop3A_297 = vector.broadcast %parallel_loop3A_296 : i32 to vector<16xi32>
          %parallel_loop3A_298 = tpu.iota {dimensions = array<i32: 0>} : vector<16xi32>
          %parallel_loop3A_299 = arith.subi %parallel_loop3A_297, %parallel_loop3A_298 : vector<16xi32>
          %parallel_loop3A_300 = tpu.dynamic_gather %parallel_loop3A_292[%parallel_loop3A_299] in [0] : vector<16xf32>, vector<16xi32> -> vector<16xf32>
          %parallel_loop3A_301 = arith.constant 15 : i32
          %parallel_loop3A_302 = vector.broadcast %parallel_loop3A_301 : i32 to vector<16xi32>
          %parallel_loop3A_303 = tpu.iota {dimensions = array<i32: 0>} : vector<16xi32>
          %parallel_loop3A_304 = arith.subi %parallel_loop3A_302, %parallel_loop3A_303 : vector<16xi32>
          %parallel_loop3A_305 = tpu.dynamic_gather %parallel_loop3A_295[%parallel_loop3A_304] in [0] : vector<16xf32>, vector<16xi32> -> vector<16xf32>
          %parallel_loop3A_306 = arith.subf %parallel_loop3A_300, %parallel_loop3A_295 : vector<16xf32>
          %parallel_loop3A_307 = arith.mulf %convert_element_type3A_23, %parallel_loop3A_306 : vector<16xf32>
          %parallel_loop3A_308 = arith.addf %parallel_loop3A_295, %parallel_loop3A_307 : vector<16xf32>
          %parallel_loop3A_309 = arith.subf %parallel_loop3A_295, %parallel_loop3A_305 : vector<16xf32>
          %parallel_loop3A_310 = arith.mulf %convert_element_type3A_23, %parallel_loop3A_309 : vector<16xf32>
          %parallel_loop3A_311 = arith.addf %parallel_loop3A_305, %parallel_loop3A_310 : vector<16xf32>
          %parallel_loop3A_312 = arith.mulf %parallel_loop3A_311, %parallel_loop3A_308 : vector<16xf32>
          %parallel_loop3A_313 = arith.subf %parallel_loop3A_308, %parallel_loop3A_312 : vector<16xf32>
          %parallel_loop3A_314 = arith.constant 0 : i32
          %parallel_loop3A_315 = arith.constant 0 : i32
          %parallel_loop3A_316 = arith.index_cast %select_n3A_234 : i32 to index
          %parallel_loop3A_317 = arith.index_cast %parallel_loop3A_314 : i32 to index
          %parallel_loop3A_318 = arith.index_cast %parallel_loop3A_315 : i32 to index
          %parallel_loop3A_319 = arith.index_cast %parallel_loop3A_278 : i32 to index
          %parallel_loop3A_320 = arith.constant 0 : index
          %parallel_loop3A_321 = tpu.vector_load %arg13[%parallel_loop3A_316, %parallel_loop3A_317, %parallel_loop3A_318, %parallel_loop3A_319, %parallel_loop3A_320] {strides = array<i32>} : memref<4x3x2x128x16xf32, #tpu.memory_space<vmem>>, vector<16xf32>,
          %parallel_loop3A_322 = arith.constant 0 : i32
          %parallel_loop3A_323 = arith.constant 1 : i32
          %parallel_loop3A_324 = arith.index_cast %select_n3A_234 : i32 to index
          %parallel_loop3A_325 = arith.index_cast %parallel_loop3A_322 : i32 to index
          %parallel_loop3A_326 = arith.index_cast %parallel_loop3A_323 : i32 to index
          %parallel_loop3A_327 = arith.index_cast %parallel_loop3A_278 : i32 to index
          %parallel_loop3A_328 = arith.constant 0 : index
          %parallel_loop3A_329 = tpu.vector_load %arg13[%parallel_loop3A_324, %parallel_loop3A_325, %parallel_loop3A_326, %parallel_loop3A_327, %parallel_loop3A_328] {strides = array<i32>} : memref<4x3x2x128x16xf32, #tpu.memory_space<vmem>>, vector<16xf32>,
          %parallel_loop3A_330 = arith.mulf %parallel_loop3A_321, %parallel_loop3A_312 : vector<16xf32>
          %parallel_loop3A_331 = arith.mulf %parallel_loop3A_329, %parallel_loop3A_313 : vector<16xf32>
          %parallel_loop3A_332 = arith.addf %parallel_loop3A_330, %parallel_loop3A_331 : vector<16xf32>
          %parallel_loop3A_333 = arith.constant 15 : i32
          %parallel_loop3A_334 = vector.broadcast %parallel_loop3A_333 : i32 to vector<16xi32>
          %parallel_loop3A_335 = tpu.iota {dimensions = array<i32: 0>} : vector<16xi32>
          %parallel_loop3A_336 = arith.subi %parallel_loop3A_334, %parallel_loop3A_335 : vector<16xi32>
          %parallel_loop3A_337 = tpu.dynamic_gather %parallel_loop3A_332[%parallel_loop3A_336] in [0] : vector<16xf32>, vector<16xi32> -> vector<16xf32>
          %parallel_loop3A_338 = arith.addf %parallel_loop3A_332, %parallel_loop3A_337 : vector<16xf32>
          %parallel_loop3A_339 = arith.constant 24 : i32
          %parallel_loop3A_340 = arith.muli %parallel_loop3A_278, %parallel_loop3A_339 : i32
          %parallel_loop3A_341 = vector.broadcast %parallel_loop3A_340 : i32 to vector<16xi32>
          %parallel_loop3A_342 = arith.addi %add3A_240, %parallel_loop3A_341 : vector<16xi32>
          tpu.vector_store_idx %arg14[%parallel_loop3A_342], %parallel_loop3A_338 masked %lt3A_20 : memref<12288xf32, #tpu.memory_space<vmem>>[vector<16xi32>], vector<16xf32>, vector<16xi1>
          %parallel_loop3A_343 = arith.constant 1.280000e+02 : f32
          %parallel_loop3A_344 = vector.broadcast %parallel_loop3A_343 : f32 to vector<16xf32>
          %parallel_loop3A_345 = arith.mulf %parallel_loop3A_283, %parallel_loop3A_344 : vector<16xf32>
          %parallel_loop3A_346 = arith.constant 1.275000e+02 : f32
          %parallel_loop3A_347 = vector.broadcast %parallel_loop3A_346 : f32 to vector<16xf32>
          %parallel_loop3A_348 = arith.addf %parallel_loop3A_345, %parallel_loop3A_347 : vector<16xf32>
          %parallel_loop3A_349 = arith.fptosi %parallel_loop3A_348 : vector<16xf32> to vector<16xi32>
          %parallel_loop3A_350 = arith.sitofp %parallel_loop3A_349 : vector<16xi32> to vector<16xf32>
          %parallel_loop3A_351 = arith.subf %parallel_loop3A_348, %parallel_loop3A_350 : vector<16xf32>
          %parallel_loop3A_352 = arith.constant 1.000000e+00 : f32
          %parallel_loop3A_353 = vector.broadcast %parallel_loop3A_352 : f32 to vector<16xf32>
          %parallel_loop3A_354 = arith.subf %parallel_loop3A_353, %parallel_loop3A_351 : vector<16xf32>
          %parallel_loop3A_355 = arith.constant 15 : i32
          %parallel_loop3A_356 = vector.broadcast %parallel_loop3A_355 : i32 to vector<16xi32>
          %parallel_loop3A_357 = tpu.iota {dimensions = array<i32: 0>} : vector<16xi32>
          %parallel_loop3A_358 = arith.subi %parallel_loop3A_356, %parallel_loop3A_357 : vector<16xi32>
          %parallel_loop3A_359 = tpu.dynamic_gather %parallel_loop3A_351[%parallel_loop3A_358] in [0] : vector<16xf32>, vector<16xi32> -> vector<16xf32>
          %parallel_loop3A_360 = arith.constant 15 : i32
          %parallel_loop3A_361 = vector.broadcast %parallel_loop3A_360 : i32 to vector<16xi32>
          %parallel_loop3A_362 = tpu.iota {dimensions = array<i32: 0>} : vector<16xi32>
          %parallel_loop3A_363 = arith.subi %parallel_loop3A_361, %parallel_loop3A_362 : vector<16xi32>
          %parallel_loop3A_364 = tpu.dynamic_gather %parallel_loop3A_354[%parallel_loop3A_363] in [0] : vector<16xf32>, vector<16xi32> -> vector<16xf32>
          %parallel_loop3A_365 = arith.subf %parallel_loop3A_359, %parallel_loop3A_354 : vector<16xf32>
          %parallel_loop3A_366 = arith.mulf %convert_element_type3A_23, %parallel_loop3A_365 : vector<16xf32>
          %parallel_loop3A_367 = arith.addf %parallel_loop3A_354, %parallel_loop3A_366 : vector<16xf32>
          %parallel_loop3A_368 = arith.subf %parallel_loop3A_354, %parallel_loop3A_364 : vector<16xf32>
          %parallel_loop3A_369 = arith.mulf %convert_element_type3A_23, %parallel_loop3A_368 : vector<16xf32>
          %parallel_loop3A_370 = arith.addf %parallel_loop3A_364, %parallel_loop3A_369 : vector<16xf32>
          %parallel_loop3A_371 = arith.mulf %parallel_loop3A_370, %parallel_loop3A_367 : vector<16xf32>
          %parallel_loop3A_372 = arith.subf %parallel_loop3A_367, %parallel_loop3A_371 : vector<16xf32>
          %parallel_loop3A_373 = arith.constant 1 : i32
          %parallel_loop3A_374 = arith.constant 0 : i32
          %parallel_loop3A_375 = arith.index_cast %select_n3A_234 : i32 to index
          %parallel_loop3A_376 = arith.index_cast %parallel_loop3A_373 : i32 to index
          %parallel_loop3A_377 = arith.index_cast %parallel_loop3A_374 : i32 to index
          %parallel_loop3A_378 = arith.index_cast %parallel_loop3A_278 : i32 to index
          %parallel_loop3A_379 = arith.constant 0 : index
          %parallel_loop3A_380 = tpu.vector_load %arg13[%parallel_loop3A_375, %parallel_loop3A_376, %parallel_loop3A_377, %parallel_loop3A_378, %parallel_loop3A_379] {strides = array<i32>} : memref<4x3x2x128x16xf32, #tpu.memory_space<vmem>>, vector<16xf32>,
          %parallel_loop3A_381 = arith.constant 1 : i32
          %parallel_loop3A_382 = arith.constant 1 : i32
          %parallel_loop3A_383 = arith.index_cast %select_n3A_234 : i32 to index
          %parallel_loop3A_384 = arith.index_cast %parallel_loop3A_381 : i32 to index
          %parallel_loop3A_385 = arith.index_cast %parallel_loop3A_382 : i32 to index
          %parallel_loop3A_386 = arith.index_cast %parallel_loop3A_278 : i32 to index
          %parallel_loop3A_387 = arith.constant 0 : index
          %parallel_loop3A_388 = tpu.vector_load %arg13[%parallel_loop3A_383, %parallel_loop3A_384, %parallel_loop3A_385, %parallel_loop3A_386, %parallel_loop3A_387] {strides = array<i32>} : memref<4x3x2x128x16xf32, #tpu.memory_space<vmem>>, vector<16xf32>,
          %parallel_loop3A_389 = arith.mulf %parallel_loop3A_380, %parallel_loop3A_371 : vector<16xf32>
          %parallel_loop3A_390 = arith.mulf %parallel_loop3A_388, %parallel_loop3A_372 : vector<16xf32>
          %parallel_loop3A_391 = arith.addf %parallel_loop3A_389, %parallel_loop3A_390 : vector<16xf32>
          %parallel_loop3A_392 = arith.constant 15 : i32
          %parallel_loop3A_393 = vector.broadcast %parallel_loop3A_392 : i32 to vector<16xi32>
          %parallel_loop3A_394 = tpu.iota {dimensions = array<i32: 0>} : vector<16xi32>
          %parallel_loop3A_395 = arith.subi %parallel_loop3A_393, %parallel_loop3A_394 : vector<16xi32>
          %parallel_loop3A_396 = tpu.dynamic_gather %parallel_loop3A_391[%parallel_loop3A_395] in [0] : vector<16xf32>, vector<16xi32> -> vector<16xf32>
          %parallel_loop3A_397 = arith.addf %parallel_loop3A_391, %parallel_loop3A_396 : vector<16xf32>
          %parallel_loop3A_398 = arith.constant 24 : i32
          %parallel_loop3A_399 = arith.muli %parallel_loop3A_278, %parallel_loop3A_398 : i32
          %parallel_loop3A_400 = vector.broadcast %parallel_loop3A_399 : i32 to vector<16xi32>
          %parallel_loop3A_401 = arith.addi %add3A_244, %parallel_loop3A_400 : vector<16xi32>
          tpu.vector_store_idx %arg14[%parallel_loop3A_401], %parallel_loop3A_397 masked %lt3A_20 : memref<12288xf32, #tpu.memory_space<vmem>>[vector<16xi32>], vector<16xf32>, vector<16xi1>
          %parallel_loop3A_402 = arith.constant 2.560000e+02 : f32
          %parallel_loop3A_403 = vector.broadcast %parallel_loop3A_402 : f32 to vector<16xf32>
          %parallel_loop3A_404 = arith.mulf %parallel_loop3A_283, %parallel_loop3A_403 : vector<16xf32>
          %parallel_loop3A_405 = arith.constant 2.555000e+02 : f32
          %parallel_loop3A_406 = vector.broadcast %parallel_loop3A_405 : f32 to vector<16xf32>
          %parallel_loop3A_407 = arith.addf %parallel_loop3A_404, %parallel_loop3A_406 : vector<16xf32>
          %parallel_loop3A_408 = arith.fptosi %parallel_loop3A_407 : vector<16xf32> to vector<16xi32>
          %parallel_loop3A_409 = arith.sitofp %parallel_loop3A_408 : vector<16xi32> to vector<16xf32>
          %parallel_loop3A_410 = arith.subf %parallel_loop3A_407, %parallel_loop3A_409 : vector<16xf32>
          %parallel_loop3A_411 = arith.constant 1.000000e+00 : f32
          %parallel_loop3A_412 = vector.broadcast %parallel_loop3A_411 : f32 to vector<16xf32>
          %parallel_loop3A_413 = arith.subf %parallel_loop3A_412, %parallel_loop3A_410 : vector<16xf32>
          %parallel_loop3A_414 = arith.constant 15 : i32
          %parallel_loop3A_415 = vector.broadcast %parallel_loop3A_414 : i32 to vector<16xi32>
          %parallel_loop3A_416 = tpu.iota {dimensions = array<i32: 0>} : vector<16xi32>
          %parallel_loop3A_417 = arith.subi %parallel_loop3A_415, %parallel_loop3A_416 : vector<16xi32>
          %parallel_loop3A_418 = tpu.dynamic_gather %parallel_loop3A_410[%parallel_loop3A_417] in [0] : vector<16xf32>, vector<16xi32> -> vector<16xf32>
          %parallel_loop3A_419 = arith.constant 15 : i32
          %parallel_loop3A_420 = vector.broadcast %parallel_loop3A_419 : i32 to vector<16xi32>
          %parallel_loop3A_421 = tpu.iota {dimensions = array<i32: 0>} : vector<16xi32>
          %parallel_loop3A_422 = arith.subi %parallel_loop3A_420, %parallel_loop3A_421 : vector<16xi32>
          %parallel_loop3A_423 = tpu.dynamic_gather %parallel_loop3A_413[%parallel_loop3A_422] in [0] : vector<16xf32>, vector<16xi32> -> vector<16xf32>
          %parallel_loop3A_424 = arith.subf %parallel_loop3A_418, %parallel_loop3A_413 : vector<16xf32>
          %parallel_loop3A_425 = arith.mulf %convert_element_type3A_23, %parallel_loop3A_424 : vector<16xf32>
          %parallel_loop3A_426 = arith.addf %parallel_loop3A_413, %parallel_loop3A_425 : vector<16xf32>
          %parallel_loop3A_427 = arith.subf %parallel_loop3A_413, %parallel_loop3A_423 : vector<16xf32>
          %parallel_loop3A_428 = arith.mulf %convert_element_type3A_23, %parallel_loop3A_427 : vector<16xf32>
          %parallel_loop3A_429 = arith.addf %parallel_loop3A_423, %parallel_loop3A_428 : vector<16xf32>
          %parallel_loop3A_430 = arith.mulf %parallel_loop3A_429, %parallel_loop3A_426 : vector<16xf32>
          %parallel_loop3A_431 = arith.subf %parallel_loop3A_426, %parallel_loop3A_430 : vector<16xf32>
          %parallel_loop3A_432 = arith.constant 2 : i32
          %parallel_loop3A_433 = arith.constant 0 : i32
          %parallel_loop3A_434 = arith.index_cast %select_n3A_234 : i32 to index
          %parallel_loop3A_435 = arith.index_cast %parallel_loop3A_432 : i32 to index
          %parallel_loop3A_436 = arith.index_cast %parallel_loop3A_433 : i32 to index
          %parallel_loop3A_437 = arith.index_cast %parallel_loop3A_278 : i32 to index
          %parallel_loop3A_438 = arith.constant 0 : index
          %parallel_loop3A_439 = tpu.vector_load %arg13[%parallel_loop3A_434, %parallel_loop3A_435, %parallel_loop3A_436, %parallel_loop3A_437, %parallel_loop3A_438] {strides = array<i32>} : memref<4x3x2x128x16xf32, #tpu.memory_space<vmem>>, vector<16xf32>,
          %parallel_loop3A_440 = arith.constant 2 : i32
          %parallel_loop3A_441 = arith.constant 1 : i32
          %parallel_loop3A_442 = arith.index_cast %select_n3A_234 : i32 to index
          %parallel_loop3A_443 = arith.index_cast %parallel_loop3A_440 : i32 to index
          %parallel_loop3A_444 = arith.index_cast %parallel_loop3A_441 : i32 to index
          %parallel_loop3A_445 = arith.index_cast %parallel_loop3A_278 : i32 to index
          %parallel_loop3A_446 = arith.constant 0 : index
          %parallel_loop3A_447 = tpu.vector_load %arg13[%parallel_loop3A_442, %parallel_loop3A_443, %parallel_loop3A_444, %parallel_loop3A_445, %parallel_loop3A_446] {strides = array<i32>} : memref<4x3x2x128x16xf32, #tpu.memory_space<vmem>>, vector<16xf32>,
          %parallel_loop3A_448 = arith.mulf %parallel_loop3A_439, %parallel_loop3A_430 : vector<16xf32>
          %parallel_loop3A_449 = arith.mulf %parallel_loop3A_447, %parallel_loop3A_431 : vector<16xf32>
          %parallel_loop3A_450 = arith.addf %parallel_loop3A_448, %parallel_loop3A_449 : vector<16xf32>
          %parallel_loop3A_451 = arith.constant 15 : i32
          %parallel_loop3A_452 = vector.broadcast %parallel_loop3A_451 : i32 to vector<16xi32>
          %parallel_loop3A_453 = tpu.iota {dimensions = array<i32: 0>} : vector<16xi32>
          %parallel_loop3A_454 = arith.subi %parallel_loop3A_452, %parallel_loop3A_453 : vector<16xi32>
          %parallel_loop3A_455 = tpu.dynamic_gather %parallel_loop3A_450[%parallel_loop3A_454] in [0] : vector<16xf32>, vector<16xi32> -> vector<16xf32>
          %parallel_loop3A_456 = arith.addf %parallel_loop3A_450, %parallel_loop3A_455 : vector<16xf32>
          %parallel_loop3A_457 = arith.constant 24 : i32
          %parallel_loop3A_458 = arith.muli %parallel_loop3A_278, %parallel_loop3A_457 : i32
          %parallel_loop3A_459 = vector.broadcast %parallel_loop3A_458 : i32 to vector<16xi32>
          %parallel_loop3A_460 = arith.addi %add3A_248, %parallel_loop3A_459 : vector<16xi32>
          tpu.vector_store_idx %arg14[%parallel_loop3A_460], %parallel_loop3A_456 masked %lt3A_20 : memref<12288xf32, #tpu.memory_space<vmem>>[vector<16xi32>], vector<16xf32>, vector<16xi1>
        } {sc.loop_unroll_factor = 8 : i64, sc.parallel_access}
        %jit3A_251 = arith.constant 4 : i32
        %eq3A_252 = arith.constant 0 : i32
        %eq3A_253 = arith.cmpi eq, %jit3A_251, %eq3A_252 : i32
        %jit3A_254 = arith.constant 1 : i32
        %select_n3A_255 = arith.select %eq3A_253, %jit3A_254, %jit3A_251 : i32
        %rem3A_256 = arith.remsi %sub3A_96, %select_n3A_255 : i32
        %ne3A_257 = arith.constant 0 : i32
        %ne3A_258 = arith.cmpi ne, %rem3A_256, %ne3A_257 : i32
        %lt3A_259 = arith.constant 0 : i32
        %lt3A_260 = arith.cmpi slt, %rem3A_256, %lt3A_259 : i32
        %lt3A_261 = arith.constant 0 : i32
        %lt3A_262 = arith.cmpi slt, %select_n3A_255, %lt3A_261 : i32
        %ne3A_263 = arith.xori %lt3A_260, %lt3A_262 : i1
        %and3A_264 = arith.andi %ne3A_263, %ne3A_258 : i1
        %add3A_265 = arith.addi %rem3A_256, %select_n3A_255 : i32
        %select_n3A_266 = arith.select %and3A_264, %add3A_265, %rem3A_256 : i32
        %mul3A_267 = arith.constant 128 : i32
        %mul3A_268 = arith.muli %sub3A_96, %mul3A_267 : i32
        %add3A_269 = arith.addi %mul3A_2, %mul3A_268 : i32
        %mul3A_270 = arith.constant 24 : i32
        %mul3A_271 = arith.muli %add3A_269, %mul3A_270 : i32
        %mul3A_272 = arith.constant 3072 : i32
        %mul3A_273 = arith.muli %select_n3A_266, %mul3A_272 : i32
        %dma_start3A_274 = tpu.memref_slice %arg14[%mul3A_273] : memref<12288xf32, #tpu.memory_space<vmem>> -> memref<3072xf32, #tpu.memory_space<vmem>>
        %dma_start3A_275 = tpu.memref_slice %arg8[%mul3A_271] : memref<50331648xf32, #tpu.memory_space<hbm>> -> memref<3072xf32, #tpu.memory_space<hbm>>
        %dma_start3A_276 = tpu.memref_slice %arg8[%mul3A_271] : memref<50331648xf32, #tpu.memory_space<hbm>> -> memref<3072xf32, #tpu.memory_space<hbm>>
        %dma_start3A_277 = tpu.memref_slice %arg14[%mul3A_273] : memref<12288xf32, #tpu.memory_space<vmem>> -> memref<3072xf32, #tpu.memory_space<vmem>>
        tpu.enqueue_dma source(%dma_start3A_277 : memref<3072xf32, #tpu.memory_space<vmem>>) target(%dma_start3A_276 : memref<3072xf32, #tpu.memory_space<hbm>>) target_semaphore(%arg17 : memref<!tpu.dma_semaphore, #tpu.memory_space<semaphore_mem>>)
      } else {
      }
    }
    %scan3A_50 = arith.constant 515 : i32
    %add3A_51 = arith.constant 65024 : i32
    %add3A_52 = arith.addi %mul3A_2, %add3A_51 : i32
    %mul3A_53 = arith.constant 24 : i32
    %mul3A_54 = arith.muli %add3A_52, %mul3A_53 : i32
    %dma_wait3A = arith.constant 0 : i32
    %dma_wait3A_55 = tpu.memref_slice %arg14[%dma_wait3A] : memref<12288xf32, #tpu.memory_space<vmem>> -> memref<3072xf32, #tpu.memory_space<vmem>>
    %dma_wait3A_56 = tpu.memref_slice %arg8[%mul3A_54] : memref<50331648xf32, #tpu.memory_space<hbm>> -> memref<3072xf32, #tpu.memory_space<hbm>>
    %dma_wait3A_57 = tpu.memref_slice %arg8[%mul3A_54] : memref<50331648xf32, #tpu.memory_space<hbm>> -> memref<3072xf32, #tpu.memory_space<hbm>>
    %dma_wait3A_58 = arith.constant 0 : i32
    %dma_wait3A_59 = tpu.memref_slice %arg14[%dma_wait3A_58] : memref<12288xf32, #tpu.memory_space<vmem>> -> memref<3072xf32, #tpu.memory_space<vmem>>
    tpu.wait_dma2 semaphore(%arg17 : memref<!tpu.dma_semaphore, #tpu.memory_space<semaphore_mem>>) src(%dma_wait3A_59 : memref<3072xf32, #tpu.memory_space<vmem>>) dst(%dma_wait3A_57 : memref<3072xf32, #tpu.memory_space<hbm>>)
    %add3A_60 = arith.constant 65152 : i32
    %add3A_61 = arith.addi %mul3A_2, %add3A_60 : i32
    %mul3A_62 = arith.constant 24 : i32
    %mul3A_63 = arith.muli %add3A_61, %mul3A_62 : i32
    %dma_wait3A_64 = arith.constant 3072 : i32
    %dma_wait3A_65 = tpu.memref_slice %arg14[%dma_wait3A_64] : memref<12288xf32, #tpu.memory_space<vmem>> -> memref<3072xf32, #tpu.memory_space<vmem>>
    %dma_wait3A_66 = tpu.memref_slice %arg8[%mul3A_63] : memref<50331648xf32, #tpu.memory_space<hbm>> -> memref<3072xf32, #tpu.memory_space<hbm>>
    %dma_wait3A_67 = tpu.memref_slice %arg8[%mul3A_63] : memref<50331648xf32, #tpu.memory_space<hbm>> -> memref<3072xf32, #tpu.memory_space<hbm>>
    %dma_wait3A_68 = arith.constant 3072 : i32
    %dma_wait3A_69 = tpu.memref_slice %arg14[%dma_wait3A_68] : memref<12288xf32, #tpu.memory_space<vmem>> -> memref<3072xf32, #tpu.memory_space<vmem>>
    tpu.wait_dma2 semaphore(%arg17 : memref<!tpu.dma_semaphore, #tpu.memory_space<semaphore_mem>>) src(%dma_wait3A_69 : memref<3072xf32, #tpu.memory_space<vmem>>) dst(%dma_wait3A_67 : memref<3072xf32, #tpu.memory_space<hbm>>)
    %add3A_70 = arith.constant 65280 : i32
    %add3A_71 = arith.addi %mul3A_2, %add3A_70 : i32
    %mul3A_72 = arith.constant 24 : i32
    %mul3A_73 = arith.muli %add3A_71, %mul3A_72 : i32
    %dma_wait3A_74 = arith.constant 6144 : i32
    %dma_wait3A_75 = tpu.memref_slice %arg14[%dma_wait3A_74] : memref<12288xf32, #tpu.memory_space<vmem>> -> memref<3072xf32, #tpu.memory_space<vmem>>
    %dma_wait3A_76 = tpu.memref_slice %arg8[%mul3A_73] : memref<50331648xf32, #tpu.memory_space<hbm>> -> memref<3072xf32, #tpu.memory_space<hbm>>
    %dma_wait3A_77 = tpu.memref_slice %arg8[%mul3A_73] : memref<50331648xf32, #tpu.memory_space<hbm>> -> memref<3072xf32, #tpu.memory_space<hbm>>
    %dma_wait3A_78 = arith.constant 6144 : i32
    %dma_wait3A_79 = tpu.memref_slice %arg14[%dma_wait3A_78] : memref<12288xf32, #tpu.memory_space<vmem>> -> memref<3072xf32, #tpu.memory_space<vmem>>
    tpu.wait_dma2 semaphore(%arg17 : memref<!tpu.dma_semaphore, #tpu.memory_space<semaphore_mem>>) src(%dma_wait3A_79 : memref<3072xf32, #tpu.memory_space<vmem>>) dst(%dma_wait3A_77 : memref<3072xf32, #tpu.memory_space<hbm>>)
    %add3A_80 = arith.constant 65408 : i32
    %add3A_81 = arith.addi %mul3A_2, %add3A_80 : i32
    %mul3A_82 = arith.constant 24 : i32
    %mul3A_83 = arith.muli %add3A_81, %mul3A_82 : i32
    %dma_wait3A_84 = arith.constant 9216 : i32
    %dma_wait3A_85 = tpu.memref_slice %arg14[%dma_wait3A_84] : memref<12288xf32, #tpu.memory_space<vmem>> -> memref<3072xf32, #tpu.memory_space<vmem>>
    %dma_wait3A_86 = tpu.memref_slice %arg8[%mul3A_83] : memref<50331648xf32, #tpu.memory_space<hbm>> -> memref<3072xf32, #tpu.memory_space<hbm>>
    %dma_wait3A_87 = tpu.memref_slice %arg8[%mul3A_83] : memref<50331648xf32, #tpu.memory_space<hbm>> -> memref<3072xf32, #tpu.memory_space<hbm>>
    %dma_wait3A_88 = arith.constant 9216 : i32
    %dma_wait3A_89 = tpu.memref_slice %arg14[%dma_wait3A_88] : memref<12288xf32, #tpu.memory_space<vmem>> -> memref<3072xf32, #tpu.memory_space<vmem>>
    tpu.wait_dma2 semaphore(%arg17 : memref<!tpu.dma_semaphore, #tpu.memory_space<semaphore_mem>>) src(%dma_wait3A_89 : memref<3072xf32, #tpu.memory_space<vmem>>) dst(%dma_wait3A_87 : memref<3072xf32, #tpu.memory_space<hbm>>)
    return
  }
}

</mosaic_0001>

<sc_bundles>
// kernel: kernel.3.cloned.1.call-start
scs
__scs_entry_jumppad:
0x0: {  	(pc) =	sbr.rel $0x88, $3  }
0x1: {  	(tag) =	ssettag $0x0;
	lr =	simm.s32 $0x1  }
0x2: {  	[smem:$0x3F9D] =	sst lr;
	_ =	strace $0xD0000000  }
0x3: {  	_ = 	snop  }
0x4: {  	_ = 	snop  }
0x5: {  	_ = 	snop  }
0x6: {  	_ = 	snop  }
0x7: {  	_ = 	snop  }
__scs_overlays_trampoline_lowered:
0x8: {  	[smem:$0x3FAC] =	sst s0  }
0x9: {  	[smem:$0x3FAD] =	sst s1  }
0xa: {  	[smem:$0x3FAE] =	sst s2  }
0xb: {  	[smem:$0x3FAF] =	sst s3  }
0xc: {  	[smem:$0x3FB0] =	sst s4  }
0xd: {  	[smem:$0x3FB1] =	sst s5  }
0xe: {  	[smem:$0x3FB2] =	sst s6  }
0xf: {  	[smem:$0x3FB3] =	sst s7  }
0x10: {  	[smem:$0x3FB4] =	sst s8  }
0x11: {  	[smem:$0x3FB5] =	sst s9;
	s0 =	simm.s32 @!p0 $0x0  }
0x12: {  	s1 =	sld [smem:$0x3F9B];
	s0 =	simm.s32 @p0 $0x1  }
0x13: {  	[smem:$0x3FB6] =	sst s0;
	s0 =	simm.s32 @!p1 $0x0  }
0x14: {  	s2 =	sld [smem:$0x3F9A];
	s0 =	simm.s32 @p1 $0x1  }
0x15: {  	[smem:$0x3FB7] =	sst s0;
	s0 =	simm.s32 @!p2 $0x0  }
0x16: {  	s3 =	sld [smem:$0x3FDB];
	s0 =	simm.s32 @p2 $0x1  }
0x17: {  	s4 =	simm.s32 $0x1BF5;
	[smem:$0x3FB9] =	sst s0  }
0x18: {  	s0 =	sld [smem:$0x3F9C];
	_ =	swait.ge [sflag:s4], $0x0  }
0x19: {  	s7 =	sld [smem:$0x3F9D]  }
0x1a: {  	s8 =	sadd.s32 $0xFFFFE003, lr  }
0x1b: {  	s9 =	sadd.s32 $0xFFFFFEF7, lr;
	s5 =	simm.s32 $0xFFFFFFFF;
	p2 =	slt.u32 s8, $0xFFFFF086  }
0x1c: {  	p1 =	slt.u32 s9, $0xF7A;
	s5 =	simm.s32 @!p2 $0x0  }
0x1d: {  	s5 =	simm.s32 @p1 $0x1;
	p0 =	seq.s32 s7, s2  }
0x1e: {  	s7 =	smul.u32 @!p0 $0xF7A, s2;
	p2 =	seq.s32 @!p0 s5, $0x0  }
0x1f: {  	s9 =	smul.u32 $0xF7A, s1;
	s8 =	simm.s32 @!p0 $0x1BF5;
	p2 =	por !p2, p0  }
0x20: {  	[sflag:s8] =	ssyncset.s32 @!p0 $0xFFFFF086;
	s6 =	sadd.s32 @!p0 s3, s7;
	s7 =	simm.s32 @!p0 $0x108  }
0x21: {  	s3 =	sadd.s32 s3, s9;
	s6 =	sadd.s32 @!p0 $0x88, s6;
	s7 =	simm.s32 @p2 $0x1082  }
0x22: {  	[simem:s7], [sflag:s8] =	dma.local @!p0 [hbm:s6], $0xF7A  }
0x23: {  	s9 =	sor.u32 $0xD0000000, s2;
	s6 =	simm.s32 $0x108;
	_ =	swait.ge @!p0 [sflag:s8], $0x0  }
0x24: {  	s3 =	sadd.s32 $0x88, s3;
	s6 =	simm.s32 @!p1 $0x1082;
	[sflag:s4] =	ssyncset.s32 $0xFFFFF086  }
0x25: {  	[simem:s6], [sflag:s4] =	dma.local [hbm:s3], $0xF7A  }
0x26: {  	[smem:$0x3F9D] =	sst s1;
	(tag) =	ssettag s2;
	_ =	strace s9  }
0x27: {  	s1 =	sld [smem:$0x3FAD]  }
0x28: {  	s2 =	sld [smem:$0x3FAE]  }
0x29: {  	s4 =	sld [smem:$0x3FB0]  }
0x2a: {  	p0 =	seq.s32 s5, $0x0;
	s5 =	sld [smem:$0x3FB1]  }
0x2b: {  	s6 =	sld [smem:$0x3FB2]  }
0x2c: {  	s7 =	sld [smem:$0x3FB3]  }
0x2d: {  	s3 =	simm.s32 $0x108;
	s8 =	sld [smem:$0x3FB4]  }
0x2e: {  	s3 =	simm.s32 @!p0 $0x1082;
	s9 =	sld [smem:$0x3FB5]  }
0x2f: {  	lr =	sadd.s32 s0, s3;
	s0 =	sld [smem:$0x3FAC]  }
0x30: {  	s3 =	sld [smem:$0x3FAF]  }
0x31: {  	[smem:$0x3FB8] =	sst s10  }
0x32: {  	s10 =	sld [smem:$0x3FB6];
	_ =	sdelay $0x3  }
0x33: {  	p0 =	seq.s32 s10, $0x1;
	s10 =	sld [smem:$0x3FB8];
	_ =	sdelay $0x3  }
0x34: {  	[smem:$0x3FB8] =	sst s10  }
0x35: {  	s10 =	sld [smem:$0x3FB7];
	_ =	sdelay $0x3  }
0x36: {  	p1 =	seq.s32 s10, $0x1;
	s10 =	sld [smem:$0x3FB8];
	_ =	sdelay $0x3  }
0x37: {  	[smem:$0x3FB8] =	sst s10  }
0x38: {  	s10 =	sld [smem:$0x3FB9]  }
0x39: {  	_ = 	snop;
	(pc) =	sbr.ind lr, $3  }
0x3a: {  	_ = 	snop  }
0x3b: {  	_ = 	snop  }
0x3c: {  	p2 =	seq.s32 s10, $0x1;
	s10 =	sld [smem:$0x3FB8]  }
0x3d: {  	_ =	shalt  }
0x3e: {  	_ =	shalt  }
0x3f: {  	_ =	shalt  }
0x40: {  	_ =	shalt  }
0x41: {  	_ =	shalt  }
0x42: {  	_ =	shalt  }
0x43: {  	_ =	shalt  }
0x44: {  	_ =	shalt  }
0x45: {  	_ =	shalt  }
0x46: {  	_ =	shalt  }
0x47: {  	_ =	shalt  }
0x48: {  	_ =	shalt  }
0x49: {  	_ =	shalt  }
0x4a: {  	_ =	shalt  }
0x4b: {  	_ =	shalt  }
0x4c: {  	_ =	shalt  }
0x4d: {  	_ =	shalt  }
0x4e: {  	_ =	shalt  }
0x4f: {  	_ =	shalt  }
0x50: {  	_ =	shalt  }
0x51: {  	_ =	shalt  }
0x52: {  	_ =	shalt  }
0x53: {  	_ =	shalt  }
0x54: {  	_ =	shalt  }
0x55: {  	_ =	shalt  }
0x56: {  	_ =	shalt  }
0x57: {  	_ =	shalt  }
0x58: {  	_ =	shalt  }
0x59: {  	_ =	shalt  }
0x5a: {  	_ =	shalt  }
0x5b: {  	_ =	shalt  }
0x5c: {  	_ =	shalt  }
0x5d: {  	_ =	shalt  }
0x5e: {  	_ =	shalt  }
0x5f: {  	_ =	shalt  }
0x60: {  	_ =	shalt  }
0x61: {  	_ =	shalt  }
0x62: {  	_ =	shalt  }
0x63: {  	_ =	shalt  }
0x64: {  	_ =	shalt  }
0x65: {  	_ =	shalt  }
0x66: {  	_ =	shalt  }
0x67: {  	_ =	shalt  }
0x68: {  	_ =	shalt  }
0x69: {  	_ =	shalt  }
0x6a: {  	_ =	shalt  }
0x6b: {  	_ =	shalt  }
0x6c: {  	_ =	shalt  }
0x6d: {  	_ =	shalt  }
0x6e: {  	_ =	shalt  }
0x6f: {  	_ =	shalt  }
0x70: {  	_ =	shalt  }
0x71: {  	_ =	shalt  }
0x72: {  	_ =	shalt  }
0x73: {  	_ =	shalt  }
0x74: {  	_ =	shalt  }
0x75: {  	_ =	shalt  }
0x76: {  	_ =	shalt  }
0x77: {  	_ =	shalt  }
0x78: {  	_ =	shalt  }
0x79: {  	_ =	shalt  }
0x7a: {  	_ =	shalt  }
0x7b: {  	_ =	shalt  }
0x7c: {  	_ =	shalt  }
0x7d: {  	_ =	shalt  }
0x7e: {  	_ =	shalt  }
0x7f: {  	_ =	shalt  }
0x80: {  	_ =	shalt  }
0x81: {  	_ =	shalt  }
0x82: {  	_ =	shalt  }
0x83: {  	_ =	shalt  }
0x84: {  	_ =	shalt  }
0x85: {  	_ =	shalt  }
0x86: {  	_ =	shalt  }
0x87: {  	_ =	shalt  }
.Lfunc_end0:
.L_simem_size_0:
called_computation.4_lowered:
.L_overlay_start_0:
0x88: {  	s2 =	sld [smem:$0x3FD9]  }
0x89: {  	s3 =	sld [smem:$0x3FFE];
	_ =	sdelay $0x1  }
0x8a: {  	s1 =	srdreg.scid  }
0x8b: {  	s0 =	sand.u32 $0x1, s1  }
0x8c: {  	s17 =	sshll.u32 s0, $0xA;
	s2 =	sadd.s32 s3, s2  }
0x8d: {  	s2 =	sadd.s32 s2, s17  }
0x8e: {  	[smem:$0x3FC4] =	sst s2  }
0x8f: {  	_ = 	snop  }
0x90: {  	s2 =	sld [smem:$0x3FD0];
	(tm) =	ssettm $0x1  }
0x91: {  	s18 =	sld [smem:$0x3FFB];
	_ =	sdelay $0x3  }
0x92: {  	_ =	strace s18  }
0x93: {  	s3 =	sld [smem:$0x3FFC];
	_ =	sdelay $0x3  }
0x94: {  	_ =	strace s3  }
0x95: {  	s3 =	sld [smem:$0x3FFD];
	_ =	sdelay $0x3  }
0x96: {  	_ =	strace s3  }
0x97: {  	_ =	strace $0x8FFFFFFF  }
0x98: {  	s19 =	sld [smem:$0x3FDB];
	_ =	sdelay $0x1  }
0x99: {  	s4 =	simm.s32 $_scs_section_size  }
0x9a: {  	s5 =	simm.s32 $_size__tile_overlayer_lowered;
	s6 =	simm.s32 $_tile_overlayer_lowered  }
0x9b: {  	s22 =	simm.s32 $0x1BFF;
	s21 =	sshll.u32 s6, $0x1;
	s3 =	sadd.s32 s4, s19  }
0x9c: {  	s7 =	simm.s32 $0x0;
	s20 =	sshll.u32 s5, $0x1;
	s5 =	sadd.s32 s21, s3  }
0x9d: {  	[timem:s7], [sflag:s22] =	dma.local [hbm:s5], s20  }
0x9e: {  	_ =	swait.ge [sflag:s22], s20  }
0x9f: {  	s4 =	ssub.s32 $0x0, s20;
	[sflag:s22] =	ssyncset.done $0x0  }
0xa0: {  	[sflag:s22] =	ssyncadd.s32 s4;
	_ =	sdelay $0x1  }
0xa1: {  	s23 =	simm.s32 $0x1B8B  }
0xa2: {  	_ =	swait.ge [sflag:s23], $0x1  }
0xa3: {  	[sflag:s23] =	ssyncset.done $0x0  }
0xa4: {  	s25 =	simm.s32 $0x1B8E;
	s24 =	sld [smem:$0x3FFE];
	[sflag:s23] =	ssyncadd.s32 $0xFFFFFFFF  }
0xa5: {  	s26 =	simm.s32 $execute0_lowered;
	[smem:$0x3FD2] =	sst s25  }
0xa6: {  	s5 =	sshll.u32 s26, $0x1;
	_ =	strace $0x8000004F;
	[dreg:$0x1] =	wrdreg $0xFFFFFFFF  }
0xa7: {  	s28 =	simm.s32 $_size_execute0_lowered;
	s3 =	sadd.s32 s3, s5;
	[dreg:$0x0] =	wrdreg $0x0  }
0xa8: {  	s5 =	sshll.u32 s28, $0x1;
	[dreg:$0x2] =	wrdreg s3  }
0xa9: {  	[dreg:$0x3] =	wrdreg s5  }
0xaa: {  	[dreg:$0x4] =	wrdreg $0xC0  }
0xab: {  	_ =	task [dreg:s7], $0x5FFFF  }
0xac: {  	[dreg:$0x1] =	wrdreg $0xFFFFFFFF  }
0xad: {  	[dreg:$0x0] =	wrdreg $0x60  }
0xae: {  	[dreg:$0x2] =	wrdreg s24  }
0xaf: {  	[dreg:$0x3] =	wrdreg s2  }
0xb0: {  	[dreg:$0x4] =	wrdreg $0x9  }
0xb1: {  	_ =	task.clear_ibuf [dreg:s7], $0x5FFFF;
	_ =	strace $0x9000004F  }
0xb2: {  	s29 =	simm.s32 $0x9;
	_ =	strace $0x80000051  }
0xb3: {  	_ =	swait.ge [sflag:s29], $0x1  }
0xb4: {  	[sflag:s29] =	ssyncadd.s32 $0xFFFFFFFF  }
0xb5: {  	_ =	strace $0x90000051  }
0xb6: {  	_ =	sfence  }
0xb7: {  	s30 =	sld [smem:$0x0];
	_ =	sdelay $0x2  }
0xb8: {  	s31 =	sshll.u32 s1, $0xD;
	s1 =	sshrl.u32 s1, $0x2  }
0xb9: {  	s3 =	sand.u32 $0x4000, s31;
	s1 =	sadd.s32 s1, s30  }
0xba: {  	s0 =	sor.u32 s3, s0;
	s1 =	sshll.u32 s1, $0x11  }
0xbb: {  	s0 =	sor.u32 s1, s0  }
0xbc: {  	s0 =	sadd.s32 $0x8F2B, s0  }
0xbd: {  	[sflag:s0] =	ssyncadd.remote.s32 $0x1  }
0xbe: {  	_ =	sfence.sel $0xFFFF  }
0xbf: {  	[dreg:$0x0] =	wrdreg $0xFFFFFFFF;
	(pc) =	sbr.abs _section_cstart, $3  }
0xc0: {  	[dreg:$0x1] =	wrdreg $0xFFFFFFFF  }
0xc1: {  	_ =	task.clear_ibuf [dreg:s7], $0x2FFFF;
	_ =	strace $0x9FFFFFFF  }
0xc2: {  	(tm) =	ssettm $0x7FFFFFFF  }
0xc3: {  	_ =	shalt  }
tec
execute0_lowered:
.L_overlay_start_1:
0x0: {  	(tag) =	ssettag $0x1  }
0x1: {  	s0 =	rddreg [dreg:$0x0]  }
0x2: {  	s2 =	rddreg [dreg:$0x1]  }
0x3: {  	s1 =	srdreg.scid;
	s9 =	stileid.u32;
	s3 =	simm.s32 $0x0  }
0x4: {  	s15 =	simm.s32 $0x2;
	s16 =	simm.s32 $0xF000;
	s17 =	simm.s32 $0x3  }
0x5: {  	v5 =	vlaneseq.u32;
	s18 =	simm.s32 $0x0;
	s1 =	sand.u32 $0x1, s1;
	s11 =	sshrl.u32 s9, $0x1  }
0x6: {  	s4 =	sshll.u32 s9, $0x1;
	[smem:$0x7FF] =	sst s3;
	v5 =	vand.u32 $0x7, v5;
	s30 =	sshll.u32 s11, $0xE  }
0x7: {  	s5 =	sadd.s32 $0x42C00, s0;
	_ =	strace $0x80000050;
	s13 =	sshll.u32 s11, $0x10;
	[tilespmem:$0x1FF90] =	vst v5;
	v0 =	vmov s30  }
0x8: {  	s7 =	sadd.s32 $0x82C00, s0;
	s8 =	sadd.s32 $0x182C00, s0;
	s31 =	sshll.u32 s11, $0x12;
	v1 =	vmov s13;
	[tilespmem:$0x1FFA0] =	vst v0  }
.Ltmp0:
0x9: {  	s10 =	sor.u32 s1, s4;
	s1 =	ssub.s32 $0x2, s1;
	v4 =	vmov s31;
	[tilespmem:$0x1FFB0] =	vst v1;
	(pc) =	sbr.rel .LBB2_1-.Ltmp0, $4  }
0xa: {  	s4 =	sadd.s32 $0x2C00, s0;
	s6 =	sshll.u32 s10, $0x11;
	s29 =	sshrl.u32 s1, $0x1;
	v2 =	vor.u32 $0x80, v0;
	[tilespmem:$0x1FFE0] =	vst v4  }
0xb: {  	s9 =	sshll.u32 s10, $0x10;
	s14 =	sshll.u32 s10, $0xD;
	s12 =	sadd.s32 s6, s0;
	v3 =	vor.u32 $0x100, v1;
	[tilespmem:$0x1FFC0] =	vst v2  }
0xc: {  	v8 =	vimm.f32 $1.000000000e+00;
	vm0 =	vcmask $0x1F00;
	s6 =	sadd.s32 $0x4F82C00, s0;
	s0 =	ssub.s32 s1, s29;
	s10 =	sadd.s32 s4, s14;
	v6 =	vor.u32 $0x200, v4;
	[tilespmem:$0x1FFD0] =	vst v3  }
0xd: {  	v52 =	vsel vm0, $0x0, v8;
	s11 =	sadd.s32 s5, s14;
	s12 =	sadd.s32 $0x582C00, s12;
	s13 =	smax.u32 s0, $0x1;
	[tilespmem:$0x1FFF0] =	vst v6  }
.LBB2_7:
0xe: {  	_ =	swait.ge [sflag:s17], $0xC00  }
0xf: {  	[sflag:s17] =	ssyncset.done $0x0  }
0x10: {  	[sflag:s17] =	ssyncadd.s32 $0xFFFFF400  }
0x11: {  	_ =	swait.ge [sflag:s17], $0xC00  }
0x12: {  	[sflag:s17] =	ssyncset.done $0x0  }
0x13: {  	s18 =	sadd.s32 $0x1, s18;
	[sflag:s17] =	ssyncadd.s32 $0xFFFFF400  }
0x14: {  	p0 =	sne.s32 s18, s13;
	_ =	swait.ge [sflag:s17], $0xC00  }
.Ltmp1:
0x15: {  	[sflag:s17] =	ssyncset.done $0x0;
	(pc) =	sbr.rel @!p0 .LBB2_8-.Ltmp1, $4  }
0x16: {  	[sflag:s17] =	ssyncadd.s32 $0xFFFFF400  }
0x17: {  	_ =	swait.ge [sflag:s17], $0xC00  }
0x18: {  	[sflag:s17] =	ssyncset.done $0x0  }
0x19: {  	[sflag:s17] =	ssyncadd.s32 $0xFFFFF400  }
.LBB2_1:
.Ltmp2:
0x1a: {  	(pc) =	sbr.rel .LBB2_2-.Ltmp2, $4  }
0x1b: {  	_ = 	snop  }
0x1c: {  	[tilespmem:s3], [sflag:$0x1] =	stream.linear.gather [hbm4b:s10+s3], $0x80, $0x38;
	[tilespmem:$0x12000] =	vst v63  }
0x1d: {  	s0 =	simm.s32 $0x200;
	s19 =	simm.s32 $0x1;
	s20 =	simm.s32 $0x0  }
0x1e: {  	[tilespmem:s0], [sflag:$0x1] =	stream.linear.gather [hbm4b:s11+s3], $0x80, $0x38;
	[tilespmem:$0x12000] =	vst v63  }
.LBB2_6:
0x1f: {  	s20 =	sadd.s32 $0x1, s20  }
0x20: {  	p0 =	sne.s32 s20, $0x203  }
.Ltmp3:
0x21: {  	_ = 	snop;
	(pc) =	sbr.rel @!p0 .LBB2_7-.Ltmp3, $2  }
0x22: {  	_ =	sdelay $0x2  }
0x23: {  	s19 =	sadd.s32 $0x1, s19  }
.LBB2_2:
0x24: {  	p0 =	sgt.u32 s20, $0x1FF  }
0x25: {  	s0 =	simm.s32 @!p0 $0x1;
	p1 =	seq.s32 @!p0 s20, $0x1FF  }
0x26: {  	_ =	swait.ge @!p0 [sflag:s0], $0x80;
	p1 =	por p1, p0  }
0x27: {  	[sflag:s0] =	ssyncset.done @!p0 $0x0;
	s1 =	sshll.u32 @!p1 s20, $0x7  }
0x28: {  	[sflag:s0] =	ssyncadd.s32 @!p0 $0xFFFFFF80;
	s1 =	sadd.s32 @!p1 $0x80, s1  }
0x29: {  	_ =	swait.ge @!p0 [sflag:s0], $0x80;
	s14 =	sadd.s32 @!p1 s9, s1  }
0x2a: {  	s21 =	simm.s32 @!p1 $0x0;
	[sflag:s0] =	ssyncset.done @!p0 $0x0;
	s14 =	sshrl.u32 @!p1 s14, $0x3  }
0x2b: {  	s1 =	sand.u32 @!p1 $0x180, s1;
	[sflag:s0] =	ssyncadd.s32 @!p0 $0xFFFFFF80;
	s0 =	sadd.s32 @!p1 s4, s14  }
0x2c: {  	[tilespmem:s1], [sflag:$0x1] =	stream.linear.gather @!p1 [hbm4b:s0+s21], $0x80, $0x38;
	[tilespmem:$0x12000] =	vst v63  }
0x2d: {  	s14 =	sadd.s32 @!p1 s5, s14;
	s0 =	sand.u32 @!p0 $0x3, s20;
	s1 =	sor.u32 @!p1 $0x200, s1  }
0x2e: {  	[tilespmem:s1], [sflag:$0x1] =	stream.linear.gather @!p1 [hbm4b:s14+s21], $0x80, $0x38;
	[tilespmem:$0x12000] =	vst v63  }
0x2f: {  	s14 =	sshll.u32 @!p0 s0, $0x7  }
0x30: {  	v9 =	vld @!p0 [tilespmem:s14+$0x0]  }
0x31: {  	v10 =	vld @!p0 [tilespmem:s14+$0x200];
	_ =	sdelay $0x3  }
0x32: {  	v11 =	vmul.f32 @!p0 $6.400000000e+01, v9  }
0x33: {  	v12 =	vmul.f32 @!p0 $6.400000000e+01, v10  }
0x34: {  	v13 =	vmul.f32 @!p0 $1.280000000e+02, v9;
	v11 =	vadd.f32 @!p0 $6.350000000e+01, v11  }
0x35: {  	v14 =	vmul.f32 @!p0 $1.280000000e+02, v10;
	v10 =	vmul.f32 @!p0 $2.560000000e+02, v10;
	v12 =	vadd.f32 @!p0 $6.350000000e+01, v12  }
0x36: {  	v9 =	vmul.f32 @!p0 $2.560000000e+02, v9;
	v11 =	vtrunc.f32 @!p0 v11  }
0x37: {  	v13 =	vadd.f32 @!p0 $1.275000000e+02, v13;
	v12 =	vtrunc.f32 @!p0 v12;
	v11 =	vcvt.f32.s32 @!p0 v11  }
0x38: {  	v14 =	vadd.f32 @!p0 $1.275000000e+02, v14;
	v10 =	vadd.f32 @!p0 $2.555000000e+02, v10;
	v12 =	vcvt.f32.s32 @!p0 v12  }
0x39: {  	v9 =	vadd.f32 @!p0 $2.555000000e+02, v9;
	v13 =	vtrunc.f32 @!p0 v13;
	vm0 =	vgt.s32 @!p0 v11, $0x0  }
0x3a: {  	v14 =	vtrunc.f32 @!p0 v14;
	v11 =	vnsel @!p0 vm0, $0x0, v11;
	vm0 =	vgt.s32 @!p0 v12, $0x0  }
0x3b: {  	v10 =	vtrunc.f32 @!p0 v10;
	v9 =	vtrunc.f32 @!p0 v9;
	v12 =	vnsel @!p0 vm0, $0x0, v12  }
0x3c: {  	v13 =	vcvt.f32.s32 @!p0 v13;
	v14 =	vcvt.f32.s32 @!p0 v14;
	v15 =	vmin.u32 @!p0 v12, $0x7F  }
0x3d: {  	v10 =	vcvt.f32.s32 @!p0 v10;
	v11 =	vmin.u32 @!p0 v11, $0x7F;
	v15 =	vshll.u32 @!p0 v15, $0x7  }
0x3e: {  	vm0 =	vgt.s32 @!p0 v13, $0x0;
	v12 =	vmin.u32 @!p0 v12, $0x7E;
	v15 =	vor.u32 @!p0 v0, v15  }
0x3f: {  	v12 =	vshll.u32 @!p0 v12, $0x7;
	v15 =	vor.u32 @!p0 v11, v15;
	v11 =	vor.u32 @!p0 v11, v2  }
0x40: {  	v11 =	vadd.s32 @!p0 v12, v11;
	v12 =	vnsel @!p0 vm0, $0x0, v13;
	vm0 =	vgt.s32 @!p0 v14, $0x0  }
0x41: {  	v9 =	vcvt.f32.s32 @!p0 v9;
	v13 =	vnsel @!p0 vm0, $0x0, v14  }
0x42: {  	s1 =	smul.u32 @!p0 $0xC00, s0;
	v12 =	vmin.u32 @!p0 v12, $0xFF;
	vm0 =	vgt.s32 @!p0 v10, $0x0;
	v14 =	vmin.u32 @!p0 v13, $0xFF  }
0x43: {  	v13 =	vmin.u32 @!p0 v13, $0xFE;
	v10 =	vnsel @!p0 vm0, $0x0, v10;
	v14 =	vshll.u32 @!p0 v14, $0x8  }
0x44: {  	s1 =	sshrl.u32 @!p0 s1, $0x2;
	vm0 =	vgt.s32 @!p0 v9, $0x0;
	v13 =	vshll.u32 @!p0 v13, $0x8;
	v14 =	vor.u32 @!p0 v1, v14  }
0x45: {  	[tilespmem:s1+$0x2400] =	vst @!p0 v15;
	v15 =	vmin.u32 @!p0 v10, $0x1FF;
	v14 =	vor.u32 @!p0 v12, v14;
	v12 =	vor.u32 @!p0 v12, v3  }
0x46: {  	[tilespmem:s1+$0x2480] =	vst @!p0 v11;
	v9 =	vnsel @!p0 vm0, $0x0, v9;
	v11 =	vadd.s32 @!p0 v13, v12;
	v12 =	vshll.u32 @!p0 v15, $0x9  }
0x47: {  	v10 =	vmin.u32 @!p0 v10, $0x1FE;
	v9 =	vmin.u32 @!p0 v9, $0x1FF;
	[tilespmem:s1+$0x2500] =	vst @!p0 v14;
	v12 =	vor.u32 @!p0 v4, v12  }
0x48: {  	v10 =	vshll.u32 @!p0 v10, $0x9;
	[tilespmem:s1+$0x2580] =	vst @!p0 v11;
	v11 =	vor.u32 @!p0 v9, v12;
	v9 =	vor.u32 @!p0 v9, v6  }
0x49: {  	[tilespmem:s1+$0x2600] =	vst @!p0 v11;
	v9 =	vadd.s32 @!p0 v10, v9  }
0x4a: {  	[tilespmem:s1+$0x2680] =	vst @!p0 v9  }
0x4b: {  	v9 =	vld @!p0 [tilespmem:s14+$0x10]  }
0x4c: {  	v10 =	vld @!p0 [tilespmem:s14+$0x210];
	_ =	sdelay $0x3  }
0x4d: {  	v11 =	vmul.f32 @!p0 $6.400000000e+01, v9  }
0x4e: {  	v12 =	vmul.f32 @!p0 $6.400000000e+01, v10  }
0x4f: {  	v13 =	vmul.f32 @!p0 $1.280000000e+02, v9;
	v11 =	vadd.f32 @!p0 $6.350000000e+01, v11  }
0x50: {  	v14 =	vmul.f32 @!p0 $1.280000000e+02, v10;
	v10 =	vmul.f32 @!p0 $2.560000000e+02, v10;
	v12 =	vadd.f32 @!p0 $6.350000000e+01, v12  }
0x51: {  	v9 =	vmul.f32 @!p0 $2.560000000e+02, v9;
	v11 =	vtrunc.f32 @!p0 v11  }
0x52: {  	v13 =	vadd.f32 @!p0 $1.275000000e+02, v13;
	v12 =	vtrunc.f32 @!p0 v12;
	v11 =	vcvt.f32.s32 @!p0 v11  }
0x53: {  	v14 =	vadd.f32 @!p0 $1.275000000e+02, v14;
	v10 =	vadd.f32 @!p0 $2.555000000e+02, v10;
	v12 =	vcvt.f32.s32 @!p0 v12  }
0x54: {  	v9 =	vadd.f32 @!p0 $2.555000000e+02, v9;
	v13 =	vtrunc.f32 @!p0 v13;
	vm0 =	vgt.s32 @!p0 v11, $0x0  }
0x55: {  	v14 =	vtrunc.f32 @!p0 v14;
	v11 =	vnsel @!p0 vm0, $0x0, v11;
	vm0 =	vgt.s32 @!p0 v12, $0x0  }
0x56: {  	v10 =	vtrunc.f32 @!p0 v10;
	v9 =	vtrunc.f32 @!p0 v9;
	v12 =	vnsel @!p0 vm0, $0x0, v12  }
0x57: {  	v13 =	vcvt.f32.s32 @!p0 v13;
	v14 =	vcvt.f32.s32 @!p0 v14;
	v15 =	vmin.u32 @!p0 v12, $0x7F  }
0x58: {  	v10 =	vcvt.f32.s32 @!p0 v10;
	v11 =	vmin.u32 @!p0 v11, $0x7F;
	v15 =	vshll.u32 @!p0 v15, $0x7  }
0x59: {  	vm0 =	vgt.s32 @!p0 v13, $0x0;
	v12 =	vmin.u32 @!p0 v12, $0x7E;
	v15 =	vor.u32 @!p0 v0, v15  }
0x5a: {  	v12 =	vshll.u32 @!p0 v12, $0x7;
	v15 =	vor.u32 @!p0 v11, v15;
	v11 =	vor.u32 @!p0 v11, v2  }
0x5b: {  	v11 =	vadd.s32 @!p0 v12, v11;
	v12 =	vnsel @!p0 vm0, $0x0, v13;
	vm0 =	vgt.s32 @!p0 v14, $0x0  }
0x5c: {  	v9 =	vcvt.f32.s32 @!p0 v9;
	v13 =	vnsel @!p0 vm0, $0x0, v14  }
0x5d: {  	v12 =	vmin.u32 @!p0 v12, $0xFF;
	vm0 =	vgt.s32 @!p0 v10, $0x0;
	v14 =	vmin.u32 @!p0 v13, $0xFF  }
0x5e: {  	v13 =	vmin.u32 @!p0 v13, $0xFE;
	v10 =	vnsel @!p0 vm0, $0x0, v10;
	v14 =	vshll.u32 @!p0 v14, $0x8  }
0x5f: {  	vm0 =	vgt.s32 @!p0 v9, $0x0;
	v13 =	vshll.u32 @!p0 v13, $0x8;
	v14 =	vor.u32 @!p0 v1, v14  }
0x60: {  	[tilespmem:s1+$0x2410] =	vst @!p0 v15;
	v15 =	vmin.u32 @!p0 v10, $0x1FF;
	v14 =	vor.u32 @!p0 v12, v14;
	v12 =	vor.u32 @!p0 v12, v3  }
0x61: {  	[tilespmem:s1+$0x2490] =	vst @!p0 v11;
	v9 =	vnsel @!p0 vm0, $0x0, v9;
	v11 =	vadd.s32 @!p0 v13, v12;
	v12 =	vshll.u32 @!p0 v15, $0x9  }
0x62: {  	v10 =	vmin.u32 @!p0 v10, $0x1FE;
	v9 =	vmin.u32 @!p0 v9, $0x1FF;
	[tilespmem:s1+$0x2510] =	vst @!p0 v14;
	v12 =	vor.u32 @!p0 v4, v12  }
0x63: {  	v10 =	vshll.u32 @!p0 v10, $0x9;
	[tilespmem:s1+$0x2590] =	vst @!p0 v11;
	v11 =	vor.u32 @!p0 v9, v12;
	v9 =	vor.u32 @!p0 v9, v6  }
0x64: {  	[tilespmem:s1+$0x2610] =	vst @!p0 v11;
	v9 =	vadd.s32 @!p0 v10, v9  }
0x65: {  	[tilespmem:s1+$0x2690] =	vst @!p0 v9  }
0x66: {  	v9 =	vld @!p0 [tilespmem:s14+$0x20]  }
0x67: {  	v10 =	vld @!p0 [tilespmem:s14+$0x220];
	_ =	sdelay $0x3  }
0x68: {  	v11 =	vmul.f32 @!p0 $6.400000000e+01, v9  }
0x69: {  	v12 =	vmul.f32 @!p0 $6.400000000e+01, v10  }
0x6a: {  	v13 =	vmul.f32 @!p0 $1.280000000e+02, v9;
	v11 =	vadd.f32 @!p0 $6.350000000e+01, v11  }
0x6b: {  	v14 =	vmul.f32 @!p0 $1.280000000e+02, v10;
	v10 =	vmul.f32 @!p0 $2.560000000e+02, v10;
	v12 =	vadd.f32 @!p0 $6.350000000e+01, v12  }
0x6c: {  	v9 =	vmul.f32 @!p0 $2.560000000e+02, v9;
	v11 =	vtrunc.f32 @!p0 v11  }
0x6d: {  	v13 =	vadd.f32 @!p0 $1.275000000e+02, v13;
	v12 =	vtrunc.f32 @!p0 v12;
	v11 =	vcvt.f32.s32 @!p0 v11  }
0x6e: {  	v14 =	vadd.f32 @!p0 $1.275000000e+02, v14;
	v10 =	vadd.f32 @!p0 $2.555000000e+02, v10;
	v12 =	vcvt.f32.s32 @!p0 v12  }
0x6f: {  	v9 =	vadd.f32 @!p0 $2.555000000e+02, v9;
	v13 =	vtrunc.f32 @!p0 v13;
	vm0 =	vgt.s32 @!p0 v11, $0x0  }
0x70: {  	v14 =	vtrunc.f32 @!p0 v14;
	v11 =	vnsel @!p0 vm0, $0x0, v11;
	vm0 =	vgt.s32 @!p0 v12, $0x0  }
0x71: {  	v10 =	vtrunc.f32 @!p0 v10;
	v9 =	vtrunc.f32 @!p0 v9;
	v12 =	vnsel @!p0 vm0, $0x0, v12  }
0x72: {  	v13 =	vcvt.f32.s32 @!p0 v13;
	v14 =	vcvt.f32.s32 @!p0 v14;
	v15 =	vmin.u32 @!p0 v12, $0x7F  }
0x73: {  	v10 =	vcvt.f32.s32 @!p0 v10;
	v11 =	vmin.u32 @!p0 v11, $0x7F;
	v15 =	vshll.u32 @!p0 v15, $0x7  }
0x74: {  	vm0 =	vgt.s32 @!p0 v13, $0x0;
	v12 =	vmin.u32 @!p0 v12, $0x7E;
	v15 =	vor.u32 @!p0 v0, v15  }
0x75: {  	v12 =	vshll.u32 @!p0 v12, $0x7;
	v15 =	vor.u32 @!p0 v11, v15;
	v11 =	vor.u32 @!p0 v11, v2  }
0x76: {  	v11 =	vadd.s32 @!p0 v12, v11;
	v12 =	vnsel @!p0 vm0, $0x0, v13;
	vm0 =	vgt.s32 @!p0 v14, $0x0  }
0x77: {  	v9 =	vcvt.f32.s32 @!p0 v9;
	v13 =	vnsel @!p0 vm0, $0x0, v14  }
0x78: {  	v12 =	vmin.u32 @!p0 v12, $0xFF;
	vm0 =	vgt.s32 @!p0 v10, $0x0;
	v14 =	vmin.u32 @!p0 v13, $0xFF  }
0x79: {  	v13 =	vmin.u32 @!p0 v13, $0xFE;
	v10 =	vnsel @!p0 vm0, $0x0, v10;
	v14 =	vshll.u32 @!p0 v14, $0x8  }
0x7a: {  	vm0 =	vgt.s32 @!p0 v9, $0x0;
	v13 =	vshll.u32 @!p0 v13, $0x8;
	v14 =	vor.u32 @!p0 v1, v14  }
0x7b: {  	[tilespmem:s1+$0x2420] =	vst @!p0 v15;
	v15 =	vmin.u32 @!p0 v10, $0x1FF;
	v14 =	vor.u32 @!p0 v12, v14;
	v12 =	vor.u32 @!p0 v12, v3  }
0x7c: {  	[tilespmem:s1+$0x24A0] =	vst @!p0 v11;
	v9 =	vnsel @!p0 vm0, $0x0, v9;
	v11 =	vadd.s32 @!p0 v13, v12;
	v12 =	vshll.u32 @!p0 v15, $0x9  }
0x7d: {  	v10 =	vmin.u32 @!p0 v10, $0x1FE;
	v9 =	vmin.u32 @!p0 v9, $0x1FF;
	[tilespmem:s1+$0x2520] =	vst @!p0 v14;
	v12 =	vor.u32 @!p0 v4, v12  }
0x7e: {  	v10 =	vshll.u32 @!p0 v10, $0x9;
	[tilespmem:s1+$0x25A0] =	vst @!p0 v11;
	v11 =	vor.u32 @!p0 v9, v12;
	v9 =	vor.u32 @!p0 v9, v6  }
0x7f: {  	[tilespmem:s1+$0x2620] =	vst @!p0 v11;
	v9 =	vadd.s32 @!p0 v10, v9  }
0x80: {  	[tilespmem:s1+$0x26A0] =	vst @!p0 v9  }
0x81: {  	v9 =	vld @!p0 [tilespmem:s14+$0x30]  }
0x82: {  	v10 =	vld @!p0 [tilespmem:s14+$0x230];
	_ =	sdelay $0x3  }
0x83: {  	v11 =	vmul.f32 @!p0 $6.400000000e+01, v9  }
0x84: {  	v12 =	vmul.f32 @!p0 $6.400000000e+01, v10  }
0x85: {  	v13 =	vmul.f32 @!p0 $1.280000000e+02, v9;
	v11 =	vadd.f32 @!p0 $6.350000000e+01, v11  }
0x86: {  	v14 =	vmul.f32 @!p0 $1.280000000e+02, v10;
	v10 =	vmul.f32 @!p0 $2.560000000e+02, v10;
	v12 =	vadd.f32 @!p0 $6.350000000e+01, v12  }
0x87: {  	v9 =	vmul.f32 @!p0 $2.560000000e+02, v9;
	v11 =	vtrunc.f32 @!p0 v11  }
0x88: {  	v13 =	vadd.f32 @!p0 $1.275000000e+02, v13;
	v12 =	vtrunc.f32 @!p0 v12;
	v11 =	vcvt.f32.s32 @!p0 v11  }
0x89: {  	v14 =	vadd.f32 @!p0 $1.275000000e+02, v14;
	v10 =	vadd.f32 @!p0 $2.555000000e+02, v10;
	v12 =	vcvt.f32.s32 @!p0 v12  }
0x8a: {  	v9 =	vadd.f32 @!p0 $2.555000000e+02, v9;
	v13 =	vtrunc.f32 @!p0 v13;
	vm0 =	vgt.s32 @!p0 v11, $0x0  }
0x8b: {  	v14 =	vtrunc.f32 @!p0 v14;
	v11 =	vnsel @!p0 vm0, $0x0, v11;
	vm0 =	vgt.s32 @!p0 v12, $0x0  }
0x8c: {  	v10 =	vtrunc.f32 @!p0 v10;
	v9 =	vtrunc.f32 @!p0 v9;
	v12 =	vnsel @!p0 vm0, $0x0, v12  }
0x8d: {  	v13 =	vcvt.f32.s32 @!p0 v13;
	v14 =	vcvt.f32.s32 @!p0 v14;
	v15 =	vmin.u32 @!p0 v12, $0x7F  }
0x8e: {  	v10 =	vcvt.f32.s32 @!p0 v10;
	v11 =	vmin.u32 @!p0 v11, $0x7F;
	v15 =	vshll.u32 @!p0 v15, $0x7  }
0x8f: {  	vm0 =	vgt.s32 @!p0 v13, $0x0;
	v12 =	vmin.u32 @!p0 v12, $0x7E;
	v15 =	vor.u32 @!p0 v0, v15  }
0x90: {  	v12 =	vshll.u32 @!p0 v12, $0x7;
	v15 =	vor.u32 @!p0 v11, v15;
	v11 =	vor.u32 @!p0 v11, v2  }
0x91: {  	v11 =	vadd.s32 @!p0 v12, v11;
	v12 =	vnsel @!p0 vm0, $0x0, v13;
	vm0 =	vgt.s32 @!p0 v14, $0x0  }
0x92: {  	v9 =	vcvt.f32.s32 @!p0 v9;
	v13 =	vnsel @!p0 vm0, $0x0, v14  }
0x93: {  	v12 =	vmin.u32 @!p0 v12, $0xFF;
	vm0 =	vgt.s32 @!p0 v10, $0x0;
	v14 =	vmin.u32 @!p0 v13, $0xFF  }
0x94: {  	v13 =	vmin.u32 @!p0 v13, $0xFE;
	v10 =	vnsel @!p0 vm0, $0x0, v10;
	v14 =	vshll.u32 @!p0 v14, $0x8  }
0x95: {  	vm0 =	vgt.s32 @!p0 v9, $0x0;
	v13 =	vshll.u32 @!p0 v13, $0x8;
	v14 =	vor.u32 @!p0 v1, v14  }
0x96: {  	[tilespmem:s1+$0x2430] =	vst @!p0 v15;
	v15 =	vmin.u32 @!p0 v10, $0x1FF;
	v14 =	vor.u32 @!p0 v12, v14;
	v12 =	vor.u32 @!p0 v12, v3  }
0x97: {  	[tilespmem:s1+$0x24B0] =	vst @!p0 v11;
	v9 =	vnsel @!p0 vm0, $0x0, v9;
	v11 =	vadd.s32 @!p0 v13, v12;
	v12 =	vshll.u32 @!p0 v15, $0x9  }
0x98: {  	v10 =	vmin.u32 @!p0 v10, $0x1FE;
	v9 =	vmin.u32 @!p0 v9, $0x1FF;
	[tilespmem:s1+$0x2530] =	vst @!p0 v14;
	v12 =	vor.u32 @!p0 v4, v12  }
0x99: {  	v10 =	vshll.u32 @!p0 v10, $0x9;
	[tilespmem:s1+$0x25B0] =	vst @!p0 v11;
	v11 =	vor.u32 @!p0 v9, v12;
	v9 =	vor.u32 @!p0 v9, v6  }
0x9a: {  	[tilespmem:s1+$0x2630] =	vst @!p0 v11;
	v9 =	vadd.s32 @!p0 v10, v9  }
0x9b: {  	[tilespmem:s1+$0x26B0] =	vst @!p0 v9  }
0x9c: {  	v9 =	vld @!p0 [tilespmem:s14+$0x40]  }
0x9d: {  	v10 =	vld @!p0 [tilespmem:s14+$0x240];
	_ =	sdelay $0x3  }
0x9e: {  	v11 =	vmul.f32 @!p0 $6.400000000e+01, v9  }
0x9f: {  	v12 =	vmul.f32 @!p0 $6.400000000e+01, v10  }
0xa0: {  	v13 =	vmul.f32 @!p0 $1.280000000e+02, v9;
	v11 =	vadd.f32 @!p0 $6.350000000e+01, v11  }
0xa1: {  	v14 =	vmul.f32 @!p0 $1.280000000e+02, v10;
	v10 =	vmul.f32 @!p0 $2.560000000e+02, v10;
	v12 =	vadd.f32 @!p0 $6.350000000e+01, v12  }
0xa2: {  	v9 =	vmul.f32 @!p0 $2.560000000e+02, v9;
	v11 =	vtrunc.f32 @!p0 v11  }
0xa3: {  	v13 =	vadd.f32 @!p0 $1.275000000e+02, v13;
	v12 =	vtrunc.f32 @!p0 v12;
	v11 =	vcvt.f32.s32 @!p0 v11  }
0xa4: {  	v14 =	vadd.f32 @!p0 $1.275000000e+02, v14;
	v10 =	vadd.f32 @!p0 $2.555000000e+02, v10;
	v12 =	vcvt.f32.s32 @!p0 v12  }
0xa5: {  	v9 =	vadd.f32 @!p0 $2.555000000e+02, v9;
	v13 =	vtrunc.f32 @!p0 v13;
	vm0 =	vgt.s32 @!p0 v11, $0x0  }
0xa6: {  	v14 =	vtrunc.f32 @!p0 v14;
	v11 =	vnsel @!p0 vm0, $0x0, v11;
	vm0 =	vgt.s32 @!p0 v12, $0x0  }
0xa7: {  	v10 =	vtrunc.f32 @!p0 v10;
	v9 =	vtrunc.f32 @!p0 v9;
	v12 =	vnsel @!p0 vm0, $0x0, v12  }
0xa8: {  	v13 =	vcvt.f32.s32 @!p0 v13;
	v14 =	vcvt.f32.s32 @!p0 v14;
	v15 =	vmin.u32 @!p0 v12, $0x7F  }
0xa9: {  	v10 =	vcvt.f32.s32 @!p0 v10;
	v11 =	vmin.u32 @!p0 v11, $0x7F;
	v15 =	vshll.u32 @!p0 v15, $0x7  }
0xaa: {  	vm0 =	vgt.s32 @!p0 v13, $0x0;
	v12 =	vmin.u32 @!p0 v12, $0x7E;
	v15 =	vor.u32 @!p0 v0, v15  }
0xab: {  	v12 =	vshll.u32 @!p0 v12, $0x7;
	v15 =	vor.u32 @!p0 v11, v15;
	v11 =	vor.u32 @!p0 v11, v2  }
0xac: {  	v11 =	vadd.s32 @!p0 v12, v11;
	v12 =	vnsel @!p0 vm0, $0x0, v13;
	vm0 =	vgt.s32 @!p0 v14, $0x0  }
0xad: {  	v9 =	vcvt.f32.s32 @!p0 v9;
	v13 =	vnsel @!p0 vm0, $0x0, v14  }
0xae: {  	v12 =	vmin.u32 @!p0 v12, $0xFF;
	vm0 =	vgt.s32 @!p0 v10, $0x0;
	v14 =	vmin.u32 @!p0 v13, $0xFF  }
0xaf: {  	v13 =	vmin.u32 @!p0 v13, $0xFE;
	v10 =	vnsel @!p0 vm0, $0x0, v10;
	v14 =	vshll.u32 @!p0 v14, $0x8  }
0xb0: {  	vm0 =	vgt.s32 @!p0 v9, $0x0;
	v13 =	vshll.u32 @!p0 v13, $0x8;
	v14 =	vor.u32 @!p0 v1, v14  }
0xb1: {  	[tilespmem:s1+$0x2440] =	vst @!p0 v15;
	v15 =	vmin.u32 @!p0 v10, $0x1FF;
	v14 =	vor.u32 @!p0 v12, v14;
	v12 =	vor.u32 @!p0 v12, v3  }
0xb2: {  	[tilespmem:s1+$0x24C0] =	vst @!p0 v11;
	v9 =	vnsel @!p0 vm0, $0x0, v9;
	v11 =	vadd.s32 @!p0 v13, v12;
	v12 =	vshll.u32 @!p0 v15, $0x9  }
0xb3: {  	v10 =	vmin.u32 @!p0 v10, $0x1FE;
	v9 =	vmin.u32 @!p0 v9, $0x1FF;
	[tilespmem:s1+$0x2540] =	vst @!p0 v14;
	v12 =	vor.u32 @!p0 v4, v12  }
0xb4: {  	v10 =	vshll.u32 @!p0 v10, $0x9;
	[tilespmem:s1+$0x25C0] =	vst @!p0 v11;
	v11 =	vor.u32 @!p0 v9, v12;
	v9 =	vor.u32 @!p0 v9, v6  }
0xb5: {  	[tilespmem:s1+$0x2640] =	vst @!p0 v11;
	v9 =	vadd.s32 @!p0 v10, v9  }
0xb6: {  	[tilespmem:s1+$0x26C0] =	vst @!p0 v9  }
0xb7: {  	v9 =	vld @!p0 [tilespmem:s14+$0x50]  }
0xb8: {  	v10 =	vld @!p0 [tilespmem:s14+$0x250];
	_ =	sdelay $0x3  }
0xb9: {  	v11 =	vmul.f32 @!p0 $6.400000000e+01, v9  }
0xba: {  	v12 =	vmul.f32 @!p0 $6.400000000e+01, v10  }
0xbb: {  	v13 =	vmul.f32 @!p0 $1.280000000e+02, v9;
	v11 =	vadd.f32 @!p0 $6.350000000e+01, v11  }
0xbc: {  	v14 =	vmul.f32 @!p0 $1.280000000e+02, v10;
	v10 =	vmul.f32 @!p0 $2.560000000e+02, v10;
	v12 =	vadd.f32 @!p0 $6.350000000e+01, v12  }
0xbd: {  	v9 =	vmul.f32 @!p0 $2.560000000e+02, v9;
	v11 =	vtrunc.f32 @!p0 v11  }
0xbe: {  	v13 =	vadd.f32 @!p0 $1.275000000e+02, v13;
	v12 =	vtrunc.f32 @!p0 v12;
	v11 =	vcvt.f32.s32 @!p0 v11  }
0xbf: {  	v14 =	vadd.f32 @!p0 $1.275000000e+02, v14;
	v10 =	vadd.f32 @!p0 $2.555000000e+02, v10;
	v12 =	vcvt.f32.s32 @!p0 v12  }
0xc0: {  	v9 =	vadd.f32 @!p0 $2.555000000e+02, v9;
	v13 =	vtrunc.f32 @!p0 v13;
	vm0 =	vgt.s32 @!p0 v11, $0x0  }
0xc1: {  	v14 =	vtrunc.f32 @!p0 v14;
	v11 =	vnsel @!p0 vm0, $0x0, v11;
	vm0 =	vgt.s32 @!p0 v12, $0x0  }
0xc2: {  	v10 =	vtrunc.f32 @!p0 v10;
	v9 =	vtrunc.f32 @!p0 v9;
	v12 =	vnsel @!p0 vm0, $0x0, v12  }
0xc3: {  	v13 =	vcvt.f32.s32 @!p0 v13;
	v14 =	vcvt.f32.s32 @!p0 v14;
	v15 =	vmin.u32 @!p0 v12, $0x7F  }
0xc4: {  	v10 =	vcvt.f32.s32 @!p0 v10;
	v11 =	vmin.u32 @!p0 v11, $0x7F;
	v15 =	vshll.u32 @!p0 v15, $0x7  }
0xc5: {  	vm0 =	vgt.s32 @!p0 v13, $0x0;
	v12 =	vmin.u32 @!p0 v12, $0x7E;
	v15 =	vor.u32 @!p0 v0, v15  }
0xc6: {  	v12 =	vshll.u32 @!p0 v12, $0x7;
	v15 =	vor.u32 @!p0 v11, v15;
	v11 =	vor.u32 @!p0 v11, v2  }
0xc7: {  	v11 =	vadd.s32 @!p0 v12, v11;
	v12 =	vnsel @!p0 vm0, $0x0, v13;
	vm0 =	vgt.s32 @!p0 v14, $0x0  }
0xc8: {  	v9 =	vcvt.f32.s32 @!p0 v9;
	v13 =	vnsel @!p0 vm0, $0x0, v14  }
0xc9: {  	v12 =	vmin.u32 @!p0 v12, $0xFF;
	vm0 =	vgt.s32 @!p0 v10, $0x0;
	v14 =	vmin.u32 @!p0 v13, $0xFF  }
0xca: {  	v13 =	vmin.u32 @!p0 v13, $0xFE;
	v10 =	vnsel @!p0 vm0, $0x0, v10;
	v14 =	vshll.u32 @!p0 v14, $0x8  }
0xcb: {  	vm0 =	vgt.s32 @!p0 v9, $0x0;
	v13 =	vshll.u32 @!p0 v13, $0x8;
	v14 =	vor.u32 @!p0 v1, v14  }
0xcc: {  	[tilespmem:s1+$0x2450] =	vst @!p0 v15;
	v15 =	vmin.u32 @!p0 v10, $0x1FF;
	v14 =	vor.u32 @!p0 v12, v14;
	v12 =	vor.u32 @!p0 v12, v3  }
0xcd: {  	[tilespmem:s1+$0x24D0] =	vst @!p0 v11;
	v9 =	vnsel @!p0 vm0, $0x0, v9;
	v11 =	vadd.s32 @!p0 v13, v12;
	v12 =	vshll.u32 @!p0 v15, $0x9  }
0xce: {  	v10 =	vmin.u32 @!p0 v10, $0x1FE;
	v9 =	vmin.u32 @!p0 v9, $0x1FF;
	[tilespmem:s1+$0x2550] =	vst @!p0 v14;
	v12 =	vor.u32 @!p0 v4, v12  }
0xcf: {  	v10 =	vshll.u32 @!p0 v10, $0x9;
	[tilespmem:s1+$0x25D0] =	vst @!p0 v11;
	v11 =	vor.u32 @!p0 v9, v12;
	v9 =	vor.u32 @!p0 v9, v6  }
0xd0: {  	[tilespmem:s1+$0x2650] =	vst @!p0 v11;
	v9 =	vadd.s32 @!p0 v10, v9  }
0xd1: {  	[tilespmem:s1+$0x26D0] =	vst @!p0 v9  }
0xd2: {  	v9 =	vld @!p0 [tilespmem:s14+$0x60]  }
0xd3: {  	v10 =	vld @!p0 [tilespmem:s14+$0x260];
	_ =	sdelay $0x3  }
0xd4: {  	v11 =	vmul.f32 @!p0 $6.400000000e+01, v9  }
0xd5: {  	v12 =	vmul.f32 @!p0 $6.400000000e+01, v10  }
0xd6: {  	v13 =	vmul.f32 @!p0 $1.280000000e+02, v9;
	v11 =	vadd.f32 @!p0 $6.350000000e+01, v11  }
0xd7: {  	v14 =	vmul.f32 @!p0 $1.280000000e+02, v10;
	v10 =	vmul.f32 @!p0 $2.560000000e+02, v10;
	v12 =	vadd.f32 @!p0 $6.350000000e+01, v12  }
0xd8: {  	v9 =	vmul.f32 @!p0 $2.560000000e+02, v9;
	v11 =	vtrunc.f32 @!p0 v11  }
0xd9: {  	v13 =	vadd.f32 @!p0 $1.275000000e+02, v13;
	v12 =	vtrunc.f32 @!p0 v12;
	v11 =	vcvt.f32.s32 @!p0 v11  }
0xda: {  	v14 =	vadd.f32 @!p0 $1.275000000e+02, v14;
	v10 =	vadd.f32 @!p0 $2.555000000e+02, v10;
	v12 =	vcvt.f32.s32 @!p0 v12  }
0xdb: {  	v9 =	vadd.f32 @!p0 $2.555000000e+02, v9;
	v13 =	vtrunc.f32 @!p0 v13;
	vm0 =	vgt.s32 @!p0 v11, $0x0  }
0xdc: {  	v14 =	vtrunc.f32 @!p0 v14;
	v11 =	vnsel @!p0 vm0, $0x0, v11;
	vm0 =	vgt.s32 @!p0 v12, $0x0  }
0xdd: {  	v10 =	vtrunc.f32 @!p0 v10;
	v9 =	vtrunc.f32 @!p0 v9;
	v12 =	vnsel @!p0 vm0, $0x0, v12  }
0xde: {  	v13 =	vcvt.f32.s32 @!p0 v13;
	v14 =	vcvt.f32.s32 @!p0 v14;
	v15 =	vmin.u32 @!p0 v12, $0x7F  }
0xdf: {  	v10 =	vcvt.f32.s32 @!p0 v10;
	v11 =	vmin.u32 @!p0 v11, $0x7F;
	v15 =	vshll.u32 @!p0 v15, $0x7  }
0xe0: {  	vm0 =	vgt.s32 @!p0 v13, $0x0;
	v12 =	vmin.u32 @!p0 v12, $0x7E;
	v15 =	vor.u32 @!p0 v0, v15  }
0xe1: {  	v12 =	vshll.u32 @!p0 v12, $0x7;
	v15 =	vor.u32 @!p0 v11, v15;
	v11 =	vor.u32 @!p0 v11, v2  }
0xe2: {  	v11 =	vadd.s32 @!p0 v12, v11;
	v12 =	vnsel @!p0 vm0, $0x0, v13;
	vm0 =	vgt.s32 @!p0 v14, $0x0  }
0xe3: {  	v9 =	vcvt.f32.s32 @!p0 v9;
	v13 =	vnsel @!p0 vm0, $0x0, v14  }
0xe4: {  	v12 =	vmin.u32 @!p0 v12, $0xFF;
	vm0 =	vgt.s32 @!p0 v10, $0x0;
	v14 =	vmin.u32 @!p0 v13, $0xFF  }
0xe5: {  	v13 =	vmin.u32 @!p0 v13, $0xFE;
	v10 =	vnsel @!p0 vm0, $0x0, v10;
	v14 =	vshll.u32 @!p0 v14, $0x8  }
0xe6: {  	vm0 =	vgt.s32 @!p0 v9, $0x0;
	v13 =	vshll.u32 @!p0 v13, $0x8;
	v14 =	vor.u32 @!p0 v1, v14  }
0xe7: {  	[tilespmem:s1+$0x2460] =	vst @!p0 v15;
	v15 =	vmin.u32 @!p0 v10, $0x1FF;
	v14 =	vor.u32 @!p0 v12, v14;
	v12 =	vor.u32 @!p0 v12, v3  }
0xe8: {  	[tilespmem:s1+$0x24E0] =	vst @!p0 v11;
	v9 =	vnsel @!p0 vm0, $0x0, v9;
	v11 =	vadd.s32 @!p0 v13, v12;
	v12 =	vshll.u32 @!p0 v15, $0x9  }
0xe9: {  	v10 =	vmin.u32 @!p0 v10, $0x1FE;
	v9 =	vmin.u32 @!p0 v9, $0x1FF;
	[tilespmem:s1+$0x2560] =	vst @!p0 v14;
	v12 =	vor.u32 @!p0 v4, v12  }
0xea: {  	v10 =	vshll.u32 @!p0 v10, $0x9;
	[tilespmem:s1+$0x25E0] =	vst @!p0 v11;
	v11 =	vor.u32 @!p0 v9, v12;
	v9 =	vor.u32 @!p0 v9, v6  }
0xeb: {  	[tilespmem:s1+$0x2660] =	vst @!p0 v11;
	v9 =	vadd.s32 @!p0 v10, v9  }
0xec: {  	[tilespmem:s1+$0x26E0] =	vst @!p0 v9  }
0xed: {  	v9 =	vld @!p0 [tilespmem:s14+$0x70]  }
0xee: {  	v10 =	vld @!p0 [tilespmem:s14+$0x270];
	_ =	sdelay $0x3  }
0xef: {  	v11 =	vmul.f32 @!p0 $6.400000000e+01, v9  }
0xf0: {  	v12 =	vmul.f32 @!p0 $6.400000000e+01, v10  }
0xf1: {  	v13 =	vmul.f32 @!p0 $1.280000000e+02, v9;
	v11 =	vadd.f32 @!p0 $6.350000000e+01, v11  }
0xf2: {  	v14 =	vmul.f32 @!p0 $1.280000000e+02, v10;
	v10 =	vmul.f32 @!p0 $2.560000000e+02, v10;
	v12 =	vadd.f32 @!p0 $6.350000000e+01, v12  }
0xf3: {  	v9 =	vmul.f32 @!p0 $2.560000000e+02, v9;
	v11 =	vtrunc.f32 @!p0 v11  }
0xf4: {  	v13 =	vadd.f32 @!p0 $1.275000000e+02, v13;
	v12 =	vtrunc.f32 @!p0 v12;
	v11 =	vcvt.f32.s32 @!p0 v11  }
0xf5: {  	v14 =	vadd.f32 @!p0 $1.275000000e+02, v14;
	v10 =	vadd.f32 @!p0 $2.555000000e+02, v10;
	v12 =	vcvt.f32.s32 @!p0 v12  }
0xf6: {  	v9 =	vadd.f32 @!p0 $2.555000000e+02, v9;
	v13 =	vtrunc.f32 @!p0 v13;
	vm0 =	vgt.s32 @!p0 v11, $0x0  }
0xf7: {  	v14 =	vtrunc.f32 @!p0 v14;
	v11 =	vnsel @!p0 vm0, $0x0, v11;
	vm0 =	vgt.s32 @!p0 v12, $0x0  }
0xf8: {  	v10 =	vtrunc.f32 @!p0 v10;
	v9 =	vtrunc.f32 @!p0 v9;
	v12 =	vnsel @!p0 vm0, $0x0, v12  }
0xf9: {  	v13 =	vcvt.f32.s32 @!p0 v13;
	v14 =	vcvt.f32.s32 @!p0 v14;
	v15 =	vmin.u32 @!p0 v12, $0x7F  }
0xfa: {  	v10 =	vcvt.f32.s32 @!p0 v10;
	v11 =	vmin.u32 @!p0 v11, $0x7F;
	v15 =	vshll.u32 @!p0 v15, $0x7  }
0xfb: {  	vm0 =	vgt.s32 @!p0 v13, $0x0;
	v12 =	vmin.u32 @!p0 v12, $0x7E;
	v15 =	vor.u32 @!p0 v0, v15  }
0xfc: {  	v12 =	vshll.u32 @!p0 v12, $0x7;
	v15 =	vor.u32 @!p0 v11, v15;
	v11 =	vor.u32 @!p0 v11, v2  }
0xfd: {  	v11 =	vadd.s32 @!p0 v12, v11;
	v12 =	vnsel @!p0 vm0, $0x0, v13;
	vm0 =	vgt.s32 @!p0 v14, $0x0  }
0xfe: {  	v9 =	vcvt.f32.s32 @!p0 v9;
	v13 =	vnsel @!p0 vm0, $0x0, v14  }
0xff: {  	v12 =	vmin.u32 @!p0 v12, $0xFF;
	vm0 =	vgt.s32 @!p0 v10, $0x0;
	v14 =	vmin.u32 @!p0 v13, $0xFF  }
0x100: {  	v13 =	vmin.u32 @!p0 v13, $0xFE;
	v10 =	vnsel @!p0 vm0, $0x0, v10;
	v14 =	vshll.u32 @!p0 v14, $0x8  }
0x101: {  	vm0 =	vgt.s32 @!p0 v9, $0x0;
	v13 =	vshll.u32 @!p0 v13, $0x8;
	v14 =	vor.u32 @!p0 v1, v14  }
0x102: {  	[tilespmem:s1+$0x2470] =	vst @!p0 v15;
	v15 =	vmin.u32 @!p0 v10, $0x1FF;
	v14 =	vor.u32 @!p0 v12, v14;
	v12 =	vor.u32 @!p0 v12, v3  }
0x103: {  	[tilespmem:s1+$0x24F0] =	vst @!p0 v11;
	v9 =	vnsel @!p0 vm0, $0x0, v9;
	v11 =	vadd.s32 @!p0 v13, v12;
	v12 =	vshll.u32 @!p0 v15, $0x9  }
0x104: {  	v10 =	vmin.u32 @!p0 v10, $0x1FE;
	v9 =	vmin.u32 @!p0 v9, $0x1FF;
	[tilespmem:s1+$0x2570] =	vst @!p0 v14;
	v12 =	vor.u32 @!p0 v4, v12  }
0x105: {  	s14 =	sshll.u32 @!p0 s0, $0xB;
	s0 =	smul.u32 @!p0 $0xC000, s0;
	v10 =	vshll.u32 @!p0 v10, $0x9;
	[tilespmem:s1+$0x25F0] =	vst @!p0 v11;
	v11 =	vor.u32 @!p0 v9, v12;
	v9 =	vor.u32 @!p0 v9, v6  }
0x106: {  	s22 =	simm.s32 @!p0 $0x0;
	s21 =	sshll.u32 @!p0 s20, $0x8;
	[tilespmem:s1+$0x2670] =	vst @!p0 v11;
	v9 =	vadd.s32 @!p0 v10, v9  }
0x107: {  	s21 =	sadd.s32 @!p0 s21, s12;
	s14 =	sor.u32 @!p0 $0x400, s14;
	s0 =	sshrl.u32 @!p0 s0, $0x2;
	[tilespmem:s1+$0x26F0] =	vst @!p0 v9  }
0x108: {  	[tilespmem:s14], [sflag:$0x2] =	stream.linear.gather @!p0 [hbm4b:s21+s22], $0x800, $0x38;
	[tilespmem:$0x12000] =	vst v63  }
0x109: {  	s14 =	sadd.s32 @!p0 $0x2400, s1;
	s21 =	sadd.s32 @!p0 $0x3000, s0;
	s22 =	simm.s32 @!p0 $0x80  }
0x10a: {  	[tilespmem:s21], [sflag:$0x2] =	stream.indirect.gather @!p0 [hbm4b:s6+s22], $0x10, s14, s22, $0xb8;
	[tilespmem:$0x12000] =	vst v63  }
0x10b: {  	s14 =	sadd.s32 @!p0 $0x2480, s1;
	s21 =	sadd.s32 @!p0 $0x3800, s0  }
0x10c: {  	[tilespmem:s21], [sflag:$0x2] =	stream.indirect.gather @!p0 [hbm4b:s6+s22], $0x10, s14, s22, $0xb8;
	[tilespmem:$0x12000] =	vst v63  }
0x10d: {  	s14 =	sadd.s32 @!p0 $0x2500, s1;
	s21 =	sadd.s32 @!p0 $0x4000, s0  }
0x10e: {  	[tilespmem:s21], [sflag:$0x2] =	stream.indirect.gather @!p0 [hbm4b:s7+s22], $0x10, s14, s22, $0xb8;
	[tilespmem:$0x12000] =	vst v63  }
0x10f: {  	s14 =	sadd.s32 @!p0 $0x2580, s1;
	s21 =	sadd.s32 @!p0 $0x4800, s0  }
0x110: {  	[tilespmem:s21], [sflag:$0x2] =	stream.indirect.gather @!p0 [hbm4b:s7+s22], $0x10, s14, s22, $0xb8;
	[tilespmem:$0x12000] =	vst v63  }
0x111: {  	s14 =	sadd.s32 @!p0 $0x2600, s1;
	s21 =	sadd.s32 @!p0 $0x5000, s0  }
0x112: {  	[tilespmem:s21], [sflag:$0x2] =	stream.indirect.gather @!p0 [hbm4b:s8+s22], $0x10, s14, s22, $0xb8;
	[tilespmem:$0x12000] =	vst v63  }
0x113: {  	p1 =	slt.u32 @!p0 s20, $0x3;
	s1 =	sadd.s32 @!p0 $0x2680, s1;
	s0 =	sadd.s32 @!p0 $0x5800, s0  }
0x114: {  	[tilespmem:s0], [sflag:$0x2] =	stream.indirect.gather @!p0 [hbm4b:s8+s22], $0x10, s1, s22, $0xb8;
	[tilespmem:$0x12000] =	vst v63  }
0x115: {  	p0 =	por p0, !p1  }
.Ltmp4:
0x116: {  	_ = 	snop;
	(pc) =	sbr.rel @!p0 .LBB2_6-.Ltmp4, $1  }
0x117: {  	_ =	sdelay $0x3  }
0x118: {  	_ =	swait.ge [sflag:s15], $0x800  }
0x119: {  	[sflag:s15] =	ssyncset.done $0x0  }
0x11a: {  	[sflag:s15] =	ssyncadd.s32 $0xFFFFF800  }
0x11b: {  	_ =	swait.ge [sflag:s15], $0x800  }
0x11c: {  	[sflag:s15] =	ssyncset.done $0x0  }
0x11d: {  	[sflag:s15] =	ssyncadd.s32 $0xFFFFF800  }
0x11e: {  	_ =	swait.ge [sflag:s15], $0x800  }
0x11f: {  	[sflag:s15] =	ssyncset.done $0x0  }
0x120: {  	[sflag:s15] =	ssyncadd.s32 $0xFFFFF800  }
0x121: {  	_ =	swait.ge [sflag:s15], $0x800  }
0x122: {  	[sflag:s15] =	ssyncset.done $0x0  }
0x123: {  	[sflag:s15] =	ssyncadd.s32 $0xFFFFF800  }
0x124: {  	_ =	swait.ge [sflag:s15], $0x800  }
0x125: {  	[sflag:s15] =	ssyncset.done $0x0  }
0x126: {  	[sflag:s15] =	ssyncadd.s32 $0xFFFFF800  }
0x127: {  	_ =	swait.ge [sflag:s15], $0x800  }
0x128: {  	[sflag:s15] =	ssyncset.done $0x0  }
0x129: {  	[sflag:s15] =	ssyncadd.s32 $0xFFFFF800  }
0x12a: {  	_ =	swait.ge [sflag:s15], $0x800  }
0x12b: {  	p0 =	slt.u32 s20, $0x7;
	[sflag:s15] =	ssyncset.done $0x0  }
0x12c: {  	s0 =	simm.s32 @!p0 $0x3;
	[sflag:s15] =	ssyncadd.s32 $0xFFFFF800  }
0x12d: {  	s1 =	sand.u32 $0x3, s19;
	_ =	swait.ge @!p0 [sflag:s0], $0xC00  }
0x12e: {  	s14 =	sshll.u32 s1, $0xB;
	[sflag:s0] =	ssyncset.done @!p0 $0x0  }
0x12f: {  	s26 =	sor.u32 $0x440, s14;
	[sflag:s0] =	ssyncadd.s32 @!p0 $0xFFFFF400  }
0x130: {  	v13 =	vld [tilespmem:s26+$0x30]  }
0x131: {  	v18 =	vld [tilespmem:s26+$0xFFFFFFD0]  }
0x132: {  	v17 =	vld [tilespmem:s26+$0xFFFFFFE0]  }
0x133: {  	v14 =	vld [tilespmem:s26+$0xFFFFFFF0]  }
0x134: {  	v16 =	vld [tilespmem:s26+$0x20]  }
0x135: {  	v19 =	vld [tilespmem:s26+$0xFFFFFFC0]  }
0x136: {  	v9 =	vmul.f32 $6.400000000e+01, v13;
	v11 =	vmul.f32 $6.400000000e+01, v18  }
0x137: {  	v20 =	vmul.f32 $1.280000000e+02, v18;
	v21 =	vmul.f32 $6.400000000e+01, v17  }
0x138: {  	v23 =	vmul.f32 $1.280000000e+02, v17;
	v24 =	vmul.f32 $6.400000000e+01, v14  }
0x139: {  	v27 =	vmul.f32 $1.280000000e+02, v14;
	v29 =	vmul.f32 $1.280000000e+02, v13  }
0x13a: {  	v32 =	vmul.f32 $6.400000000e+01, v16;
	v33 =	vmul.f32 $6.400000000e+01, v19;
	v9 =	vadd.f32 $6.350000000e+01, v9  }
0x13b: {  	v12 =	vld [tilespmem:s26+$0x0];
	v13 =	vmul.f32 $2.560000000e+02, v13;
	v49 =	vmul.f32 $1.280000000e+02, v19  }
0x13c: {  	v15 =	vld [tilespmem:s26+$0x10];
	v19 =	vmul.f32 $2.560000000e+02, v19;
	v10 =	vtrunc.f32 v9  }
0x13d: {  	v0 =	vlaneseq.u32;
	v18 =	vmul.f32 $2.560000000e+02, v18;
	v10 =	vcvt.f32.s32 v10  }
0x13e: {  	v17 =	vmul.f32 $2.560000000e+02, v17;
	v14 =	vmul.f32 $2.560000000e+02, v14;
	v26 =	vadd.f32 $6.350000000e+01, v11  }
0x13f: {  	v30 =	vadd.f32 $6.350000000e+01, v21;
	v24 =	vadd.f32 $6.350000000e+01, v24;
	v10 =	vcvt.s32.f32 v10  }
0x140: {  	v11 =	vmul.f32 $6.400000000e+01, v12;
	v32 =	vadd.f32 $6.350000000e+01, v32;
	v33 =	vadd.f32 $6.350000000e+01, v33  }
0x141: {  	v21 =	vmul.f32 $6.400000000e+01, v15;
	v13 =	vadd.f32 $2.555000000e+02, v13;
	v10 =	vsub.f32 v9, v10  }
0x142: {  	v31 =	vtrunc.f32 v26;
	v34 =	vadd.f32 $6.350000000e+01, v11;
	v9 =	vmul.u32 $0xFFFFFFFF, v0  }
0x143: {  	v11 =	vtrunc.f32 v30;
	v36 =	vadd.f32 $6.350000000e+01, v21;
	v22 =	vsub.f32 $1.000000000e+00, v10  }
0x144: {  	v21 =	vtrunc.f32 v24;
	v40 =	vtrunc.f32 v32;
	v9 =	vadd.s32 $0xF, v9  }
0x145: {  	v29 =	vadd.f32 $1.275000000e+02, v29;
	v10 =	vperm.xlane v10, v9;
	v25 =	vperm.xlane v22, v9  }
0x146: {  	v20 =	vadd.f32 $1.275000000e+02, v20;
	v41 =	vtrunc.f32 v33;
	v56 =	vtrunc.f32 v13  }
0x147: {  	s31 =	smul.u32 $0xC000, s1;
	v53 =	vcvt.f32.s32 v11;
	v10 =	vsub.f32 v10, v22;
	v28 =	vsub.f32 v22, v25  }
0x148: {  	v27 =	vadd.f32 $1.275000000e+02, v27;
	v54 =	vcvt.f32.s32 v21;
	v40 =	vcvt.f32.s32 v40  }
0x149: {  	s0 =	sshrl.u32 s31, $0x2;
	v49 =	vadd.f32 $1.275000000e+02, v49;
	v10 =	vmul.f32 v52, v10;
	v28 =	vmul.f32 v52, v28  }
0x14a: {  	s21 =	sadd.s32 $0x4800, s0;
	v19 =	vadd.f32 $2.555000000e+02, v19;
	v37 =	vtrunc.f32 v34;
	v38 =	vtrunc.f32 v36  }
0x14b: {  	v10 =	vadd.f32 v10, v22;
	v22 =	vadd.f32 v28, v25;
	v25 =	vld [tilespmem:s21+$0xFFFFE870];
	v28 =	vtrunc.f32 v29  }
0x14c: {  	v18 =	vadd.f32 $2.555000000e+02, v18;
	v37 =	vcvt.f32.s32 v37;
	v0 =	vld [tilespmem:$0x1FF90];
	v28 =	vcvt.f32.s32 v28  }
0x14d: {  	s1 =	sadd.s32 $0xFFFFFFFD, s20;
	v35 =	vld [tilespmem:s21+$0xFFFFF070];
	v17 =	vadd.f32 $2.555000000e+02, v17;
	v38 =	vcvt.f32.s32 v38;
	v60 =	vcvt.s32.f32 v40  }
0x14e: {  	s0 =	sand.u32 $0x3, s1;
	v14 =	vadd.f32 $2.555000000e+02, v14;
	v22 =	vmul.f32 v10, v22;
	v28 =	vcvt.s32.f32 v28  }
0x14f: {  	s14 =	smul.u32 $0xC00, s0;
	v58 =	vcvt.s32.f32 v37;
	v59 =	vcvt.s32.f32 v38;
	v32 =	vsub.f32 v32, v60  }
0x150: {  	v39 =	vsub.f32 v10, v22;
	v28 =	vsub.f32 v29, v28;
	v22 =	vmul.f32 v22, v25  }
0x151: {  	v1 =	vor.u32 s14, v0;
	v29 =	vcvt.f32.s32 v31;
	v31 =	vcvt.f32.s32 v41  }
0x152: {  	s23 =	sor.u32 $0x8, s14;
	v25 =	vmul.f32 v39, v35;
	v35 =	vcvt.f32.s32 v56;
	v51 =	vsub.f32 $1.000000000e+00, v28  }
0x153: {  	v2 =	vor.u32 s23, v0;
	v31 =	vcvt.s32.f32 v31;
	v29 =	vcvt.s32.f32 v29  }
0x154: {  	v21 =	vadd.f32 v25, v22;
	v25 =	vperm.xlane v28, v9;
	v28 =	vperm.xlane v51, v9  }
0x155: {  	s22 =	simm.s32 $0xA8;
	v31 =	vsub.f32 v33, v31;
	v26 =	vsub.f32 v26, v29;
	v29 =	vcvt.s32.f32 v54  }
0x156: {  	v22 =	vadd.s32 s22, v1;
	v25 =	vsub.f32 v25, v51;
	v43 =	vsub.f32 v51, v28  }
0x157: {  	v42 =	vperm.xlane v21, v9;
	v24 =	vsub.f32 v24, v29;
	v29 =	vsub.f32 v34, v58  }
0x158: {  	v62 =	vperm.xlane v26, v9;
	v26 =	vsub.f32 $1.000000000e+00, v26;
	v58 =	vmul.f32 $1.280000000e+02, v12  }
0x159: {  	v12 =	vmul.f32 $2.560000000e+02, v12;
	v21 =	vadd.f32 v21, v42;
	v25 =	vmul.f32 v52, v25  }
0x15a: {  	v55 =	vmul.f32 v52, v43;
	v7 =	vperm.xlane v26, v9;
	v41 =	vsub.f32 $1.000000000e+00, v29  }
0x15b: {  	v29 =	vperm.xlane v29, v9;
	v34 =	vsub.f32 v62, v26;
	v62 =	vmul.f32 $1.280000000e+02, v16  }
0x15c: {  	s24 =	simm.s32 $0x18;
	v16 =	vmul.f32 $2.560000000e+02, v16;
	v12 =	vadd.f32 $2.555000000e+02, v12;
	[tilespmem:v22+s16+$0x0] =	vst.idx.msk $0xff, v21;
	v22 =	vadd.f32 v25, v51  }
0x15d: {  	v21 =	vadd.f32 $1.275000000e+02, v23;
	v23 =	vcvt.s32.f32 v53;
	v53 =	vadd.s32 s24, v1  }
0x15e: {  	v25 =	vadd.f32 v55, v28;
	v56 =	vperm.xlane v41, v9;
	v48 =	vsub.f32 v26, v7  }
0x15f: {  	v29 =	vsub.f32 v29, v41;
	v34 =	vmul.f32 v52, v34;
	v16 =	vadd.f32 $2.555000000e+02, v16  }
0x160: {  	v23 =	vsub.f32 v30, v23;
	v30 =	vcvt.s32.f32 v35;
	v35 =	vsub.f32 $1.000000000e+00, v32  }
0x161: {  	v32 =	vperm.xlane v32, v9;
	v25 =	vmul.f32 v25, v22;
	v51 =	vsub.f32 v41, v56  }
0x162: {  	v28 =	vld [tilespmem:s21+$0xFFFFF870];
	v48 =	vmul.f32 v52, v48;
	v29 =	vmul.f32 v52, v29;
	v26 =	vadd.f32 v34, v26  }
0x163: {  	v13 =	vsub.f32 v13, v30;
	v30 =	vsub.f32 v36, v59;
	v4 =	vperm.xlane v23, v9  }
0x164: {  	v23 =	vsub.f32 $1.000000000e+00, v23;
	v36 =	vsub.f32 $1.000000000e+00, v24;
	v24 =	vperm.xlane v24, v9  }
0x165: {  	v47 =	vperm.xlane v35, v9;
	v32 =	vsub.f32 v32, v35;
	v22 =	vsub.f32 v22, v25  }
0x166: {  	v57 =	vld [tilespmem:s21+$0x70];
	v40 =	vadd.f32 v48, v7;
	v51 =	vmul.f32 v52, v51;
	v29 =	vadd.f32 v29, v41  }
0x167: {  	v25 =	vmul.f32 v25, v28;
	v28 =	vperm.xlane v31, v9;
	v61 =	vsub.f32 $1.000000000e+00, v13  }
0x168: {  	v13 =	vperm.xlane v13, v9;
	v31 =	vsub.f32 $1.000000000e+00, v31;
	v42 =	vsub.f32 $1.000000000e+00, v30  }
0x169: {  	v55 =	vperm.xlane v36, v9;
	v30 =	vperm.xlane v30, v9;
	v60 =	vsub.f32 v35, v47  }
0x16a: {  	v37 =	vsub.f32 v4, v23;
	v24 =	vsub.f32 v24, v36;
	v32 =	vmul.f32 v52, v32  }
0x16b: {  	v4 =	vtrunc.f32 v21;
	v22 =	vmul.f32 v22, v57;
	v43 =	vadd.f32 v51, v56  }
0x16c: {  	v40 =	vmul.f32 v26, v40;
	v63 =	vperm.xlane v61, v9;
	v13 =	vsub.f32 v13, v61  }
0x16d: {  	v6 =	vperm.xlane v31, v9;
	v45 =	vperm.xlane v42, v9;
	v57 =	vsub.f32 v36, v55  }
0x16e: {  	v28 =	vsub.f32 v28, v31;
	v30 =	vsub.f32 v30, v42;
	v48 =	vmul.f32 v52, v60  }
0x16f: {  	v37 =	vmul.f32 v52, v37;
	v24 =	vmul.f32 v52, v24;
	v32 =	vadd.f32 v32, v35  }
0x170: {  	v22 =	vadd.f32 v22, v25;
	v25 =	vadd.s32 s22, v2;
	v26 =	vsub.f32 v26, v40  }
0x171: {  	v43 =	vmul.f32 v29, v43;
	v5 =	vsub.f32 v61, v63;
	v13 =	vmul.f32 v52, v13  }
0x172: {  	v46 =	vsub.f32 v31, v6;
	v33 =	vmul.f32 v52, v57;
	v28 =	vmul.f32 v52, v28  }
0x173: {  	v30 =	vmul.f32 v52, v30;
	v47 =	vadd.f32 v48, v47;
	v24 =	vadd.f32 v24, v36  }
0x174: {  	v60 =	vld [tilespmem:s21+$0xFFFFF040];
	v3 =	vperm.xlane v22, v9;
	v29 =	vsub.f32 v29, v43;
	v38 =	vmul.f32 v52, v5  }
0x175: {  	v13 =	vadd.f32 v13, v61;
	v46 =	vmul.f32 v52, v46;
	v61 =	vmul.f32 $1.280000000e+02, v15  }
0x176: {  	v33 =	vadd.f32 v33, v55;
	v5 =	vtrunc.f32 v27;
	v28 =	vadd.f32 v28, v31  }
0x177: {  	v57 =	vld [tilespmem:s21+$0xFFFFE810];
	v30 =	vadd.f32 v30, v42;
	v47 =	vmul.f32 v32, v47;
	v15 =	vmul.f32 $2.560000000e+02, v15  }
0x178: {  	v22 =	vadd.f32 v22, v3;
	v3 =	vtrunc.f32 v49;
	v48 =	vcvt.f32.s32 v5  }
0x179: {  	v56 =	vld [tilespmem:s21+$0xFFFFE800];
	v29 =	vmul.f32 v29, v60;
	v39 =	vadd.f32 v46, v6;
	v51 =	vcvt.f32.s32 v3  }
0x17a: {  	v55 =	vld [tilespmem:s21+$0xFFFFF010];
	v46 =	vadd.f32 $1.275000000e+02, v62;
	v33 =	vmul.f32 v24, v33;
	[tilespmem:v25+s16+$0x0] =	vst.idx.msk $0xff, v22;
	v22 =	vperm.xlane v23, v9  }
0x17b: {  	v31 =	vld [tilespmem:s21+$0xFFFFF000];
	v25 =	vadd.f32 v38, v63;
	v63 =	vtrunc.f32 v20;
	v48 =	vcvt.s32.f32 v48  }
0x17c: {  	v62 =	vld [tilespmem:s21+$0xFFFFF060];
	v32 =	vsub.f32 v32, v47;
	v35 =	vmul.f32 v40, v57;
	v39 =	vmul.f32 v28, v39  }
0x17d: {  	v3 =	vld [tilespmem:s21+$0xFFFFE840];
	v15 =	vadd.f32 $2.555000000e+02, v15;
	v38 =	vcvt.f32.s32 v63;
	v51 =	vcvt.s32.f32 v51  }
0x17e: {  	v5 =	vld [tilespmem:s21+$0xFFFFE860];
	v24 =	vsub.f32 v24, v33;
	v25 =	vmul.f32 v25, v13;
	v50 =	vsub.f32 v23, v22  }
0x17f: {  	v54 =	vld [tilespmem:s21+$0x870];
	v23 =	vadd.f32 v37, v23;
	v26 =	vmul.f32 v26, v55;
	v27 =	vsub.f32 v27, v48  }
0x180: {  	v44 =	vld [tilespmem:s21+$0x1070];
	v28 =	vsub.f32 v28, v39;
	v38 =	vcvt.s32.f32 v38;
	v49 =	vsub.f32 v49, v51  }
0x181: {  	v39 =	vmul.f32 v39, v56;
	v13 =	vsub.f32 v13, v25;
	v50 =	vmul.f32 v52, v50  }
0x182: {  	v63 =	vld [tilespmem:s21+$0xFFFFE830];
	v32 =	vmul.f32 v32, v62;
	v43 =	vmul.f32 v43, v3;
	v26 =	vadd.f32 v26, v35  }
0x183: {  	s23 =	simm.s32 $0x0;
	v28 =	vmul.f32 v28, v31;
	v20 =	vsub.f32 v20, v38;
	v41 =	vsub.f32 $1.000000000e+00, v49  }
0x184: {  	v38 =	vmul.f32 v47, v5;
	v56 =	vperm.xlane v49, v9;
	v5 =	vadd.s32 s23, v1  }
0x185: {  	v25 =	vmul.f32 v25, v54;
	v13 =	vmul.f32 v13, v44;
	v22 =	vadd.f32 v50, v22  }
0x186: {  	v44 =	vadd.f32 $1.275000000e+02, v58;
	v50 =	vadd.f32 $1.275000000e+02, v61;
	v54 =	vtrunc.f32 v46  }
0x187: {  	v33 =	vmul.f32 v33, v63;
	v29 =	vadd.f32 v29, v43;
	v57 =	vperm.xlane v26, v9  }
0x188: {  	v36 =	vcvt.f32.s32 v54;
	v40 =	vsub.f32 $1.000000000e+00, v20;
	v28 =	vadd.f32 v28, v39  }
0x189: {  	v32 =	vadd.f32 v32, v38;
	v20 =	vperm.xlane v20, v9;
	v13 =	vadd.f32 v13, v25  }
0x18a: {  	v25 =	vsub.f32 v42, v45;
	v6 =	vtrunc.f32 v44;
	v7 =	vtrunc.f32 v50  }
0x18b: {  	v22 =	vmul.f32 v23, v22;
	v42 =	vsub.f32 $1.000000000e+00, v27;
	v27 =	vperm.xlane v27, v9  }
0x18c: {  	s25 =	simm.s32 $0x30;
	v31 =	vld [tilespmem:s21+$0xFFFFE820];
	v48 =	vsub.f32 v56, v41;
	v34 =	vcvt.f32.s32 v6;
	v37 =	vcvt.f32.s32 v7  }
0x18d: {  	v56 =	vadd.s32 s25, v1;
	v36 =	vcvt.s32.f32 v36;
	v6 =	vperm.xlane v41, v9  }
0x18e: {  	v26 =	vadd.f32 v26, v57;
	v7 =	vperm.xlane v40, v9;
	v54 =	vperm.xlane v28, v9  }
0x18f: {  	v3 =	vperm.xlane v32, v9;
	v20 =	vsub.f32 v20, v40;
	v48 =	vmul.f32 v52, v48  }
0x190: {  	v59 =	vperm.xlane v13, v9;
	v25 =	vmul.f32 v52, v25;
	v23 =	vsub.f32 v23, v22  }
0x191: {  	v58 =	vld [tilespmem:s21+$0xFFFFF020];
	v22 =	vmul.f32 v22, v31;
	v27 =	vsub.f32 v27, v42;
	v36 =	vsub.f32 v46, v36  }
0x192: {  	v34 =	vcvt.s32.f32 v34;
	v55 =	vsub.f32 v41, v6;
	v28 =	vadd.f32 v28, v54  }
0x193: {  	s29 =	simm.s32 $0x48;
	v37 =	vcvt.s32.f32 v37;
	v60 =	vsub.f32 v40, v7;
	v32 =	vadd.f32 v32, v3  }
0x194: {  	v20 =	vmul.f32 v52, v20;
	v41 =	vadd.f32 v48, v41;
	v3 =	vadd.s32 s29, v1  }
0x195: {  	v13 =	vadd.f32 v13, v59;
	v25 =	vadd.f32 v25, v45;
	v45 =	vcvt.f32.s32 v4  }
0x196: {  	v23 =	vmul.f32 v23, v58;
	v27 =	vmul.f32 v52, v27;
	v34 =	vsub.f32 v44, v34  }
0x197: {  	v37 =	vsub.f32 v50, v37;
	v47 =	vmul.f32 v52, v55;
	v43 =	vmul.f32 v52, v60  }
0x198: {  	s30 =	simm.s32 $0x78;
	v46 =	vsub.f32 $1.000000000e+00, v36;
	v36 =	vperm.xlane v36, v9;
	[tilespmem:v5+s16+$0x0] =	vst.idx.msk $0xff, v28;
	v28 =	vtrunc.f32 v19  }
0x199: {  	v20 =	vadd.f32 v20, v40;
	v60 =	vtrunc.f32 v14;
	v5 =	vadd.s32 s30, v1  }
0x19a: {  	v59 =	vld [tilespmem:s21+$0xFFFFF030];
	v45 =	vcvt.s32.f32 v45;
	v25 =	vmul.f32 v30, v25;
	v22 =	vadd.f32 v23, v22  }
0x19b: {  	v4 =	vld [tilespmem:s21+$0xFFFFE850];
	v27 =	vadd.f32 v27, v42;
	v28 =	vcvt.f32.s32 v28;
	v44 =	vsub.f32 $1.000000000e+00, v34  }
0x19c: {  	v63 =	vperm.xlane v46, v9;
	v39 =	vadd.f32 v47, v6;
	v35 =	vadd.f32 v43, v7  }
0x19d: {  	v61 =	vld [tilespmem:s21+$0xFFFFF050];
	v34 =	vperm.xlane v34, v9;
	v36 =	vsub.f32 v36, v46;
	v21 =	vsub.f32 v21, v45  }
0x19e: {  	v45 =	vsub.f32 $1.000000000e+00, v37;
	v58 =	vperm.xlane v22, v9;
	v37 =	vperm.xlane v37, v9  }
0x19f: {  	v30 =	vsub.f32 v30, v25;
	v28 =	vcvt.s32.f32 v28;
	v24 =	vmul.f32 v24, v59  }
0x1a0: {  	v25 =	vmul.f32 v25, v4;
	v55 =	vsub.f32 v46, v63;
	v36 =	vmul.f32 v52, v36  }
0x1a1: {  	v34 =	vsub.f32 v34, v44;
	v39 =	vmul.f32 v39, v41;
	v35 =	vmul.f32 v35, v20  }
0x1a2: {  	v57 =	vld [tilespmem:s21+$0xFFFFF800];
	v30 =	vmul.f32 v30, v61;
	v31 =	vsub.f32 $1.000000000e+00, v21;
	v38 =	vperm.xlane v45, v9  }
0x1a3: {  	v61 =	vperm.xlane v29, v9;
	v22 =	vadd.f32 v22, v58;
	v21 =	vperm.xlane v21, v9  }
0x1a4: {  	[tilespmem:v53+s16+$0x0] =	vst.idx.msk $0xff, v26;
	v37 =	vsub.f32 v37, v45;
	v58 =	vtrunc.f32 v18;
	v19 =	vsub.f32 v19, v28  }
0x1a5: {  	v26 =	vld [tilespmem:s21+$0x0];
	v24 =	vadd.f32 v24, v33;
	v33 =	vperm.xlane v42, v9;
	v34 =	vmul.f32 v52, v34  }
0x1a6: {  	v36 =	vadd.f32 v36, v46;
	v41 =	vsub.f32 v41, v39;
	v49 =	vcvt.f32.s32 v58  }
0x1a7: {  	v39 =	vmul.f32 v39, v57;
	v20 =	vsub.f32 v20, v35;
	v23 =	vperm.xlane v31, v9  }
0x1a8: {  	v25 =	vadd.f32 v30, v25;
	v30 =	vperm.xlane v44, v9;
	v29 =	vadd.f32 v29, v61  }
0x1a9: {  	v54 =	vsub.f32 v45, v38;
	v21 =	vsub.f32 v21, v31;
	v37 =	vmul.f32 v52, v37  }
0x1aa: {  	v59 =	vperm.xlane v24, v9;
	v6 =	vsub.f32 v42, v33;
	v26 =	vmul.f32 v41, v26  }
0x1ab: {  	v34 =	vadd.f32 v34, v44;
	v49 =	vcvt.s32.f32 v49;
	v62 =	vperm.xlane v25, v9  }
0x1ac: {  	v4 =	vsub.f32 v31, v23;
	v7 =	vsub.f32 v44, v30;
	v21 =	vmul.f32 v52, v21  }
0x1ad: {  	s28 =	simm.s32 $0x90;
	v61 =	vld [tilespmem:s21+$0xFFFFF810];
	v37 =	vadd.f32 v37, v45;
	v24 =	vadd.f32 v24, v59;
	v47 =	vmul.f32 v52, v6  }
0x1ae: {  	[tilespmem:v56+s16+$0x0] =	vst.idx.msk $0xff, v22;
	v59 =	vtrunc.f32 v17;
	v6 =	vadd.s32 s28, v1;
	v18 =	vsub.f32 v18, v49  }
0x1af: {  	v22 =	vld [tilespmem:s21+$0x10];
	v26 =	vadd.f32 v26, v39;
	v25 =	vadd.f32 v25, v62;
	v50 =	vmul.f32 v52, v4  }
0x1b0: {  	s31 =	simm.s32 $0x60;
	v43 =	vmul.f32 v52, v7;
	v21 =	vadd.f32 v21, v31;
	v31 =	vtrunc.f32 v12  }
0x1b1: {  	v62 =	vtrunc.f32 v15;
	v4 =	vadd.s32 s31, v1;
	v40 =	vcvt.f32.s32 v59  }
0x1b2: {  	v33 =	vadd.f32 v47, v33;
	v47 =	vmul.f32 v52, v54;
	v42 =	vmul.f32 v35, v61  }
0x1b3: {  	[tilespmem:$0x1FF60] =	vst v1;
	v1 =	vadd.s32 s24, v2;
	v31 =	vcvt.f32.s32 v31;
	v28 =	vcvt.f32.s32 v62  }
0x1b4: {  	v54 =	vadd.s32 s23, v2;
	v20 =	vmul.f32 v20, v22;
	v23 =	vadd.f32 v50, v23  }
0x1b5: {  	v30 =	vadd.f32 v43, v30;
	v43 =	vmul.f32 v52, v55;
	v50 =	vcvt.f32.s32 v60  }
0x1b6: {  	v40 =	vcvt.s32.f32 v40;
	v38 =	vadd.f32 v47, v38;
	v33 =	vmul.f32 v33, v27  }
0x1b7: {  	v31 =	vcvt.s32.f32 v31;
	v28 =	vcvt.s32.f32 v28;
	v20 =	vadd.f32 v20, v42  }
0x1b8: {  	v7 =	vld [tilespmem:s21+$0xFFFFF820];
	[tilespmem:v3+s16+$0x0] =	vst.idx.msk $0xff, v24;
	v43 =	vadd.f32 v43, v63;
	v63 =	vtrunc.f32 v16;
	v50 =	vcvt.s32.f32 v50  }
0x1b9: {  	v17 =	vsub.f32 v17, v40;
	v23 =	vmul.f32 v23, v21;
	v30 =	vmul.f32 v30, v34  }
0x1ba: {  	v51 =	vld [tilespmem:s21+$0x30];
	[tilespmem:v5+s16+$0x0] =	vst.idx.msk $0xff, v25;
	v49 =	vcvt.f32.s32 v63;
	v38 =	vmul.f32 v38, v37;
	v12 =	vsub.f32 v12, v31  }
0x1bb: {  	v27 =	vsub.f32 v27, v33;
	v15 =	vsub.f32 v15, v28;
	v3 =	vperm.xlane v20, v9  }
0x1bc: {  	v24 =	vld [tilespmem:s21+$0x20];
	v14 =	vsub.f32 v14, v50;
	v21 =	vsub.f32 v21, v23;
	v43 =	vmul.f32 v43, v36  }
0x1bd: {  	v22 =	vld [tilespmem:s21+$0xFFFFF850];
	v34 =	vsub.f32 v34, v30;
	v23 =	vmul.f32 v23, v7;
	v56 =	vsub.f32 $1.000000000e+00, v17  }
0x1be: {  	[tilespmem:v4+s16+$0x0] =	vst.idx.msk $0xff, v29;
	v29 =	vld [tilespmem:s21+$0xFFFFF830];
	v17 =	vperm.xlane v17, v9;
	v50 =	vadd.s32 s25, v2;
	v44 =	vcvt.s32.f32 v49  }
0x1bf: {  	[tilespmem:v6+s16+$0x0] =	vst.idx.msk $0xff, v32;
	v31 =	vld [tilespmem:s21+$0x50];
	v37 =	vsub.f32 v37, v38;
	v27 =	vmul.f32 v27, v51;
	v58 =	vsub.f32 $1.000000000e+00, v12  }
0x1c0: {  	v28 =	vld [tilespmem:s21+$0xFFFFF860];
	v59 =	vsub.f32 $1.000000000e+00, v15;
	v20 =	vadd.f32 v20, v3;
	v12 =	vperm.xlane v12, v9  }
0x1c1: {  	v55 =	vld [tilespmem:s21+$0x60];
	v15 =	vperm.xlane v15, v9;
	v36 =	vsub.f32 v36, v43;
	v21 =	vmul.f32 v21, v24  }
0x1c2: {  	v24 =	vsub.f32 $1.000000000e+00, v19;
	v22 =	vmul.f32 v38, v22;
	v57 =	vsub.f32 $1.000000000e+00, v14  }
0x1c3: {  	v25 =	vld [tilespmem:s21+$0xFFFFF840];
	v19 =	vperm.xlane v19, v9;
	v14 =	vperm.xlane v14, v9;
	v17 =	vsub.f32 v17, v56  }
0x1c4: {  	v53 =	vld [tilespmem:s21+$0x40];
	v16 =	vsub.f32 v16, v44;
	v12 =	vsub.f32 v12, v58;
	v29 =	vmul.f32 v33, v29  }
0x1c5: {  	v15 =	vsub.f32 v15, v59;
	v31 =	vmul.f32 v37, v31;
	v28 =	vmul.f32 v43, v28  }
0x1c6: {  	v33 =	vsub.f32 $1.000000000e+00, v18;
	v35 =	vmul.f32 v36, v55;
	v60 =	vperm.xlane v24, v9  }
0x1c7: {  	v21 =	vadd.f32 v21, v23;
	v23 =	vperm.xlane v56, v9;
	v63 =	vperm.xlane v57, v9  }
0x1c8: {  	v18 =	vperm.xlane v18, v9;
	v19 =	vsub.f32 v19, v24;
	v17 =	vmul.f32 v52, v17  }
0x1c9: {  	v14 =	vsub.f32 v14, v57;
	v25 =	vmul.f32 v30, v25;
	v30 =	vmul.f32 v34, v53  }
0x1ca: {  	[tilespmem:v1+s16+$0x0] =	vst.idx.msk $0xff, v20;
	v61 =	vsub.f32 $1.000000000e+00, v16;
	v16 =	vperm.xlane v16, v9;
	v12 =	vmul.f32 v52, v12  }
0x1cb: {  	v15 =	vmul.f32 v52, v15;
	v62 =	vperm.xlane v33, v9;
	v27 =	vadd.f32 v27, v29  }
0x1cc: {  	v29 =	vperm.xlane v26, v9;
	v22 =	vadd.f32 v31, v22;
	v31 =	vperm.xlane v59, v9  }
0x1cd: {  	v28 =	vadd.f32 v35, v28;
	v4 =	vperm.xlane v21, v9;
	v49 =	vsub.f32 v56, v23  }
0x1ce: {  	v18 =	vsub.f32 v18, v33;
	v19 =	vmul.f32 v52, v19;
	v17 =	vadd.f32 v17, v56  }
0x1cf: {  	v14 =	vmul.f32 v52, v14;
	v25 =	vadd.f32 v30, v25;
	v16 =	vsub.f32 v16, v61  }
0x1d0: {  	v30 =	vperm.xlane v58, v9;
	v15 =	vadd.f32 v15, v59;
	v26 =	vadd.f32 v26, v29  }
0x1d1: {  	v29 =	vperm.xlane v61, v9;
	v5 =	vperm.xlane v27, v9;
	v21 =	vadd.f32 v21, v4  }
0x1d2: {  	v7 =	vsub.f32 v33, v62;
	v47 =	vperm.xlane v22, v9;
	v48 =	vperm.xlane v28, v9  }
0x1d3: {  	v20 =	vmul.f32 v52, v49;
	v18 =	vmul.f32 v52, v18;
	v53 =	vsub.f32 v58, v30  }
0x1d4: {  	v19 =	vadd.f32 v19, v24;
	v14 =	vadd.f32 v14, v57;
	v6 =	vperm.xlane v25, v9  }
0x1d5: {  	[tilespmem:v54+s16+$0x0] =	vst.idx.msk $0xff, v26;
	v26 =	vsub.f32 v24, v60;
	v40 =	vmul.f32 v52, v53  }
0x1d6: {  	v27 =	vadd.f32 v27, v5;
	v20 =	vadd.f32 v20, v23;
	v24 =	vadd.s32 s31, v2  }
0x1d7: {  	v23 =	vsub.f32 v59, v31;
	[tilespmem:v50+s16+$0x0] =	vst.idx.msk $0xff, v21;
	v21 =	vadd.f32 v40, v30;
	v30 =	vadd.s32 s29, v2  }
0x1d8: {  	v16 =	vmul.f32 v52, v16;
	v22 =	vadd.f32 v22, v47;
	v43 =	vadd.f32 v28, v48  }
0x1d9: {  	v25 =	vadd.f32 v25, v6;
	v26 =	vmul.f32 v52, v26;
	v23 =	vmul.f32 v52, v23  }
0x1da: {  	s14 =	sor.u32 $0x10, s14;
	v56 =	vld [tilespmem:s21+$0x1010];
	v28 =	vsub.f32 v57, v63;
	v44 =	vmul.f32 v52, v7;
	v18 =	vadd.f32 v18, v33  }
0x1db: {  	v0 =	vor.u32 s14, v0;
	v26 =	vadd.f32 v26, v60;
	v23 =	vadd.f32 v23, v31;
	v31 =	vld [tilespmem:s21+$0x800];
	[tilespmem:v24+s16+$0x0] =	vst.idx.msk $0xff, v25  }
0x1dc: {  	v51 =	vadd.f32 v44, v62;
	v28 =	vmul.f32 v52, v28;
	v24 =	vadd.s32 s30, v2;
	[tilespmem:v30+s16+$0x0] =	vst.idx.msk $0xff, v27;
	v27 =	vld [tilespmem:s21+$0x1000]  }
0x1dd: {  	v54 =	vsub.f32 v61, v29;
	v57 =	vadd.f32 v12, v58;
	v58 =	vld [tilespmem:s21+$0x820];
	v26 =	vmul.f32 v26, v19  }
0x1de: {  	v20 =	vmul.f32 v20, v17;
	v28 =	vadd.f32 v28, v63;
	v12 =	vmul.f32 v51, v18;
	v30 =	vld [tilespmem:s21+$0x810]  }
0x1df: {  	v59 =	vld [tilespmem:s21+$0x1020];
	v55 =	vmul.f32 v52, v54;
	v60 =	vadd.f32 v16, v61;
	v19 =	vsub.f32 v19, v26  }
0x1e0: {  	v17 =	vsub.f32 v17, v20;
	v21 =	vmul.f32 v21, v57;
	v18 =	vsub.f32 v18, v12  }
0x1e1: {  	v16 =	vmul.f32 v26, v31;
	v25 =	vld [tilespmem:s21+$0x830];
	[tilespmem:v24+s16+$0x0] =	vst.idx.msk $0xff, v22;
	v22 =	vadd.s32 s28, v2;
	v19 =	vmul.f32 v19, v27  }
0x1e2: {  	v20 =	vmul.f32 v20, v58;
	v18 =	vmul.f32 v18, v56;
	v31 =	vadd.s32 s22, v0;
	v27 =	vld [tilespmem:s21+$0x1030]  }
0x1e3: {  	v26 =	vmul.f32 v12, v30;
	v30 =	vld [tilespmem:s21+$0x840];
	v16 =	vadd.f32 v19, v16;
	v19 =	vmul.f32 v28, v14  }
0x1e4: {  	v29 =	vadd.f32 v55, v29;
	v61 =	vld [tilespmem:s21+$0x1040];
	v23 =	vmul.f32 v23, v15;
	[tilespmem:$0x1FF70] =	vst v2;
	v28 =	vmul.f32 v17, v59  }
0x1e5: {  	v62 =	vld [tilespmem:s21+$0x850];
	v17 =	vadd.f32 v18, v26;
	v18 =	vadd.s32 s23, v0;
	v14 =	vsub.f32 v14, v19  }
0x1e6: {  	v63 =	vld [tilespmem:s21+$0x1050];
	[tilespmem:v22+s16+$0x0] =	vst.idx.msk $0xff, v43;
	v22 =	vadd.s32 s31, v0;
	v24 =	vmul.f32 v19, v25;
	v25 =	vadd.f32 v28, v20  }
0x1e7: {  	v19 =	vadd.s32 s24, v0;
	v26 =	vmul.f32 v14, v27;
	v14 =	vsub.f32 v57, v21  }
0x1e8: {  	[tilespmem:v31+s16+$0x0] =	vst.idx.msk $0xff, v13;
	v20 =	vadd.s32 s25, v0;
	v27 =	vmul.f32 v21, v30;
	v21 =	vadd.s32 s29, v0  }
0x1e9: {  	v28 =	vmul.f32 v14, v61;
	v14 =	vmul.f32 v29, v60;
	v29 =	vsub.f32 v15, v23  }
0x1ea: {  	s1 =	sshll.u32 s1, $0x7;
	s26 =	sadd.s32 $0x80, s26;
	v30 =	vmul.f32 v23, v62;
	v26 =	vadd.f32 v26, v24;
	v24 =	vadd.s32 s30, v0;
	v15 =	vld [tilespmem:s21+$0x860];
	[tilespmem:$0x1FF80] =	vst v0  }
0x1eb: {  	s23 =	sadd.s32 s9, s1;
	s24 =	smul.u32 $0x3000, s0;
	s25 =	simm.s32 $0x0;
	v23 =	vadd.s32 s28, v0;
	v13 =	vsub.f32 v60, v14;
	v31 =	vmul.f32 v29, v63;
	v29 =	vld [tilespmem:s21+$0x1060]  }
.LBB2_4:
0x1ec: {  	v32 =	vld [tilespmem:s26+$0x30]  }
0x1ed: {  	v0 =	vld [tilespmem:s26+$0xFFFFFFD0];
	v27 =	vadd.f32 v28, v27;
	v33 =	vperm.xlane v17, v9;
	v30 =	vadd.f32 v31, v30  }
0x1ee: {  	v1 =	vld [tilespmem:s26+$0xFFFFFFF0];
	v31 =	vperm.xlane v25, v9;
	v34 =	vperm.xlane v26, v9  }
0x1ef: {  	v35 =	vperm.xlane v27, v9;
	v36 =	vperm.xlane v30, v9  }
0x1f0: {  	v33 =	vadd.f32 v17, v33;
	v17 =	vld [tilespmem:s26+$0x10];
	v15 =	vmul.f32 v14, v15;
	v28 =	vmul.f32 v13, v29  }
0x1f1: {  	v25 =	vadd.f32 v25, v31;
	v26 =	vadd.f32 v26, v34;
	v29 =	vperm.xlane v16, v9;
	v14 =	vld [tilespmem:s26+$0xFFFFFFE0]  }
0x1f2: {  	v37 =	vmul.f32 $6.400000000e+01, v32;
	v27 =	vadd.f32 v27, v35;
	v28 =	vadd.f32 v28, v15  }
0x1f3: {  	v2 =	vmul.f32 $1.280000000e+02, v0;
	[tilespmem:v20+s16+$0x0] =	vst.idx.msk $0xff, v25;
	v20 =	vmul.f32 $6.400000000e+01, v1;
	v29 =	vadd.f32 v16, v29  }
0x1f4: {  	v46 =	vmul.f32 $1.280000000e+02, v32;
	v16 =	vld [tilespmem:s26+$0x0];
	v5 =	vadd.f32 $6.350000000e+01, v37;
	[tilespmem:v22+s16+$0x0] =	vst.idx.msk $0xff, v27;
	v31 =	vperm.xlane v28, v9  }
0x1f5: {  	v27 =	vadd.f32 $6.350000000e+01, v20;
	[tilespmem:v18+s16+$0x0] =	vst.idx.msk $0xff, v29;
	v29 =	vmul.f32 $6.400000000e+01, v0;
	v20 =	vmul.f32 $6.400000000e+01, v17  }
0x1f6: {  	[tilespmem:$0x1FF40] =	vst v0;
	v55 =	vadd.f32 $1.275000000e+02, v46;
	v0 =	vmul.f32 $2.560000000e+02, v32;
	v3 =	vmul.f32 $6.400000000e+01, v14  }
0x1f7: {  	[tilespmem:v21+s16+$0x0] =	vst.idx.msk $0xff, v26;
	v4 =	vmul.f32 $1.280000000e+02, v14;
	v26 =	vtrunc.f32 v5  }
0x1f8: {  	v30 =	vadd.f32 v30, v36;
	v18 =	vld [tilespmem:s26+$0x20];
	v38 =	vtrunc.f32 v27;
	v57 =	vtrunc.f32 v55  }
0x1f9: {  	v14 =	vmul.f32 $2.560000000e+02, v14;
	v25 =	vadd.f32 $6.350000000e+01, v29;
	v29 =	vmul.f32 $1.280000000e+02, v1  }
0x1fa: {  	[tilespmem:v19+s16+$0x0] =	vst.idx.msk $0xff, v33;
	v19 =	vld [tilespmem:s26+$0xFFFFFFC0];
	v22 =	vcvt.f32.s32 v26;
	v6 =	vadd.f32 $6.350000000e+01, v20;
	v49 =	vcvt.f32.s32 v38  }
0x1fb: {  	[tilespmem:v24+s16+$0x0] =	vst.idx.msk $0xff, v30;
	v33 =	vadd.f32 $6.350000000e+01, v3;
	v21 =	vmul.f32 $6.400000000e+01, v16;
	v24 =	vtrunc.f32 v25  }
0x1fc: {  	v28 =	vadd.f32 v28, v31;
	v20 =	vcvt.s32.f32 v22;
	v7 =	vtrunc.f32 v6  }
0x1fd: {  	v30 =	vadd.f32 $6.350000000e+01, v21;
	v21 =	vmul.f32 $6.400000000e+01, v18;
	v22 =	vtrunc.f32 v33  }
0x1fe: {  	v46 =	vadd.f32 $2.555000000e+02, v0;
	v24 =	vcvt.f32.s32 v24;
	v11 =	vmul.f32 $1.280000000e+02, v18  }
0x1ff: {  	v26 =	vmul.f32 $6.400000000e+01, v19;
	v44 =	vcvt.f32.s32 v22;
	v39 =	vadd.f32 $6.350000000e+01, v21  }
0x200: {  	v40 =	vtrunc.f32 v30;
	v21 =	vsub.f32 v5, v20;
	v24 =	vcvt.s32.f32 v24  }
0x201: {  	v11 =	vadd.f32 $1.275000000e+02, v11;
	v26 =	vadd.f32 $6.350000000e+01, v26;
	v50 =	vcvt.f32.s32 v40  }
0x202: {  	v61 =	vcvt.s32.f32 v44;
	v41 =	vtrunc.f32 v39;
	v42 =	vsub.f32 $1.000000000e+00, v21  }
0x203: {  	v22 =	vperm.xlane v21, v9;
	v63 =	vsub.f32 v25, v24;
	v25 =	vcvt.s32.f32 v49  }
0x204: {  	v15 =	vld [tilespmem:$0x1FF60];
	v21 =	vadd.f32 $1.275000000e+02, v4;
	v20 =	vtrunc.f32 v26;
	v53 =	vcvt.f32.s32 v41  }
0x205: {  	v41 =	vcvt.f32.s32 v57;
	v33 =	vsub.f32 v33, v61;
	v43 =	vcvt.f32.s32 v20  }
0x206: {  	v20 =	vadd.f32 $1.275000000e+02, v2;
	v48 =	vperm.xlane v42, v9;
	v51 =	vsub.f32 v22, v42  }
0x207: {  	v22 =	vadd.f32 $1.275000000e+02, v29;
	v29 =	vcvt.f32.s32 v7;
	v2 =	vcvt.s32.f32 v50  }
0x208: {  	s22 =	sadd.s32 $0xC0, s22;
	v44 =	vperm.xlane v63, v9;
	v3 =	vcvt.s32.f32 v41;
	v45 =	vsub.f32 v42, v48  }
0x209: {  	v7 =	vadd.s32 s22, v15;
	v36 =	vcvt.s32.f32 v53;
	v50 =	vperm.xlane v33, v9  }
0x20a: {  	v40 =	vmul.f32 v52, v51;
	v38 =	vsub.f32 v55, v3;
	v54 =	vmul.f32 v52, v45  }
0x20b: {  	s21 =	sadd.s32 $0x80, s21;
	v43 =	vcvt.s32.f32 v43;
	v51 =	vsub.f32 v39, v36;
	v39 =	vsub.f32 $1.000000000e+00, v33  }
0x20c: {  	v56 =	vld [tilespmem:s21+$0xFFFFE870];
	v4 =	vcvt.s32.f32 v29;
	v31 =	vadd.f32 v40, v42;
	v34 =	vadd.f32 v54, v48  }
0x20d: {  	v62 =	vld [tilespmem:s21+$0xFFFFF070];
	v13 =	vtrunc.f32 v20;
	v58 =	vsub.f32 v26, v43;
	v45 =	vsub.f32 v30, v2  }
0x20e: {  	v49 =	vsub.f32 v6, v4;
	v4 =	vmul.f32 $1.280000000e+02, v17;
	v34 =	vmul.f32 v31, v34  }
0x20f: {  	v5 =	vsub.f32 $1.000000000e+00, v38;
	v59 =	vperm.xlane v38, v9;
	v38 =	vsub.f32 $1.000000000e+00, v63  }
0x210: {  	v50 =	vsub.f32 v50, v39;
	v47 =	vperm.xlane v58, v9;
	v29 =	vsub.f32 v31, v34  }
0x211: {  	v48 =	vsub.f32 v27, v25;
	v40 =	vsub.f32 $1.000000000e+00, v45;
	v45 =	vperm.xlane v45, v9  }
0x212: {  	v37 =	vsub.f32 $1.000000000e+00, v58;
	v30 =	vmul.f32 v34, v56;
	v31 =	vmul.f32 v29, v62  }
0x213: {  	v43 =	vsub.f32 $1.000000000e+00, v49;
	v49 =	vperm.xlane v49, v9;
	v60 =	vperm.xlane v5, v9  }
0x214: {  	v44 =	vsub.f32 v44, v38;
	v53 =	vperm.xlane v37, v9;
	v6 =	vadd.f32 v31, v30  }
0x215: {  	v41 =	vsub.f32 $1.000000000e+00, v48;
	v12 =	vperm.xlane v43, v9;
	v47 =	vsub.f32 v47, v37  }
0x216: {  	v45 =	vsub.f32 v45, v40;
	v49 =	vsub.f32 v49, v43;
	v61 =	vperm.xlane v6, v9  }
0x217: {  	v2 =	vmovc v52;
	v48 =	vperm.xlane v48, v9;
	v63 =	vsub.f32 v5, v60;
	v62 =	vsub.f32 v59, v5  }
0x218: {  	v44 =	vmul.f32 v2, v44;
	v56 =	vperm.xlane v38, v9;
	v54 =	vadd.f32 v6, v61  }
0x219: {  	v48 =	vsub.f32 v48, v41;
	v42 =	vmul.f32 v2, v63;
	v55 =	vmul.f32 v2, v62  }
0x21a: {  	v4 =	vadd.f32 $1.275000000e+02, v4;
	v47 =	vmul.f32 v2, v47;
	v45 =	vmul.f32 v2, v45;
	[tilespmem:v7+s16+$0x0] =	vst.idx.msk $0xff, v54  }
0x21b: {  	[tilespmem:$0x1FF50] =	vst v1;
	v63 =	vperm.xlane v40, v9;
	v52 =	vadd.f32 v42, v60;
	v1 =	vadd.f32 v55, v5;
	v3 =	vld [tilespmem:s21+$0xFFFFF870]  }
0x21c: {  	v49 =	vmul.f32 v2, v49;
	v44 =	vadd.f32 v44, v38;
	v48 =	vmul.f32 v2, v48;
	v57 =	vld [tilespmem:s21+$0x70]  }
0x21d: {  	v42 =	vsub.f32 $1.000000000e+00, v51;
	v10 =	vsub.f32 v40, v63;
	v52 =	vmul.f32 v52, v1  }
0x21e: {  	v60 =	vperm.xlane v39, v9;
	v51 =	vperm.xlane v51, v9;
	v40 =	vadd.f32 v45, v40  }
0x21f: {  	v10 =	vmul.f32 v2, v10;
	v7 =	vtrunc.f32 v46;
	v54 =	vsub.f32 v1, v52  }
0x220: {  	v62 =	vperm.xlane v41, v9;
	v51 =	vsub.f32 v51, v42;
	v58 =	vcvt.f32.s32 v7  }
0x221: {  	v10 =	vadd.f32 v10, v63;
	v52 =	vmul.f32 v52, v3;
	v54 =	vmul.f32 v54, v57  }
0x222: {  	v59 =	vsub.f32 v37, v53;
	v30 =	vld [tilespmem:s21+$0xFFFFE840];
	v51 =	vmul.f32 v2, v51;
	v58 =	vcvt.s32.f32 v58  }
0x223: {  	v10 =	vmul.f32 v40, v10;
	v1 =	vsub.f32 v41, v62;
	v52 =	vadd.f32 v54, v52;
	v54 =	vld [tilespmem:$0x1FF70]  }
0x224: {  	v61 =	vsub.f32 v38, v56;
	v7 =	vperm.xlane v42, v9;
	v46 =	vsub.f32 v46, v58  }
0x225: {  	v41 =	vadd.f32 v48, v41;
	v40 =	vsub.f32 v40, v10;
	v1 =	vmul.f32 v2, v1  }
0x226: {  	v5 =	vmul.f32 $1.280000000e+02, v16;
	v8 =	vsub.f32 v42, v7;
	v55 =	vsub.f32 $1.000000000e+00, v46  }
0x227: {  	v10 =	vmul.f32 v10, v30;
	v42 =	vadd.f32 v51, v42;
	v1 =	vadd.f32 v1, v62  }
0x228: {  	v46 =	vperm.xlane v46, v9;
	v0 =	vperm.xlane v55, v9;
	v54 =	vadd.s32 s22, v54  }
0x229: {  	v58 =	vsub.f32 v39, v60;
	v8 =	vmul.f32 v2, v8;
	v3 =	vperm.xlane v52, v9  }
0x22a: {  	v27 =	vld [tilespmem:s21+$0xFFFFE830];
	v57 =	vmul.f32 $1.280000000e+02, v19;
	v46 =	vsub.f32 v46, v55;
	v6 =	vsub.f32 v55, v0  }
0x22b: {  	[tilespmem:v23+s16+$0x0] =	vst.idx.msk $0xff, v28;
	v1 =	vmul.f32 v41, v1;
	v19 =	vmul.f32 $2.560000000e+02, v19;
	v3 =	vadd.f32 v52, v3  }
0x22c: {  	v33 =	vld [tilespmem:s21+$0xFFFFE860];
	v7 =	vadd.f32 v8, v7;
	v46 =	vmul.f32 v2, v46;
	v6 =	vmul.f32 v2, v6  }
0x22d: {  	v58 =	vmul.f32 v2, v58;
	v8 =	vadd.f32 v47, v37;
	v57 =	vadd.f32 $1.275000000e+02, v57;
	[tilespmem:v54+s16+$0x0] =	vst.idx.msk $0xff, v3  }
0x22e: {  	v7 =	vmul.f32 v42, v7;
	v46 =	vadd.f32 v46, v55;
	v0 =	vadd.f32 v6, v0;
	v6 =	vld [tilespmem:s21+$0x870]  }
0x22f: {  	v41 =	vsub.f32 v41, v1;
	v1 =	vmul.f32 v1, v27;
	v3 =	vmul.f32 v2, v59;
	v55 =	vld [tilespmem:s21+$0x1070]  }
0x230: {  	v42 =	vsub.f32 v42, v7;
	v52 =	vsub.f32 v43, v12;
	v0 =	vmul.f32 v0, v46  }
0x231: {  	v7 =	vmul.f32 v7, v33;
	v43 =	vadd.f32 v49, v43;
	v3 =	vadd.f32 v3, v53  }
0x232: {  	v49 =	vmul.f32 $2.560000000e+02, v18;
	v54 =	vmul.f32 v2, v61;
	v59 =	vld [tilespmem:$0x1FF80];
	v46 =	vsub.f32 v46, v0  }
0x233: {  	s14 =	sadd.s32 $0xFFFFFF58, s22;
	v23 =	vld [tilespmem:s21+$0xFFFFE800];
	v61 =	vadd.f32 $1.275000000e+02, v5;
	v5 =	vtrunc.f32 v57;
	v3 =	vmul.f32 v8, v3  }
0x234: {  	v38 =	vadd.s32 s14, v15;
	v0 =	vmul.f32 v0, v6;
	v55 =	vmul.f32 v46, v55  }
0x235: {  	v26 =	vld [tilespmem:s21+$0xFFFFF000];
	v46 =	vmul.f32 v2, v52;
	v6 =	vmul.f32 v2, v50;
	v52 =	vadd.f32 v54, v56  }
0x236: {  	v54 =	vadd.f32 v58, v60;
	v56 =	vtrunc.f32 v21;
	v58 =	vtrunc.f32 v61  }
0x237: {  	v50 =	vadd.s32 s22, v59;
	v59 =	vtrunc.f32 v4;
	v60 =	vtrunc.f32 v11  }
0x238: {  	v8 =	vsub.f32 v8, v3;
	v3 =	vmul.f32 v3, v23;
	v62 =	vcvt.f32.s32 v58  }
0x239: {  	v28 =	vld [tilespmem:s21+$0xFFFFF010];
	v63 =	vcvt.f32.s32 v59;
	v6 =	vadd.f32 v6, v39;
	v39 =	vcvt.f32.s32 v56  }
0x23a: {  	s1 =	sadd.s32 $0xFFFFFF70, s22;
	v25 =	vld [tilespmem:s21+$0xFFFFE820];
	v0 =	vadd.f32 v55, v0;
	v55 =	vmul.f32 v44, v52;
	v8 =	vmul.f32 v8, v26  }
0x23b: {  	v36 =	vld [tilespmem:s21+$0xFFFFF060];
	v37 =	vadd.s32 s1, v15;
	v45 =	vcvt.s32.f32 v62;
	v47 =	vcvt.s32.f32 v63  }
0x23c: {  	v29 =	vld [tilespmem:s21+$0xFFFFF020];
	v53 =	vperm.xlane v0, v9;
	v56 =	vmul.f32 v6, v54;
	v44 =	vsub.f32 v44, v55  }
0x23d: {  	v31 =	vld [tilespmem:s21+$0xFFFFF030];
	v39 =	vcvt.s32.f32 v39;
	v3 =	vadd.f32 v8, v3;
	v4 =	vsub.f32 v4, v47  }
0x23e: {  	v34 =	vld [tilespmem:s21+$0xFFFFF040];
	v47 =	vmul.f32 $2.560000000e+02, v17;
	v0 =	vadd.f32 v0, v53;
	v53 =	vtrunc.f32 v22  }
0x23f: {  	v24 =	vld [tilespmem:s21+$0xFFFFE810];
	v6 =	vsub.f32 v6, v56;
	v28 =	vmul.f32 v44, v28;
	v62 =	vmul.f32 v56, v25  }
0x240: {  	[tilespmem:v50+s16+$0x0] =	vst.idx.msk $0xff, v0;
	v0 =	vcvt.f32.s32 v5;
	v5 =	vadd.f32 v46, v12;
	v12 =	vcvt.f32.s32 v13  }
0x241: {  	v17 =	vadd.f32 $2.555000000e+02, v14;
	v46 =	vcvt.f32.s32 v53;
	v53 =	vcvt.f32.s32 v60  }
0x242: {  	v39 =	vsub.f32 v21, v39;
	v6 =	vmul.f32 v6, v29;
	v29 =	vmul.f32 v41, v31  }
0x243: {  	v13 =	vsub.f32 v61, v45;
	v31 =	vmul.f32 v40, v34;
	v60 =	vmul.f32 v42, v36  }
0x244: {  	v61 =	vmul.f32 v55, v24;
	v21 =	vsub.f32 $1.000000000e+00, v39;
	v63 =	vperm.xlane v39, v9  }
0x245: {  	v32 =	vld [tilespmem:s21+$0xFFFFE850];
	v5 =	vmul.f32 v43, v5;
	v0 =	vcvt.s32.f32 v0;
	v26 =	vsub.f32 $1.000000000e+00, v13  }
0x246: {  	v12 =	vcvt.s32.f32 v12;
	v30 =	vadd.f32 v28, v61;
	v6 =	vadd.f32 v6, v62  }
0x247: {  	v46 =	vcvt.s32.f32 v46;
	v1 =	vadd.f32 v29, v1;
	v10 =	vadd.f32 v31, v10  }
0x248: {  	v48 =	vcvt.s32.f32 v53;
	v7 =	vadd.f32 v60, v7;
	v36 =	vsub.f32 v63, v21  }
0x249: {  	v33 =	vperm.xlane v21, v9;
	v43 =	vsub.f32 v43, v5;
	v0 =	vsub.f32 v57, v0  }
0x24a: {  	v35 =	vld [tilespmem:s21+$0xFFFFF050];
	v58 =	vsub.f32 v22, v46;
	v5 =	vmul.f32 v5, v32;
	v31 =	vperm.xlane v26, v9  }
0x24b: {  	v22 =	vsub.f32 $1.000000000e+00, v4;
	v4 =	vperm.xlane v4, v9;
	v46 =	vmul.f32 $2.560000000e+02, v16  }
0x24c: {  	v11 =	vsub.f32 v11, v48;
	v48 =	vperm.xlane v3, v9;
	v50 =	vperm.xlane v30, v9  }
0x24d: {  	v12 =	vsub.f32 v20, v12;
	v51 =	vperm.xlane v6, v9;
	v52 =	vperm.xlane v1, v9  }
0x24e: {  	v39 =	vsub.f32 v21, v33;
	v60 =	vperm.xlane v10, v9;
	v63 =	vperm.xlane v7, v9  }
0x24f: {  	v36 =	vmul.f32 v2, v36;
	v20 =	vsub.f32 $1.000000000e+00, v0;
	v59 =	vmul.f32 v43, v35  }
0x250: {  	v24 =	vsub.f32 $1.000000000e+00, v12;
	v25 =	vsub.f32 $1.000000000e+00, v58;
	v34 =	vperm.xlane v22, v9  }
0x251: {  	v23 =	vsub.f32 $1.000000000e+00, v11;
	v0 =	vperm.xlane v0, v9;
	v12 =	vperm.xlane v12, v9  }
0x252: {  	v57 =	vperm.xlane v58, v9;
	v42 =	vsub.f32 v26, v31;
	v4 =	vsub.f32 v4, v22  }
0x253: {  	v58 =	vperm.xlane v13, v9;
	v3 =	vadd.f32 v3, v48;
	v30 =	vadd.f32 v30, v50  }
0x254: {  	v11 =	vperm.xlane v11, v9;
	v6 =	vadd.f32 v6, v51;
	v1 =	vadd.f32 v1, v52  }
0x255: {  	v10 =	vadd.f32 v10, v60;
	v7 =	vadd.f32 v7, v63;
	v8 =	vperm.xlane v20, v9  }
0x256: {  	v32 =	vperm.xlane v24, v9;
	v29 =	vperm.xlane v25, v9;
	v5 =	vadd.f32 v59, v5  }
0x257: {  	s28 =	sadd.s32 $0xFFFFFFE8, s22;
	v35 =	vperm.xlane v23, v9;
	v43 =	vsub.f32 v22, v34;
	v0 =	vsub.f32 v0, v20  }
0x258: {  	s0 =	sadd.s32 $0xFFFFFFA0, s22;
	v63 =	vadd.s32 s28, v15;
	v12 =	vsub.f32 v12, v24;
	v40 =	vsub.f32 v57, v25;
	[tilespmem:v38+s16+$0x0] =	vst.idx.msk $0xff, v3  }
0x259: {  	v13 =	vld [tilespmem:$0x1FF40];
	v61 =	vsub.f32 v58, v26;
	v11 =	vsub.f32 v11, v23;
	[tilespmem:v37+s16+$0x0] =	vst.idx.msk $0xff, v30;
	v30 =	vadd.s32 s0, v15  }
0x25a: {  	v4 =	vmul.f32 v2, v4;
	v27 =	vsub.f32 v20, v8;
	v28 =	vsub.f32 v24, v32  }
0x25b: {  	v41 =	vsub.f32 v25, v29;
	v62 =	vperm.xlane v5, v9;
	v0 =	vmul.f32 v2, v0  }
0x25c: {  	s31 =	sadd.s32 $0xFFFFFF88, s22;
	v45 =	vsub.f32 v23, v35;
	v3 =	vmul.f32 v2, v12;
	v37 =	vmul.f32 v2, v40  }
0x25d: {  	s29 =	sadd.s32 $0xFFFFFFD0, s22;
	v12 =	vadd.s32 s31, v15;
	v53 =	vmul.f32 v2, v61;
	v11 =	vmul.f32 v2, v11  }
0x25e: {  	v59 =	vld [tilespmem:$0x1FF50];
	v61 =	vadd.s32 s29, v15;
	v13 =	vmul.f32 $2.560000000e+02, v13;
	v56 =	vmul.f32 v2, v27  }
0x25f: {  	v4 =	vadd.f32 v4, v22;
	v57 =	vmul.f32 v2, v28;
	v14 =	vmul.f32 v2, v41  }
0x260: {  	s30 =	sadd.s32 $0xFFFFFFB8, s22;
	v27 =	vadd.f32 $2.555000000e+02, v47;
	v28 =	vadd.f32 $2.555000000e+02, v49;
	v41 =	vmul.f32 v2, v43  }
0x261: {  	v5 =	vadd.f32 v5, v62;
	v43 =	vadd.s32 s30, v15;
	v0 =	vadd.f32 v0, v20  }
0x262: {  	v62 =	vtrunc.f32 v17;
	v3 =	vadd.f32 v3, v24;
	v49 =	vadd.f32 v53, v26  }
0x263: {  	v11 =	vadd.f32 v11, v23;
	v44 =	vmul.f32 $2.560000000e+02, v59;
	v59 =	vadd.f32 $2.555000000e+02, v19  }
0x264: {  	v16 =	vadd.f32 $2.555000000e+02, v13;
	v13 =	vmul.f32 v2, v39;
	v39 =	vmul.f32 v2, v42  }
0x265: {  	v19 =	vadd.f32 $2.555000000e+02, v46;
	v42 =	vmul.f32 v2, v45;
	v20 =	vcvt.f32.s32 v62  }
0x266: {  	v62 =	vadd.f32 v36, v21;
	v21 =	vadd.f32 v37, v25;
	v58 =	vtrunc.f32 v28  }
0x267: {  	v18 =	vadd.f32 $2.555000000e+02, v44;
	v44 =	vtrunc.f32 v59;
	v60 =	vtrunc.f32 v16  }
0x268: {  	v8 =	vadd.f32 v56, v8;
	[tilespmem:v12+s16+$0x0] =	vst.idx.msk $0xff, v6;
	v56 =	vtrunc.f32 v19;
	v12 =	vtrunc.f32 v27  }
0x269: {  	[tilespmem:v30+s16+$0x0] =	vst.idx.msk $0xff, v1;
	v32 =	vadd.f32 v57, v32;
	v1 =	vcvt.f32.s32 v58;
	v20 =	vcvt.s32.f32 v20  }
0x26a: {  	v29 =	vadd.f32 v14, v29;
	v30 =	vcvt.f32.s32 v44;
	v6 =	vcvt.f32.s32 v56  }
0x26b: {  	v46 =	vld [tilespmem:$0x1FF70];
	v33 =	vadd.f32 v13, v33;
	[tilespmem:v61+s16+$0x0] =	vst.idx.msk $0xff, v5;
	v12 =	vcvt.f32.s32 v12;
	v8 =	vmul.f32 v8, v0  }
0x26c: {  	v61 =	vadd.f32 v42, v35;
	v23 =	vmul.f32 v32, v3;
	v29 =	vmul.f32 v29, v21  }
0x26d: {  	v38 =	vld [tilespmem:s21+$0xFFFFF800];
	v50 =	vtrunc.f32 v18;
	[tilespmem:v43+s16+$0x0] =	vst.idx.msk $0xff, v10;
	v10 =	vadd.f32 v39, v31;
	v31 =	vcvt.f32.s32 v60  }
0x26e: {  	v45 =	vld [tilespmem:s21+$0xFFFFF810];
	v60 =	vadd.f32 v41, v34;
	v33 =	vmul.f32 v33, v62;
	v34 =	vmul.f32 v61, v11  }
0x26f: {  	v48 =	vld [tilespmem:s21+$0x10];
	v1 =	vcvt.s32.f32 v1;
	v20 =	vsub.f32 v17, v20;
	v25 =	vcvt.f32.s32 v50  }
0x270: {  	v40 =	vld [tilespmem:s21+$0x0];
	v14 =	vadd.s32 s14, v46;
	v13 =	vadd.s32 s1, v46;
	v0 =	vsub.f32 v0, v8  }
0x271: {  	[tilespmem:v63+s16+$0x0] =	vst.idx.msk $0xff, v7;
	v24 =	vld [tilespmem:s21+$0x30];
	v30 =	vcvt.s32.f32 v30;
	v3 =	vsub.f32 v3, v23;
	v6 =	vcvt.s32.f32 v6  }
0x272: {  	v57 =	vld [tilespmem:s21+$0x60];
	v21 =	vsub.f32 v21, v29;
	v12 =	vcvt.s32.f32 v12;
	v8 =	vmul.f32 v8, v38  }
0x273: {  	v52 =	vld [tilespmem:s21+$0xFFFFF820];
	v58 =	vmul.f32 v23, v45;
	v47 =	vadd.s32 s30, v46;
	v10 =	vmul.f32 v10, v49  }
0x274: {  	v44 =	vld [tilespmem:s21+$0x20];
	v5 =	vmul.f32 v60, v4;
	v31 =	vcvt.s32.f32 v31;
	v7 =	vsub.f32 v62, v33  }
0x275: {  	v22 =	vld [tilespmem:s21+$0xFFFFF850];
	v11 =	vsub.f32 v11, v34;
	v17 =	vsub.f32 $1.000000000e+00, v20;
	v20 =	vperm.xlane v20, v9  }
0x276: {  	v1 =	vsub.f32 v28, v1;
	v25 =	vcvt.s32.f32 v25;
	v0 =	vmul.f32 v0, v40  }
0x277: {  	v39 =	vld [tilespmem:s21+$0xFFFFF830];
	v30 =	vsub.f32 v59, v30;
	v3 =	vmul.f32 v3, v48;
	v6 =	vsub.f32 v19, v6  }
0x278: {  	v56 =	vld [tilespmem:s21+$0xFFFFF860];
	v12 =	vsub.f32 v27, v12;
	v27 =	vmul.f32 v21, v24;
	v41 =	vsub.f32 v49, v10  }
0x279: {  	v63 =	vld [tilespmem:s21+$0xFFFFF840];
	v4 =	vsub.f32 v4, v5;
	v19 =	vmul.f32 v33, v52;
	v7 =	vmul.f32 v7, v44  }
0x27a: {  	v26 =	vld [tilespmem:s21+$0x40];
	v31 =	vsub.f32 v16, v31;
	v5 =	vmul.f32 v5, v22;
	v11 =	vmul.f32 v11, v57  }
0x27b: {  	v50 =	vld [tilespmem:s21+$0x50];
	v16 =	vsub.f32 $1.000000000e+00, v1;
	v1 =	vperm.xlane v1, v9;
	v20 =	vsub.f32 v20, v17  }
0x27c: {  	v18 =	vsub.f32 v18, v25;
	v15 =	vsub.f32 $1.000000000e+00, v30;
	v25 =	vmul.f32 v29, v39  }
0x27d: {  	v23 =	vsub.f32 $1.000000000e+00, v6;
	v24 =	vsub.f32 $1.000000000e+00, v12;
	v30 =	vperm.xlane v30, v9  }
0x27e: {  	v0 =	vadd.f32 v0, v8;
	v6 =	vperm.xlane v6, v9;
	v12 =	vperm.xlane v12, v9  }
0x27f: {  	v3 =	vadd.f32 v3, v58;
	v10 =	vmul.f32 v10, v63;
	v59 =	vmul.f32 v41, v26  }
0x280: {  	v21 =	vsub.f32 $1.000000000e+00, v31;
	v4 =	vmul.f32 v4, v50;
	v26 =	vmul.f32 v34, v56  }
0x281: {  	v7 =	vadd.f32 v7, v19;
	v19 =	vperm.xlane v17, v9;
	v29 =	vperm.xlane v16, v9  }
0x282: {  	v31 =	vperm.xlane v31, v9;
	v1 =	vsub.f32 v1, v16;
	v22 =	vsub.f32 $1.000000000e+00, v18  }
0x283: {  	v28 =	vperm.xlane v15, v9;
	v25 =	vadd.f32 v27, v25;
	v18 =	vperm.xlane v18, v9  }
0x284: {  	v63 =	vperm.xlane v0, v9;
	v49 =	vperm.xlane v3, v9;
	v30 =	vsub.f32 v30, v15  }
0x285: {  	v6 =	vsub.f32 v6, v23;
	v12 =	vsub.f32 v12, v24;
	v8 =	vperm.xlane v21, v9  }
0x286: {  	v52 =	vmovc v2;
	v2 =	vadd.f32 v59, v10;
	v10 =	vperm.xlane v23, v9;
	v4 =	vadd.f32 v4, v5  }
0x287: {  	v5 =	vadd.f32 v11, v26;
	v26 =	vperm.xlane v24, v9;
	v61 =	vsub.f32 v17, v19  }
0x288: {  	v50 =	vperm.xlane v7, v9;
	v55 =	vsub.f32 v16, v29;
	v31 =	vsub.f32 v31, v21  }
0x289: {  	v1 =	vmul.f32 v52, v1;
	v27 =	vperm.xlane v22, v9;
	v11 =	vsub.f32 v15, v28  }
0x28a: {  	v53 =	vperm.xlane v25, v9;
	v18 =	vsub.f32 v18, v22;
	v0 =	vadd.f32 v0, v63  }
0x28b: {  	v3 =	vadd.f32 v3, v49;
	v30 =	vmul.f32 v52, v30;
	v63 =	vadd.s32 s0, v46  }
0x28c: {  	v6 =	vmul.f32 v52, v6;
	v12 =	vmul.f32 v52, v12;
	v60 =	vsub.f32 v21, v8  }
0x28d: {  	v48 =	vsub.f32 v23, v10;
	v54 =	vperm.xlane v2, v9;
	v56 =	vperm.xlane v4, v9  }
0x28e: {  	v51 =	vsub.f32 v24, v26;
	v57 =	vperm.xlane v5, v9;
	v33 =	vmul.f32 v52, v61  }
0x28f: {  	v7 =	vadd.f32 v7, v50;
	v61 =	vmul.f32 v52, v31;
	v31 =	vmul.f32 v52, v20  }
0x290: {  	v49 =	vadd.s32 s28, v46;
	v1 =	vadd.f32 v1, v16;
	v62 =	vsub.f32 v22, v27;
	[tilespmem:v14+s16+$0x0] =	vst.idx.msk $0xff, v0  }
0x291: {  	v11 =	vmul.f32 v52, v11;
	v25 =	vadd.f32 v25, v53;
	v14 =	vadd.s32 s31, v46;
	[tilespmem:v13+s16+$0x0] =	vst.idx.msk $0xff, v3  }
0x292: {  	v13 =	vmul.f32 v52, v18;
	v15 =	vadd.f32 v30, v15;
	v6 =	vadd.f32 v6, v23  }
0x293: {  	v12 =	vadd.f32 v12, v24;
	v32 =	vmul.f32 v52, v60;
	v2 =	vadd.f32 v2, v54  }
0x294: {  	v50 =	vld [tilespmem:$0x1FF80];
	v58 =	vmul.f32 v52, v48;
	v4 =	vadd.f32 v4, v56;
	v5 =	vadd.f32 v5, v57  }
0x295: {  	v59 =	vmul.f32 v52, v51;
	v45 =	vld [tilespmem:s21+$0x1000];
	v33 =	vadd.f32 v33, v19;
	v0 =	vadd.f32 v61, v21  }
0x296: {  	v60 =	vmul.f32 v52, v55;
	v51 =	vld [tilespmem:s21+$0x1010];
	v55 =	vadd.f32 v31, v17;
	v11 =	vadd.f32 v11, v28  }
0x297: {  	v34 =	vmul.f32 v52, v62;
	v62 =	vld [tilespmem:s21+$0x800];
	v13 =	vadd.f32 v13, v22;
	v8 =	vadd.f32 v32, v8  }
0x298: {  	v48 =	vadd.s32 s29, v46;
	v28 =	vld [tilespmem:s21+$0x810];
	v10 =	vadd.f32 v58, v10;
	[tilespmem:v63+s16+$0x0] =	vst.idx.msk $0xff, v25;
	v54 =	vadd.f32 v59, v26  }
0x299: {  	[tilespmem:v47+s16+$0x0] =	vst.idx.msk $0xff, v2;
	v17 =	vmul.f32 v33, v55;
	v18 =	vadd.s32 s14, v50;
	v19 =	vadd.s32 s1, v50;
	v26 =	vld [tilespmem:s21+$0x830]  }
0x29a: {  	[tilespmem:v49+s16+$0x0] =	vst.idx.msk $0xff, v5;
	v53 =	vadd.f32 v34, v27;
	v20 =	vadd.s32 s31, v50;
	v21 =	vadd.s32 s0, v50;
	v56 =	vld [tilespmem:s21+$0x1030]  }
0x29b: {  	v22 =	vadd.s32 s30, v50;
	v24 =	vadd.s32 s29, v50;
	v57 =	vmul.f32 v11, v15;
	v11 =	vld [tilespmem:s21+$0x840];
	[tilespmem:v14+s16+$0x0] =	vst.idx.msk $0xff, v7  }
0x29c: {  	v30 =	vld [tilespmem:s21+$0x1040];
	v14 =	vadd.f32 v60, v29;
	v8 =	vmul.f32 v8, v0;
	v10 =	vmul.f32 v10, v6  }
0x29d: {  	v23 =	vadd.s32 s28, v50;
	v3 =	vmul.f32 v54, v12;
	v2 =	vsub.f32 v55, v17;
	v27 =	vld [tilespmem:s21+$0x820];
	[tilespmem:v48+s16+$0x0] =	vst.idx.msk $0xff, v4  }
0x29e: {  	v25 =	vld [tilespmem:s21+$0x1020];
	v7 =	vmul.f32 v53, v13;
	v16 =	vsub.f32 v15, v57;
	v0 =	vsub.f32 v0, v8  }
0x29f: {  	s25 =	sadd.s32 $0x8, s25;
	v31 =	vld [tilespmem:s21+$0x850];
	v14 =	vmul.f32 v14, v1;
	v5 =	vmul.f32 v57, v62;
	v6 =	vsub.f32 v6, v10  }
0x2a0: {  	p0 =	slt.u32 s25, $0x78;
	v58 =	vld [tilespmem:s21+$0x1050];
	v60 =	vmul.f32 v8, v28;
	v59 =	vsub.f32 v13, v7;
	v16 =	vmul.f32 v16, v45  }
.Ltmp5:
0x2a1: {  	v12 =	vsub.f32 v12, v3;
	v0 =	vmul.f32 v0, v51;
	v62 =	vmul.f32 v7, v26;
	(pc) =	sbr.rel @p0 .LBB2_4-.Ltmp5, $4  }
0x2a2: {  	v13 =	vsub.f32 v1, v14;
	v28 =	vmul.f32 v6, v30;
	v63 =	vmul.f32 v59, v56  }
0x2a3: {  	v16 =	vadd.f32 v16, v5;
	v61 =	vmul.f32 v17, v27;
	v2 =	vmul.f32 v2, v25  }
0x2a4: {  	v29 =	vld [tilespmem:s21+$0x1060];
	v17 =	vadd.f32 v0, v60;
	v27 =	vmul.f32 v10, v11;
	v26 =	vadd.f32 v63, v62  }
0x2a5: {  	s26 =	sadd.s32 $0x80, s26;
	v15 =	vld [tilespmem:s21+$0x860];
	v30 =	vmul.f32 v3, v31;
	v31 =	vmul.f32 v12, v58;
	v25 =	vadd.f32 v2, v61  }
0x2a6: {  	_ = 	snop  }
0x2a7: {  	v1 =	vperm.xlane v16, v9  }
0x2a8: {  	v2 =	vadd.f32 v28, v27  }
0x2a9: {  	v4 =	vperm.xlane v17, v9;
	v7 =	vperm.xlane v26, v9;
	v1 =	vadd.f32 v16, v1  }
0x2aa: {  	v5 =	vadd.f32 v31, v30;
	v3 =	vmul.f32 v13, v29;
	v0 =	vmul.f32 v14, v15  }
0x2ab: {  	v6 =	vperm.xlane v25, v9;
	v7 =	vadd.f32 v26, v7;
	[tilespmem:v18+s16+$0x0] =	vst.idx.msk $0xff, v1  }
0x2ac: {  	v1 =	vperm.xlane v5, v9;
	v0 =	vadd.f32 v3, v0;
	v3 =	vadd.f32 v17, v4  }
0x2ad: {  	v6 =	vadd.f32 v25, v6;
	[tilespmem:v21+s16+$0x0] =	vst.idx.msk $0xff, v7;
	v4 =	vperm.xlane v2, v9  }
0x2ae: {  	v1 =	vadd.f32 v5, v1;
	[tilespmem:v19+s16+$0x0] =	vst.idx.msk $0xff, v3;
	v3 =	vperm.xlane v0, v9  }
0x2af: {  	[tilespmem:v20+s16+$0x0] =	vst.idx.msk $0xff, v6;
	v2 =	vadd.f32 v2, v4  }
0x2b0: {  	[tilespmem:v24+s16+$0x0] =	vst.idx.msk $0xff, v1;
	v0 =	vadd.f32 v0, v3  }
0x2b1: {  	[tilespmem:v22+s16+$0x0] =	vst.idx.msk $0xff, v2  }
0x2b2: {  	[tilespmem:v23+s16+$0x0] =	vst.idx.msk $0xff, v0  }
0x2b3: {  	v0 =	vld [tilespmem:$0x1FFA0]  }
.Ltmp6:
0x2b4: {  	v1 =	vld [tilespmem:$0x1FFB0];
	(pc) =	sbr.rel .LBB2_6-.Ltmp6, $4  }
0x2b5: {  	s0 =	smul.u32 $0x3, s23;
	v2 =	vld [tilespmem:$0x1FFC0]  }
0x2b6: {  	s1 =	sshrl.u32 s24, $0x2;
	v3 =	vld [tilespmem:$0x1FFD0]  }
0x2b7: {  	s1 =	sadd.s32 $0xF000, s1;
	s0 =	sadd.s32 s2, s0;
	v4 =	vld [tilespmem:$0x1FFE0]  }
0x2b8: {  	[hbm4b:s0+s3] =	stream.linear.scatter [tilespmem:s1], [sflag:$0x3], $0xC00, $0x38;
	v6 =	vld [tilespmem:$0x1FFF0]  }
.LBB2_8:
0x2b9: {  	_ =	sfence.sel $0x180000  }
0x2ba: {  	[bflag:$0x0] =	sbarrier.arrive $0xFFFF  }
0x2bb: {  	_ =	strace $0x90000050  }
0x2bc: {  	s0 =	stileid.u32;
	[bflag:$0x2] =	sbarrier.arrive $0xFFFF  }
0x2bd: {  	p0 =	sne.s32 s0, $0x0;
	s0 =	rddreg [dreg:$0x2]  }
0x2be: {  	s0 =	sadd.s32 @!p0 $0x100000, s0  }
0x2bf: {  	[sflag:s0] =	ssyncadd.tile.s32 @!p0 $0x1;
	_ =	shalt  }
.Lfunc_end2:
_tile_overlayer_lowered:
.L_overlay_start_2:
0x2c0: {  	(tag) =	ssettag $0x2  }
0x2c1: {  	s0 =	rddreg [dreg:$0x0];
	s2 =	stileid.u32  }
0x2c2: {  	s1 =	rddreg [dreg:$0x1];
	p0 =	sne.s32 s2, $0x0  }
0x2c3: {  	s3 =	rddreg [dreg:$0x2];
	[bflag:$0x3] =	sbarrier.arrive $0xFFFF;
	s2 =	simm.s32 @!p0 $0x1C04  }
0x2c4: {  	[timem:s3], [sflag:s2] =	dma.local @!p0 [hbm:s0], s1  }
0x2c5: {  	s0 =	simm.s32 @!p0 $0x4  }
0x2c6: {  	_ =	swait.ge @!p0 [sflag:s0], s1  }
0x2c7: {  	s1 =	ssub.s32 @!p0 $0x0, s1;
	[sflag:s0] =	ssyncset.done @!p0 $0x0  }
0x2c8: {  	[sflag:s0] =	ssyncadd.s32 @!p0 s1  }
0x2c9: {  	[bflag:$0x3] =	sbarrier.arrive $0xFFFF  }
0x2ca: {  	_ =	shalt  }

// kernel: sparse-core-data-format-call.1.cloned.1.call-start
scs
called_computation.1_lowered:
.L_overlay_start_0:
0x0: {  	s2 =	sld [smem:$0x3FD9]  }
0x1: {  	s3 =	sld [smem:$0x3FFE];
	_ =	sdelay $0x1  }
0x2: {  	s1 =	srdreg.scid  }
0x3: {  	s0 =	sand.u32 $0x1, s1  }
0x4: {  	s18 =	sshll.u32 s0, $0xA;
	s2 =	sadd.s32 s3, s2  }
0x5: {  	s2 =	sadd.s32 s2, s18  }
0x6: {  	[smem:$0x3FC4] =	sst s2  }
0x7: {  	_ = 	snop  }
0x8: {  	(tm) =	ssettm $0x1  }
0x9: {  	s19 =	sld [smem:$0x3FFB];
	_ =	sdelay $0x3  }
0xa: {  	_ =	strace s19  }
0xb: {  	s2 =	sld [smem:$0x3FFC];
	_ =	sdelay $0x3  }
0xc: {  	_ =	strace s2  }
0xd: {  	s2 =	sld [smem:$0x3FFD];
	_ =	sdelay $0x3  }
0xe: {  	_ =	strace s2  }
0xf: {  	_ =	strace $0x8FFFFFFF  }
0x10: {  	s20 =	sld [smem:$0x3FDB];
	_ =	sdelay $0x1  }
0x11: {  	s21 =	simm.s32 $_scs_section_size  }
0x12: {  	s4 =	simm.s32 $_size__tile_overlayer_lowered;
	s5 =	simm.s32 $_tile_overlayer_lowered  }
0x13: {  	s6 =	simm.s32 $0x1BFF;
	s22 =	sshll.u32 s5, $0x1;
	s3 =	sadd.s32 s21, s20  }
0x14: {  	s23 =	simm.s32 $0x0;
	s4 =	sshll.u32 s4, $0x1;
	s5 =	sadd.s32 s22, s3  }
0x15: {  	[timem:s23], [sflag:s6] =	dma.local [hbm:s5], s4  }
0x16: {  	_ =	swait.ge [sflag:s6], s4  }
0x17: {  	s4 =	ssub.s32 $0x0, s4;
	[sflag:s6] =	ssyncset.done $0x0  }
0x18: {  	[sflag:s6] =	ssyncadd.s32 s4;
	_ =	sdelay $0x1  }
0x19: {  	s24 =	simm.s32 $0x1B8B  }
0x1a: {  	_ =	swait.ge [sflag:s24], $0x1  }
0x1b: {  	[sflag:s24] =	ssyncset.done $0x0  }
0x1c: {  	[sflag:s24] =	ssyncadd.s32 $0xFFFFFFFF  }
0x1d: {  	s4 =	sld [smem:$0x0]  }
0x1e: {  	s5 =	sand.u32 $0xFFFFFFFE, s1  }
0x1f: {  	p0 =	sne.s32 s1, s5  }
0x20: {  	s5 =	sshll.u32 @p0 s5, $0xE  }
0x21: {  	s5 =	sadd.s32 @p0 $0x11B8D, s5;
	s6 =	sshll.u32 @p0 s4, $0x11  }
0x22: {  	s5 =	sor.u32 @p0 s6, s5  }
0x23: {  	[sflag:s5] =	ssyncadd.remote.s32 @p0 $0x1;
	_ =	sdelay $0x1  }
0x24: {  	s5 =	simm.s32 @p0 $0x1B8D  }
0x25: {  	_ =	swait.eq @p0 [sflag:s5], $0x1  }
0x26: {  	[sflag:s5] =	ssyncadd.s32 @p0 $0xFFFFFFFF  }
0x27: {  	s6 =	sshll.u32 @!p0 s1, $0xE  }
0x28: {  	s6 =	sor.u32 @!p0 $0x4000, s6;
	s5 =	simm.s32 @!p0 $0x1B8D  }
0x29: {  	s4 =	sshll.u32 @!p0 s4, $0x11;
	s6 =	sadd.s32 @!p0 $0x11B8D, s6;
	_ =	swait.eq @!p0 [sflag:s5], $0x1  }
0x2a: {  	s4 =	sor.u32 @!p0 s4, s6;
	[sflag:s5] =	ssyncadd.s32 @!p0 $0xFFFFFFFF  }
0x2b: {  	s26 =	simm.s32 $0x1B8E;
	s25 =	sld [smem:$0x3FFE];
	[sflag:s4] =	ssyncadd.remote.s32 @!p0 $0x1  }
0x2c: {  	s27 =	simm.s32 $execute0_lowered;
	[smem:$0x3FD2] =	sst s26  }
0x2d: {  	s5 =	sshll.u32 s27, $0x1;
	_ =	strace $0x80000049;
	[dreg:$0x1] =	wrdreg $0xFFFFFFFF  }
0x2e: {  	s28 =	simm.s32 $_size_execute0_lowered;
	s3 =	sadd.s32 s3, s5;
	[dreg:$0x0] =	wrdreg $0x0  }
0x2f: {  	s5 =	sshll.u32 s28, $0x1;
	[dreg:$0x2] =	wrdreg s3  }
0x30: {  	[dreg:$0x3] =	wrdreg s5  }
0x31: {  	[dreg:$0x4] =	wrdreg $0xC0  }
0x32: {  	_ =	task [dreg:s23], $0x5FFFF  }
0x33: {  	[dreg:$0x1] =	wrdreg $0xFFFFFFFF  }
0x34: {  	[dreg:$0x0] =	wrdreg $0x60  }
0x35: {  	[dreg:$0x2] =	wrdreg s25  }
0x36: {  	[dreg:$0x3] =	wrdreg $0x9  }
0x37: {  	_ =	task.clear_ibuf [dreg:s23], $0x4FFFF;
	_ =	strace $0x90000049  }
0x38: {  	s29 =	simm.s32 $0x9;
	_ =	strace $0x8000004B  }
0x39: {  	_ =	swait.ge [sflag:s29], $0x1  }
0x3a: {  	[sflag:s29] =	ssyncadd.s32 $0xFFFFFFFF  }
0x3b: {  	_ =	strace $0x9000004B  }
0x3c: {  	_ =	sfence  }
0x3d: {  	s30 =	sld [smem:$0x0];
	_ =	sdelay $0x2  }
0x3e: {  	s31 =	sshll.u32 s1, $0xD;
	s1 =	sshrl.u32 s1, $0x2  }
0x3f: {  	s4 =	sand.u32 $0x4000, s31;
	s1 =	sadd.s32 s1, s30  }
0x40: {  	s0 =	sor.u32 s4, s0;
	s1 =	sshll.u32 s1, $0x11  }
0x41: {  	s0 =	sor.u32 s1, s0  }
0x42: {  	s0 =	sadd.s32 $0x8F2B, s0  }
0x43: {  	[sflag:s0] =	ssyncadd.remote.s32 $0x1  }
0x44: {  	_ =	sfence.sel $0xFFFF  }
0x45: {  	[dreg:$0x0] =	wrdreg $0xFFFFFFFF;
	(pc) =	sbr.abs _section_cstart, $3  }
0x46: {  	[dreg:$0x1] =	wrdreg $0xFFFFFFFF  }
0x47: {  	_ =	task.clear_ibuf [dreg:s23], $0x2FFFF;
	_ =	strace $0x9FFFFFFF  }
0x48: {  	(tm) =	ssettm $0x7FFFFFFF  }
0x49: {  	_ =	shalt  }
tec
execute0_lowered:
.L_overlay_start_1:
0x0: {  	(tag) =	ssettag $0x1  }
0x1: {  	s0 =	rddreg [dreg:$0x0];
	s1 =	srdreg.scid  }
0x2: {  	s3 =	stileid.u32;
	_ =	strace $0x8000004A;
	s6 =	simm.s32 $0x1  }
0x3: {  	s30 =	simm.s32 $0x2;
	s24 =	simm.s32 $0x0;
	s16 =	simm.s32 $0x80  }
0x4: {  	s23 =	simm.s32 $0x0;
	s22 =	simm.s32 $0x0;
	s25 =	simm.s32 $0x0  }
0x5: {  	s17 =	simm.s32 $0x0;
	s19 =	simm.s32 $0x0;
	s21 =	simm.s32 $0x0  }
0x6: {  	s1 =	sshll.u32 s1, $0x4;
	s2 =	sadd.s32 $0xB82C00, s0;
	s4 =	sadd.s32 $0xF82C00, s0  }
0x7: {  	s5 =	sand.u32 $0x7, s3;
	s31 =	sadd.s32 $0xF84C00, s0;
	s1 =	sor.u32 s3, s1  }
0x8: {  	s8 =	sadd.s32 $0xF86C00, s0;
	[dreg:$0x2] =	wrdreg s4;
	s4 =	sand.u32 $0x18, s1  }
0x9: {  	[sflag:s6] =	ssyncpa.u1 $0x0;
	s9 =	sadd.s32 $0xF88C00, s0;
	s1 =	ssub.s32 $0x200, s4  }
0xa: {  	s11 =	sadd.s32 $0xF8AC00, s0;
	s12 =	sadd.s32 $0xF8CC00, s0;
	s7 =	sand.u32 $0x18, s1  }
.Ltmp0:
0xb: {  	s3 =	simm.s32 $0x1;
	p0 =	sne.s32 s7, $0x0;
	(pc) =	sbr.rel .LBB1_1-.Ltmp0, $4  }
0xc: {  	s13 =	sadd.s32 $0xF8EC00, s0;
	s1 =	sshrl.u32 s1, $0x5;
	s3 =	simm.s32 @!p0 $0x0  }
0xd: {  	s14 =	sadd.s32 $0xF90C00, s0;
	[sflag:s30] =	ssyncpa.u1 $0x0;
	s1 =	sadd.s32 s3, s1  }
0xe: {  	[dreg:$0x3] =	wrdreg s31;
	s20 =	smov.u32 s5;
	s10 =	sshll.u32 s1, $0x2  }
0xf: {  	s18 =	smov.u32 s4;
	p0 =	por $0x0, $0x0;
	s15 =	sor.u32 $0x1, s10  }
.LBB1_7:
0x10: {  	s0 =	sadd.s32 $0x80, s17  }
0x11: {  	s1 =	sadd.s32 $0x20, s18;
	s3 =	smov.u32 s18;
	p2 =	sgt.s32 s0, $0x1FF  }
0x12: {  	s3 =	smov.u32 @p2 s1  }
0x13: {  	s7 =	smov.u32 s19;
	s1 =	sadd.s32 $0x10, s19;
	p3 =	sgt.s32 s3, $0x1FF  }
0x14: {  	s7 =	smov.u32 @p3 s1  }
0x15: {  	s26 =	smov.u32 s20;
	s1 =	sadd.s32 $0x8, s20;
	p4 =	sgt.s32 s7, $0xF  }
0x16: {  	p1 =	slt.u32 s21, $0x2;
	s26 =	smov.u32 @p4 s1  }
0x17: {  	s24 =	smov.u32 s17;
	s0 =	simm.s32 @p2 $0x0;
	p2 =	sgt.s32 s26, $0x7  }
0x18: {  	s23 =	smov.u32 s18;
	s26 =	smov.u32 @p2 s5;
	p2 =	sne.s32 s21, s15  }
.Ltmp1:
0x19: {  	s22 =	smov.u32 s19;
	s25 =	smov.u32 s20;
	(pc) =	sbr.rel @!p2 .LBB1_8-.Ltmp1, $4  }
0x1a: {  	p0 =	por !p0, !p0;
	s17 =	smov.u32 s0;
	s1 =	simm.s32 @!p1 $0x2  }
0x1b: {  	s3 =	smov.u32 @p3 s4;
	s7 =	simm.s32 @p4 $0x0;
	_ =	swait.ge @!p1 [sflag:s1], $0x4000  }
0x1c: {  	s18 =	smov.u32 s3;
	s19 =	smov.u32 s7;
	[sflag:s1] =	ssyncset.done @!p1 $0x0  }
0x1d: {  	s21 =	sadd.s32 $0x1, s21;
	[sflag:s1] =	ssyncadd.s32 @!p1 $0xFFFFC000;
	s20 =	smov.u32 s26  }
.LBB1_1:
0x1e: {  	p1 =	sge.u32 s21, s10;
	s31 =	sadd.s32 $0xFFFFFFFF, s21  }
0x1f: {  	s0 =	sxor.u32 @!p1 $0xFFFFFFFF, s21;
	s1 =	sand.u32 @!p1 $0x78, s17;
	s3 =	sshll.u32 @!p1 s18, $0x9  }
0x20: {  	s26 =	sshll.u32 @!p1 s17, $0x3;
	s27 =	sshll.u32 @!p1 s18, $0x7;
	s0 =	sshll.u32 @!p1 s0, $0xE  }
0x21: {  	s3 =	sand.u32 @!p1 $0x3F000, s3;
	s26 =	sand.u32 @!p1 $0x3FC00, s26;
	s0 =	sand.u32 @!p1 $0x4000, s0  }
0x22: {  	s3 =	sadd.s32 @!p1 s3, s26;
	s26 =	sand.u32 @!p1 $0x200, s27;
	s27 =	sand.u32 @!p1 $0x180, s27  }
0x23: {  	s3 =	sor.u32 @!p1 s26, s3;
	s1 =	sor.u32 @!p1 s1, s27;
	s26 =	sshll.u32 @!p1 s20, $0x13  }
0x24: {  	s27 =	sshll.u32 @!p1 s19, $0xF;
	s3 =	sshrl.u32 @!p1 s3, $0x3;
	s26 =	sadd.s32 @!p1 s2, s26  }
0x25: {  	s1 =	sshrl.u32 @!p1 s1, $0x3;
	s26 =	sadd.s32 @!p1 s27, s26;
	s27 =	sand.u32 @!p1 $0x7, s17  }
0x26: {  	s3 =	sand.u32 @!p1 $0x7FC0, s3;
	s1 =	sadd.s32 @!p1 s1, s26;
	s26 =	sshll.u32 @!p1 s27, $0x12  }
0x27: {  	s1 =	sadd.s32 @!p1 s3, s1;
	s3 =	sor.u32 @!p1 $0x400, s26;
	s26 =	simm.s32 @!p1 $0x40000  }
0x28: {  	[tilespmem:s0], [sflag:$0x1] =	stream.strided.gather @!p1 [hbm4b:s1+s3], $0x4000, s26, s3, $0x38;
	[tilespmem:$0x10800] =	vst v63  }
0x29: {  	p1 =	sge.u32 s31, s10  }
.Ltmp2:
0x2a: {  	_ = 	snop;
	(pc) =	sbr.rel @p1 .LBB1_7-.Ltmp2, $1  }
0x2b: {  	_ =	sdelay $0x3  }
0x2c: {  	s0 =	simm.s32 $0x1;
	s3 =	sand.u32 $0x1, s21  }
0x2d: {  	s0 =	simm.s32 @!p0 $0x0;
	s3 =	smul.u32 $0x11000, s3  }
0x2e: {  	_ =	swait.ge [sflag:s6], $0x4000;
	s1 =	smul.u32 $0x11000, s0  }
0x2f: {  	s30 =	simm.s32 $0x0;
	[sflag:s6] =	ssyncset.done $0x0;
	s0 =	sshll.u32 s0, $0xE  }
0x30: {  	[sflag:s6] =	ssyncadd.s32 $0xFFFFC000;
	s26 =	sshrl.u32 s3, $0x2;
	s1 =	sshrl.u32 s1, $0x2  }
0x31: {  	s29 =	sor.u32 $0x40, s0;
	s27 =	sor.u32 $0x8000, s26;
	s28 =	sor.u32 $0x8000, s1  }
.LBB1_3:
0x32: {  	v0 =	vld [tilespmem:s29+$0x30]  }
0x33: {  	v1 =	vld [tilespmem:s29+$0xFFFFFFD0]  }
0x34: {  	v5 =	vld [tilespmem:s29+$0xFFFFFFE0]  }
0x35: {  	v6 =	vld [tilespmem:s29+$0xFFFFFFF0]  }
0x36: {  	s31 =	sadd.s32 $0x0, s28;
	v2 =	vld [tilespmem:s29+$0x0]  }
0x37: {  	v3 =	vld [tilespmem:s29+$0x10];
	[tilespmem:s31+$0x770 ss:$0x11] =	vst.msk $0xffff, v0  }
0x38: {  	v4 =	vld [tilespmem:s29+$0x20];
	[tilespmem:s31+$0x110 ss:$0x11] =	vst.msk $0xffff, v1  }
0x39: {  	s0 =	sadd.s32 $0x80, s29;
	v0 =	vld [tilespmem:s29+$0xFFFFFFC0];
	[tilespmem:s31+$0x220 ss:$0x11] =	vst.msk $0xffff, v5  }
0x3a: {  	s1 =	simm.s32 $0x2200;
	s3 =	simm.s32 $0x4400;
	v1 =	vld [tilespmem:s0+$0x30];
	[tilespmem:s31+$0x330 ss:$0x11] =	vst.msk $0xffff, v6  }
.LBB1_4:
0x3b: {  	p1 =	sne.s32 s3, $0xEE00;
	v5 =	vld [tilespmem:s0+$0xFFFFFFD0];
	[tilespmem:s31+$0x440 ss:$0x11] =	vst.msk $0xffff, v2  }
0x3c: {  	v6 =	vld [tilespmem:s0+$0xFFFFFFE0];
	[tilespmem:s31+$0x550 ss:$0x11] =	vst.msk $0xffff, v3  }
0x3d: {  	s7 =	sshra.s32 s1, $0x2;
	s1 =	smov.u32 s3;
	v7 =	vld [tilespmem:s0+$0xFFFFFFF0];
	[tilespmem:s31+$0x660 ss:$0x11] =	vst.msk $0xffff, v4  }
.Ltmp3:
0x3e: {  	v2 =	vld [tilespmem:s0+$0x0];
	[tilespmem:s31+$0x0 ss:$0x11] =	vst.msk $0xffff, v0;
	s31 =	sadd.s32 s7, s28;
	(pc) =	sbr.rel @p1 .LBB1_4-.Ltmp3, $4  }
0x3f: {  	v3 =	vld [tilespmem:s0+$0x10];
	[tilespmem:s31+$0x770 ss:$0x11] =	vst.msk $0xffff, v1  }
0x40: {  	[tilespmem:s31+$0x110 ss:$0x11] =	vst.msk $0xffff, v5;
	v4 =	vld [tilespmem:s0+$0x20]  }
0x41: {  	v0 =	vld [tilespmem:s0+$0xFFFFFFC0];
	[tilespmem:s31+$0x220 ss:$0x11] =	vst.msk $0xffff, v6;
	s0 =	sadd.s32 $0x80, s0  }
0x42: {  	s3 =	sadd.s32 $0x2200, s3;
	v1 =	vld [tilespmem:s0+$0x30];
	[tilespmem:s31+$0x330 ss:$0x11] =	vst.msk $0xffff, v7  }
0x43: {  	v5 =	vld [tilespmem:s0+$0xFFFFFFD0];
	[tilespmem:s31+$0x440 ss:$0x11] =	vst.msk $0xffff, v2  }
0x44: {  	v58 =	vld [tilespmem:s0+$0xFFFFFFE0];
	[tilespmem:s31+$0x550 ss:$0x11] =	vst.msk $0xffff, v3  }
0x45: {  	s1 =	sshra.s32 s1, $0x2;
	v59 =	vld [tilespmem:s0+$0xFFFFFFF0];
	[tilespmem:s31+$0x660 ss:$0x11] =	vst.msk $0xffff, v4  }
0x46: {  	v60 =	vld [tilespmem:s0+$0x0];
	s1 =	sadd.s32 s1, s28;
	[tilespmem:s31+$0x0 ss:$0x11] =	vst.msk $0xffff, v0  }
0x47: {  	v61 =	vld [tilespmem:s0+$0x10];
	[tilespmem:s1+$0x770 ss:$0x11] =	vst.msk $0xffff, v1  }
0x48: {  	v62 =	vld [tilespmem:s0+$0x20];
	s30 =	sadd.s32 $0x1, s30;
	[tilespmem:s1+$0x110 ss:$0x11] =	vst.msk $0xffff, v5  }
0x49: {  	v63 =	vld [tilespmem:s0+$0xFFFFFFC0];
	p1 =	sne.s32 s30, $0x10;
	[tilespmem:s1+$0x220 ss:$0x11] =	vst.msk $0xffff, v58  }
.Ltmp4:
0x4a: {  	[tilespmem:s1+$0x330 ss:$0x11] =	vst.msk $0xffff, v59;
	(pc) =	sbr.rel @p1 .LBB1_3-.Ltmp4, $4  }
0x4b: {  	[tilespmem:s1+$0x440 ss:$0x11] =	vst.msk $0xffff, v60  }
0x4c: {  	[tilespmem:s1+$0x550 ss:$0x11] =	vst.msk $0xffff, v61  }
0x4d: {  	[tilespmem:s1+$0x660 ss:$0x11] =	vst.msk $0xffff, v62  }
0x4e: {  	s29 =	sadd.s32 $0x400, s29;
	s28 =	sadd.s32 $0x1, s28;
	[tilespmem:s1+$0x0 ss:$0x11] =	vst.msk $0xffff, v63  }
0x4f: {  	s0 =	sshll.u32 s24, $0x7;
	s1 =	sshll.u32 s22, $0x3  }
0x50: {  	s3 =	sand.u32 $0xFC00, s0;
	s1 =	sand.u32 $0xFC00, s1  }
0x51: {  	s7 =	sshrl.u32 s22, $0x3;
	s0 =	sand.u32 $0x380, s0;
	s1 =	sadd.s32 s1, s3  }
0x52: {  	s3 =	sshll.u32 s23, $0xD;
	s0 =	sor.u32 s0, s1;
	s1 =	sshll.u32 s25, $0x16  }
0x53: {  	s31 =	rddreg [dreg:$0x2];
	s24 =	sand.u32 $0x7, s22;
	s23 =	sadd.s32 s1, s3  }
0x54: {  	s7 =	sand.u32 $0xF, s7;
	s0 =	sshrl.u32 s0, $0x3;
	s23 =	sadd.s32 s31, s23  }
0x55: {  	s22 =	sshll.u32 s24, $0x12;
	s0 =	sand.u32 $0x1FF0, s0;
	s23 =	sadd.s32 s7, s23  }
0x56: {  	s22 =	sor.u32 $0x10, s22;
	s25 =	rddreg [dreg:$0x3];
	s23 =	sadd.s32 s0, s23  }
0x57: {  	[hbm4b:s23+s22] =	stream.strided.scatter [tilespmem:s27], [sflag:$0x2], $0x800, s16, s22, $0x8;
	[tilespmem:$0x10800] =	vst v63  }
0x58: {  	s23 =	sadd.s32 s1, s25  }
0x59: {  	s23 =	sadd.s32 s3, s23  }
0x5a: {  	s23 =	sadd.s32 s7, s23  }
0x5b: {  	s28 =	sadd.s32 s1, s8;
	s27 =	sadd.s32 $0x8880, s26;
	s23 =	sadd.s32 s0, s23  }
0x5c: {  	[hbm4b:s23+s22] =	stream.strided.scatter [tilespmem:s27], [sflag:$0x2], $0x800, s16, s22, $0x8;
	[tilespmem:$0x10800] =	vst v63  }
0x5d: {  	s23 =	sadd.s32 s3, s28  }
0x5e: {  	s23 =	sadd.s32 s7, s23  }
0x5f: {  	s29 =	sadd.s32 $0x9100, s26;
	s30 =	sadd.s32 s1, s9;
	s23 =	sadd.s32 s0, s23  }
0x60: {  	[hbm4b:s23+s22] =	stream.strided.scatter [tilespmem:s29], [sflag:$0x2], $0x800, s16, s22, $0x8;
	[tilespmem:$0x10800] =	vst v63  }
0x61: {  	s23 =	sadd.s32 s3, s30  }
0x62: {  	s23 =	sadd.s32 s7, s23  }
0x63: {  	s24 =	sadd.s32 s1, s11;
	s31 =	sadd.s32 $0x9980, s26;
	s23 =	sadd.s32 s0, s23  }
0x64: {  	[hbm4b:s23+s22] =	stream.strided.scatter [tilespmem:s31], [sflag:$0x2], $0x800, s16, s22, $0x8;
	[tilespmem:$0x10800] =	vst v63  }
0x65: {  	s23 =	sadd.s32 s3, s24  }
0x66: {  	s23 =	sadd.s32 s7, s23  }
0x67: {  	s25 =	sadd.s32 $0xA200, s26;
	s27 =	sadd.s32 s1, s12;
	s23 =	sadd.s32 s0, s23  }
0x68: {  	[hbm4b:s23+s22] =	stream.strided.scatter [tilespmem:s25], [sflag:$0x2], $0x800, s16, s22, $0x8;
	[tilespmem:$0x10800] =	vst v63  }
0x69: {  	s23 =	sadd.s32 s3, s27  }
0x6a: {  	s23 =	sadd.s32 s7, s23  }
0x6b: {  	s28 =	sadd.s32 $0xAA80, s26;
	s29 =	sadd.s32 s1, s13;
	s23 =	sadd.s32 s0, s23  }
0x6c: {  	[hbm4b:s23+s22] =	stream.strided.scatter [tilespmem:s28], [sflag:$0x2], $0x800, s16, s22, $0x8;
	[tilespmem:$0x10800] =	vst v63  }
0x6d: {  	s1 =	sadd.s32 s1, s14;
	s23 =	sadd.s32 s3, s29  }
.Ltmp5:
0x6e: {  	s1 =	sadd.s32 s3, s1;
	s23 =	sadd.s32 s7, s23;
	(pc) =	sbr.rel .LBB1_7-.Ltmp5, $4  }
0x6f: {  	s30 =	sadd.s32 $0xB300, s26;
	s1 =	sadd.s32 s7, s1;
	s23 =	sadd.s32 s0, s23  }
0x70: {  	[hbm4b:s23+s22] =	stream.strided.scatter [tilespmem:s30], [sflag:$0x2], $0x800, s16, s22, $0x8;
	[tilespmem:$0x10800] =	vst v63  }
0x71: {  	s31 =	sadd.s32 $0xBB80, s26;
	s0 =	sadd.s32 s0, s1  }
0x72: {  	[hbm4b:s0+s22] =	stream.strided.scatter [tilespmem:s31], [sflag:$0x2], $0x800, s16, s22, $0x8;
	[tilespmem:$0x10800] =	vst v63  }
.LBB1_8:
0x73: {  	_ =	sfence.sel $0x180000  }
0x74: {  	s0 =	simm.s32 $0x1;
	[bflag:$0x0] =	sbarrier.arrive $0xFFFF  }
0x75: {  	s30 =	simm.s32 $0x2;
	[sflag:s0] =	ssyncpa.u1 $0x1  }
0x76: {  	[sflag:s30] =	ssyncpa.u1 $0x1  }
0x77: {  	_ =	strace $0x9000004A  }
0x78: {  	s31 =	stileid.u32;
	[bflag:$0x2] =	sbarrier.arrive $0xFFFF  }
0x79: {  	p0 =	sne.s32 s31, $0x0;
	s0 =	rddreg [dreg:$0x1]  }
0x7a: {  	s0 =	sadd.s32 @!p0 $0x100000, s0  }
0x7b: {  	[sflag:s0] =	ssyncadd.tile.s32 @!p0 $0x1;
	_ =	shalt  }
.Lfunc_end1:
_tile_overlayer_lowered:
.L_overlay_start_2:
0x7c: {  	(tag) =	ssettag $0x2  }
0x7d: {  	s0 =	rddreg [dreg:$0x0];
	s2 =	stileid.u32  }
0x7e: {  	s1 =	rddreg [dreg:$0x1];
	p0 =	sne.s32 s2, $0x0  }
0x7f: {  	s3 =	rddreg [dreg:$0x2];
	[bflag:$0x3] =	sbarrier.arrive $0xFFFF;
	s2 =	simm.s32 @!p0 $0x1C01  }
0x80: {  	[timem:s3], [sflag:s2] =	dma.local @!p0 [hbm:s0], s1  }
0x81: {  	s0 =	simm.s32 @!p0 $0x1  }
0x82: {  	_ =	swait.ge @!p0 [sflag:s0], s1  }
0x83: {  	s1 =	ssub.s32 @!p0 $0x0, s1;
	[sflag:s0] =	ssyncset.done @!p0 $0x0  }
0x84: {  	[sflag:s0] =	ssyncadd.s32 @!p0 s1  }
0x85: {  	[bflag:$0x3] =	sbarrier.arrive $0xFFFF  }
0x86: {  	_ =	shalt  }

// kernel: sparse-core-data-format-call.2.cloned.1.call-start
scs
called_computation.2_lowered:
.L_overlay_start_0:
0x0: {  	s1 =	sld [smem:$0x3FD9]  }
0x1: {  	s2 =	sld [smem:$0x3FFE];
	_ =	sdelay $0x1  }
0x2: {  	s3 =	srdreg.scid  }
0x3: {  	s0 =	sand.u32 $0x1, s3  }
0x4: {  	s17 =	sshll.u32 s0, $0xA;
	s1 =	sadd.s32 s2, s1  }
0x5: {  	s1 =	sadd.s32 s1, s17  }
0x6: {  	[smem:$0x3FC4] =	sst s1  }
0x7: {  	_ = 	snop  }
0x8: {  	(tm) =	ssettm $0x1  }
0x9: {  	s18 =	sld [smem:$0x3FFB];
	_ =	sdelay $0x3  }
0xa: {  	_ =	strace s18  }
0xb: {  	s1 =	sld [smem:$0x3FFC];
	_ =	sdelay $0x3  }
0xc: {  	_ =	strace s1  }
0xd: {  	s1 =	sld [smem:$0x3FFD];
	_ =	sdelay $0x3  }
0xe: {  	_ =	strace s1  }
0xf: {  	_ =	strace $0x8FFFFFFF  }
0x10: {  	s19 =	sld [smem:$0x3FDB];
	_ =	sdelay $0x1  }
0x11: {  	s20 =	simm.s32 $_scs_section_size  }
0x12: {  	s4 =	simm.s32 $_size__tile_overlayer_lowered;
	s5 =	simm.s32 $_tile_overlayer_lowered  }
0x13: {  	s23 =	simm.s32 $0x1BFF;
	s22 =	sshll.u32 s5, $0x1;
	s1 =	sadd.s32 s20, s19  }
0x14: {  	s6 =	simm.s32 $0x0;
	s21 =	sshll.u32 s4, $0x1;
	s4 =	sadd.s32 s22, s1  }
0x15: {  	[timem:s6], [sflag:s23] =	dma.local [hbm:s4], s21  }
0x16: {  	_ =	swait.ge [sflag:s23], s21  }
0x17: {  	s2 =	ssub.s32 $0x0, s21;
	[sflag:s23] =	ssyncset.done $0x0  }
0x18: {  	[sflag:s23] =	ssyncadd.s32 s2;
	_ =	sdelay $0x1  }
0x19: {  	s24 =	simm.s32 $0x1B8B  }
0x1a: {  	_ =	swait.ge [sflag:s24], $0x1  }
0x1b: {  	[sflag:s24] =	ssyncset.done $0x0  }
0x1c: {  	s26 =	simm.s32 $0x1B8E;
	s25 =	sld [smem:$0x3FFE];
	[sflag:s24] =	ssyncadd.s32 $0xFFFFFFFF  }
0x1d: {  	s27 =	simm.s32 $execute0_lowered;
	[smem:$0x3FD2] =	sst s26  }
0x1e: {  	s4 =	sshll.u32 s27, $0x1;
	_ =	strace $0x80000046;
	[dreg:$0x1] =	wrdreg $0xFFFFFFFF  }
0x1f: {  	s28 =	simm.s32 $_size_execute0_lowered;
	s1 =	sadd.s32 s1, s4;
	[dreg:$0x0] =	wrdreg $0x0  }
0x20: {  	s4 =	sshll.u32 s28, $0x1;
	[dreg:$0x2] =	wrdreg s1  }
0x21: {  	[dreg:$0x3] =	wrdreg s4  }
0x22: {  	[dreg:$0x4] =	wrdreg $0xC0  }
0x23: {  	_ =	task [dreg:s6], $0x5FFFF  }
0x24: {  	[dreg:$0x1] =	wrdreg $0xFFFFFFFF  }
0x25: {  	[dreg:$0x0] =	wrdreg $0x60  }
0x26: {  	[dreg:$0x2] =	wrdreg s25  }
0x27: {  	[dreg:$0x3] =	wrdreg $0xA  }
0x28: {  	_ =	task.clear_ibuf [dreg:s6], $0x4FFFF;
	_ =	strace $0x90000046  }
0x29: {  	s29 =	simm.s32 $0xA;
	_ =	strace $0x80000048  }
0x2a: {  	_ =	swait.ge [sflag:s29], $0x1  }
0x2b: {  	[sflag:s29] =	ssyncadd.s32 $0xFFFFFFFF  }
0x2c: {  	_ =	strace $0x90000048  }
0x2d: {  	_ =	sfence  }
0x2e: {  	s30 =	sld [smem:$0x0];
	_ =	sdelay $0x2  }
0x2f: {  	s31 =	sshll.u32 s3, $0xD;
	s3 =	sshrl.u32 s3, $0x2  }
0x30: {  	s2 =	sand.u32 $0x4000, s31;
	s1 =	sadd.s32 s3, s30  }
0x31: {  	s0 =	sor.u32 s2, s0;
	s1 =	sshll.u32 s1, $0x11  }
0x32: {  	s0 =	sor.u32 s1, s0  }
0x33: {  	s0 =	sadd.s32 $0x8F2B, s0  }
0x34: {  	[sflag:s0] =	ssyncadd.remote.s32 $0x1  }
0x35: {  	_ =	sfence.sel $0xFFFF  }
0x36: {  	[dreg:$0x0] =	wrdreg $0xFFFFFFFF;
	(pc) =	sbr.abs _section_cstart, $3  }
0x37: {  	[dreg:$0x1] =	wrdreg $0xFFFFFFFF  }
0x38: {  	_ =	task.clear_ibuf [dreg:s6], $0x2FFFF;
	_ =	strace $0x9FFFFFFF  }
0x39: {  	(tm) =	ssettm $0x7FFFFFFF  }
tec
execute0_lowered:
.L_overlay_start_1:
0x0: {  	(tag) =	ssettag $0x1  }
0x1: {  	s1 =	srdreg.scid  }
0x2: {  	s0 =	stileid.u32;
	s7 =	rddreg [dreg:$0x0];
	s9 =	simm.s32 $0x2  }
0x3: {  	s15 =	simm.s32 $0x0;
	p0 =	por $0x0, $0x0;
	s10 =	simm.s32 $0x80  }
0x4: {  	s16 =	simm.s32 $0x0;
	s17 =	simm.s32 $0x0;
	s1 =	sshll.u32 s1, $0x3  }
0x5: {  	s14 =	simm.s32 $0x0;
	s2 =	sand.u32 $0x8, s0;
	s3 =	sand.u32 $0x8, s1  }
0x6: {  	s1 =	rddreg [dreg:$0x1];
	s4 =	ssub.s32 $0x10, s2;
	_ =	strace $0x80000047  }
0x7: {  	s5 =	ssub.s32 $0x100, s3;
	s6 =	sshrl.u32 s4, $0x4;
	s4 =	sshrl.u32 s4, $0x3  }
0x8: {  	s12 =	smov.u32 s2;
	s8 =	sshrl.u32 s5, $0x3;
	s4 =	sand.u32 $0x1, s4  }
.Ltmp0:
0x9: {  	s5 =	sshrl.u32 s5, $0x4;
	s8 =	sand.u32 $0x1, s8;
	(pc) =	sbr.rel .LBB1_1-.Ltmp0, $4  }
0xa: {  	s11 =	smov.u32 s3;
	s6 =	sadd.s32 s6, s4;
	s8 =	sadd.s32 s5, s8  }
0xb: {  	s4 =	sadd.s32 $0x82C00, s7;
	s5 =	simm.s32 $0x1;
	s6 =	smul.u32 s6, s8  }
0xc: {  	s7 =	sadd.s32 $0x182C00, s7;
	[sflag:s5] =	ssyncpa.u1 $0x0;
	s8 =	sand.u32 $0x7, s0  }
0xd: {  	[sflag:s9] =	ssyncpa.u1 $0x0;
	s13 =	smov.u32 s8;
	s9 =	sadd.s32 $0x1, s6  }
.LBB1_7:
0xe: {  	s18 =	sadd.s32 $0x10, s11  }
0xf: {  	s15 =	sadd.s32 $0x10, s12;
	s19 =	smov.u32 s12;
	p2 =	sgt.s32 s18, $0xFF  }
0x10: {  	s19 =	smov.u32 @p2 s15  }
0x11: {  	s21 =	smov.u32 s13;
	s15 =	sadd.s32 $0x8, s13;
	p3 =	sgt.s32 s19, $0xF  }
0x12: {  	s21 =	smov.u32 @p3 s15  }
0x13: {  	s18 =	smov.u32 @p2 s3;
	p2 =	sgt.s32 s21, $0x7  }
0x14: {  	p1 =	slt.u32 s14, $0x2;
	s21 =	smov.u32 @p2 s8;
	p2 =	sne.s32 s14, s9  }
.Ltmp1:
0x15: {  	s20 =	simm.s32 @!p1 $0x2;
	(pc) =	sbr.rel @!p2 .LBB1_8-.Ltmp1, $4  }
0x16: {  	s16 =	smov.u32 s12;
	s17 =	smov.u32 s13;
	_ =	swait.ge @!p1 [sflag:s20], $0x4000  }
0x17: {  	p0 =	por !p0, !p0;
	[sflag:s20] =	ssyncset.done @!p1 $0x0;
	s19 =	smov.u32 @p3 s2  }
0x18: {  	s15 =	smov.u32 s11;
	[sflag:s20] =	ssyncadd.s32 @!p1 $0xFFFFC000;
	s11 =	smov.u32 s18  }
0x19: {  	s12 =	smov.u32 s19;
	s14 =	sadd.s32 $0x1, s14;
	s13 =	smov.u32 s21  }
.LBB1_1:
0x1a: {  	p1 =	sge.u32 s14, s6  }
0x1b: {  	s31 =	sadd.s32 $0xFFFFFFFF, s14;
	s18 =	sxor.u32 @!p1 $0xFFFFFFFF, s14  }
0x1c: {  	s19 =	sshll.u32 @!p1 s11, $0x8;
	s20 =	sshll.u32 @!p1 s11, $0x7;
	s21 =	sshll.u32 @!p1 s13, $0x11  }
0x1d: {  	s22 =	sshll.u32 @!p1 s12, $0xD;
	s19 =	sand.u32 @!p1 $0xF800, s19;
	s20 =	sand.u32 @!p1 $0x380, s20  }
0x1e: {  	s18 =	sshll.u32 @!p1 s18, $0xE;
	s19 =	sor.u32 @!p1 s20, s19;
	s20 =	sadd.s32 @!p1 s4, s21  }
0x1f: {  	s18 =	sand.u32 @!p1 $0x4000, s18;
	s19 =	sshrl.u32 @!p1 s19, $0x3;
	s20 =	sadd.s32 @!p1 s22, s20  }
0x20: {  	s21 =	simm.s32 @!p1 $0x10000;
	s19 =	sadd.s32 @!p1 s19, s20;
	s20 =	simm.s32 @!p1 $0x800  }
0x21: {  	[tilespmem:s18], [sflag:$0x1] =	stream.strided.gather @!p1 [hbm4b:s19+s20], $0x4000, s21, s20, $0x38;
	[tilespmem:$0x11000] =	vst v63  }
0x22: {  	p1 =	sge.u32 s31, s6  }
.Ltmp2:
0x23: {  	_ = 	snop;
	(pc) =	sbr.rel @p1 .LBB1_7-.Ltmp2, $1  }
0x24: {  	_ =	sdelay $0x3  }
0x25: {  	s18 =	simm.s32 $0x1;
	s21 =	sand.u32 $0x1, s14  }
0x26: {  	_ =	swait.ge [sflag:s5], $0x4000;
	s18 =	simm.s32 @!p0 $0x0;
	s22 =	smul.u32 $0x12000, s21  }
0x27: {  	s23 =	simm.s32 $0x0;
	[sflag:s5] =	ssyncset.done $0x0;
	s19 =	smul.u32 $0x12000, s18  }
0x28: {  	s21 =	sshll.u32 s21, $0xE;
	s18 =	sshll.u32 s18, $0xE;
	[sflag:s5] =	ssyncadd.s32 $0xFFFFC000  }
0x29: {  	s20 =	sor.u32 $0x410, s18;
	s31 =	sshrl.u32 s22, $0x2;
	s19 =	sshrl.u32 s19, $0x2  }
0x2a: {  	s22 =	simm.s32 $0x0;
	s18 =	sor.u32 $0x8000, s31;
	s19 =	sor.u32 $0x8000, s19  }
.LBB1_3:
0x2b: {  	s24 =	sshll.u32 s23, $0xB  }
0x2c: {  	v2 =	vld [tilespmem:s20+$0xFFFFFBF0];
	v0 =	vmov s24  }
0x2d: {  	v3 =	vld [tilespmem:s20+$0xFFFFFC00]  }
0x2e: {  	s31 =	sand.u32 $0x300, s22;
	v4 =	vld [tilespmem:s20+$0xFFFFFC10]  }
0x2f: {  	s25 =	sand.u32 $0x80, s22;
	v6 =	vld [tilespmem:s20+$0xFFFFFC20];
	s24 =	sadd.s32 s31, s21  }
0x30: {  	v7 =	vld [tilespmem:s20+$0xFFFFFC30];
	s24 =	sadd.s32 s25, s24  }
0x31: {  	v1 =	vld.idx.msk [tilespmem:v0+s24+$0x400 ss:$0x1], $0xffff;
	s24 =	sadd.s32 $0x0, s19  }
0x32: {  	v8 =	vld [tilespmem:s20+$0xFFFFFC40];
	[tilespmem:s24+$0x0 ss:$0x9] =	vst.msk $0xffff, v2  }
0x33: {  	v9 =	vld [tilespmem:s20+$0xFFFFFC50];
	[tilespmem:s24+$0x90 ss:$0x9] =	vst.msk $0xffff, v3  }
0x34: {  	v5 =	vld [tilespmem:s20+$0xFFFFFC60];
	[tilespmem:s24+$0x120 ss:$0x9] =	vst.msk $0xffff, v4  }
0x35: {  	v4 =	vld [tilespmem:s20+$0x0];
	[tilespmem:s24+$0x1B0 ss:$0x9] =	vst.msk $0xffff, v6  }
0x36: {  	v3 =	vld [tilespmem:s20+$0x10];
	[tilespmem:s24+$0x240 ss:$0x9] =	vst.msk $0xffff, v7  }
0x37: {  	[tilespmem:s24+$0x2D0 ss:$0x9] =	vst.msk $0xffff, v8;
	v2 =	vld [tilespmem:s20+$0x30]  }
0x38: {  	s27 =	simm.s32 $0x80;
	s28 =	simm.s32 $0x4800;
	[tilespmem:s24+$0x480 ss:$0x9] =	vst.msk $0xffff, v1;
	v1 =	vld [tilespmem:s20+$0x20]  }
0x39: {  	s26 =	smov.u32 s20;
	s29 =	sand.u32 $0x300, s27;
	s25 =	simm.s32 $0x2400;
	[tilespmem:s24+$0x360 ss:$0x9] =	vst.msk $0xffff, v9;
	v6 =	vld [tilespmem:s20+$0x40]  }
.LBB1_4:
0x3a: {  	p1 =	sne.s32 s28, $0xFC00;
	s30 =	sand.u32 $0x80, s27;
	s29 =	sadd.s32 s29, s21;
	[tilespmem:s24+$0x3F0 ss:$0x9] =	vst.msk $0xffff, v5;
	v5 =	vld [tilespmem:s26+$0x50]  }
0x3b: {  	s29 =	sadd.s32 s30, s29;
	[tilespmem:s24+$0x510 ss:$0x9] =	vst.msk $0xffff, v4;
	v4 =	vld [tilespmem:s26+$0x60]  }
0x3c: {  	s26 =	sadd.s32 $0x80, s26;
	v7 =	vld.idx.msk [tilespmem:v0+s29+$0x400 ss:$0x1], $0xffff;
	[tilespmem:s24+$0x5A0 ss:$0x9] =	vst.msk $0xffff, v3  }
0x3d: {  	v3 =	vld [tilespmem:s26+$0xFFFFFBF0];
	[tilespmem:s24+$0x630 ss:$0x9] =	vst.msk $0xffff, v1  }
0x3e: {  	v1 =	vld [tilespmem:s26+$0xFFFFFC00];
	[tilespmem:s24+$0x6C0 ss:$0x9] =	vst.msk $0xffff, v2  }
0x3f: {  	v2 =	vld [tilespmem:s26+$0xFFFFFC10];
	[tilespmem:s24+$0x750 ss:$0x9] =	vst.msk $0xffff, v6  }
0x40: {  	s29 =	sshra.s32 s25, $0x2;
	s25 =	smov.u32 s28;
	v6 =	vld [tilespmem:s26+$0xFFFFFC20];
	[tilespmem:s24+$0x7E0 ss:$0x9] =	vst.msk $0xffff, v5  }
0x41: {  	v8 =	vld [tilespmem:s26+$0xFFFFFC30];
	[tilespmem:s24+$0x870 ss:$0x9] =	vst.msk $0xffff, v4;
	s24 =	sadd.s32 s29, s19  }
0x42: {  	v9 =	vld [tilespmem:s26+$0xFFFFFC40];
	[tilespmem:s24+$0x480 ss:$0x9] =	vst.msk $0xffff, v7  }
0x43: {  	[tilespmem:s24+$0x0 ss:$0x9] =	vst.msk $0xffff, v3;
	v7 =	vld [tilespmem:s26+$0xFFFFFC50]  }
0x44: {  	[tilespmem:s24+$0x90 ss:$0x9] =	vst.msk $0xffff, v1;
	v5 =	vld [tilespmem:s26+$0xFFFFFC60]  }
.Ltmp3:
0x45: {  	[tilespmem:s24+$0x120 ss:$0x9] =	vst.msk $0xffff, v2;
	v4 =	vld [tilespmem:s26+$0x0];
	(pc) =	sbr.rel @p1 .LBB1_4-.Ltmp3, $4  }
0x46: {  	[tilespmem:s24+$0x1B0 ss:$0x9] =	vst.msk $0xffff, v6;
	v3 =	vld [tilespmem:s26+$0x10]  }
0x47: {  	[tilespmem:s24+$0x240 ss:$0x9] =	vst.msk $0xffff, v8;
	v1 =	vld [tilespmem:s26+$0x20]  }
0x48: {  	s27 =	sadd.s32 $0x80, s27;
	[tilespmem:s24+$0x2D0 ss:$0x9] =	vst.msk $0xffff, v9;
	v2 =	vld [tilespmem:s26+$0x30]  }
0x49: {  	s28 =	sadd.s32 $0x2400, s28;
	s29 =	sand.u32 $0x300, s27;
	[tilespmem:s24+$0x360 ss:$0x9] =	vst.msk $0xffff, v7;
	v6 =	vld [tilespmem:s26+$0x40]  }
0x4a: {  	[tilespmem:s24+$0x3F0 ss:$0x9] =	vst.msk $0xffff, v5  }
0x4b: {  	v47 =	vld [tilespmem:s26+$0x50];
	[tilespmem:s24+$0x510 ss:$0x9] =	vst.msk $0xffff, v4  }
0x4c: {  	v48 =	vld [tilespmem:s26+$0x60];
	s31 =	sadd.s32 $0x80, s26;
	[tilespmem:s24+$0x5A0 ss:$0x9] =	vst.msk $0xffff, v3  }
0x4d: {  	v49 =	vld [tilespmem:s31+$0xFFFFFBF0];
	[tilespmem:s24+$0x630 ss:$0x9] =	vst.msk $0xffff, v1  }
0x4e: {  	v50 =	vld [tilespmem:s31+$0xFFFFFC00];
	[tilespmem:s24+$0x6C0 ss:$0x9] =	vst.msk $0xffff, v2  }
0x4f: {  	v51 =	vld [tilespmem:s31+$0xFFFFFC10];
	[tilespmem:s24+$0x750 ss:$0x9] =	vst.msk $0xffff, v6  }
0x50: {  	s25 =	sshra.s32 s25, $0x2;
	v52 =	vld [tilespmem:s31+$0xFFFFFC20];
	[tilespmem:s24+$0x7E0 ss:$0x9] =	vst.msk $0xffff, v47  }
0x51: {  	s25 =	sadd.s32 s25, s19;
	v53 =	vld [tilespmem:s31+$0xFFFFFC30];
	[tilespmem:s24+$0x870 ss:$0x9] =	vst.msk $0xffff, v48  }
0x52: {  	v54 =	vld [tilespmem:s31+$0xFFFFFC40];
	[tilespmem:s25+$0x0 ss:$0x9] =	vst.msk $0xffff, v49  }
0x53: {  	v55 =	vld [tilespmem:s31+$0xFFFFFC50];
	[tilespmem:s25+$0x90 ss:$0x9] =	vst.msk $0xffff, v50  }
0x54: {  	v56 =	vld [tilespmem:s31+$0xFFFFFC60];
	[tilespmem:s25+$0x120 ss:$0x9] =	vst.msk $0xffff, v51  }
0x55: {  	v57 =	vld [tilespmem:s31+$0x0];
	[tilespmem:s25+$0x1B0 ss:$0x9] =	vst.msk $0xffff, v52  }
0x56: {  	v58 =	vld [tilespmem:s31+$0x10];
	[tilespmem:s25+$0x240 ss:$0x9] =	vst.msk $0xffff, v53  }
0x57: {  	v59 =	vld [tilespmem:s31+$0x20];
	[tilespmem:s25+$0x2D0 ss:$0x9] =	vst.msk $0xffff, v54  }
0x58: {  	v60 =	vld [tilespmem:s31+$0x30];
	[tilespmem:s25+$0x360 ss:$0x9] =	vst.msk $0xffff, v55  }
0x59: {  	v61 =	vld [tilespmem:s31+$0x40];
	[tilespmem:s25+$0x3F0 ss:$0x9] =	vst.msk $0xffff, v56  }
0x5a: {  	s27 =	sand.u32 $0x80, s27;
	s28 =	sadd.s32 s29, s21;
	v62 =	vld [tilespmem:s31+$0x50];
	[tilespmem:s25+$0x510 ss:$0x9] =	vst.msk $0xffff, v57  }
0x5b: {  	s23 =	sadd.s32 $0x1, s23;
	s27 =	sadd.s32 s27, s28;
	v63 =	vld [tilespmem:s31+$0x60];
	[tilespmem:s25+$0x5A0 ss:$0x9] =	vst.msk $0xffff, v58  }
0x5c: {  	p1 =	sne.s32 s23, $0x8;
	v0 =	vld.idx.msk [tilespmem:v0+s27+$0x400 ss:$0x1], $0xffff;
	[tilespmem:s25+$0x630 ss:$0x9] =	vst.msk $0xffff, v59  }
.Ltmp4:
0x5d: {  	[tilespmem:s25+$0x6C0 ss:$0x9] =	vst.msk $0xffff, v60;
	(pc) =	sbr.rel @p1 .LBB1_3-.Ltmp4, $4  }
0x5e: {  	[tilespmem:s25+$0x750 ss:$0x9] =	vst.msk $0xffff, v61  }
0x5f: {  	[tilespmem:s25+$0x7E0 ss:$0x9] =	vst.msk $0xffff, v62  }
0x60: {  	[tilespmem:s25+$0x870 ss:$0x9] =	vst.msk $0xffff, v63  }
0x61: {  	s20 =	sadd.s32 $0x800, s20;
	s19 =	sadd.s32 $0x1, s19;
	[tilespmem:s25+$0x480 ss:$0x9] =	vst.msk $0xffff, v0  }
0x62: {  	s17 =	sshll.u32 s17, $0x14;
	s19 =	sand.u32 $0xF80, s16  }
.Ltmp5:
0x63: {  	s15 =	sshll.u32 s15, $0xC;
	s17 =	sadd.s32 s7, s17;
	(pc) =	sbr.rel .LBB1_7-.Ltmp5, $4  }
0x64: {  	s20 =	sshrl.u32 s16, $0x3;
	s30 =	sand.u32 $0x7, s16;
	s17 =	sadd.s32 s19, s17  }
0x65: {  	s31 =	sand.u32 $0xF, s20;
	s16 =	sshll.u32 s30, $0x12;
	s15 =	sadd.s32 s15, s17  }
0x66: {  	s16 =	sor.u32 $0x8, s16;
	s15 =	sadd.s32 s31, s15  }
0x67: {  	[hbm4b:s15+s16] =	stream.strided.scatter [tilespmem:s18], [sflag:$0x2], $0x4000, s10, s16, $0x0;
	[tilespmem:$0x11000] =	vst v63  }
.LBB1_8:
0x68: {  	_ =	sfence.sel $0x180000  }
0x69: {  	s2 =	simm.s32 $0x1;
	[bflag:$0x0] =	sbarrier.arrive $0xFFFF  }
0x6a: {  	s31 =	simm.s32 $0x2;
	[sflag:s2] =	ssyncpa.u1 $0x1  }
0x6b: {  	[sflag:s31] =	ssyncpa.u1 $0x1  }
0x6c: {  	p0 =	sne.s32 s0, $0x0;
	_ =	strace $0x90000047  }
0x6d: {  	s0 =	sadd.s32 @!p0 $0x100000, s1;
	[bflag:$0x2] =	sbarrier.arrive $0xFFFF  }
0x6e: {  	[sflag:s0] =	ssyncadd.tile.s32 @!p0 $0x1;
	_ =	shalt  }
.Lfunc_end1:
_tile_overlayer_lowered:
.L_overlay_start_2:
0x6f: {  	(tag) =	ssettag $0x2  }
0x70: {  	s0 =	rddreg [dreg:$0x0];
	s2 =	stileid.u32  }
0x71: {  	s1 =	rddreg [dreg:$0x1];
	p0 =	sne.s32 s2, $0x0  }
0x72: {  	s3 =	rddreg [dreg:$0x2];
	[bflag:$0x3] =	sbarrier.arrive $0xFFFF;
	s2 =	simm.s32 @!p0 $0x1C01  }
0x73: {  	[timem:s3], [sflag:s2] =	dma.local @!p0 [hbm:s0], s1  }
0x74: {  	s0 =	simm.s32 @!p0 $0x1  }
0x75: {  	_ =	swait.ge @!p0 [sflag:s0], s1  }
0x76: {  	s1 =	ssub.s32 @!p0 $0x0, s1;
	[sflag:s0] =	ssyncset.done @!p0 $0x0  }
0x77: {  	[sflag:s0] =	ssyncadd.s32 @!p0 s1  }
0x78: {  	[bflag:$0x3] =	sbarrier.arrive $0xFFFF  }
0x79: {  	_ =	shalt  }

// kernel: sparse-core-data-format-call.3.cloned.1.call-start
scs
called_computation.3_lowered:
.L_overlay_start_0:
0x0: {  	s2 =	sld [smem:$0x3FD9]  }
0x1: {  	s3 =	sld [smem:$0x3FFE];
	_ =	sdelay $0x1  }
0x2: {  	s1 =	srdreg.scid  }
0x3: {  	s0 =	sand.u32 $0x1, s1  }
0x4: {  	s18 =	sshll.u32 s0, $0xA;
	s2 =	sadd.s32 s3, s2  }
0x5: {  	s2 =	sadd.s32 s2, s18  }
0x6: {  	[smem:$0x3FC4] =	sst s2  }
0x7: {  	_ = 	snop  }
0x8: {  	s19 =	sld [smem:$0x3FD0];
	(tm) =	ssettm $0x1  }
0x9: {  	s20 =	sld [smem:$0x3FFB];
	_ =	sdelay $0x3  }
0xa: {  	_ =	strace s20  }
0xb: {  	s2 =	sld [smem:$0x3FFC];
	_ =	sdelay $0x3  }
0xc: {  	_ =	strace s2  }
0xd: {  	s2 =	sld [smem:$0x3FFD];
	_ =	sdelay $0x3  }
0xe: {  	_ =	strace s2  }
0xf: {  	_ =	strace $0x8FFFFFFF  }
0x10: {  	s21 =	sld [smem:$0x3FDB];
	_ =	sdelay $0x1  }
0x11: {  	s4 =	simm.s32 $_scs_section_size  }
0x12: {  	s5 =	simm.s32 $_size__tile_overlayer_lowered;
	s6 =	simm.s32 $_tile_overlayer_lowered  }
0x13: {  	s7 =	simm.s32 $0x1BFF;
	s22 =	sshll.u32 s6, $0x1;
	s4 =	sadd.s32 s4, s21  }
0x14: {  	s23 =	simm.s32 $0x0;
	s5 =	sshll.u32 s5, $0x1;
	s6 =	sadd.s32 s22, s4  }
0x15: {  	[timem:s23], [sflag:s7] =	dma.local [hbm:s6], s5  }
0x16: {  	_ =	swait.ge [sflag:s7], s5  }
0x17: {  	s5 =	ssub.s32 $0x0, s5;
	[sflag:s7] =	ssyncset.done $0x0  }
0x18: {  	[sflag:s7] =	ssyncadd.s32 s5;
	_ =	sdelay $0x1  }
0x19: {  	s24 =	simm.s32 $0x1B8B  }
0x1a: {  	_ =	swait.ge [sflag:s24], $0x1  }
0x1b: {  	[sflag:s24] =	ssyncset.done $0x0  }
0x1c: {  	[sflag:s24] =	ssyncadd.s32 $0xFFFFFFFF  }
0x1d: {  	s5 =	sld [smem:$0x0]  }
0x1e: {  	s6 =	sand.u32 $0xFFFFFFFE, s1  }
0x1f: {  	p0 =	sne.s32 s1, s6  }
0x20: {  	s6 =	sshll.u32 @p0 s6, $0xE  }
0x21: {  	s6 =	sadd.s32 @p0 $0x11B8D, s6;
	s7 =	sshll.u32 @p0 s5, $0x11  }
0x22: {  	s6 =	sor.u32 @p0 s7, s6  }
0x23: {  	[sflag:s6] =	ssyncadd.remote.s32 @p0 $0x1;
	_ =	sdelay $0x1  }
0x24: {  	s6 =	simm.s32 @p0 $0x1B8D  }
0x25: {  	_ =	swait.eq @p0 [sflag:s6], $0x1  }
0x26: {  	[sflag:s6] =	ssyncadd.s32 @p0 $0xFFFFFFFF  }
0x27: {  	s7 =	sshll.u32 @!p0 s1, $0xE  }
0x28: {  	s7 =	sor.u32 @!p0 $0x4000, s7;
	s6 =	simm.s32 @!p0 $0x1B8D  }
0x29: {  	s5 =	sshll.u32 @!p0 s5, $0x11;
	s7 =	sadd.s32 @!p0 $0x11B8D, s7;
	_ =	swait.eq @!p0 [sflag:s6], $0x1  }
0x2a: {  	s5 =	sor.u32 @!p0 s5, s7;
	[sflag:s6] =	ssyncadd.s32 @!p0 $0xFFFFFFFF  }
0x2b: {  	s26 =	simm.s32 $0x1B8E;
	s25 =	sld [smem:$0x3FFE];
	[sflag:s5] =	ssyncadd.remote.s32 @!p0 $0x1  }
0x2c: {  	s27 =	simm.s32 $execute0_lowered;
	[smem:$0x3FD2] =	sst s26  }
0x2d: {  	s6 =	sshll.u32 s27, $0x1;
	_ =	strace $0x8000004C;
	[dreg:$0x1] =	wrdreg $0xFFFFFFFF  }
0x2e: {  	s28 =	simm.s32 $_size_execute0_lowered;
	s4 =	sadd.s32 s4, s6;
	[dreg:$0x0] =	wrdreg $0x0  }
0x2f: {  	s6 =	sshll.u32 s28, $0x1;
	[dreg:$0x2] =	wrdreg s4  }
0x30: {  	[dreg:$0x3] =	wrdreg s6  }
0x31: {  	[dreg:$0x4] =	wrdreg $0xC0  }
0x32: {  	_ =	task [dreg:s23], $0x5FFFF  }
0x33: {  	[dreg:$0x1] =	wrdreg $0xFFFFFFFF  }
0x34: {  	[dreg:$0x0] =	wrdreg $0x60  }
0x35: {  	[dreg:$0x2] =	wrdreg s19  }
0x36: {  	[dreg:$0x3] =	wrdreg s25  }
0x37: {  	[dreg:$0x4] =	wrdreg $0xB  }
0x38: {  	_ =	task.clear_ibuf [dreg:s23], $0x5FFFF;
	_ =	strace $0x9000004C  }
0x39: {  	s29 =	simm.s32 $0xB;
	_ =	strace $0x8000004E  }
0x3a: {  	_ =	swait.ge [sflag:s29], $0x1  }
0x3b: {  	[sflag:s29] =	ssyncadd.s32 $0xFFFFFFFF  }
0x3c: {  	_ =	strace $0x9000004E  }
0x3d: {  	_ =	sfence  }
0x3e: {  	s30 =	sld [smem:$0x0];
	_ =	sdelay $0x2  }
0x3f: {  	s31 =	sshll.u32 s1, $0xD;
	s1 =	sshrl.u32 s1, $0x2  }
0x40: {  	s4 =	sand.u32 $0x4000, s31;
	s1 =	sadd.s32 s1, s30  }
0x41: {  	s0 =	sor.u32 s4, s0;
	s1 =	sshll.u32 s1, $0x11  }
0x42: {  	s0 =	sor.u32 s1, s0  }
0x43: {  	s0 =	sadd.s32 $0x8F2B, s0  }
0x44: {  	[sflag:s0] =	ssyncadd.remote.s32 $0x1  }
0x45: {  	_ =	sfence.sel $0xFFFF  }
0x46: {  	[dreg:$0x0] =	wrdreg $0xFFFFFFFF;
	(pc) =	sbr.abs _section_cstart, $3  }
0x47: {  	[dreg:$0x1] =	wrdreg $0xFFFFFFFF  }
0x48: {  	_ =	task.clear_ibuf [dreg:s23], $0x2FFFF;
	_ =	strace $0x9FFFFFFF  }
0x49: {  	(tm) =	ssettm $0x7FFFFFFF  }
tec
execute0_lowered:
.L_overlay_start_1:
0x0: {  	(tag) =	ssettag $0x1  }
0x1: {  	s0 =	srdreg.scid  }
0x2: {  	s0 =	sshll.u32 s0, $0x4  }
0x3: {  	s1 =	stileid.u32;
	s4 =	rddreg [dreg:$0x0];
	s0 =	sand.u32 $0x10, s0  }
0x4: {  	s31 =	rddreg [dreg:$0x1];
	_ =	strace $0x8000004D;
	s0 =	sor.u32 s1, s0  }
0x5: {  	s3 =	simm.s32 $0x1;
	s5 =	simm.s32 $0x2;
	s6 =	sshll.u32 s0, $0xA  }
0x6: {  	s13 =	simm.s32 $0x0;
	s12 =	simm.s32 $0x0;
	s0 =	ssub.s32 $0x200000, s6  }
0x7: {  	s10 =	simm.s32 $0x0;
	s1 =	sadd.s32 $0x2F82C00, s31;
	s2 =	sand.u32 $0x7C00, s0  }
.Ltmp0:
0x8: {  	p0 =	sne.s32 s2, $0x0;
	s2 =	simm.s32 $0x1;
	(pc) =	sbr.rel .LBB1_1-.Ltmp0, $4  }
0x9: {  	[dreg:$0x4] =	wrdreg s1;
	s0 =	sshrl.u32 s0, $0xF;
	s2 =	simm.s32 @!p0 $0x0  }
0xa: {  	s11 =	simm.s32 $0x0;
	[dreg:$0x3] =	wrdreg s6;
	s7 =	sadd.s32 s2, s0  }
0xb: {  	[sflag:s3] =	ssyncpa.u1 $0x0;
	s8 =	sadd.s32 $0x1, s7;
	[dreg:$0x5] =	wrdreg s7  }
0xc: {  	[sflag:s5] =	ssyncpa.u1 $0x0;
	s9 =	smov.u32 s6;
	[dreg:$0x6] =	wrdreg s8  }
.LBB1_7:
0xd: {  	s0 =	sadd.s32 $0x8000, s9  }
0xe: {  	s2 =	sadd.s32 $0x10, s10;
	s3 =	smov.u32 s10;
	p1 =	sgt.s32 s0, $0x1FFFFF  }
0xf: {  	s3 =	smov.u32 @p1 s2  }
0x10: {  	s0 =	smov.u32 @p1 s6;
	p1 =	sgt.s32 s3, $0xF  }
0x11: {  	s3 =	simm.s32 @p1 $0x0;
	p1 =	sne.s32 s11, s8  }
.Ltmp1:
0x12: {  	p0 =	slt.u32 s11, $0x2;
	(pc) =	sbr.rel @!p1 .LBB1_8-.Ltmp1, $4  }
0x13: {  	s1 =	simm.s32 @!p0 $0x2  }
0x14: {  	s13 =	smov.u32 s9;
	_ =	swait.ge @!p0 [sflag:s1], $0x4000  }
0x15: {  	s12 =	smov.u32 s10;
	[sflag:s1] =	ssyncset.done @!p0 $0x0;
	s9 =	smov.u32 s0  }
0x16: {  	s11 =	sadd.s32 $0x1, s11;
	[sflag:s1] =	ssyncadd.s32 @!p0 $0xFFFFC000;
	s10 =	smov.u32 s3  }
.LBB1_1:
0x17: {  	p0 =	sge.u32 s11, s7;
	s31 =	sadd.s32 $0xFFFFFFFF, s11  }
0x18: {  	s0 =	sand.u32 @!p0 $0x78, s9;
	s1 =	sshll.u32 @!p0 s10, $0x15;
	s2 =	sshll.u32 @!p0 s10, $0x7  }
0x19: {  	s5 =	sshll.u32 @!p0 s9, $0x3;
	s1 =	sand.u32 @!p0 $0x1000000, s1;
	s2 =	sand.u32 @!p0 $0x380, s2  }
0x1a: {  	s1 =	sadd.s32 @!p0 s1, s5;
	s5 =	sand.u32 @!p0 $0x1FFC00, s5;
	s0 =	sor.u32 @!p0 s2, s0  }
0x1b: {  	s2 =	sxor.u32 @!p0 $0xFFFFFFFF, s11;
	s1 =	sand.u32 @!p0 $0x1E00000, s1;
	s0 =	sor.u32 @!p0 s5, s0  }
0x1c: {  	s2 =	sshll.u32 @!p0 s2, $0xE;
	s0 =	sor.u32 @!p0 s1, s0;
	s1 =	sand.u32 @!p0 $0x7, s9  }
0x1d: {  	s5 =	simm.s32 @!p0 $0x1000000;
	s0 =	sshrl.u32 @!p0 s0, $0x3;
	s1 =	sshll.u32 @!p0 s1, $0x12  }
0x1e: {  	s2 =	sand.u32 @!p0 $0x4000, s2;
	s0 =	sadd.s32 @!p0 s4, s0;
	s1 =	sor.u32 @!p0 $0x2000, s1  }
0x1f: {  	[tilespmem:s2], [sflag:$0x1] =	stream.strided.gather @!p0 [hbm4b:s0+s1], $0x4000, s5, s1, $0x38;
	[tilespmem:$0x10800] =	vst v63  }
0x20: {  	p0 =	sge.u32 s31, s7  }
.Ltmp2:
0x21: {  	_ = 	snop;
	(pc) =	sbr.rel @p0 .LBB1_7-.Ltmp2, $1  }
0x22: {  	_ =	sdelay $0x3  }
0x23: {  	[dreg:$0x9] =	wrdreg s13  }
0x24: {  	[dreg:$0x8] =	wrdreg s12;
	s0 =	sand.u32 $0x1, s11  }
0x25: {  	[dreg:$0x7] =	wrdreg s9;
	s2 =	simm.s32 $0x1;
	s1 =	smul.u32 $0x11000, s0  }
0x26: {  	_ =	swait.ge [sflag:s2], $0x4000  }
0x27: {  	s16 =	simm.s32 $0x0;
	[sflag:s2] =	ssyncset.done $0x0;
	s1 =	sshrl.u32 s1, $0x2  }
0x28: {  	s15 =	sshll.u32 s0, $0xE;
	[sflag:s2] =	ssyncadd.s32 $0xFFFFC000;
	s14 =	sor.u32 $0x8000, s1  }
.LBB1_3:
0x29: {  	s0 =	sshll.u32 s16, $0xA  }
0x2a: {  	s1 =	sshll.u32 s16, $0x7;
	s0 =	sand.u32 $0x2000, s0  }
0x2b: {  	s1 =	sand.u32 $0x380, s1;
	s0 =	sadd.s32 s0, s15  }
0x2c: {  	s0 =	sadd.s32 s1, s0  }
0x2d: {  	s17 =	sadd.s32 s16, s14;
	p0 =	por $0x1, $0x1;
	s18 =	simm.s32 $0x0;
	v0 =	vmov s0  }
.LBB1_4:
0x2e: {  	s0 =	smul.u32 $0x44, s18;
	s1 =	sshll.u32 s18, $0x3;
	s2 =	sor.u32 $0x80, s18  }
0x2f: {  	s24 =	sor.u32 $0x90, s18;
	s28 =	sor.u32 $0xA0, s18;
	s6 =	sor.u32 $0xB0, s18  }
0x30: {  	s12 =	sor.u32 $0xC0, s18;
	s13 =	sor.u32 $0xD0, s18;
	s22 =	smul.u32 $0x44, s2  }
0x31: {  	p1 =	por p0, p0;
	s29 =	sand.u32 $0x3FFFFFF8, s1;
	s26 =	smul.u32 $0x44, s24  }
0x32: {  	s23 =	sshll.u32 s2, $0x3;
	s27 =	sshll.u32 s24, $0x3;
	s5 =	smul.u32 $0x44, s28  }
0x33: {  	s4 =	sshll.u32 s28, $0x3;
	s8 =	smul.u32 $0x44, s6;
	s9 =	sshll.u32 s6, $0x3  }
0x34: {  	s24 =	smul.u32 $0x44, s12;
	s2 =	sshll.u32 s12, $0x3;
	s28 =	sor.u32 $0xE0, s18  }
0x35: {  	s0 =	sshra.s32 s0, $0x2;
	s30 =	sand.u32 $0x3FFFFFF8, s23;
	s31 =	sand.u32 $0x1400, s27  }
0x36: {  	s1 =	sand.u32 $0x1400, s4;
	s27 =	sshll.u32 s13, $0x3;
	s4 =	sor.u32 $0x100, s18  }
0x37: {  	s0 =	sadd.s32 s0, s14;
	s25 =	sshra.s32 s22, $0x2;
	s3 =	sshra.s32 s26, $0x2  }
0x38: {  	s7 =	sshra.s32 s5, $0x2;
	s5 =	sshra.s32 s8, $0x2;
	s8 =	sand.u32 $0x1400, s2  }
0x39: {  	s26 =	sshra.s32 s24, $0x2;
	s2 =	sand.u32 $0x1400, s27;
	s27 =	sor.u32 $0xF0, s18  }
0x3a: {  	s6 =	smul.u32 $0x44, s4;
	s4 =	sshll.u32 s4, $0x3;
	v55 =	vld.idx.msk [tilespmem:v0+s31+$0x10 ss:$0x1], $0xffff;
	s31 =	sor.u32 $0x140, s18  }
0x3b: {  	s19 =	sadd.s32 s16, s0;
	s20 =	sadd.s32 s25, s17;
	s21 =	sadd.s32 s3, s17  }
0x3c: {  	s22 =	sadd.s32 s7, s17;
	s0 =	sand.u32 $0x1400, s9;
	s25 =	smul.u32 $0x44, s13  }
0x3d: {  	v1 =	vld.idx.msk [tilespmem:v0+s29+$0x0 ss:$0x1], $0xffff;
	s23 =	sadd.s32 s5, s17;
	s24 =	sadd.s32 s26, s17;
	s26 =	smul.u32 $0x44, s28  }
0x3e: {  	v2 =	vld.idx.msk [tilespmem:v0+s29+$0x10 ss:$0x1], $0xffff;
	s5 =	sshll.u32 s28, $0x3;
	s28 =	smul.u32 $0x44, s27;
	s27 =	sshll.u32 s27, $0x3  }
0x3f: {  	v3 =	vld.idx.msk [tilespmem:v0+s29+$0x20 ss:$0x1], $0xffff;
	s4 =	sand.u32 $0x3FFFFFF8, s4;
	s13 =	sor.u32 $0x120, s18;
	s5 =	sand.u32 $0x1400, s5  }
0x40: {  	v4 =	vld.idx.msk [tilespmem:v0+s29+$0x30 ss:$0x1], $0xffff;
	s7 =	sand.u32 $0x1400, s27;
	s12 =	smul.u32 $0x44, s13;
	s9 =	sshll.u32 s13, $0x3  }
0x41: {  	v5 =	vld.idx.msk [tilespmem:v0+s29+$0x40 ss:$0x1], $0xffff;
	s13 =	sor.u32 $0x130, s18;
	s25 =	sshra.s32 s25, $0x2;
	s26 =	sshra.s32 s26, $0x2  }
0x42: {  	v54 =	vld.idx.msk [tilespmem:v0+s30+$0x0 ss:$0x1], $0xffff;
	s3 =	sshra.s32 s28, $0x2;
	s28 =	sshra.s32 s6, $0x2;
	s25 =	sadd.s32 s25, s17;
	[tilespmem:s19+$0x0 ss:$0x11] =	vst.msk $0xffff, v1  }
0x43: {  	s26 =	sadd.s32 s26, s17;
	s27 =	sadd.s32 s3, s17;
	s3 =	sor.u32 $0x110, s18;
	v1 =	vld.idx.msk [tilespmem:v0+s29+$0x50 ss:$0x1], $0xffff;
	[tilespmem:s19+$0x110 ss:$0x11] =	vst.msk $0xffff, v2  }
0x44: {  	s28 =	sadd.s32 s28, s17;
	v2 =	vld.idx.msk [tilespmem:v0+s29+$0x60 ss:$0x1], $0xffff;
	[tilespmem:s19+$0x220 ss:$0x11] =	vst.msk $0xffff, v3;
	s12 =	sshra.s32 s12, $0x2;
	s6 =	smul.u32 $0x44, s3  }
0x45: {  	v3 =	vld.idx.msk [tilespmem:v0+s29+$0x70 ss:$0x1], $0xffff;
	[tilespmem:s19+$0x330 ss:$0x11] =	vst.msk $0xffff, v4;
	s3 =	sshll.u32 s3, $0x3;
	s30 =	sadd.s32 s12, s17;
	s12 =	smul.u32 $0x44, s31  }
0x46: {  	[tilespmem:s21+$0x0 ss:$0x11] =	vst.msk $0xffff, v55;
	s21 =	sor.u32 $0x170, s18;
	s3 =	sand.u32 $0x1800, s3;
	s6 =	sshra.s32 s6, $0x2  }
0x47: {  	v56 =	vld.idx.msk [tilespmem:v0+s2+$0x50 ss:$0x1], $0xffff;
	[tilespmem:s19+$0x440 ss:$0x11] =	vst.msk $0xffff, v5;
	s12 =	sshra.s32 s12, $0x2;
	s29 =	sadd.s32 s6, s17;
	s6 =	sand.u32 $0x1800, s9  }
0x48: {  	s9 =	smul.u32 $0x44, s13;
	s13 =	sshll.u32 s13, $0x3;
	s2 =	sadd.s32 s12, s17;
	[tilespmem:s19+$0x550 ss:$0x11] =	vst.msk $0xffff, v1;
	v1 =	vld.idx.msk [tilespmem:v0+s1+$0x20 ss:$0x1], $0xffff  }
0x49: {  	s1 =	sand.u32 $0x1800, s13;
	[tilespmem:s19+$0x660 ss:$0x11] =	vst.msk $0xffff, v2;
	v2 =	vld.idx.msk [tilespmem:v0+s0+$0x30 ss:$0x1], $0xffff;
	s13 =	sshll.u32 s31, $0x3;
	s31 =	sor.u32 $0x150, s18  }
0x4a: {  	[tilespmem:s19+$0x770 ss:$0x11] =	vst.msk $0xffff, v3;
	v3 =	vld.idx.msk [tilespmem:v0+s8+$0x40 ss:$0x1], $0xffff;
	s9 =	sshra.s32 s9, $0x2;
	s8 =	sand.u32 $0x1800, s13;
	s19 =	smul.u32 $0x44, s31  }
0x4b: {  	[tilespmem:s20+$0x0 ss:$0x11] =	vst.msk $0xffff, v54;
	s20 =	sshll.u32 s31, $0x3;
	s31 =	sor.u32 $0x160, s18;
	s0 =	sadd.s32 s9, s17  }
0x4c: {  	v57 =	vld.idx.msk [tilespmem:v0+s5+$0x60 ss:$0x1], $0xffff;
	s5 =	sand.u32 $0x1800, s20;
	s12 =	sshra.s32 s19, $0x2;
	s19 =	smul.u32 $0x44, s31  }
0x4d: {  	s20 =	sshll.u32 s31, $0x3;
	s31 =	sor.u32 $0x180, s18;
	[tilespmem:s22+$0x0 ss:$0x11] =	vst.msk $0xffff, v1;
	v1 =	vld.idx.msk [tilespmem:v0+s7+$0x70 ss:$0x1], $0xffff;
	s7 =	sadd.s32 s12, s17  }
0x4e: {  	[tilespmem:s23+$0x0 ss:$0x11] =	vst.msk $0xffff, v2;
	v2 =	vld.idx.msk [tilespmem:v0+s4+$0x0 ss:$0x1], $0xffff;
	s4 =	sand.u32 $0x1800, s20;
	s22 =	sshra.s32 s19, $0x2;
	s23 =	smul.u32 $0x44, s21  }
0x4f: {  	[tilespmem:s24+$0x0 ss:$0x11] =	vst.msk $0xffff, v3;
	v3 =	vld.idx.msk [tilespmem:v0+s3+$0x10 ss:$0x1], $0xffff;
	s24 =	sshll.u32 s21, $0x3;
	s20 =	smul.u32 $0x44, s31;
	s21 =	sshll.u32 s31, $0x3  }
0x50: {  	[tilespmem:s25+$0x0 ss:$0x11] =	vst.msk $0xffff, v56;
	v58 =	vld.idx.msk [tilespmem:v0+s6+$0x20 ss:$0x1], $0xffff;
	s3 =	sadd.s32 s22, s17;
	s6 =	sand.u32 $0x1800, s24;
	s22 =	sor.u32 $0x190, s18  }
0x51: {  	[tilespmem:s26+$0x0 ss:$0x11] =	vst.msk $0xffff, v57;
	v59 =	vld.idx.msk [tilespmem:v0+s1+$0x30 ss:$0x1], $0xffff;
	s19 =	sshra.s32 s23, $0x2;
	s23 =	sand.u32 $0x3FFFFFF8, s21;
	s24 =	sshra.s32 s20, $0x2  }
0x52: {  	s25 =	smul.u32 $0x44, s22;
	s1 =	sadd.s32 s19, s17;
	s19 =	sor.u32 $0x1B0, s18;
	[tilespmem:s27+$0x0 ss:$0x11] =	vst.msk $0xffff, v1;
	v1 =	vld.idx.msk [tilespmem:v0+s8+$0x40 ss:$0x1], $0xffff  }
0x53: {  	s26 =	sshll.u32 s22, $0x3;
	s22 =	sshll.u32 s19, $0x3;
	[tilespmem:s28+$0x0 ss:$0x11] =	vst.msk $0xffff, v2;
	v2 =	vld.idx.msk [tilespmem:v0+s5+$0x50 ss:$0x1], $0xffff;
	s5 =	sadd.s32 s24, s17  }
0x54: {  	s27 =	sor.u32 $0x1A0, s18;
	[tilespmem:s29+$0x0 ss:$0x11] =	vst.msk $0xffff, v3;
	v3 =	vld.idx.msk [tilespmem:v0+s4+$0x60 ss:$0x1], $0xffff;
	s28 =	sand.u32 $0x1C00, s26;
	s29 =	sshra.s32 s25, $0x2  }
0x55: {  	[tilespmem:s30+$0x0 ss:$0x11] =	vst.msk $0xffff, v58;
	v60 =	vld.idx.msk [tilespmem:v0+s6+$0x70 ss:$0x1], $0xffff;
	s24 =	sand.u32 $0x1C00, s22;
	s25 =	sor.u32 $0x1C0, s18;
	s26 =	smul.u32 $0x44, s19  }
0x56: {  	[tilespmem:s0+$0x0 ss:$0x11] =	vst.msk $0xffff, v59;
	v61 =	vld.idx.msk [tilespmem:v0+s23+$0x0 ss:$0x1], $0xffff;
	s31 =	smul.u32 $0x44, s27;
	s6 =	sadd.s32 s29, s17;
	s13 =	sshll.u32 s27, $0x3  }
0x57: {  	s27 =	sshll.u32 s25, $0x3;
	s19 =	smul.u32 $0x44, s25;
	s20 =	sand.u32 $0x1C00, s13;
	[tilespmem:s2+$0x0 ss:$0x11] =	vst.msk $0xffff, v1;
	v1 =	vld.idx.msk [tilespmem:v0+s28+$0x10 ss:$0x1], $0xffff  }
0x58: {  	s29 =	sand.u32 $0x1C00, s27;
	s21 =	sshra.s32 s31, $0x2;
	[tilespmem:s7+$0x0 ss:$0x11] =	vst.msk $0xffff, v2;
	v2 =	vld.idx.msk [tilespmem:v0+s20+$0x20 ss:$0x1], $0xffff;
	s28 =	sor.u32 $0x1D0, s18  }
0x59: {  	s31 =	sor.u32 $0x1E0, s18;
	s23 =	sadd.s32 s21, s17;
	[tilespmem:s3+$0x0 ss:$0x11] =	vst.msk $0xffff, v3;
	v3 =	vld.idx.msk [tilespmem:v0+s24+$0x30 ss:$0x1], $0xffff;
	s30 =	sshll.u32 s28, $0x3  }
0x5a: {  	[tilespmem:s1+$0x0 ss:$0x11] =	vst.msk $0xffff, v60;
	v62 =	vld.idx.msk [tilespmem:v0+s29+$0x40 ss:$0x1], $0xffff;
	s13 =	sshll.u32 s31, $0x3;
	s18 =	sor.u32 $0x1F0, s18;
	s12 =	sand.u32 $0x1C00, s30  }
0x5b: {  	[tilespmem:s5+$0x0 ss:$0x11] =	vst.msk $0xffff, v61;
	s20 =	sand.u32 $0x1C00, s13;
	s24 =	smul.u32 $0x44, s31;
	s21 =	sshll.u32 s18, $0x3;
	v63 =	vld.idx.msk [tilespmem:v0+s12+$0x50 ss:$0x1], $0xffff  }
0x5c: {  	s0 =	sshra.s32 s26, $0x2;
	s22 =	smul.u32 $0x44, s28;
	s3 =	sand.u32 $0x1C00, s21;
	[tilespmem:s6+$0x0 ss:$0x11] =	vst.msk $0xffff, v1;
	v1 =	vld.idx.msk [tilespmem:v0+s20+$0x60 ss:$0x1], $0xffff  }
0x5d: {  	s0 =	sadd.s32 s0, s17;
	s26 =	smul.u32 $0x44, s18;
	[tilespmem:s23+$0x0 ss:$0x11] =	vst.msk $0xffff, v2;
	v2 =	vld.idx.msk [tilespmem:v0+s3+$0x70 ss:$0x1], $0xffff;
	s23 =	sshra.s32 s19, $0x2  }
.Ltmp3:
0x5e: {  	s1 =	sshra.s32 s22, $0x2;
	[tilespmem:s0+$0x0 ss:$0x11] =	vst.msk $0xffff, v3;
	s25 =	sadd.s32 s23, s17;
	(pc) =	sbr.rel @p1 .LBB1_4-.Ltmp3, $4  }
0x5f: {  	s28 =	sshra.s32 s24, $0x2;
	s27 =	sadd.s32 s1, s17;
	[tilespmem:s25+$0x0 ss:$0x11] =	vst.msk $0xffff, v62  }
0x60: {  	s29 =	sadd.s32 s28, s17;
	s30 =	sshra.s32 s26, $0x2;
	[tilespmem:s27+$0x0 ss:$0x11] =	vst.msk $0xffff, v63  }
0x61: {  	s31 =	sadd.s32 s30, s17;
	[tilespmem:s29+$0x0 ss:$0x11] =	vst.msk $0xffff, v1  }
0x62: {  	p0 =	por $0x0, $0x0;
	s18 =	simm.s32 $0x200;
	[tilespmem:s31+$0x0 ss:$0x11] =	vst.msk $0xffff, v2  }
0x63: {  	s16 =	sadd.s32 $0x1, s16  }
0x64: {  	p0 =	sne.s32 s16, $0x10  }
.Ltmp4:
0x65: {  	_ = 	snop;
	(pc) =	sbr.rel @p0 .LBB1_3-.Ltmp4, $1  }
0x66: {  	_ =	sdelay $0x3  }
0x67: {  	s0 =	rddreg [dreg:$0x9]  }
0x68: {  	s3 =	rddreg [dreg:$0x8]  }
0x69: {  	s29 =	rddreg [dreg:$0x4]  }
0x6a: {  	s31 =	simm.s32 $0x80;
	s4 =	rddreg [dreg:$0x0]  }
0x6b: {  	s6 =	rddreg [dreg:$0x3];
	s0 =	sshll.u32 s0, $0x7;
	s1 =	sshll.u32 s3, $0x3  }
0x6c: {  	s7 =	rddreg [dreg:$0x5];
	s2 =	sand.u32 $0xFFFFC00, s0;
	s1 =	sand.u32 $0xFFFFC00, s1  }
0x6d: {  	s8 =	rddreg [dreg:$0x6];
	s0 =	sand.u32 $0x380, s0;
	s1 =	sadd.s32 s1, s2  }
.Ltmp5:
0x6e: {  	s27 =	sshrl.u32 s3, $0x3;
	s0 =	sor.u32 s0, s1;
	(pc) =	sbr.rel .LBB1_7-.Ltmp5, $4  }
0x6f: {  	s28 =	sand.u32 $0x7, s3;
	s1 =	sand.u32 $0xF, s27;
	s0 =	sshrl.u32 s0, $0x3  }
0x70: {  	s2 =	sshll.u32 s28, $0x12;
	s1 =	sadd.s32 s29, s1;
	s0 =	sand.u32 $0x1FFFFF0, s0  }
0x71: {  	s9 =	rddreg [dreg:$0x7];
	s30 =	sor.u32 $0x10, s2;
	s0 =	sadd.s32 s0, s1  }
0x72: {  	[hbm4b:s0+s30] =	stream.strided.scatter [tilespmem:s14], [sflag:$0x2], $0x4000, s31, s30, $0x8;
	[tilespmem:$0x10800] =	vst v63  }
.LBB1_8:
0x73: {  	_ =	sfence.sel $0x180000  }
0x74: {  	s0 =	simm.s32 $0x1;
	[bflag:$0x0] =	sbarrier.arrive $0xFFFF  }
0x75: {  	s30 =	simm.s32 $0x2;
	[sflag:s0] =	ssyncpa.u1 $0x1  }
0x76: {  	[sflag:s30] =	ssyncpa.u1 $0x1  }
0x77: {  	_ =	strace $0x9000004D  }
0x78: {  	s31 =	stileid.u32;
	[bflag:$0x2] =	sbarrier.arrive $0xFFFF  }
0x79: {  	p0 =	sne.s32 s31, $0x0;
	s0 =	rddreg [dreg:$0x2]  }
0x7a: {  	s0 =	sadd.s32 @!p0 $0x100000, s0  }
0x7b: {  	[sflag:s0] =	ssyncadd.tile.s32 @!p0 $0x1;
	_ =	shalt  }
.Lfunc_end1:
_tile_overlayer_lowered:
.L_overlay_start_2:
0x7c: {  	(tag) =	ssettag $0x2  }
0x7d: {  	s0 =	rddreg [dreg:$0x0];
	s2 =	stileid.u32  }
0x7e: {  	s1 =	rddreg [dreg:$0x1];
	p0 =	sne.s32 s2, $0x0  }
0x7f: {  	s3 =	rddreg [dreg:$0x2];
	[bflag:$0x3] =	sbarrier.arrive $0xFFFF;
	s2 =	simm.s32 @!p0 $0x1C01  }
0x80: {  	[timem:s3], [sflag:s2] =	dma.local @!p0 [hbm:s0], s1  }
0x81: {  	s0 =	simm.s32 @!p0 $0x1  }
0x82: {  	_ =	swait.ge @!p0 [sflag:s0], s1  }
0x83: {  	s1 =	ssub.s32 @!p0 $0x0, s1;
	[sflag:s0] =	ssyncset.done @!p0 $0x0  }
0x84: {  	[sflag:s0] =	ssyncadd.s32 @!p0 s1  }
0x85: {  	[bflag:$0x3] =	sbarrier.arrive $0xFFFF  }
0x86: {  	_ =	shalt  }

// kernel: sparse-core-data-format-call.cloned.1.call-start
scs
called_computation_lowered:
.L_overlay_start_0:
0x0: {  	s2 =	sld [smem:$0x3FD9]  }
0x1: {  	s3 =	sld [smem:$0x3FFE];
	_ =	sdelay $0x1  }
0x2: {  	s1 =	srdreg.scid  }
0x3: {  	s0 =	sand.u32 $0x1, s1  }
0x4: {  	s18 =	sshll.u32 s0, $0xA;
	s2 =	sadd.s32 s3, s2  }
0x5: {  	s2 =	sadd.s32 s2, s18  }
0x6: {  	[smem:$0x3FC4] =	sst s2  }
0x7: {  	_ = 	snop  }
0x8: {  	s2 =	sld [smem:$0x3FD0];
	(tm) =	ssettm $0x1  }
0x9: {  	s19 =	sld [smem:$0x3FFB];
	_ =	sdelay $0x3  }
0xa: {  	_ =	strace s19  }
0xb: {  	s3 =	sld [smem:$0x3FFC];
	_ =	sdelay $0x3  }
0xc: {  	_ =	strace s3  }
0xd: {  	s3 =	sld [smem:$0x3FFD];
	_ =	sdelay $0x3  }
0xe: {  	_ =	strace s3  }
0xf: {  	_ =	strace $0x8FFFFFFF  }
0x10: {  	s20 =	sld [smem:$0x3FDB];
	_ =	sdelay $0x1  }
0x11: {  	s4 =	simm.s32 $_scs_section_size  }
0x12: {  	s5 =	simm.s32 $_size__tile_overlayer_lowered;
	s6 =	simm.s32 $_tile_overlayer_lowered  }
0x13: {  	s23 =	simm.s32 $0x1BFF;
	s22 =	sshll.u32 s6, $0x1;
	s3 =	sadd.s32 s4, s20  }
0x14: {  	s7 =	simm.s32 $0x0;
	s21 =	sshll.u32 s5, $0x1;
	s5 =	sadd.s32 s22, s3  }
0x15: {  	[timem:s7], [sflag:s23] =	dma.local [hbm:s5], s21  }
0x16: {  	_ =	swait.ge [sflag:s23], s21  }
0x17: {  	s4 =	ssub.s32 $0x0, s21;
	[sflag:s23] =	ssyncset.done $0x0  }
0x18: {  	[sflag:s23] =	ssyncadd.s32 s4;
	_ =	sdelay $0x1  }
0x19: {  	s24 =	simm.s32 $0x1B8B  }
0x1a: {  	_ =	swait.ge [sflag:s24], $0x1  }
0x1b: {  	[sflag:s24] =	ssyncset.done $0x0  }
0x1c: {  	s26 =	simm.s32 $0x1B8E;
	s25 =	sld [smem:$0x3FFE];
	[sflag:s24] =	ssyncadd.s32 $0xFFFFFFFF  }
0x1d: {  	s27 =	simm.s32 $execute0_lowered;
	[smem:$0x3FD2] =	sst s26  }
0x1e: {  	s5 =	sshll.u32 s27, $0x1;
	_ =	strace $0x80000052;
	[dreg:$0x1] =	wrdreg $0xFFFFFFFF  }
0x1f: {  	s28 =	simm.s32 $_size_execute0_lowered;
	s3 =	sadd.s32 s3, s5;
	[dreg:$0x0] =	wrdreg $0x0  }
0x20: {  	s5 =	sshll.u32 s28, $0x1;
	[dreg:$0x2] =	wrdreg s3  }
0x21: {  	[dreg:$0x3] =	wrdreg s5  }
0x22: {  	[dreg:$0x4] =	wrdreg $0xC0  }
0x23: {  	_ =	task [dreg:s7], $0x5FFFF  }
0x24: {  	[dreg:$0x1] =	wrdreg $0xFFFFFFFF  }
0x25: {  	[dreg:$0x0] =	wrdreg $0x60  }
0x26: {  	[dreg:$0x2] =	wrdreg s25  }
0x27: {  	[dreg:$0x3] =	wrdreg s2  }
0x28: {  	[dreg:$0x4] =	wrdreg $0x9  }
0x29: {  	_ =	task.clear_ibuf [dreg:s7], $0x5FFFF;
	_ =	strace $0x90000052  }
0x2a: {  	s29 =	simm.s32 $0x9;
	_ =	strace $0x80000054  }
0x2b: {  	_ =	swait.ge [sflag:s29], $0x1  }
0x2c: {  	[sflag:s29] =	ssyncadd.s32 $0xFFFFFFFF  }
0x2d: {  	_ =	strace $0x90000054  }
0x2e: {  	_ =	sfence  }
0x2f: {  	s30 =	sld [smem:$0x0];
	_ =	sdelay $0x2  }
0x30: {  	s31 =	sshll.u32 s1, $0xD;
	s1 =	sshrl.u32 s1, $0x2  }
0x31: {  	s3 =	sand.u32 $0x4000, s31;
	s1 =	sadd.s32 s1, s30  }
0x32: {  	s0 =	sor.u32 s3, s0;
	s1 =	sshll.u32 s1, $0x11  }
0x33: {  	s0 =	sor.u32 s1, s0  }
0x34: {  	s0 =	sadd.s32 $0x8F2B, s0  }
0x35: {  	[sflag:s0] =	ssyncadd.remote.s32 $0x1  }
0x36: {  	_ =	sfence.sel $0xFFFF  }
0x37: {  	[dreg:$0x0] =	wrdreg $0xFFFFFFFF;
	(pc) =	sbr.abs _section_cstart, $3  }
0x38: {  	[dreg:$0x1] =	wrdreg $0xFFFFFFFF  }
0x39: {  	_ =	task.clear_ibuf [dreg:s7], $0x2FFFF;
	_ =	strace $0x9FFFFFFF  }
0x3a: {  	(tm) =	ssettm $0x7FFFFFFF  }
0x3b: {  	_ =	shalt  }
tec
execute0_lowered:
.L_overlay_start_1:
0x0: {  	(tag) =	ssettag $0x1  }
0x1: {  	s6 =	stileid.u32  }
0x2: {  	s0 =	srdreg.scid;
	s1 =	rddreg [dreg:$0x0]  }
0x3: {  	_ =	strace $0x80000053;
	s5 =	simm.s32 $0x1;
	s10 =	sadd.s32 $0x2C00, s1  }
0x4: {  	s4 =	simm.s32 $0x2;
	s12 =	sadd.s32 $0x4C00, s1;
	[dreg:$0x3] =	wrdreg s10  }
0x5: {  	s31 =	simm.s32 $0x0;
	s13 =	sadd.s32 $0x6C00, s1;
	[dreg:$0x4] =	wrdreg s12  }
0x6: {  	s27 =	simm.s32 $0x0;
	s14 =	sadd.s32 $0x8C00, s1;
	[dreg:$0x5] =	wrdreg s13  }
0x7: {  	s30 =	simm.s32 $0x0;
	s15 =	sadd.s32 $0xAC00, s1;
	[dreg:$0x6] =	wrdreg s14  }
0x8: {  	s2 =	sshll.u32 s6, $0x1;
	s16 =	sadd.s32 $0xCC00, s1;
	[dreg:$0x7] =	wrdreg s15  }
0x9: {  	s0 =	sshll.u32 s0, $0x5;
	s17 =	sadd.s32 $0xEC00, s1;
	[dreg:$0x8] =	wrdreg s16  }
0xa: {  	[sflag:s5] =	ssyncpa.u1 $0x0;
	s18 =	sadd.s32 $0x10C00, s1;
	[dreg:$0x9] =	wrdreg s17  }
0xb: {  	s6 =	sand.u32 $0x7, s6;
	s19 =	sadd.s32 $0x12C00, s1;
	[dreg:$0xa] =	wrdreg s18  }
0xc: {  	s20 =	sadd.s32 $0x14C00, s1;
	s21 =	sadd.s32 $0x16C00, s1;
	[dreg:$0xb] =	wrdreg s19  }
0xd: {  	s22 =	sadd.s32 $0x18C00, s1;
	s23 =	sadd.s32 $0x1AC00, s1;
	[dreg:$0xc] =	wrdreg s20  }
0xe: {  	s24 =	sadd.s32 $0x1CC00, s1;
	s0 =	sor.u32 s2, s0;
	[dreg:$0xd] =	wrdreg s21  }
0xf: {  	s25 =	sadd.s32 $0x1EC00, s1;
	[dreg:$0xe] =	wrdreg s22;
	s3 =	sand.u32 $0x30, s0  }
0x10: {  	s26 =	sadd.s32 $0x20C00, s1;
	[dreg:$0xf] =	wrdreg s23;
	s0 =	ssub.s32 $0x200, s3  }
0x11: {  	s1 =	simm.s32 $0x0;
	[dreg:$0x10] =	wrdreg s24;
	s11 =	sand.u32 $0x30, s0  }
0x12: {  	s2 =	simm.s32 $0x1;
	[dreg:$0x11] =	wrdreg s25;
	p0 =	sne.s32 s11, $0x0  }
.Ltmp0:
0x13: {  	s0 =	sshrl.u32 s0, $0x6;
	s2 =	simm.s32 @!p0 $0x0;
	(pc) =	sbr.rel .LBB1_1-.Ltmp0, $4  }
0x14: {  	[sflag:s4] =	ssyncpa.u1 $0x0;
	[dreg:$0x12] =	wrdreg s26;
	s0 =	sadd.s32 s2, s0  }
0x15: {  	s24 =	simm.s32 $0x80;
	s26 =	simm.s32 $0x0;
	s7 =	smul.u32 $0xC, s0  }
0x16: {  	s29 =	smov.u32 s6;
	s28 =	smov.u32 s3;
	p0 =	por $0x0, $0x0  }
0x17: {  	s2 =	simm.s32 $0x0;
	s0 =	simm.s32 $0x0;
	s23 =	sor.u32 $0x1, s7  }
.LBB1_9:
0x18: {  	s4 =	sadd.s32 $0x8, s26  }
0x19: {  	s0 =	sadd.s32 $0x80, s27;
	s8 =	smov.u32 s27;
	p2 =	sgt.s32 s4, $0x17  }
0x1a: {  	s8 =	smov.u32 @p2 s0  }
0x1b: {  	s9 =	smov.u32 s28;
	s0 =	sadd.s32 $0x40, s28;
	p3 =	sgt.s32 s8, $0x1FF  }
0x1c: {  	s9 =	smov.u32 @p3 s0  }
0x1d: {  	s10 =	smov.u32 s29;
	s0 =	sadd.s32 $0x8, s29;
	p4 =	sgt.s32 s9, $0x1FF  }
0x1e: {  	p1 =	slt.u32 s30, $0x2;
	s10 =	smov.u32 @p4 s0  }
0x1f: {  	s31 =	smov.u32 s27;
	s4 =	simm.s32 @p2 $0x0;
	p2 =	sgt.s32 s10, $0x7  }
0x20: {  	s11 =	simm.s32 @!p1 $0x2;
	s10 =	smov.u32 @p2 s6;
	p2 =	sne.s32 s30, s23  }
.Ltmp1:
0x21: {  	s1 =	smov.u32 s28;
	_ =	swait.ge @!p1 [sflag:s11], $0x4000;
	(pc) =	sbr.rel @!p2 .LBB1_10-.Ltmp1, $4  }
0x22: {  	s2 =	smov.u32 s29;
	[sflag:s11] =	ssyncset.done @!p1 $0x0;
	s8 =	simm.s32 @p3 $0x0  }
0x23: {  	p0 =	por !p0, !p0;
	[sflag:s11] =	ssyncadd.s32 @!p1 $0xFFFFC000;
	s27 =	smov.u32 s8  }
0x24: {  	s9 =	smov.u32 @p4 s3;
	s0 =	smov.u32 s26;
	s26 =	smov.u32 s4  }
0x25: {  	s28 =	smov.u32 s9;
	s30 =	sadd.s32 $0x1, s30;
	s29 =	smov.u32 s10  }
.LBB1_1:
0x26: {  	p1 =	sge.u32 s30, s7  }
.Ltmp2:
0x27: {  	_ = 	snop;
	(pc) =	sbr.rel @p1 .LBB1_3-.Ltmp2, $1  }
0x28: {  	_ =	sdelay $0x3  }
0x29: {  	s4 =	sshll.u32 s27, $0x7;
	s8 =	sshll.u32 s26, $0x3;
	s9 =	sxor.u32 $0xFFFFFFFF, s30  }
0x2a: {  	s22 =	sshrl.u32 s26, $0x3;
	s10 =	sand.u32 $0xFC00, s4;
	s8 =	sand.u32 $0xFC00, s8  }
0x2b: {  	s13 =	rddreg [dreg:$0x3];
	s4 =	sand.u32 $0x380, s4;
	s8 =	sadd.s32 s10, s8  }
0x2c: {  	s20 =	sor.u32 s4, s8;
	s4 =	sshll.u32 s29, $0x16;
	s8 =	sshll.u32 s28, $0xD  }
0x2d: {  	s25 =	sand.u32 $0x7, s26;
	s11 =	sshll.u32 s9, $0xE;
	s12 =	sadd.s32 s4, s8  }
0x2e: {  	s9 =	sand.u32 $0xF, s22;
	s21 =	sshrl.u32 s20, $0x3;
	s12 =	sadd.s32 s13, s12  }
0x2f: {  	s10 =	sand.u32 $0x1FF0, s21;
	s13 =	sshll.u32 s25, $0x12;
	s12 =	sadd.s32 s9, s12  }
0x30: {  	s11 =	sand.u32 $0x4000, s11;
	s14 =	sadd.s32 s10, s12;
	s12 =	sor.u32 $0x8, s13  }
0x31: {  	[tilespmem:s11], [sflag:$0x1] =	stream.strided.gather [hbm4b:s14+s12], $0x400, s24, s12, $0x38;
	[tilespmem:$0x10100] =	vst v63  }
0x32: {  	s14 =	rddreg [dreg:$0x4]  }
0x33: {  	s13 =	sadd.s32 s4, s14  }
0x34: {  	s13 =	sadd.s32 s8, s13  }
0x35: {  	s13 =	sadd.s32 s9, s13  }
0x36: {  	s16 =	rddreg [dreg:$0x5];
	s15 =	sor.u32 $0x400, s11;
	s13 =	sadd.s32 s10, s13  }
0x37: {  	[tilespmem:s15], [sflag:$0x1] =	stream.strided.gather [hbm4b:s13+s12], $0x400, s24, s12, $0x38;
	[tilespmem:$0x10100] =	vst v63  }
0x38: {  	s13 =	sadd.s32 s4, s16  }
0x39: {  	s13 =	sadd.s32 s8, s13  }
0x3a: {  	s13 =	sadd.s32 s9, s13  }
0x3b: {  	s18 =	rddreg [dreg:$0x6];
	s17 =	sor.u32 $0x800, s11;
	s13 =	sadd.s32 s10, s13  }
0x3c: {  	[tilespmem:s17], [sflag:$0x1] =	stream.strided.gather [hbm4b:s13+s12], $0x400, s24, s12, $0x38;
	[tilespmem:$0x10100] =	vst v63  }
0x3d: {  	s13 =	sadd.s32 s4, s18  }
0x3e: {  	s13 =	sadd.s32 s8, s13  }
0x3f: {  	s13 =	sadd.s32 s9, s13  }
0x40: {  	s19 =	sor.u32 $0xC00, s11;
	s20 =	rddreg [dreg:$0x7];
	s13 =	sadd.s32 s10, s13  }
0x41: {  	[tilespmem:s19], [sflag:$0x1] =	stream.strided.gather [hbm4b:s13+s12], $0x400, s24, s12, $0x38;
	[tilespmem:$0x10100] =	vst v63  }
0x42: {  	s13 =	sadd.s32 s4, s20  }
0x43: {  	s13 =	sadd.s32 s8, s13  }
0x44: {  	s13 =	sadd.s32 s9, s13  }
0x45: {  	s22 =	rddreg [dreg:$0x8];
	s21 =	sor.u32 $0x1000, s11;
	s13 =	sadd.s32 s10, s13  }
0x46: {  	[tilespmem:s21], [sflag:$0x1] =	stream.strided.gather [hbm4b:s13+s12], $0x400, s24, s12, $0x38;
	[tilespmem:$0x10100] =	vst v63  }
0x47: {  	s13 =	sadd.s32 s4, s22  }
0x48: {  	s13 =	sadd.s32 s8, s13  }
0x49: {  	s13 =	sadd.s32 s9, s13  }
0x4a: {  	s25 =	sor.u32 $0x1400, s11;
	s14 =	rddreg [dreg:$0x9];
	s13 =	sadd.s32 s10, s13  }
0x4b: {  	[tilespmem:s25], [sflag:$0x1] =	stream.strided.gather [hbm4b:s13+s12], $0x400, s24, s12, $0x38;
	[tilespmem:$0x10100] =	vst v63  }
0x4c: {  	s13 =	sadd.s32 s4, s14  }
0x4d: {  	s13 =	sadd.s32 s8, s13  }
0x4e: {  	s13 =	sadd.s32 s9, s13  }
0x4f: {  	s15 =	sor.u32 $0x1800, s11;
	s16 =	rddreg [dreg:$0xa];
	s13 =	sadd.s32 s10, s13  }
0x50: {  	[tilespmem:s15], [sflag:$0x1] =	stream.strided.gather [hbm4b:s13+s12], $0x400, s24, s12, $0x38;
	[tilespmem:$0x10100] =	vst v63  }
0x51: {  	s13 =	sadd.s32 s4, s16  }
0x52: {  	s13 =	sadd.s32 s8, s13  }
0x53: {  	s13 =	sadd.s32 s9, s13  }
0x54: {  	s17 =	sor.u32 $0x1C00, s11;
	s18 =	rddreg [dreg:$0xb];
	s13 =	sadd.s32 s10, s13  }
0x55: {  	[tilespmem:s17], [sflag:$0x1] =	stream.strided.gather [hbm4b:s13+s12], $0x400, s24, s12, $0x38;
	[tilespmem:$0x10100] =	vst v63  }
0x56: {  	s13 =	sadd.s32 s4, s18  }
0x57: {  	s13 =	sadd.s32 s8, s13  }
0x58: {  	s13 =	sadd.s32 s9, s13  }
0x59: {  	s19 =	sor.u32 $0x2000, s11;
	s20 =	rddreg [dreg:$0xc];
	s13 =	sadd.s32 s10, s13  }
0x5a: {  	[tilespmem:s19], [sflag:$0x1] =	stream.strided.gather [hbm4b:s13+s12], $0x400, s24, s12, $0x38;
	[tilespmem:$0x10100] =	vst v63  }
0x5b: {  	s13 =	sadd.s32 s4, s20  }
0x5c: {  	s13 =	sadd.s32 s8, s13  }
0x5d: {  	s13 =	sadd.s32 s9, s13  }
0x5e: {  	s21 =	sor.u32 $0x2400, s11;
	s22 =	rddreg [dreg:$0xd];
	s13 =	sadd.s32 s10, s13  }
0x5f: {  	[tilespmem:s21], [sflag:$0x1] =	stream.strided.gather [hbm4b:s13+s12], $0x400, s24, s12, $0x38;
	[tilespmem:$0x10100] =	vst v63  }
0x60: {  	s13 =	sadd.s32 s4, s22  }
0x61: {  	s13 =	sadd.s32 s8, s13  }
0x62: {  	s13 =	sadd.s32 s9, s13  }
0x63: {  	s25 =	sor.u32 $0x2800, s11;
	s14 =	rddreg [dreg:$0xe];
	s13 =	sadd.s32 s10, s13  }
0x64: {  	[tilespmem:s25], [sflag:$0x1] =	stream.strided.gather [hbm4b:s13+s12], $0x400, s24, s12, $0x38;
	[tilespmem:$0x10100] =	vst v63  }
0x65: {  	s13 =	sadd.s32 s4, s14  }
0x66: {  	s13 =	sadd.s32 s8, s13  }
0x67: {  	s13 =	sadd.s32 s9, s13  }
0x68: {  	s15 =	sor.u32 $0x2C00, s11;
	s16 =	rddreg [dreg:$0xf];
	s13 =	sadd.s32 s10, s13  }
0x69: {  	[tilespmem:s15], [sflag:$0x1] =	stream.strided.gather [hbm4b:s13+s12], $0x400, s24, s12, $0x38;
	[tilespmem:$0x10100] =	vst v63  }
0x6a: {  	s13 =	sadd.s32 s4, s16  }
0x6b: {  	s13 =	sadd.s32 s8, s13  }
0x6c: {  	s13 =	sadd.s32 s9, s13  }
0x6d: {  	s17 =	sor.u32 $0x3000, s11;
	s18 =	rddreg [dreg:$0x10];
	s13 =	sadd.s32 s10, s13  }
0x6e: {  	[tilespmem:s17], [sflag:$0x1] =	stream.strided.gather [hbm4b:s13+s12], $0x400, s24, s12, $0x38;
	[tilespmem:$0x10100] =	vst v63  }
0x6f: {  	s13 =	sadd.s32 s4, s18  }
0x70: {  	s13 =	sadd.s32 s8, s13  }
0x71: {  	s13 =	sadd.s32 s9, s13  }
0x72: {  	s19 =	sor.u32 $0x3400, s11;
	s20 =	rddreg [dreg:$0x11];
	s13 =	sadd.s32 s10, s13  }
0x73: {  	[tilespmem:s19], [sflag:$0x1] =	stream.strided.gather [hbm4b:s13+s12], $0x400, s24, s12, $0x38;
	[tilespmem:$0x10100] =	vst v63  }
0x74: {  	s22 =	rddreg [dreg:$0x12];
	s13 =	sadd.s32 s4, s20  }
0x75: {  	s4 =	sadd.s32 s4, s22;
	s13 =	sadd.s32 s8, s13  }
0x76: {  	s4 =	sadd.s32 s8, s4;
	s13 =	sadd.s32 s9, s13  }
0x77: {  	s21 =	sor.u32 $0x3800, s11;
	s4 =	sadd.s32 s9, s4;
	s13 =	sadd.s32 s10, s13  }
0x78: {  	[tilespmem:s21], [sflag:$0x1] =	stream.strided.gather [hbm4b:s13+s12], $0x400, s24, s12, $0x38;
	[tilespmem:$0x10100] =	vst v63  }
0x79: {  	s25 =	sor.u32 $0x3C00, s11;
	s4 =	sadd.s32 s10, s4  }
0x7a: {  	[tilespmem:s25], [sflag:$0x1] =	stream.strided.gather [hbm4b:s4+s12], $0x400, s24, s12, $0x38;
	[tilespmem:$0x10100] =	vst v63  }
.LBB1_3:
0x7b: {  	s4 =	sadd.s32 $0xFFFFFFFF, s30  }
0x7c: {  	p1 =	sge.u32 s4, s7  }
.Ltmp3:
0x7d: {  	_ = 	snop;
	(pc) =	sbr.rel @p1 .LBB1_9-.Ltmp3, $1  }
0x7e: {  	_ =	sdelay $0x3  }
0x7f: {  	s4 =	simm.s32 $0x1;
	s9 =	sand.u32 $0x1, s30  }
0x80: {  	_ =	swait.ge [sflag:s5], $0x4000;
	s4 =	simm.s32 @!p0 $0x0;
	s9 =	smul.u32 $0x10200, s9  }
0x81: {  	[sflag:s5] =	ssyncset.done $0x0;
	s8 =	smul.u32 $0x10200, s4  }
0x82: {  	s4 =	sshll.u32 s4, $0xE;
	[sflag:s5] =	ssyncadd.s32 $0xFFFFC000  }
0x83: {  	s25 =	sshrl.u32 s9, $0x2;
	s9 =	simm.s32 $0x0;
	s8 =	sshrl.u32 s8, $0x2  }
0x84: {  	s25 =	sor.u32 $0x8000, s25;
	s20 =	sor.u32 $0x8007, s8;
	s8 =	sor.u32 $0x20, s4  }
.LBB1_5:
0x85: {  	v0 =	vld.msk [tilespmem:s8+$0xFFFFFFE0], $0xff;
	_ =	sdelay $0x4  }
0x86: {  	[tilespmem:s20+$0xFFFFFFF9 ss:$0x81] =	vst.msk $0xff, v0  }
0x87: {  	v0 =	vld.msk [tilespmem:s8+$0xFFFFFFE8], $0xff  }
0x88: {  	s11 =	sadd.s32 $0x40, s8  }
0x89: {  	v1 =	vld.msk [tilespmem:s11+$0xFFFFFFE0], $0xff;
	_ =	sdelay $0x2  }
0x8a: {  	[tilespmem:s20+$0xFFFFFFFA ss:$0x81] =	vst.msk $0xff, v0  }
0x8b: {  	s10 =	sadd.s32 $0x8, s20;
	v0 =	vld.msk [tilespmem:s8+$0xFFFFFFF0], $0xff  }
0x8c: {  	[tilespmem:s10+$0xFFFFFFF9 ss:$0x81] =	vst.msk $0xff, v1  }
0x8d: {  	v1 =	vld.msk [tilespmem:s11+$0xFFFFFFE8], $0xff  }
0x8e: {  	s13 =	sadd.s32 $0x40, s11  }
0x8f: {  	v2 =	vld.msk [tilespmem:s13+$0xFFFFFFE0], $0xff  }
0x90: {  	[tilespmem:s20+$0xFFFFFFFB ss:$0x81] =	vst.msk $0xff, v0  }
0x91: {  	v0 =	vld.msk [tilespmem:s8+$0xFFFFFFF8], $0xff  }
0x92: {  	[tilespmem:s10+$0xFFFFFFFA ss:$0x81] =	vst.msk $0xff, v1  }
0x93: {  	s12 =	sadd.s32 $0x8, s10;
	v1 =	vld.msk [tilespmem:s11+$0xFFFFFFF0], $0xff  }
0x94: {  	[tilespmem:s12+$0xFFFFFFF9 ss:$0x81] =	vst.msk $0xff, v2  }
0x95: {  	s15 =	sadd.s32 $0x40, s13;
	v2 =	vld.msk [tilespmem:s13+$0xFFFFFFE8], $0xff  }
0x96: {  	[tilespmem:s20+$0xFFFFFFFC ss:$0x81] =	vst.msk $0xff, v0;
	v0 =	vld.msk [tilespmem:s15+$0xFFFFFFE0], $0xff  }
0x97: {  	v3 =	vld.msk [tilespmem:s8+$0x0], $0xff  }
0x98: {  	[tilespmem:s10+$0xFFFFFFFB ss:$0x81] =	vst.msk $0xff, v1  }
0x99: {  	v1 =	vld.msk [tilespmem:s11+$0xFFFFFFF8], $0xff  }
0x9a: {  	s14 =	sadd.s32 $0x8, s12;
	[tilespmem:s12+$0xFFFFFFFA ss:$0x81] =	vst.msk $0xff, v2  }
0x9b: {  	v2 =	vld.msk [tilespmem:s13+$0xFFFFFFF0], $0xff;
	[tilespmem:s14+$0xFFFFFFF9 ss:$0x81] =	vst.msk $0xff, v0  }
0x9c: {  	v0 =	vld.msk [tilespmem:s15+$0xFFFFFFE8], $0xff;
	[tilespmem:s20+$0xFFFFFFFD ss:$0x81] =	vst.msk $0xff, v3  }
0x9d: {  	s16 =	sadd.s32 $0x40, s15;
	v3 =	vld.msk [tilespmem:s8+$0x8], $0xff  }
0x9e: {  	[tilespmem:s10+$0xFFFFFFFC ss:$0x81] =	vst.msk $0xff, v1;
	v1 =	vld.msk [tilespmem:s16+$0xFFFFFFE0], $0xff  }
0x9f: {  	v4 =	vld.msk [tilespmem:s11+$0x0], $0xff  }
0xa0: {  	[tilespmem:s12+$0xFFFFFFFB ss:$0x81] =	vst.msk $0xff, v2  }
0xa1: {  	v2 =	vld.msk [tilespmem:s13+$0xFFFFFFF8], $0xff;
	[tilespmem:s14+$0xFFFFFFFA ss:$0x81] =	vst.msk $0xff, v0  }
0xa2: {  	s17 =	sadd.s32 $0x8, s14;
	v0 =	vld.msk [tilespmem:s15+$0xFFFFFFF0], $0xff;
	[tilespmem:s20+$0xFFFFFFFE ss:$0x81] =	vst.msk $0xff, v3  }
0xa3: {  	[tilespmem:s17+$0xFFFFFFF9 ss:$0x81] =	vst.msk $0xff, v1;
	v1 =	vld.msk [tilespmem:s8+$0x10], $0xff  }
0xa4: {  	[tilespmem:s10+$0xFFFFFFFD ss:$0x81] =	vst.msk $0xff, v4;
	v3 =	vld.msk [tilespmem:s16+$0xFFFFFFE8], $0xff  }
0xa5: {  	s18 =	sadd.s32 $0x40, s16;
	v4 =	vld.msk [tilespmem:s11+$0x8], $0xff  }
0xa6: {  	[tilespmem:s12+$0xFFFFFFFC ss:$0x81] =	vst.msk $0xff, v2;
	v2 =	vld.msk [tilespmem:s18+$0xFFFFFFE0], $0xff  }
0xa7: {  	v5 =	vld.msk [tilespmem:s13+$0x0], $0xff;
	[tilespmem:s14+$0xFFFFFFFB ss:$0x81] =	vst.msk $0xff, v0  }
0xa8: {  	v6 =	vld.msk [tilespmem:s15+$0xFFFFFFF8], $0xff;
	[tilespmem:s20+$0xFFFFFFFF ss:$0x81] =	vst.msk $0xff, v1  }
0xa9: {  	[tilespmem:s17+$0xFFFFFFFA ss:$0x81] =	vst.msk $0xff, v3;
	v0 =	vld.msk [tilespmem:s8+$0x18], $0xff  }
0xaa: {  	s19 =	sadd.s32 $0x8, s17;
	[tilespmem:s10+$0xFFFFFFFE ss:$0x81] =	vst.msk $0xff, v4;
	v3 =	vld.msk [tilespmem:s16+$0xFFFFFFF0], $0xff  }
0xab: {  	[tilespmem:s19+$0xFFFFFFF9 ss:$0x81] =	vst.msk $0xff, v2;
	v1 =	vld.msk [tilespmem:s11+$0x10], $0xff  }
0xac: {  	[tilespmem:s12+$0xFFFFFFFD ss:$0x81] =	vst.msk $0xff, v5;
	v4 =	vld.msk [tilespmem:s18+$0xFFFFFFE8], $0xff  }
0xad: {  	s21 =	simm.s32 $0x28;
	s4 =	smov.u32 s20;
	s22 =	sadd.s32 $0x40, s18;
	v2 =	vld.msk [tilespmem:s13+$0x8], $0xff;
	[tilespmem:s14+$0xFFFFFFFC ss:$0x81] =	vst.msk $0xff, v6  }
.LBB1_6:
0xae: {  	v5 =	vld.msk [tilespmem:s22+$0xFFFFFFE0], $0xff;
	[tilespmem:s4+$0x0 ss:$0x81] =	vst.msk $0xff, v0;
	s4 =	smov.u32 s10;
	s10 =	smov.u32 s12;
	s12 =	smov.u32 s14  }
0xaf: {  	s21 =	sadd.s32 $0x8, s21;
	s14 =	smov.u32 s17;
	[tilespmem:s17+$0xFFFFFFFB ss:$0x81] =	vst.msk $0xff, v3;
	v6 =	vld.msk [tilespmem:s15+$0x0], $0xff;
	s17 =	smov.u32 s19  }
0xb0: {  	p1 =	slt.u32 s21, $0x78;
	v7 =	vld.msk [tilespmem:s16+$0xFFFFFFF8], $0xff;
	[tilespmem:s4+$0xFFFFFFFF ss:$0x81] =	vst.msk $0xff, v1  }
.Ltmp4:
0xb1: {  	[tilespmem:s19+$0xFFFFFFFA ss:$0x81] =	vst.msk $0xff, v4;
	v0 =	vld.msk [tilespmem:s11+$0x18], $0xff;
	s11 =	smov.u32 s13;
	s13 =	smov.u32 s15;
	(pc) =	sbr.rel @p1 .LBB1_6-.Ltmp4, $4  }
0xb2: {  	s19 =	sadd.s32 $0x8, s19;
	s15 =	smov.u32 s16;
	s16 =	smov.u32 s18;
	v3 =	vld.msk [tilespmem:s18+$0xFFFFFFF0], $0xff;
	[tilespmem:s10+$0xFFFFFFFE ss:$0x81] =	vst.msk $0xff, v2  }
0xb3: {  	s18 =	smov.u32 s22;
	[tilespmem:s19+$0xFFFFFFF9 ss:$0x81] =	vst.msk $0xff, v5;
	v1 =	vld.msk [tilespmem:s11+$0x10], $0xff  }
0xb4: {  	v4 =	vld.msk [tilespmem:s22+$0xFFFFFFE8], $0xff;
	[tilespmem:s12+$0xFFFFFFFD ss:$0x81] =	vst.msk $0xff, v6  }
0xb5: {  	s22 =	sadd.s32 $0x40, s22;
	[tilespmem:s14+$0xFFFFFFFC ss:$0x81] =	vst.msk $0xff, v7;
	v2 =	vld.msk [tilespmem:s13+$0x8], $0xff  }
0xb6: {  	_ =	sdelay $0x2  }
0xb7: {  	[tilespmem:s19+$0xFFFFFFFA ss:$0x81] =	vst.msk $0xff, v4  }
0xb8: {  	v4 =	vld.msk [tilespmem:s18+$0xFFFFFFF0], $0xff;
	_ =	sdelay $0x3  }
0xb9: {  	[tilespmem:s17+$0xFFFFFFFB ss:$0x81] =	vst.msk $0xff, v3  }
0xba: {  	v3 =	vld.msk [tilespmem:s16+$0xFFFFFFF8], $0xff;
	[tilespmem:s19+$0xFFFFFFFB ss:$0x81] =	vst.msk $0xff, v4  }
0xbb: {  	v4 =	vld.msk [tilespmem:s18+$0xFFFFFFF8], $0xff;
	_ =	sdelay $0x3  }
0xbc: {  	v5 =	vld.msk [tilespmem:s15+$0x0], $0xff;
	[tilespmem:s17+$0xFFFFFFFC ss:$0x81] =	vst.msk $0xff, v3  }
0xbd: {  	v3 =	vld.msk [tilespmem:s16+$0x0], $0xff;
	[tilespmem:s19+$0xFFFFFFFC ss:$0x81] =	vst.msk $0xff, v4  }
0xbe: {  	v4 =	vld.msk [tilespmem:s18+$0x0], $0xff;
	_ =	sdelay $0x2  }
0xbf: {  	[tilespmem:s14+$0xFFFFFFFD ss:$0x81] =	vst.msk $0xff, v5  }
0xc0: {  	v5 =	vld.msk [tilespmem:s15+$0x8], $0xff;
	[tilespmem:s17+$0xFFFFFFFD ss:$0x81] =	vst.msk $0xff, v3  }
0xc1: {  	v3 =	vld.msk [tilespmem:s16+$0x8], $0xff;
	[tilespmem:s19+$0xFFFFFFFD ss:$0x81] =	vst.msk $0xff, v4  }
0xc2: {  	v4 =	vld.msk [tilespmem:s18+$0x8], $0xff;
	_ =	sdelay $0x1  }
0xc3: {  	[tilespmem:s12+$0xFFFFFFFE ss:$0x81] =	vst.msk $0xff, v2  }
0xc4: {  	v2 =	vld.msk [tilespmem:s13+$0x10], $0xff;
	[tilespmem:s14+$0xFFFFFFFE ss:$0x81] =	vst.msk $0xff, v5  }
0xc5: {  	v5 =	vld.msk [tilespmem:s15+$0x10], $0xff;
	[tilespmem:s17+$0xFFFFFFFE ss:$0x81] =	vst.msk $0xff, v3  }
0xc6: {  	v3 =	vld.msk [tilespmem:s16+$0x10], $0xff;
	[tilespmem:s19+$0xFFFFFFFE ss:$0x81] =	vst.msk $0xff, v4  }
0xc7: {  	v4 =	vld.msk [tilespmem:s18+$0x10], $0xff  }
0xc8: {  	[tilespmem:s10+$0xFFFFFFFF ss:$0x81] =	vst.msk $0xff, v1  }
0xc9: {  	v1 =	vld.msk [tilespmem:s11+$0x18], $0xff;
	[tilespmem:s12+$0xFFFFFFFF ss:$0x81] =	vst.msk $0xff, v2  }
0xca: {  	v2 =	vld.msk [tilespmem:s13+$0x18], $0xff;
	[tilespmem:s14+$0xFFFFFFFF ss:$0x81] =	vst.msk $0xff, v5  }
0xcb: {  	v61 =	vld.msk [tilespmem:s15+$0x18], $0xff;
	[tilespmem:s17+$0xFFFFFFFF ss:$0x81] =	vst.msk $0xff, v3  }
0xcc: {  	s9 =	sadd.s32 $0x1, s9;
	v62 =	vld.msk [tilespmem:s16+$0x18], $0xff;
	[tilespmem:s19+$0xFFFFFFFF ss:$0x81] =	vst.msk $0xff, v4  }
0xcd: {  	[tilespmem:s4+$0x0 ss:$0x81] =	vst.msk $0xff, v0;
	p1 =	sne.s32 s9, $0x10;
	v63 =	vld.msk [tilespmem:s18+$0x18], $0xff  }
.Ltmp5:
0xce: {  	[tilespmem:s10+$0x0 ss:$0x81] =	vst.msk $0xff, v1;
	(pc) =	sbr.rel @p1 .LBB1_5-.Ltmp5, $4  }
0xcf: {  	[tilespmem:s12+$0x0 ss:$0x81] =	vst.msk $0xff, v2  }
0xd0: {  	[tilespmem:s14+$0x0 ss:$0x81] =	vst.msk $0xff, v61  }
0xd1: {  	[tilespmem:s17+$0x0 ss:$0x81] =	vst.msk $0xff, v62  }
0xd2: {  	s20 =	sadd.s32 $0x408, s20;
	s8 =	sadd.s32 $0x400, s8;
	[tilespmem:s19+$0x0 ss:$0x81] =	vst.msk $0xff, v63  }
0xd3: {  	s4 =	sshll.u32 s0, $0x9;
	s8 =	sshll.u32 s31, $0x3  }
0xd4: {  	s17 =	sshll.u32 s0, $0x7;
	s4 =	sand.u32 $0xFFFFF000, s4;
	s8 =	sand.u32 $0xFFFFFC00, s8  }
0xd5: {  	s18 =	sand.u32 $0x200, s17;
	s4 =	sadd.s32 s8, s4  }
0xd6: {  	s4 =	sor.u32 s18, s4  }
0xd7: {  	s2 =	smul.u32 $0xC0000, s2;
	s4 =	sshrl.u32 s4, $0x9  }
0xd8: {  	s19 =	smulhi.u32 $0xAAAAAAB, s4  }
0xd9: {  	s9 =	sand.u32 $0x78, s31;
	s1 =	smul.u32 $0x600, s1;
	s20 =	rddreg [dreg:$0x1]  }
0xda: {  	s21 =	sand.u32 $0x7, s31;
	s0 =	sand.u32 $0x180, s17;
	s8 =	smul.u32 $0x18, s19  }
.Ltmp6:
0xdb: {  	s0 =	sor.u32 s9, s0;
	s2 =	sadd.s32 s20, s2;
	(pc) =	sbr.rel .LBB1_9-.Ltmp6, $4  }
0xdc: {  	s0 =	sshrl.u32 s0, $0x3;
	s1 =	sadd.s32 s1, s2;
	s4 =	ssub.s32 s4, s8  }
0xdd: {  	s22 =	sshll.u32 s21, $0x12;
	s0 =	sadd.s32 s0, s1;
	s4 =	sshll.u32 s4, $0x6  }
0xde: {  	s31 =	simm.s32 $0x3000;
	s1 =	sor.u32 $0x400, s22;
	s0 =	sadd.s32 s4, s0  }
0xdf: {  	[hbm4b:s0+s1] =	stream.strided.scatter [tilespmem:s25], [sflag:$0x2], $0x4000, s31, s1, $0x20;
	[tilespmem:$0x10100] =	vst v63  }
.LBB1_10:
0xe0: {  	_ =	sfence.sel $0x180000  }
0xe1: {  	s0 =	simm.s32 $0x1;
	[bflag:$0x0] =	sbarrier.arrive $0xFFFF  }
0xe2: {  	s30 =	simm.s32 $0x2;
	[sflag:s0] =	ssyncpa.u1 $0x1  }
0xe3: {  	[sflag:s30] =	ssyncpa.u1 $0x1  }
0xe4: {  	_ =	strace $0x90000053  }
0xe5: {  	s31 =	stileid.u32;
	[bflag:$0x2] =	sbarrier.arrive $0xFFFF  }
0xe6: {  	p0 =	sne.s32 s31, $0x0;
	s0 =	rddreg [dreg:$0x2]  }
0xe7: {  	s0 =	sadd.s32 @!p0 $0x100000, s0  }
0xe8: {  	[sflag:s0] =	ssyncadd.tile.s32 @!p0 $0x1;
	_ =	shalt  }
.Lfunc_end1:
_tile_overlayer_lowered:
.L_overlay_start_2:
0xe9: {  	(tag) =	ssettag $0x2  }
0xea: {  	s0 =	rddreg [dreg:$0x0];
	s2 =	stileid.u32  }
0xeb: {  	s1 =	rddreg [dreg:$0x1];
	p0 =	sne.s32 s2, $0x0  }
0xec: {  	s3 =	rddreg [dreg:$0x2];
	[bflag:$0x3] =	sbarrier.arrive $0xFFFF;
	s2 =	simm.s32 @!p0 $0x1C01  }
0xed: {  	[timem:s3], [sflag:s2] =	dma.local @!p0 [hbm:s0], s1  }
0xee: {  	s0 =	simm.s32 @!p0 $0x1  }
0xef: {  	_ =	swait.ge @!p0 [sflag:s0], s1  }
0xf0: {  	s1 =	ssub.s32 @!p0 $0x0, s1;
	[sflag:s0] =	ssyncset.done @!p0 $0x0  }
0xf1: {  	[sflag:s0] =	ssyncadd.s32 @!p0 s1  }
0xf2: {  	[bflag:$0x3] =	sbarrier.arrive $0xFFFF  }
0xf3: {  	_ =	shalt  }

</sc_bundles>
